<compile_context>
chip_gen: v7x
topology: tpu7x:2x2x1
jax: 0.10.2.dev20260603
libtpu: 0.0.44.dev20260713+nightly
codegen_flags: <defaults>
</compile_context>

<pallas_src>
import functools

import jax
import jax.numpy as jnp
from jax import lax
from jax.experimental import pallas as pl
from jax.experimental.pallas import tpu as pltpu
from jax.experimental.pallas import tpu_sc as plsc

CHUNK = 128
DP = 128
PHASES = 4


def _make_gather(N, V, D, num_cores, num_subcores):
    NW = num_cores * num_subcores
    per_w = N // NW
    n_chunks = per_w // CHUNK
    NBUF = max(n for n in range(2, 7) if n_chunks % n == 0)
    n_groups = n_chunks // NBUF
    mesh = plsc.VectorSubcoreMesh(core_axis_name="c", subcore_axis_name="s")

    @functools.partial(
        pl.kernel,
        out_type=jax.ShapeDtypeStruct((N, DP), jnp.float32),
        mesh=mesh,
        scratch_types=[
            pltpu.VMEM((per_w,), jnp.int32),
            pltpu.VMEM((NBUF, CHUNK, DP), jnp.float32),
            pltpu.SemaphoreType.DMA((NBUF,)),
            pltpu.SemaphoreType.DMA((NBUF,)),
        ],
    )
    def gather_kernel(idx_hbm, table_hbm, out_hbm, idx_v, rows_v, g_sem, w_sem):
        wid = lax.axis_index("s") * num_cores + lax.axis_index("c")
        base = wid * per_w
        pltpu.sync_copy(idx_hbm.at[pl.ds(base, per_w)], idx_v)

        def start_gather(j, b):
            off = pl.multiple_of(j * CHUNK, CHUNK)
            pltpu.make_async_copy(
                table_hbm.at[idx_v.at[pl.ds(off, CHUNK)]],
                rows_v.at[b],
                g_sem.at[b],
            ).start()

        def wait_gather(b):
            pltpu.make_async_copy(
                table_hbm.at[idx_v.at[pl.ds(0, CHUNK)]],
                rows_v.at[b],
                g_sem.at[b],
            ).wait()

        def start_write(j, b):
            off = pl.multiple_of(j * CHUNK, CHUNK)
            pltpu.make_async_copy(
                rows_v.at[b],
                out_hbm.at[pl.ds(base + off, CHUNK)],
                w_sem.at[b],
            ).start()

        def wait_write(b):
            pltpu.make_async_copy(
                rows_v.at[b],
                out_hbm.at[pl.ds(base, CHUNK)],
                w_sem.at[b],
            ).wait()

        for b in range(NBUF):
            start_gather(b, b)

        def body(g, carry):
            for b in range(NBUF):
                j = g * NBUF + b
                wait_gather(b)
                start_write(j, b)

                @pl.when(g < n_groups - 1)
                def _():
                    wait_write(b)
                    start_gather(j + NBUF, b)

            return carry

        lax.fori_loop(0, n_groups, body, 0)
        for b in range(NBUF):
            wait_write(b)

    return gather_kernel


def _make_table_prep(V, D, VB):
    def body(i_ref, o_ref):
        o_ref[:, :D] = jnp.transpose(i_ref[...])

    return pl.pallas_call(
        body,
        grid=(pl.cdiv(V, VB),),
        in_specs=[pl.BlockSpec((D, VB), lambda j: (0, j))],
        out_specs=pl.BlockSpec((VB, DP), lambda j: (j, 0)),
        out_shape=jax.ShapeDtypeStruct((V, DP), jnp.float32),
    )


def _make_reformat(B, L, D, Bp, p, BB, aliased):
    assert 0 < BB <= Bp and Bp % BB == 0 and (p * Bp) % BB == 0
    boff = (p * Bp) // BB

    def body(*refs):
        i_ref, o_ref = refs[0], refs[-1]
        o_ref[...] = jnp.transpose(i_ref[...])[None, :D, :]

    in_specs = [pl.BlockSpec((BB, DP), lambda l, j: (l * (Bp // BB) + j, 0))]
    nargs = 1
    if aliased:
        in_specs.append(pl.BlockSpec(memory_space=pl.ANY))
        nargs = 2
    return pl.pallas_call(
        body,
        grid=(L, Bp // BB),
        in_specs=in_specs,
        out_specs=pl.BlockSpec((1, D, BB), lambda l, j: (l, 0, boff + j)),
        out_shape=jax.ShapeDtypeStruct((L, D, B), jnp.float32),
        input_output_aliases={1: 0} if aliased else {},
    )


def kernel(x, table):
    B, L = x.shape
    V, D = table.shape
    N = B * L
    Bp = B // PHASES
    info = plsc.get_sparse_core_info()
    gather = _make_gather(L * Bp, V, D, info.num_cores, info.num_subcores)
    table_p = _make_table_prep(V, D, 3200)(jnp.transpose(table))
    xt = jnp.transpose(x).astype(jnp.int32)
    out_t = None
    for p in range(PHASES):
        idx_p = xt[:, p * Bp:(p + 1) * Bp].reshape(L * Bp)
        g_p = gather(idx_p, table_p)
        reformat = _make_reformat(B, L, D, Bp, p, min(4096, Bp), aliased=p > 0)
        out_t = reformat(g_p) if p == 0 else reformat(g_p, out_t)
    return jnp.transpose(out_t, (2, 0, 1))

# --- scband reference (transcript-rebuilt; emitter-appended) ---
"""Pipeline reference for scband-pretrained-word-embedding-23381801960084 (READ-ONLY COPY).

The authoritative reference and input builder live on the scoring server;
editing this copy changes nothing except your own understanding.
"""

import jax, jax.numpy as jnp
import numpy as np

VOCAB = 100000
DIM = 100
B = 16384
L = 50


def setup_inputs(seed: int = 0) -> dict:
    key = jax.random.key(seed)
    k_idx, k_tab = jax.random.split(key)
    x = jax.random.randint(k_idx, (B, L), 0, VOCAB)
    # Learned (pretrained, frozen) embedding table sized per init_kwargs:
    # len(tokens)=max_tokens=100000, dim=100 (from name 'glove.6B.100d')
    table = jax.random.normal(k_tab, (VOCAB, DIM), dtype=jnp.float32)
    return {"x": x, "table": table}


def reference(x, table):
    # PretrainedWordEmbedding.forward: return self.embedding(x)
    # nn.Embedding lookup == row gather from the table.
    return jnp.take(table, x, axis=0)

if __name__ == "__main__":
    import jax
    _d = setup_inputs()
    print(jax.jit(kernel)(*tuple(_d.values())))

</pallas_src>

<mosaic_0001>
#map = affine_map<(d0, d1) -> (0)>
#map1 = affine_map<(d0, d1) -> (0, 0)>
module attributes {stable_mosaic.version = 14 : i64} {
  func.func @gather_kernel(%arg0: i32, %arg1: i32, %arg2: memref<204800xi32, #tpu.memory_space<hbm>>, %arg3: memref<100000x128xf32, #tpu.memory_space<hbm>>, %arg4: memref<204800x128xf32, #tpu.memory_space<hbm>>, %arg5: memref<6400xi32, #tpu.memory_space<vmem>>, %arg6: memref<5x128x128xf32, #tpu.memory_space<vmem>>, %arg7: memref<5x!tpu.dma_semaphore, #tpu.memory_space<semaphore_mem>>, %arg8: memref<5x!tpu.dma_semaphore, #tpu.memory_space<semaphore_mem>>) attributes {dimension_semantics = [#tpu.dimension_semantics<core_parallel>, #tpu.dimension_semantics<subcore_parallel>], iteration_bounds = array<i64: 2, 16>, scalar_prefetch = 0 : i64, scratch_operands = 4 : i64, tpu.core_type = #tpu.core_type<sc_vector_subcore>, window_params = [{transform_indices = #map}, {transform_indices = #map1}, {transform_indices = #map1}]} {
    %mul3A = arith.constant 2 : i32
    %mul3A_0 = arith.muli %arg1, %mul3A : i32
    %add3A = arith.addi %mul3A_0, %arg0 : i32
    %mul3A_1 = arith.constant 6400 : i32
    %mul3A_2 = arith.muli %add3A, %mul3A_1 : i32
    "tpu.region"() ({
      %run_scoped3A = tpu.sem_alloc : memref<!tpu.dma_semaphore, #tpu.memory_space<semaphore_mem>>
      %dma_start3A_155 = tpu.memref_slice %arg2[%mul3A_2] : memref<204800xi32, #tpu.memory_space<hbm>> -> memref<6400xi32, #tpu.memory_space<hbm>>
      %dma_start3A_156 = tpu.memref_slice %arg2[%mul3A_2] : memref<204800xi32, #tpu.memory_space<hbm>> -> memref<6400xi32, #tpu.memory_space<hbm>>
      tpu.enqueue_dma source(%dma_start3A_156 : memref<6400xi32, #tpu.memory_space<hbm>>) target(%arg5 : memref<6400xi32, #tpu.memory_space<vmem>>) target_semaphore(%run_scoped3A : memref<!tpu.dma_semaphore, #tpu.memory_space<semaphore_mem>>)
      %dma_wait3A_157 = tpu.memref_slice %arg2[%mul3A_2] : memref<204800xi32, #tpu.memory_space<hbm>> -> memref<6400xi32, #tpu.memory_space<hbm>>
      %dma_wait3A_158 = tpu.memref_slice %arg2[%mul3A_2] : memref<204800xi32, #tpu.memory_space<hbm>> -> memref<6400xi32, #tpu.memory_space<hbm>>
      tpu.wait_dma2 semaphore(%run_scoped3A : memref<!tpu.dma_semaphore, #tpu.memory_space<semaphore_mem>>) src(%dma_wait3A_158 : memref<6400xi32, #tpu.memory_space<hbm>>) dst(%arg5 : memref<6400xi32, #tpu.memory_space<vmem>>)
      tpu.yield
    }) : () -> ()
    %multiple_of3A = arith.constant 0 : i32
    %multiple_of3A_3 = tpu.assume_multiple %multiple_of3A, 128 : i32
    %dma_start3A = arith.constant 0 : i32
    %dma_start3A_4 = arith.constant 0 : i32
    %dma_start3A_5 = arith.constant 0 : i32
    %dma_start3A_6 = arith.constant 0 : i32
    %dma_start3A_7 = tpu.memref_slice %arg6[%dma_start3A, %dma_start3A_5, %dma_start3A_6] : memref<5x128x128xf32, #tpu.memory_space<vmem>> -> memref<1x128x128xf32, #tpu.memory_space<vmem>>
    %dma_start3A_8 = tpu.memref_squeeze %dma_start3A_7 : memref<1x128x128xf32, #tpu.memory_space<vmem>> -> memref<128x128xf32, #tpu.memory_space<vmem>>
    %dma_start3A_9 = tpu.memref_slice %arg5[%multiple_of3A_3] : memref<6400xi32, #tpu.memory_space<vmem>> -> memref<128xi32, #tpu.memory_space<vmem>>
    %dma_start3A_10 = arith.constant 0 : i32
    %dma_start3A_11 = arith.constant 0 : i32
    %dma_start3A_12 = tpu.memref_slice %arg3[%dma_start3A_10, %dma_start3A_11] : memref<100000x128xf32, #tpu.memory_space<hbm>> -> memref<100000x128xf32, #tpu.memory_space<hbm>>
    %dma_start3A_13 = tpu.memref_slice %arg7[%dma_start3A_4] : memref<5x!tpu.dma_semaphore, #tpu.memory_space<semaphore_mem>> -> memref<1x!tpu.dma_semaphore, #tpu.memory_space<semaphore_mem>>
    %dma_start3A_14 = tpu.memref_squeeze %dma_start3A_13 : memref<1x!tpu.dma_semaphore, #tpu.memory_space<semaphore_mem>> -> memref<!tpu.dma_semaphore, #tpu.memory_space<semaphore_mem>>
    tpu.enqueue_indirect_dma source(%dma_start3A_12 : memref<100000x128xf32, #tpu.memory_space<hbm>>) target(%dma_start3A_8 : memref<128x128xf32, #tpu.memory_space<vmem>>) offsets(%dma_start3A_9 : memref<128xi32, #tpu.memory_space<vmem>>) semaphore(%dma_start3A_14 : memref<!tpu.dma_semaphore, #tpu.memory_space<semaphore_mem>>)
    %multiple_of3A_15 = arith.constant 128 : i32
    %multiple_of3A_16 = tpu.assume_multiple %multiple_of3A_15, 128 : i32
    %dma_start3A_17 = arith.constant 1 : i32
    %dma_start3A_18 = arith.constant 1 : i32
    %dma_start3A_19 = arith.constant 0 : i32
    %dma_start3A_20 = arith.constant 0 : i32
    %dma_start3A_21 = tpu.memref_slice %arg6[%dma_start3A_17, %dma_start3A_19, %dma_start3A_20] : memref<5x128x128xf32, #tpu.memory_space<vmem>> -> memref<1x128x128xf32, #tpu.memory_space<vmem>>
    %dma_start3A_22 = tpu.memref_squeeze %dma_start3A_21 : memref<1x128x128xf32, #tpu.memory_space<vmem>> -> memref<128x128xf32, #tpu.memory_space<vmem>>
    %dma_start3A_23 = tpu.memref_slice %arg5[%multiple_of3A_16] : memref<6400xi32, #tpu.memory_space<vmem>> -> memref<128xi32, #tpu.memory_space<vmem>>
    %dma_start3A_24 = arith.constant 0 : i32
    %dma_start3A_25 = arith.constant 0 : i32
    %dma_start3A_26 = tpu.memref_slice %arg3[%dma_start3A_24, %dma_start3A_25] : memref<100000x128xf32, #tpu.memory_space<hbm>> -> memref<100000x128xf32, #tpu.memory_space<hbm>>
    %dma_start3A_27 = tpu.memref_slice %arg7[%dma_start3A_18] : memref<5x!tpu.dma_semaphore, #tpu.memory_space<semaphore_mem>> -> memref<1x!tpu.dma_semaphore, #tpu.memory_space<semaphore_mem>>
    %dma_start3A_28 = tpu.memref_squeeze %dma_start3A_27 : memref<1x!tpu.dma_semaphore, #tpu.memory_space<semaphore_mem>> -> memref<!tpu.dma_semaphore, #tpu.memory_space<semaphore_mem>>
    tpu.enqueue_indirect_dma source(%dma_start3A_26 : memref<100000x128xf32, #tpu.memory_space<hbm>>) target(%dma_start3A_22 : memref<128x128xf32, #tpu.memory_space<vmem>>) offsets(%dma_start3A_23 : memref<128xi32, #tpu.memory_space<vmem>>) semaphore(%dma_start3A_28 : memref<!tpu.dma_semaphore, #tpu.memory_space<semaphore_mem>>)
    %multiple_of3A_29 = arith.constant 256 : i32
    %multiple_of3A_30 = tpu.assume_multiple %multiple_of3A_29, 128 : i32
    %dma_start3A_31 = arith.constant 2 : i32
    %dma_start3A_32 = arith.constant 2 : i32
    %dma_start3A_33 = arith.constant 0 : i32
    %dma_start3A_34 = arith.constant 0 : i32
    %dma_start3A_35 = tpu.memref_slice %arg6[%dma_start3A_31, %dma_start3A_33, %dma_start3A_34] : memref<5x128x128xf32, #tpu.memory_space<vmem>> -> memref<1x128x128xf32, #tpu.memory_space<vmem>>
    %dma_start3A_36 = tpu.memref_squeeze %dma_start3A_35 : memref<1x128x128xf32, #tpu.memory_space<vmem>> -> memref<128x128xf32, #tpu.memory_space<vmem>>
    %dma_start3A_37 = tpu.memref_slice %arg5[%multiple_of3A_30] : memref<6400xi32, #tpu.memory_space<vmem>> -> memref<128xi32, #tpu.memory_space<vmem>>
    %dma_start3A_38 = arith.constant 0 : i32
    %dma_start3A_39 = arith.constant 0 : i32
    %dma_start3A_40 = tpu.memref_slice %arg3[%dma_start3A_38, %dma_start3A_39] : memref<100000x128xf32, #tpu.memory_space<hbm>> -> memref<100000x128xf32, #tpu.memory_space<hbm>>
    %dma_start3A_41 = tpu.memref_slice %arg7[%dma_start3A_32] : memref<5x!tpu.dma_semaphore, #tpu.memory_space<semaphore_mem>> -> memref<1x!tpu.dma_semaphore, #tpu.memory_space<semaphore_mem>>
    %dma_start3A_42 = tpu.memref_squeeze %dma_start3A_41 : memref<1x!tpu.dma_semaphore, #tpu.memory_space<semaphore_mem>> -> memref<!tpu.dma_semaphore, #tpu.memory_space<semaphore_mem>>
    tpu.enqueue_indirect_dma source(%dma_start3A_40 : memref<100000x128xf32, #tpu.memory_space<hbm>>) target(%dma_start3A_36 : memref<128x128xf32, #tpu.memory_space<vmem>>) offsets(%dma_start3A_37 : memref<128xi32, #tpu.memory_space<vmem>>) semaphore(%dma_start3A_42 : memref<!tpu.dma_semaphore, #tpu.memory_space<semaphore_mem>>)
    %multiple_of3A_43 = arith.constant 384 : i32
    %multiple_of3A_44 = tpu.assume_multiple %multiple_of3A_43, 128 : i32
    %dma_start3A_45 = arith.constant 3 : i32
    %dma_start3A_46 = arith.constant 3 : i32
    %dma_start3A_47 = arith.constant 0 : i32
    %dma_start3A_48 = arith.constant 0 : i32
    %dma_start3A_49 = tpu.memref_slice %arg6[%dma_start3A_45, %dma_start3A_47, %dma_start3A_48] : memref<5x128x128xf32, #tpu.memory_space<vmem>> -> memref<1x128x128xf32, #tpu.memory_space<vmem>>
    %dma_start3A_50 = tpu.memref_squeeze %dma_start3A_49 : memref<1x128x128xf32, #tpu.memory_space<vmem>> -> memref<128x128xf32, #tpu.memory_space<vmem>>
    %dma_start3A_51 = tpu.memref_slice %arg5[%multiple_of3A_44] : memref<6400xi32, #tpu.memory_space<vmem>> -> memref<128xi32, #tpu.memory_space<vmem>>
    %dma_start3A_52 = arith.constant 0 : i32
    %dma_start3A_53 = arith.constant 0 : i32
    %dma_start3A_54 = tpu.memref_slice %arg3[%dma_start3A_52, %dma_start3A_53] : memref<100000x128xf32, #tpu.memory_space<hbm>> -> memref<100000x128xf32, #tpu.memory_space<hbm>>
    %dma_start3A_55 = tpu.memref_slice %arg7[%dma_start3A_46] : memref<5x!tpu.dma_semaphore, #tpu.memory_space<semaphore_mem>> -> memref<1x!tpu.dma_semaphore, #tpu.memory_space<semaphore_mem>>
    %dma_start3A_56 = tpu.memref_squeeze %dma_start3A_55 : memref<1x!tpu.dma_semaphore, #tpu.memory_space<semaphore_mem>> -> memref<!tpu.dma_semaphore, #tpu.memory_space<semaphore_mem>>
    tpu.enqueue_indirect_dma source(%dma_start3A_54 : memref<100000x128xf32, #tpu.memory_space<hbm>>) target(%dma_start3A_50 : memref<128x128xf32, #tpu.memory_space<vmem>>) offsets(%dma_start3A_51 : memref<128xi32, #tpu.memory_space<vmem>>) semaphore(%dma_start3A_56 : memref<!tpu.dma_semaphore, #tpu.memory_space<semaphore_mem>>)
    %multiple_of3A_57 = arith.constant 512 : i32
    %multiple_of3A_58 = tpu.assume_multiple %multiple_of3A_57, 128 : i32
    %dma_start3A_59 = arith.constant 4 : i32
    %dma_start3A_60 = arith.constant 4 : i32
    %dma_start3A_61 = arith.constant 0 : i32
    %dma_start3A_62 = arith.constant 0 : i32
    %dma_start3A_63 = tpu.memref_slice %arg6[%dma_start3A_59, %dma_start3A_61, %dma_start3A_62] : memref<5x128x128xf32, #tpu.memory_space<vmem>> -> memref<1x128x128xf32, #tpu.memory_space<vmem>>
    %dma_start3A_64 = tpu.memref_squeeze %dma_start3A_63 : memref<1x128x128xf32, #tpu.memory_space<vmem>> -> memref<128x128xf32, #tpu.memory_space<vmem>>
    %dma_start3A_65 = tpu.memref_slice %arg5[%multiple_of3A_58] : memref<6400xi32, #tpu.memory_space<vmem>> -> memref<128xi32, #tpu.memory_space<vmem>>
    %dma_start3A_66 = arith.constant 0 : i32
    %dma_start3A_67 = arith.constant 0 : i32
    %dma_start3A_68 = tpu.memref_slice %arg3[%dma_start3A_66, %dma_start3A_67] : memref<100000x128xf32, #tpu.memory_space<hbm>> -> memref<100000x128xf32, #tpu.memory_space<hbm>>
    %dma_start3A_69 = tpu.memref_slice %arg7[%dma_start3A_60] : memref<5x!tpu.dma_semaphore, #tpu.memory_space<semaphore_mem>> -> memref<1x!tpu.dma_semaphore, #tpu.memory_space<semaphore_mem>>
    %dma_start3A_70 = tpu.memref_squeeze %dma_start3A_69 : memref<1x!tpu.dma_semaphore, #tpu.memory_space<semaphore_mem>> -> memref<!tpu.dma_semaphore, #tpu.memory_space<semaphore_mem>>
    tpu.enqueue_indirect_dma source(%dma_start3A_68 : memref<100000x128xf32, #tpu.memory_space<hbm>>) target(%dma_start3A_64 : memref<128x128xf32, #tpu.memory_space<vmem>>) offsets(%dma_start3A_65 : memref<128xi32, #tpu.memory_space<vmem>>) semaphore(%dma_start3A_70 : memref<!tpu.dma_semaphore, #tpu.memory_space<semaphore_mem>>)
    %scan3A = arith.constant 0 : i32
    %scan3A_71 = arith.constant 0 : i32
    %scan3A_72 = arith.constant 10 : i32
    %scan3A_73 = arith.addi %scan3A_71, %scan3A_72 : i32
    %scan3A_74 = arith.constant 1 : i32
    scf.for %scan3A_155 = %scan3A_71 to %scan3A_73 step %scan3A_74  : i32 {
      %mul3A_156 = arith.constant 5 : i32
      %mul3A_157 = arith.muli %scan3A_155, %mul3A_156 : i32
      %add3A_158 = arith.constant 0 : i32
      %add3A_159 = arith.addi %mul3A_157, %add3A_158 : i32
      %dma_wait3A_160 = arith.constant 0 : i32
      %dma_wait3A_161 = arith.constant 0 : i32
      %dma_wait3A_162 = arith.constant 0 : i32
      %dma_wait3A_163 = arith.constant 0 : i32
      %dma_wait3A_164 = tpu.memref_slice %arg6[%dma_wait3A_160, %dma_wait3A_162, %dma_wait3A_163] : memref<5x128x128xf32, #tpu.memory_space<vmem>> -> memref<1x128x128xf32, #tpu.memory_space<vmem>>
      %dma_wait3A_165 = tpu.memref_squeeze %dma_wait3A_164 : memref<1x128x128xf32, #tpu.memory_space<vmem>> -> memref<128x128xf32, #tpu.memory_space<vmem>>
      %dma_wait3A_166 = arith.constant 0 : i32
      %dma_wait3A_167 = tpu.memref_slice %arg5[%dma_wait3A_166] : memref<6400xi32, #tpu.memory_space<vmem>> -> memref<128xi32, #tpu.memory_space<vmem>>
      %dma_wait3A_168 = arith.constant 0 : i32
      %dma_wait3A_169 = arith.constant 0 : i32
      %dma_wait3A_170 = tpu.memref_slice %arg3[%dma_wait3A_168, %dma_wait3A_169] : memref<100000x128xf32, #tpu.memory_space<hbm>> -> memref<100000x128xf32, #tpu.memory_space<hbm>>
      %dma_wait3A_171 = tpu.memref_slice %arg7[%dma_wait3A_161] : memref<5x!tpu.dma_semaphore, #tpu.memory_space<semaphore_mem>> -> memref<1x!tpu.dma_semaphore, #tpu.memory_space<semaphore_mem>>
      %dma_wait3A_172 = tpu.memref_squeeze %dma_wait3A_171 : memref<1x!tpu.dma_semaphore, #tpu.memory_space<semaphore_mem>> -> memref<!tpu.dma_semaphore, #tpu.memory_space<semaphore_mem>>
      tpu.wait_indirect_dma semaphore(%dma_wait3A_172 : memref<!tpu.dma_semaphore, #tpu.memory_space<semaphore_mem>>) src(%dma_wait3A_170 : memref<100000x128xf32, #tpu.memory_space<hbm>>) dst(%dma_wait3A_165 : memref<128x128xf32, #tpu.memory_space<vmem>>)
      %mul3A_173 = arith.constant 128 : i32
      %mul3A_174 = arith.muli %add3A_159, %mul3A_173 : i32
      %multiple_of3A_175 = tpu.assume_multiple %mul3A_174, 128 : i32
      %add3A_176 = arith.addi %mul3A_2, %multiple_of3A_175 : i32
      %dma_start3A_177 = arith.constant 0 : i32
      %dma_start3A_178 = arith.constant 0 : i32
      %dma_start3A_179 = arith.constant 0 : i32
      %dma_start3A_180 = arith.constant 0 : i32
      %dma_start3A_181 = tpu.memref_slice %arg6[%dma_start3A_177, %dma_start3A_179, %dma_start3A_180] : memref<5x128x128xf32, #tpu.memory_space<vmem>> -> memref<1x128x128xf32, #tpu.memory_space<vmem>>
      %dma_start3A_182 = tpu.memref_squeeze %dma_start3A_181 : memref<1x128x128xf32, #tpu.memory_space<vmem>> -> memref<128x128xf32, #tpu.memory_space<vmem>>
      %dma_start3A_183 = arith.constant 0 : i32
      %dma_start3A_184 = tpu.memref_slice %arg4[%add3A_176, %dma_start3A_183] : memref<204800x128xf32, #tpu.memory_space<hbm>> -> memref<128x128xf32, #tpu.memory_space<hbm>>
      %dma_start3A_185 = tpu.memref_slice %arg8[%dma_start3A_178] : memref<5x!tpu.dma_semaphore, #tpu.memory_space<semaphore_mem>> -> memref<1x!tpu.dma_semaphore, #tpu.memory_space<semaphore_mem>>
      %dma_start3A_186 = tpu.memref_squeeze %dma_start3A_185 : memref<1x!tpu.dma_semaphore, #tpu.memory_space<semaphore_mem>> -> memref<!tpu.dma_semaphore, #tpu.memory_space<semaphore_mem>>
      %dma_start3A_187 = arith.constant 0 : i32
      %dma_start3A_188 = tpu.memref_slice %arg4[%add3A_176, %dma_start3A_187] : memref<204800x128xf32, #tpu.memory_space<hbm>> -> memref<128x128xf32, #tpu.memory_space<hbm>>
      %dma_start3A_189 = arith.constant 0 : i32
      %dma_start3A_190 = arith.constant 0 : i32
      %dma_start3A_191 = tpu.memref_slice %arg6[%dma_start3A_177, %dma_start3A_189, %dma_start3A_190] : memref<5x128x128xf32, #tpu.memory_space<vmem>> -> memref<1x128x128xf32, #tpu.memory_space<vmem>>
      %dma_start3A_192 = tpu.memref_squeeze %dma_start3A_191 : memref<1x128x128xf32, #tpu.memory_space<vmem>> -> memref<128x128xf32, #tpu.memory_space<vmem>>
      tpu.enqueue_dma source(%dma_start3A_192 : memref<128x128xf32, #tpu.memory_space<vmem>>) target(%dma_start3A_188 : memref<128x128xf32, #tpu.memory_space<hbm>>) target_semaphore(%dma_start3A_186 : memref<!tpu.dma_semaphore, #tpu.memory_space<semaphore_mem>>)
      %lt3A = arith.constant 9 : i32
      %lt3A_193 = arith.cmpi slt, %scan3A_155, %lt3A : i32
      %convert_element_type3A = arith.extui %lt3A_193 : i1 to i32
      %cond3A = arith.constant 0 : i32
      %cond3A_194 = arith.cmpi ne, %convert_element_type3A, %cond3A : i32
      scf.if %cond3A_194 {
        %dma_wait3A_363 = arith.constant 0 : i32
        %dma_wait3A_364 = arith.constant 0 : i32
        %dma_wait3A_365 = arith.constant 0 : i32
        %dma_wait3A_366 = arith.constant 0 : i32
        %dma_wait3A_367 = tpu.memref_slice %arg6[%dma_wait3A_363, %dma_wait3A_365, %dma_wait3A_366] : memref<5x128x128xf32, #tpu.memory_space<vmem>> -> memref<1x128x128xf32, #tpu.memory_space<vmem>>
        %dma_wait3A_368 = tpu.memref_squeeze %dma_wait3A_367 : memref<1x128x128xf32, #tpu.memory_space<vmem>> -> memref<128x128xf32, #tpu.memory_space<vmem>>
        %dma_wait3A_369 = arith.constant 0 : i32
        %dma_wait3A_370 = tpu.memref_slice %arg4[%mul3A_2, %dma_wait3A_369] : memref<204800x128xf32, #tpu.memory_space<hbm>> -> memref<128x128xf32, #tpu.memory_space<hbm>>
        %dma_wait3A_371 = tpu.memref_slice %arg8[%dma_wait3A_364] : memref<5x!tpu.dma_semaphore, #tpu.memory_space<semaphore_mem>> -> memref<1x!tpu.dma_semaphore, #tpu.memory_space<semaphore_mem>>
        %dma_wait3A_372 = tpu.memref_squeeze %dma_wait3A_371 : memref<1x!tpu.dma_semaphore, #tpu.memory_space<semaphore_mem>> -> memref<!tpu.dma_semaphore, #tpu.memory_space<semaphore_mem>>
        %dma_wait3A_373 = arith.constant 0 : i32
        %dma_wait3A_374 = tpu.memref_slice %arg4[%mul3A_2, %dma_wait3A_373] : memref<204800x128xf32, #tpu.memory_space<hbm>> -> memref<128x128xf32, #tpu.memory_space<hbm>>
        %dma_wait3A_375 = arith.constant 0 : i32
        %dma_wait3A_376 = arith.constant 0 : i32
        %dma_wait3A_377 = tpu.memref_slice %arg6[%dma_wait3A_363, %dma_wait3A_375, %dma_wait3A_376] : memref<5x128x128xf32, #tpu.memory_space<vmem>> -> memref<1x128x128xf32, #tpu.memory_space<vmem>>
        %dma_wait3A_378 = tpu.memref_squeeze %dma_wait3A_377 : memref<1x128x128xf32, #tpu.memory_space<vmem>> -> memref<128x128xf32, #tpu.memory_space<vmem>>
        tpu.wait_dma2 semaphore(%dma_wait3A_372 : memref<!tpu.dma_semaphore, #tpu.memory_space<semaphore_mem>>) src(%dma_wait3A_378 : memref<128x128xf32, #tpu.memory_space<vmem>>) dst(%dma_wait3A_374 : memref<128x128xf32, #tpu.memory_space<hbm>>)
        %add3A_379 = arith.constant 5 : i32
        %add3A_380 = arith.addi %add3A_159, %add3A_379 : i32
        %mul3A_381 = arith.constant 128 : i32
        %mul3A_382 = arith.muli %add3A_380, %mul3A_381 : i32
        %multiple_of3A_383 = tpu.assume_multiple %mul3A_382, 128 : i32
        %dma_start3A_384 = arith.constant 0 : i32
        %dma_start3A_385 = arith.constant 0 : i32
        %dma_start3A_386 = arith.constant 0 : i32
        %dma_start3A_387 = arith.constant 0 : i32
        %dma_start3A_388 = tpu.memref_slice %arg6[%dma_start3A_384, %dma_start3A_386, %dma_start3A_387] : memref<5x128x128xf32, #tpu.memory_space<vmem>> -> memref<1x128x128xf32, #tpu.memory_space<vmem>>
        %dma_start3A_389 = tpu.memref_squeeze %dma_start3A_388 : memref<1x128x128xf32, #tpu.memory_space<vmem>> -> memref<128x128xf32, #tpu.memory_space<vmem>>
        %dma_start3A_390 = tpu.memref_slice %arg5[%multiple_of3A_383] : memref<6400xi32, #tpu.memory_space<vmem>> -> memref<128xi32, #tpu.memory_space<vmem>>
        %dma_start3A_391 = arith.constant 0 : i32
        %dma_start3A_392 = arith.constant 0 : i32
        %dma_start3A_393 = tpu.memref_slice %arg3[%dma_start3A_391, %dma_start3A_392] : memref<100000x128xf32, #tpu.memory_space<hbm>> -> memref<100000x128xf32, #tpu.memory_space<hbm>>
        %dma_start3A_394 = tpu.memref_slice %arg7[%dma_start3A_385] : memref<5x!tpu.dma_semaphore, #tpu.memory_space<semaphore_mem>> -> memref<1x!tpu.dma_semaphore, #tpu.memory_space<semaphore_mem>>
        %dma_start3A_395 = tpu.memref_squeeze %dma_start3A_394 : memref<1x!tpu.dma_semaphore, #tpu.memory_space<semaphore_mem>> -> memref<!tpu.dma_semaphore, #tpu.memory_space<semaphore_mem>>
        tpu.enqueue_indirect_dma source(%dma_start3A_393 : memref<100000x128xf32, #tpu.memory_space<hbm>>) target(%dma_start3A_389 : memref<128x128xf32, #tpu.memory_space<vmem>>) offsets(%dma_start3A_390 : memref<128xi32, #tpu.memory_space<vmem>>) semaphore(%dma_start3A_395 : memref<!tpu.dma_semaphore, #tpu.memory_space<semaphore_mem>>)
      } else {
      }
      %mul3A_195 = arith.constant 5 : i32
      %mul3A_196 = arith.muli %scan3A_155, %mul3A_195 : i32
      %add3A_197 = arith.constant 1 : i32
      %add3A_198 = arith.addi %mul3A_196, %add3A_197 : i32
      %dma_wait3A_199 = arith.constant 1 : i32
      %dma_wait3A_200 = arith.constant 1 : i32
      %dma_wait3A_201 = arith.constant 0 : i32
      %dma_wait3A_202 = arith.constant 0 : i32
      %dma_wait3A_203 = tpu.memref_slice %arg6[%dma_wait3A_199, %dma_wait3A_201, %dma_wait3A_202] : memref<5x128x128xf32, #tpu.memory_space<vmem>> -> memref<1x128x128xf32, #tpu.memory_space<vmem>>
      %dma_wait3A_204 = tpu.memref_squeeze %dma_wait3A_203 : memref<1x128x128xf32, #tpu.memory_space<vmem>> -> memref<128x128xf32, #tpu.memory_space<vmem>>
      %dma_wait3A_205 = arith.constant 0 : i32
      %dma_wait3A_206 = tpu.memref_slice %arg5[%dma_wait3A_205] : memref<6400xi32, #tpu.memory_space<vmem>> -> memref<128xi32, #tpu.memory_space<vmem>>
      %dma_wait3A_207 = arith.constant 0 : i32
      %dma_wait3A_208 = arith.constant 0 : i32
      %dma_wait3A_209 = tpu.memref_slice %arg3[%dma_wait3A_207, %dma_wait3A_208] : memref<100000x128xf32, #tpu.memory_space<hbm>> -> memref<100000x128xf32, #tpu.memory_space<hbm>>
      %dma_wait3A_210 = tpu.memref_slice %arg7[%dma_wait3A_200] : memref<5x!tpu.dma_semaphore, #tpu.memory_space<semaphore_mem>> -> memref<1x!tpu.dma_semaphore, #tpu.memory_space<semaphore_mem>>
      %dma_wait3A_211 = tpu.memref_squeeze %dma_wait3A_210 : memref<1x!tpu.dma_semaphore, #tpu.memory_space<semaphore_mem>> -> memref<!tpu.dma_semaphore, #tpu.memory_space<semaphore_mem>>
      tpu.wait_indirect_dma semaphore(%dma_wait3A_211 : memref<!tpu.dma_semaphore, #tpu.memory_space<semaphore_mem>>) src(%dma_wait3A_209 : memref<100000x128xf32, #tpu.memory_space<hbm>>) dst(%dma_wait3A_204 : memref<128x128xf32, #tpu.memory_space<vmem>>)
      %mul3A_212 = arith.constant 128 : i32
      %mul3A_213 = arith.muli %add3A_198, %mul3A_212 : i32
      %multiple_of3A_214 = tpu.assume_multiple %mul3A_213, 128 : i32
      %add3A_215 = arith.addi %mul3A_2, %multiple_of3A_214 : i32
      %dma_start3A_216 = arith.constant 1 : i32
      %dma_start3A_217 = arith.constant 1 : i32
      %dma_start3A_218 = arith.constant 0 : i32
      %dma_start3A_219 = arith.constant 0 : i32
      %dma_start3A_220 = tpu.memref_slice %arg6[%dma_start3A_216, %dma_start3A_218, %dma_start3A_219] : memref<5x128x128xf32, #tpu.memory_space<vmem>> -> memref<1x128x128xf32, #tpu.memory_space<vmem>>
      %dma_start3A_221 = tpu.memref_squeeze %dma_start3A_220 : memref<1x128x128xf32, #tpu.memory_space<vmem>> -> memref<128x128xf32, #tpu.memory_space<vmem>>
      %dma_start3A_222 = arith.constant 0 : i32
      %dma_start3A_223 = tpu.memref_slice %arg4[%add3A_215, %dma_start3A_222] : memref<204800x128xf32, #tpu.memory_space<hbm>> -> memref<128x128xf32, #tpu.memory_space<hbm>>
      %dma_start3A_224 = tpu.memref_slice %arg8[%dma_start3A_217] : memref<5x!tpu.dma_semaphore, #tpu.memory_space<semaphore_mem>> -> memref<1x!tpu.dma_semaphore, #tpu.memory_space<semaphore_mem>>
      %dma_start3A_225 = tpu.memref_squeeze %dma_start3A_224 : memref<1x!tpu.dma_semaphore, #tpu.memory_space<semaphore_mem>> -> memref<!tpu.dma_semaphore, #tpu.memory_space<semaphore_mem>>
      %dma_start3A_226 = arith.constant 0 : i32
      %dma_start3A_227 = tpu.memref_slice %arg4[%add3A_215, %dma_start3A_226] : memref<204800x128xf32, #tpu.memory_space<hbm>> -> memref<128x128xf32, #tpu.memory_space<hbm>>
      %dma_start3A_228 = arith.constant 0 : i32
      %dma_start3A_229 = arith.constant 0 : i32
      %dma_start3A_230 = tpu.memref_slice %arg6[%dma_start3A_216, %dma_start3A_228, %dma_start3A_229] : memref<5x128x128xf32, #tpu.memory_space<vmem>> -> memref<1x128x128xf32, #tpu.memory_space<vmem>>
      %dma_start3A_231 = tpu.memref_squeeze %dma_start3A_230 : memref<1x128x128xf32, #tpu.memory_space<vmem>> -> memref<128x128xf32, #tpu.memory_space<vmem>>
      tpu.enqueue_dma source(%dma_start3A_231 : memref<128x128xf32, #tpu.memory_space<vmem>>) target(%dma_start3A_227 : memref<128x128xf32, #tpu.memory_space<hbm>>) target_semaphore(%dma_start3A_225 : memref<!tpu.dma_semaphore, #tpu.memory_space<semaphore_mem>>)
      %lt3A_232 = arith.constant 9 : i32
      %lt3A_233 = arith.cmpi slt, %scan3A_155, %lt3A_232 : i32
      %convert_element_type3A_234 = arith.extui %lt3A_233 : i1 to i32
      %cond3A_235 = arith.constant 0 : i32
      %cond3A_236 = arith.cmpi ne, %convert_element_type3A_234, %cond3A_235 : i32
      scf.if %cond3A_236 {
        %dma_wait3A_363 = arith.constant 1 : i32
        %dma_wait3A_364 = arith.constant 1 : i32
        %dma_wait3A_365 = arith.constant 0 : i32
        %dma_wait3A_366 = arith.constant 0 : i32
        %dma_wait3A_367 = tpu.memref_slice %arg6[%dma_wait3A_363, %dma_wait3A_365, %dma_wait3A_366] : memref<5x128x128xf32, #tpu.memory_space<vmem>> -> memref<1x128x128xf32, #tpu.memory_space<vmem>>
        %dma_wait3A_368 = tpu.memref_squeeze %dma_wait3A_367 : memref<1x128x128xf32, #tpu.memory_space<vmem>> -> memref<128x128xf32, #tpu.memory_space<vmem>>
        %dma_wait3A_369 = arith.constant 0 : i32
        %dma_wait3A_370 = tpu.memref_slice %arg4[%mul3A_2, %dma_wait3A_369] : memref<204800x128xf32, #tpu.memory_space<hbm>> -> memref<128x128xf32, #tpu.memory_space<hbm>>
        %dma_wait3A_371 = tpu.memref_slice %arg8[%dma_wait3A_364] : memref<5x!tpu.dma_semaphore, #tpu.memory_space<semaphore_mem>> -> memref<1x!tpu.dma_semaphore, #tpu.memory_space<semaphore_mem>>
        %dma_wait3A_372 = tpu.memref_squeeze %dma_wait3A_371 : memref<1x!tpu.dma_semaphore, #tpu.memory_space<semaphore_mem>> -> memref<!tpu.dma_semaphore, #tpu.memory_space<semaphore_mem>>
        %dma_wait3A_373 = arith.constant 0 : i32
        %dma_wait3A_374 = tpu.memref_slice %arg4[%mul3A_2, %dma_wait3A_373] : memref<204800x128xf32, #tpu.memory_space<hbm>> -> memref<128x128xf32, #tpu.memory_space<hbm>>
        %dma_wait3A_375 = arith.constant 0 : i32
        %dma_wait3A_376 = arith.constant 0 : i32
        %dma_wait3A_377 = tpu.memref_slice %arg6[%dma_wait3A_363, %dma_wait3A_375, %dma_wait3A_376] : memref<5x128x128xf32, #tpu.memory_space<vmem>> -> memref<1x128x128xf32, #tpu.memory_space<vmem>>
        %dma_wait3A_378 = tpu.memref_squeeze %dma_wait3A_377 : memref<1x128x128xf32, #tpu.memory_space<vmem>> -> memref<128x128xf32, #tpu.memory_space<vmem>>
        tpu.wait_dma2 semaphore(%dma_wait3A_372 : memref<!tpu.dma_semaphore, #tpu.memory_space<semaphore_mem>>) src(%dma_wait3A_378 : memref<128x128xf32, #tpu.memory_space<vmem>>) dst(%dma_wait3A_374 : memref<128x128xf32, #tpu.memory_space<hbm>>)
        %add3A_379 = arith.constant 5 : i32
        %add3A_380 = arith.addi %add3A_198, %add3A_379 : i32
        %mul3A_381 = arith.constant 128 : i32
        %mul3A_382 = arith.muli %add3A_380, %mul3A_381 : i32
        %multiple_of3A_383 = tpu.assume_multiple %mul3A_382, 128 : i32
        %dma_start3A_384 = arith.constant 1 : i32
        %dma_start3A_385 = arith.constant 1 : i32
        %dma_start3A_386 = arith.constant 0 : i32
        %dma_start3A_387 = arith.constant 0 : i32
        %dma_start3A_388 = tpu.memref_slice %arg6[%dma_start3A_384, %dma_start3A_386, %dma_start3A_387] : memref<5x128x128xf32, #tpu.memory_space<vmem>> -> memref<1x128x128xf32, #tpu.memory_space<vmem>>
        %dma_start3A_389 = tpu.memref_squeeze %dma_start3A_388 : memref<1x128x128xf32, #tpu.memory_space<vmem>> -> memref<128x128xf32, #tpu.memory_space<vmem>>
        %dma_start3A_390 = tpu.memref_slice %arg5[%multiple_of3A_383] : memref<6400xi32, #tpu.memory_space<vmem>> -> memref<128xi32, #tpu.memory_space<vmem>>
        %dma_start3A_391 = arith.constant 0 : i32
        %dma_start3A_392 = arith.constant 0 : i32
        %dma_start3A_393 = tpu.memref_slice %arg3[%dma_start3A_391, %dma_start3A_392] : memref<100000x128xf32, #tpu.memory_space<hbm>> -> memref<100000x128xf32, #tpu.memory_space<hbm>>
        %dma_start3A_394 = tpu.memref_slice %arg7[%dma_start3A_385] : memref<5x!tpu.dma_semaphore, #tpu.memory_space<semaphore_mem>> -> memref<1x!tpu.dma_semaphore, #tpu.memory_space<semaphore_mem>>
        %dma_start3A_395 = tpu.memref_squeeze %dma_start3A_394 : memref<1x!tpu.dma_semaphore, #tpu.memory_space<semaphore_mem>> -> memref<!tpu.dma_semaphore, #tpu.memory_space<semaphore_mem>>
        tpu.enqueue_indirect_dma source(%dma_start3A_393 : memref<100000x128xf32, #tpu.memory_space<hbm>>) target(%dma_start3A_389 : memref<128x128xf32, #tpu.memory_space<vmem>>) offsets(%dma_start3A_390 : memref<128xi32, #tpu.memory_space<vmem>>) semaphore(%dma_start3A_395 : memref<!tpu.dma_semaphore, #tpu.memory_space<semaphore_mem>>)
      } else {
      }
      %mul3A_237 = arith.constant 5 : i32
      %mul3A_238 = arith.muli %scan3A_155, %mul3A_237 : i32
      %add3A_239 = arith.constant 2 : i32
      %add3A_240 = arith.addi %mul3A_238, %add3A_239 : i32
      %dma_wait3A_241 = arith.constant 2 : i32
      %dma_wait3A_242 = arith.constant 2 : i32
      %dma_wait3A_243 = arith.constant 0 : i32
      %dma_wait3A_244 = arith.constant 0 : i32
      %dma_wait3A_245 = tpu.memref_slice %arg6[%dma_wait3A_241, %dma_wait3A_243, %dma_wait3A_244] : memref<5x128x128xf32, #tpu.memory_space<vmem>> -> memref<1x128x128xf32, #tpu.memory_space<vmem>>
      %dma_wait3A_246 = tpu.memref_squeeze %dma_wait3A_245 : memref<1x128x128xf32, #tpu.memory_space<vmem>> -> memref<128x128xf32, #tpu.memory_space<vmem>>
      %dma_wait3A_247 = arith.constant 0 : i32
      %dma_wait3A_248 = tpu.memref_slice %arg5[%dma_wait3A_247] : memref<6400xi32, #tpu.memory_space<vmem>> -> memref<128xi32, #tpu.memory_space<vmem>>
      %dma_wait3A_249 = arith.constant 0 : i32
      %dma_wait3A_250 = arith.constant 0 : i32
      %dma_wait3A_251 = tpu.memref_slice %arg3[%dma_wait3A_249, %dma_wait3A_250] : memref<100000x128xf32, #tpu.memory_space<hbm>> -> memref<100000x128xf32, #tpu.memory_space<hbm>>
      %dma_wait3A_252 = tpu.memref_slice %arg7[%dma_wait3A_242] : memref<5x!tpu.dma_semaphore, #tpu.memory_space<semaphore_mem>> -> memref<1x!tpu.dma_semaphore, #tpu.memory_space<semaphore_mem>>
      %dma_wait3A_253 = tpu.memref_squeeze %dma_wait3A_252 : memref<1x!tpu.dma_semaphore, #tpu.memory_space<semaphore_mem>> -> memref<!tpu.dma_semaphore, #tpu.memory_space<semaphore_mem>>
      tpu.wait_indirect_dma semaphore(%dma_wait3A_253 : memref<!tpu.dma_semaphore, #tpu.memory_space<semaphore_mem>>) src(%dma_wait3A_251 : memref<100000x128xf32, #tpu.memory_space<hbm>>) dst(%dma_wait3A_246 : memref<128x128xf32, #tpu.memory_space<vmem>>)
      %mul3A_254 = arith.constant 128 : i32
      %mul3A_255 = arith.muli %add3A_240, %mul3A_254 : i32
      %multiple_of3A_256 = tpu.assume_multiple %mul3A_255, 128 : i32
      %add3A_257 = arith.addi %mul3A_2, %multiple_of3A_256 : i32
      %dma_start3A_258 = arith.constant 2 : i32
      %dma_start3A_259 = arith.constant 2 : i32
      %dma_start3A_260 = arith.constant 0 : i32
      %dma_start3A_261 = arith.constant 0 : i32
      %dma_start3A_262 = tpu.memref_slice %arg6[%dma_start3A_258, %dma_start3A_260, %dma_start3A_261] : memref<5x128x128xf32, #tpu.memory_space<vmem>> -> memref<1x128x128xf32, #tpu.memory_space<vmem>>
      %dma_start3A_263 = tpu.memref_squeeze %dma_start3A_262 : memref<1x128x128xf32, #tpu.memory_space<vmem>> -> memref<128x128xf32, #tpu.memory_space<vmem>>
      %dma_start3A_264 = arith.constant 0 : i32
      %dma_start3A_265 = tpu.memref_slice %arg4[%add3A_257, %dma_start3A_264] : memref<204800x128xf32, #tpu.memory_space<hbm>> -> memref<128x128xf32, #tpu.memory_space<hbm>>
      %dma_start3A_266 = tpu.memref_slice %arg8[%dma_start3A_259] : memref<5x!tpu.dma_semaphore, #tpu.memory_space<semaphore_mem>> -> memref<1x!tpu.dma_semaphore, #tpu.memory_space<semaphore_mem>>
      %dma_start3A_267 = tpu.memref_squeeze %dma_start3A_266 : memref<1x!tpu.dma_semaphore, #tpu.memory_space<semaphore_mem>> -> memref<!tpu.dma_semaphore, #tpu.memory_space<semaphore_mem>>
      %dma_start3A_268 = arith.constant 0 : i32
      %dma_start3A_269 = tpu.memref_slice %arg4[%add3A_257, %dma_start3A_268] : memref<204800x128xf32, #tpu.memory_space<hbm>> -> memref<128x128xf32, #tpu.memory_space<hbm>>
      %dma_start3A_270 = arith.constant 0 : i32
      %dma_start3A_271 = arith.constant 0 : i32
      %dma_start3A_272 = tpu.memref_slice %arg6[%dma_start3A_258, %dma_start3A_270, %dma_start3A_271] : memref<5x128x128xf32, #tpu.memory_space<vmem>> -> memref<1x128x128xf32, #tpu.memory_space<vmem>>
      %dma_start3A_273 = tpu.memref_squeeze %dma_start3A_272 : memref<1x128x128xf32, #tpu.memory_space<vmem>> -> memref<128x128xf32, #tpu.memory_space<vmem>>
      tpu.enqueue_dma source(%dma_start3A_273 : memref<128x128xf32, #tpu.memory_space<vmem>>) target(%dma_start3A_269 : memref<128x128xf32, #tpu.memory_space<hbm>>) target_semaphore(%dma_start3A_267 : memref<!tpu.dma_semaphore, #tpu.memory_space<semaphore_mem>>)
      %lt3A_274 = arith.constant 9 : i32
      %lt3A_275 = arith.cmpi slt, %scan3A_155, %lt3A_274 : i32
      %convert_element_type3A_276 = arith.extui %lt3A_275 : i1 to i32
      %cond3A_277 = arith.constant 0 : i32
      %cond3A_278 = arith.cmpi ne, %convert_element_type3A_276, %cond3A_277 : i32
      scf.if %cond3A_278 {
        %dma_wait3A_363 = arith.constant 2 : i32
        %dma_wait3A_364 = arith.constant 2 : i32
        %dma_wait3A_365 = arith.constant 0 : i32
        %dma_wait3A_366 = arith.constant 0 : i32
        %dma_wait3A_367 = tpu.memref_slice %arg6[%dma_wait3A_363, %dma_wait3A_365, %dma_wait3A_366] : memref<5x128x128xf32, #tpu.memory_space<vmem>> -> memref<1x128x128xf32, #tpu.memory_space<vmem>>
        %dma_wait3A_368 = tpu.memref_squeeze %dma_wait3A_367 : memref<1x128x128xf32, #tpu.memory_space<vmem>> -> memref<128x128xf32, #tpu.memory_space<vmem>>
        %dma_wait3A_369 = arith.constant 0 : i32
        %dma_wait3A_370 = tpu.memref_slice %arg4[%mul3A_2, %dma_wait3A_369] : memref<204800x128xf32, #tpu.memory_space<hbm>> -> memref<128x128xf32, #tpu.memory_space<hbm>>
        %dma_wait3A_371 = tpu.memref_slice %arg8[%dma_wait3A_364] : memref<5x!tpu.dma_semaphore, #tpu.memory_space<semaphore_mem>> -> memref<1x!tpu.dma_semaphore, #tpu.memory_space<semaphore_mem>>
        %dma_wait3A_372 = tpu.memref_squeeze %dma_wait3A_371 : memref<1x!tpu.dma_semaphore, #tpu.memory_space<semaphore_mem>> -> memref<!tpu.dma_semaphore, #tpu.memory_space<semaphore_mem>>
        %dma_wait3A_373 = arith.constant 0 : i32
        %dma_wait3A_374 = tpu.memref_slice %arg4[%mul3A_2, %dma_wait3A_373] : memref<204800x128xf32, #tpu.memory_space<hbm>> -> memref<128x128xf32, #tpu.memory_space<hbm>>
        %dma_wait3A_375 = arith.constant 0 : i32
        %dma_wait3A_376 = arith.constant 0 : i32
        %dma_wait3A_377 = tpu.memref_slice %arg6[%dma_wait3A_363, %dma_wait3A_375, %dma_wait3A_376] : memref<5x128x128xf32, #tpu.memory_space<vmem>> -> memref<1x128x128xf32, #tpu.memory_space<vmem>>
        %dma_wait3A_378 = tpu.memref_squeeze %dma_wait3A_377 : memref<1x128x128xf32, #tpu.memory_space<vmem>> -> memref<128x128xf32, #tpu.memory_space<vmem>>
        tpu.wait_dma2 semaphore(%dma_wait3A_372 : memref<!tpu.dma_semaphore, #tpu.memory_space<semaphore_mem>>) src(%dma_wait3A_378 : memref<128x128xf32, #tpu.memory_space<vmem>>) dst(%dma_wait3A_374 : memref<128x128xf32, #tpu.memory_space<hbm>>)
        %add3A_379 = arith.constant 5 : i32
        %add3A_380 = arith.addi %add3A_240, %add3A_379 : i32
        %mul3A_381 = arith.constant 128 : i32
        %mul3A_382 = arith.muli %add3A_380, %mul3A_381 : i32
        %multiple_of3A_383 = tpu.assume_multiple %mul3A_382, 128 : i32
        %dma_start3A_384 = arith.constant 2 : i32
        %dma_start3A_385 = arith.constant 2 : i32
        %dma_start3A_386 = arith.constant 0 : i32
        %dma_start3A_387 = arith.constant 0 : i32
        %dma_start3A_388 = tpu.memref_slice %arg6[%dma_start3A_384, %dma_start3A_386, %dma_start3A_387] : memref<5x128x128xf32, #tpu.memory_space<vmem>> -> memref<1x128x128xf32, #tpu.memory_space<vmem>>
        %dma_start3A_389 = tpu.memref_squeeze %dma_start3A_388 : memref<1x128x128xf32, #tpu.memory_space<vmem>> -> memref<128x128xf32, #tpu.memory_space<vmem>>
        %dma_start3A_390 = tpu.memref_slice %arg5[%multiple_of3A_383] : memref<6400xi32, #tpu.memory_space<vmem>> -> memref<128xi32, #tpu.memory_space<vmem>>
        %dma_start3A_391 = arith.constant 0 : i32
        %dma_start3A_392 = arith.constant 0 : i32
        %dma_start3A_393 = tpu.memref_slice %arg3[%dma_start3A_391, %dma_start3A_392] : memref<100000x128xf32, #tpu.memory_space<hbm>> -> memref<100000x128xf32, #tpu.memory_space<hbm>>
        %dma_start3A_394 = tpu.memref_slice %arg7[%dma_start3A_385] : memref<5x!tpu.dma_semaphore, #tpu.memory_space<semaphore_mem>> -> memref<1x!tpu.dma_semaphore, #tpu.memory_space<semaphore_mem>>
        %dma_start3A_395 = tpu.memref_squeeze %dma_start3A_394 : memref<1x!tpu.dma_semaphore, #tpu.memory_space<semaphore_mem>> -> memref<!tpu.dma_semaphore, #tpu.memory_space<semaphore_mem>>
        tpu.enqueue_indirect_dma source(%dma_start3A_393 : memref<100000x128xf32, #tpu.memory_space<hbm>>) target(%dma_start3A_389 : memref<128x128xf32, #tpu.memory_space<vmem>>) offsets(%dma_start3A_390 : memref<128xi32, #tpu.memory_space<vmem>>) semaphore(%dma_start3A_395 : memref<!tpu.dma_semaphore, #tpu.memory_space<semaphore_mem>>)
      } else {
      }
      %mul3A_279 = arith.constant 5 : i32
      %mul3A_280 = arith.muli %scan3A_155, %mul3A_279 : i32
      %add3A_281 = arith.constant 3 : i32
      %add3A_282 = arith.addi %mul3A_280, %add3A_281 : i32
      %dma_wait3A_283 = arith.constant 3 : i32
      %dma_wait3A_284 = arith.constant 3 : i32
      %dma_wait3A_285 = arith.constant 0 : i32
      %dma_wait3A_286 = arith.constant 0 : i32
      %dma_wait3A_287 = tpu.memref_slice %arg6[%dma_wait3A_283, %dma_wait3A_285, %dma_wait3A_286] : memref<5x128x128xf32, #tpu.memory_space<vmem>> -> memref<1x128x128xf32, #tpu.memory_space<vmem>>
      %dma_wait3A_288 = tpu.memref_squeeze %dma_wait3A_287 : memref<1x128x128xf32, #tpu.memory_space<vmem>> -> memref<128x128xf32, #tpu.memory_space<vmem>>
      %dma_wait3A_289 = arith.constant 0 : i32
      %dma_wait3A_290 = tpu.memref_slice %arg5[%dma_wait3A_289] : memref<6400xi32, #tpu.memory_space<vmem>> -> memref<128xi32, #tpu.memory_space<vmem>>
      %dma_wait3A_291 = arith.constant 0 : i32
      %dma_wait3A_292 = arith.constant 0 : i32
      %dma_wait3A_293 = tpu.memref_slice %arg3[%dma_wait3A_291, %dma_wait3A_292] : memref<100000x128xf32, #tpu.memory_space<hbm>> -> memref<100000x128xf32, #tpu.memory_space<hbm>>
      %dma_wait3A_294 = tpu.memref_slice %arg7[%dma_wait3A_284] : memref<5x!tpu.dma_semaphore, #tpu.memory_space<semaphore_mem>> -> memref<1x!tpu.dma_semaphore, #tpu.memory_space<semaphore_mem>>
      %dma_wait3A_295 = tpu.memref_squeeze %dma_wait3A_294 : memref<1x!tpu.dma_semaphore, #tpu.memory_space<semaphore_mem>> -> memref<!tpu.dma_semaphore, #tpu.memory_space<semaphore_mem>>
      tpu.wait_indirect_dma semaphore(%dma_wait3A_295 : memref<!tpu.dma_semaphore, #tpu.memory_space<semaphore_mem>>) src(%dma_wait3A_293 : memref<100000x128xf32, #tpu.memory_space<hbm>>) dst(%dma_wait3A_288 : memref<128x128xf32, #tpu.memory_space<vmem>>)
      %mul3A_296 = arith.constant 128 : i32
      %mul3A_297 = arith.muli %add3A_282, %mul3A_296 : i32
      %multiple_of3A_298 = tpu.assume_multiple %mul3A_297, 128 : i32
      %add3A_299 = arith.addi %mul3A_2, %multiple_of3A_298 : i32
      %dma_start3A_300 = arith.constant 3 : i32
      %dma_start3A_301 = arith.constant 3 : i32
      %dma_start3A_302 = arith.constant 0 : i32
      %dma_start3A_303 = arith.constant 0 : i32
      %dma_start3A_304 = tpu.memref_slice %arg6[%dma_start3A_300, %dma_start3A_302, %dma_start3A_303] : memref<5x128x128xf32, #tpu.memory_space<vmem>> -> memref<1x128x128xf32, #tpu.memory_space<vmem>>
      %dma_start3A_305 = tpu.memref_squeeze %dma_start3A_304 : memref<1x128x128xf32, #tpu.memory_space<vmem>> -> memref<128x128xf32, #tpu.memory_space<vmem>>
      %dma_start3A_306 = arith.constant 0 : i32
      %dma_start3A_307 = tpu.memref_slice %arg4[%add3A_299, %dma_start3A_306] : memref<204800x128xf32, #tpu.memory_space<hbm>> -> memref<128x128xf32, #tpu.memory_space<hbm>>
      %dma_start3A_308 = tpu.memref_slice %arg8[%dma_start3A_301] : memref<5x!tpu.dma_semaphore, #tpu.memory_space<semaphore_mem>> -> memref<1x!tpu.dma_semaphore, #tpu.memory_space<semaphore_mem>>
      %dma_start3A_309 = tpu.memref_squeeze %dma_start3A_308 : memref<1x!tpu.dma_semaphore, #tpu.memory_space<semaphore_mem>> -> memref<!tpu.dma_semaphore, #tpu.memory_space<semaphore_mem>>
      %dma_start3A_310 = arith.constant 0 : i32
      %dma_start3A_311 = tpu.memref_slice %arg4[%add3A_299, %dma_start3A_310] : memref<204800x128xf32, #tpu.memory_space<hbm>> -> memref<128x128xf32, #tpu.memory_space<hbm>>
      %dma_start3A_312 = arith.constant 0 : i32
      %dma_start3A_313 = arith.constant 0 : i32
      %dma_start3A_314 = tpu.memref_slice %arg6[%dma_start3A_300, %dma_start3A_312, %dma_start3A_313] : memref<5x128x128xf32, #tpu.memory_space<vmem>> -> memref<1x128x128xf32, #tpu.memory_space<vmem>>
      %dma_start3A_315 = tpu.memref_squeeze %dma_start3A_314 : memref<1x128x128xf32, #tpu.memory_space<vmem>> -> memref<128x128xf32, #tpu.memory_space<vmem>>
      tpu.enqueue_dma source(%dma_start3A_315 : memref<128x128xf32, #tpu.memory_space<vmem>>) target(%dma_start3A_311 : memref<128x128xf32, #tpu.memory_space<hbm>>) target_semaphore(%dma_start3A_309 : memref<!tpu.dma_semaphore, #tpu.memory_space<semaphore_mem>>)
      %lt3A_316 = arith.constant 9 : i32
      %lt3A_317 = arith.cmpi slt, %scan3A_155, %lt3A_316 : i32
      %convert_element_type3A_318 = arith.extui %lt3A_317 : i1 to i32
      %cond3A_319 = arith.constant 0 : i32
      %cond3A_320 = arith.cmpi ne, %convert_element_type3A_318, %cond3A_319 : i32
      scf.if %cond3A_320 {
        %dma_wait3A_363 = arith.constant 3 : i32
        %dma_wait3A_364 = arith.constant 3 : i32
        %dma_wait3A_365 = arith.constant 0 : i32
        %dma_wait3A_366 = arith.constant 0 : i32
        %dma_wait3A_367 = tpu.memref_slice %arg6[%dma_wait3A_363, %dma_wait3A_365, %dma_wait3A_366] : memref<5x128x128xf32, #tpu.memory_space<vmem>> -> memref<1x128x128xf32, #tpu.memory_space<vmem>>
        %dma_wait3A_368 = tpu.memref_squeeze %dma_wait3A_367 : memref<1x128x128xf32, #tpu.memory_space<vmem>> -> memref<128x128xf32, #tpu.memory_space<vmem>>
        %dma_wait3A_369 = arith.constant 0 : i32
        %dma_wait3A_370 = tpu.memref_slice %arg4[%mul3A_2, %dma_wait3A_369] : memref<204800x128xf32, #tpu.memory_space<hbm>> -> memref<128x128xf32, #tpu.memory_space<hbm>>
        %dma_wait3A_371 = tpu.memref_slice %arg8[%dma_wait3A_364] : memref<5x!tpu.dma_semaphore, #tpu.memory_space<semaphore_mem>> -> memref<1x!tpu.dma_semaphore, #tpu.memory_space<semaphore_mem>>
        %dma_wait3A_372 = tpu.memref_squeeze %dma_wait3A_371 : memref<1x!tpu.dma_semaphore, #tpu.memory_space<semaphore_mem>> -> memref<!tpu.dma_semaphore, #tpu.memory_space<semaphore_mem>>
        %dma_wait3A_373 = arith.constant 0 : i32
        %dma_wait3A_374 = tpu.memref_slice %arg4[%mul3A_2, %dma_wait3A_373] : memref<204800x128xf32, #tpu.memory_space<hbm>> -> memref<128x128xf32, #tpu.memory_space<hbm>>
        %dma_wait3A_375 = arith.constant 0 : i32
        %dma_wait3A_376 = arith.constant 0 : i32
        %dma_wait3A_377 = tpu.memref_slice %arg6[%dma_wait3A_363, %dma_wait3A_375, %dma_wait3A_376] : memref<5x128x128xf32, #tpu.memory_space<vmem>> -> memref<1x128x128xf32, #tpu.memory_space<vmem>>
        %dma_wait3A_378 = tpu.memref_squeeze %dma_wait3A_377 : memref<1x128x128xf32, #tpu.memory_space<vmem>> -> memref<128x128xf32, #tpu.memory_space<vmem>>
        tpu.wait_dma2 semaphore(%dma_wait3A_372 : memref<!tpu.dma_semaphore, #tpu.memory_space<semaphore_mem>>) src(%dma_wait3A_378 : memref<128x128xf32, #tpu.memory_space<vmem>>) dst(%dma_wait3A_374 : memref<128x128xf32, #tpu.memory_space<hbm>>)
        %add3A_379 = arith.constant 5 : i32
        %add3A_380 = arith.addi %add3A_282, %add3A_379 : i32
        %mul3A_381 = arith.constant 128 : i32
        %mul3A_382 = arith.muli %add3A_380, %mul3A_381 : i32
        %multiple_of3A_383 = tpu.assume_multiple %mul3A_382, 128 : i32
        %dma_start3A_384 = arith.constant 3 : i32
        %dma_start3A_385 = arith.constant 3 : i32
        %dma_start3A_386 = arith.constant 0 : i32
        %dma_start3A_387 = arith.constant 0 : i32
        %dma_start3A_388 = tpu.memref_slice %arg6[%dma_start3A_384, %dma_start3A_386, %dma_start3A_387] : memref<5x128x128xf32, #tpu.memory_space<vmem>> -> memref<1x128x128xf32, #tpu.memory_space<vmem>>
        %dma_start3A_389 = tpu.memref_squeeze %dma_start3A_388 : memref<1x128x128xf32, #tpu.memory_space<vmem>> -> memref<128x128xf32, #tpu.memory_space<vmem>>
        %dma_start3A_390 = tpu.memref_slice %arg5[%multiple_of3A_383] : memref<6400xi32, #tpu.memory_space<vmem>> -> memref<128xi32, #tpu.memory_space<vmem>>
        %dma_start3A_391 = arith.constant 0 : i32
        %dma_start3A_392 = arith.constant 0 : i32
        %dma_start3A_393 = tpu.memref_slice %arg3[%dma_start3A_391, %dma_start3A_392] : memref<100000x128xf32, #tpu.memory_space<hbm>> -> memref<100000x128xf32, #tpu.memory_space<hbm>>
        %dma_start3A_394 = tpu.memref_slice %arg7[%dma_start3A_385] : memref<5x!tpu.dma_semaphore, #tpu.memory_space<semaphore_mem>> -> memref<1x!tpu.dma_semaphore, #tpu.memory_space<semaphore_mem>>
        %dma_start3A_395 = tpu.memref_squeeze %dma_start3A_394 : memref<1x!tpu.dma_semaphore, #tpu.memory_space<semaphore_mem>> -> memref<!tpu.dma_semaphore, #tpu.memory_space<semaphore_mem>>
        tpu.enqueue_indirect_dma source(%dma_start3A_393 : memref<100000x128xf32, #tpu.memory_space<hbm>>) target(%dma_start3A_389 : memref<128x128xf32, #tpu.memory_space<vmem>>) offsets(%dma_start3A_390 : memref<128xi32, #tpu.memory_space<vmem>>) semaphore(%dma_start3A_395 : memref<!tpu.dma_semaphore, #tpu.memory_space<semaphore_mem>>)
      } else {
      }
      %mul3A_321 = arith.constant 5 : i32
      %mul3A_322 = arith.muli %scan3A_155, %mul3A_321 : i32
      %add3A_323 = arith.constant 4 : i32
      %add3A_324 = arith.addi %mul3A_322, %add3A_323 : i32
      %dma_wait3A_325 = arith.constant 4 : i32
      %dma_wait3A_326 = arith.constant 4 : i32
      %dma_wait3A_327 = arith.constant 0 : i32
      %dma_wait3A_328 = arith.constant 0 : i32
      %dma_wait3A_329 = tpu.memref_slice %arg6[%dma_wait3A_325, %dma_wait3A_327, %dma_wait3A_328] : memref<5x128x128xf32, #tpu.memory_space<vmem>> -> memref<1x128x128xf32, #tpu.memory_space<vmem>>
      %dma_wait3A_330 = tpu.memref_squeeze %dma_wait3A_329 : memref<1x128x128xf32, #tpu.memory_space<vmem>> -> memref<128x128xf32, #tpu.memory_space<vmem>>
      %dma_wait3A_331 = arith.constant 0 : i32
      %dma_wait3A_332 = tpu.memref_slice %arg5[%dma_wait3A_331] : memref<6400xi32, #tpu.memory_space<vmem>> -> memref<128xi32, #tpu.memory_space<vmem>>
      %dma_wait3A_333 = arith.constant 0 : i32
      %dma_wait3A_334 = arith.constant 0 : i32
      %dma_wait3A_335 = tpu.memref_slice %arg3[%dma_wait3A_333, %dma_wait3A_334] : memref<100000x128xf32, #tpu.memory_space<hbm>> -> memref<100000x128xf32, #tpu.memory_space<hbm>>
      %dma_wait3A_336 = tpu.memref_slice %arg7[%dma_wait3A_326] : memref<5x!tpu.dma_semaphore, #tpu.memory_space<semaphore_mem>> -> memref<1x!tpu.dma_semaphore, #tpu.memory_space<semaphore_mem>>
      %dma_wait3A_337 = tpu.memref_squeeze %dma_wait3A_336 : memref<1x!tpu.dma_semaphore, #tpu.memory_space<semaphore_mem>> -> memref<!tpu.dma_semaphore, #tpu.memory_space<semaphore_mem>>
      tpu.wait_indirect_dma semaphore(%dma_wait3A_337 : memref<!tpu.dma_semaphore, #tpu.memory_space<semaphore_mem>>) src(%dma_wait3A_335 : memref<100000x128xf32, #tpu.memory_space<hbm>>) dst(%dma_wait3A_330 : memref<128x128xf32, #tpu.memory_space<vmem>>)
      %mul3A_338 = arith.constant 128 : i32
      %mul3A_339 = arith.muli %add3A_324, %mul3A_338 : i32
      %multiple_of3A_340 = tpu.assume_multiple %mul3A_339, 128 : i32
      %add3A_341 = arith.addi %mul3A_2, %multiple_of3A_340 : i32
      %dma_start3A_342 = arith.constant 4 : i32
      %dma_start3A_343 = arith.constant 4 : i32
      %dma_start3A_344 = arith.constant 0 : i32
      %dma_start3A_345 = arith.constant 0 : i32
      %dma_start3A_346 = tpu.memref_slice %arg6[%dma_start3A_342, %dma_start3A_344, %dma_start3A_345] : memref<5x128x128xf32, #tpu.memory_space<vmem>> -> memref<1x128x128xf32, #tpu.memory_space<vmem>>
      %dma_start3A_347 = tpu.memref_squeeze %dma_start3A_346 : memref<1x128x128xf32, #tpu.memory_space<vmem>> -> memref<128x128xf32, #tpu.memory_space<vmem>>
      %dma_start3A_348 = arith.constant 0 : i32
      %dma_start3A_349 = tpu.memref_slice %arg4[%add3A_341, %dma_start3A_348] : memref<204800x128xf32, #tpu.memory_space<hbm>> -> memref<128x128xf32, #tpu.memory_space<hbm>>
      %dma_start3A_350 = tpu.memref_slice %arg8[%dma_start3A_343] : memref<5x!tpu.dma_semaphore, #tpu.memory_space<semaphore_mem>> -> memref<1x!tpu.dma_semaphore, #tpu.memory_space<semaphore_mem>>
      %dma_start3A_351 = tpu.memref_squeeze %dma_start3A_350 : memref<1x!tpu.dma_semaphore, #tpu.memory_space<semaphore_mem>> -> memref<!tpu.dma_semaphore, #tpu.memory_space<semaphore_mem>>
      %dma_start3A_352 = arith.constant 0 : i32
      %dma_start3A_353 = tpu.memref_slice %arg4[%add3A_341, %dma_start3A_352] : memref<204800x128xf32, #tpu.memory_space<hbm>> -> memref<128x128xf32, #tpu.memory_space<hbm>>
      %dma_start3A_354 = arith.constant 0 : i32
      %dma_start3A_355 = arith.constant 0 : i32
      %dma_start3A_356 = tpu.memref_slice %arg6[%dma_start3A_342, %dma_start3A_354, %dma_start3A_355] : memref<5x128x128xf32, #tpu.memory_space<vmem>> -> memref<1x128x128xf32, #tpu.memory_space<vmem>>
      %dma_start3A_357 = tpu.memref_squeeze %dma_start3A_356 : memref<1x128x128xf32, #tpu.memory_space<vmem>> -> memref<128x128xf32, #tpu.memory_space<vmem>>
      tpu.enqueue_dma source(%dma_start3A_357 : memref<128x128xf32, #tpu.memory_space<vmem>>) target(%dma_start3A_353 : memref<128x128xf32, #tpu.memory_space<hbm>>) target_semaphore(%dma_start3A_351 : memref<!tpu.dma_semaphore, #tpu.memory_space<semaphore_mem>>)
      %lt3A_358 = arith.constant 9 : i32
      %lt3A_359 = arith.cmpi slt, %scan3A_155, %lt3A_358 : i32
      %convert_element_type3A_360 = arith.extui %lt3A_359 : i1 to i32
      %cond3A_361 = arith.constant 0 : i32
      %cond3A_362 = arith.cmpi ne, %convert_element_type3A_360, %cond3A_361 : i32
      scf.if %cond3A_362 {
        %dma_wait3A_363 = arith.constant 4 : i32
        %dma_wait3A_364 = arith.constant 4 : i32
        %dma_wait3A_365 = arith.constant 0 : i32
        %dma_wait3A_366 = arith.constant 0 : i32
        %dma_wait3A_367 = tpu.memref_slice %arg6[%dma_wait3A_363, %dma_wait3A_365, %dma_wait3A_366] : memref<5x128x128xf32, #tpu.memory_space<vmem>> -> memref<1x128x128xf32, #tpu.memory_space<vmem>>
        %dma_wait3A_368 = tpu.memref_squeeze %dma_wait3A_367 : memref<1x128x128xf32, #tpu.memory_space<vmem>> -> memref<128x128xf32, #tpu.memory_space<vmem>>
        %dma_wait3A_369 = arith.constant 0 : i32
        %dma_wait3A_370 = tpu.memref_slice %arg4[%mul3A_2, %dma_wait3A_369] : memref<204800x128xf32, #tpu.memory_space<hbm>> -> memref<128x128xf32, #tpu.memory_space<hbm>>
        %dma_wait3A_371 = tpu.memref_slice %arg8[%dma_wait3A_364] : memref<5x!tpu.dma_semaphore, #tpu.memory_space<semaphore_mem>> -> memref<1x!tpu.dma_semaphore, #tpu.memory_space<semaphore_mem>>
        %dma_wait3A_372 = tpu.memref_squeeze %dma_wait3A_371 : memref<1x!tpu.dma_semaphore, #tpu.memory_space<semaphore_mem>> -> memref<!tpu.dma_semaphore, #tpu.memory_space<semaphore_mem>>
        %dma_wait3A_373 = arith.constant 0 : i32
        %dma_wait3A_374 = tpu.memref_slice %arg4[%mul3A_2, %dma_wait3A_373] : memref<204800x128xf32, #tpu.memory_space<hbm>> -> memref<128x128xf32, #tpu.memory_space<hbm>>
        %dma_wait3A_375 = arith.constant 0 : i32
        %dma_wait3A_376 = arith.constant 0 : i32
        %dma_wait3A_377 = tpu.memref_slice %arg6[%dma_wait3A_363, %dma_wait3A_375, %dma_wait3A_376] : memref<5x128x128xf32, #tpu.memory_space<vmem>> -> memref<1x128x128xf32, #tpu.memory_space<vmem>>
        %dma_wait3A_378 = tpu.memref_squeeze %dma_wait3A_377 : memref<1x128x128xf32, #tpu.memory_space<vmem>> -> memref<128x128xf32, #tpu.memory_space<vmem>>
        tpu.wait_dma2 semaphore(%dma_wait3A_372 : memref<!tpu.dma_semaphore, #tpu.memory_space<semaphore_mem>>) src(%dma_wait3A_378 : memref<128x128xf32, #tpu.memory_space<vmem>>) dst(%dma_wait3A_374 : memref<128x128xf32, #tpu.memory_space<hbm>>)
        %add3A_379 = arith.constant 5 : i32
        %add3A_380 = arith.addi %add3A_324, %add3A_379 : i32
        %mul3A_381 = arith.constant 128 : i32
        %mul3A_382 = arith.muli %add3A_380, %mul3A_381 : i32
        %multiple_of3A_383 = tpu.assume_multiple %mul3A_382, 128 : i32
        %dma_start3A_384 = arith.constant 4 : i32
        %dma_start3A_385 = arith.constant 4 : i32
        %dma_start3A_386 = arith.constant 0 : i32
        %dma_start3A_387 = arith.constant 0 : i32
        %dma_start3A_388 = tpu.memref_slice %arg6[%dma_start3A_384, %dma_start3A_386, %dma_start3A_387] : memref<5x128x128xf32, #tpu.memory_space<vmem>> -> memref<1x128x128xf32, #tpu.memory_space<vmem>>
        %dma_start3A_389 = tpu.memref_squeeze %dma_start3A_388 : memref<1x128x128xf32, #tpu.memory_space<vmem>> -> memref<128x128xf32, #tpu.memory_space<vmem>>
        %dma_start3A_390 = tpu.memref_slice %arg5[%multiple_of3A_383] : memref<6400xi32, #tpu.memory_space<vmem>> -> memref<128xi32, #tpu.memory_space<vmem>>
        %dma_start3A_391 = arith.constant 0 : i32
        %dma_start3A_392 = arith.constant 0 : i32
        %dma_start3A_393 = tpu.memref_slice %arg3[%dma_start3A_391, %dma_start3A_392] : memref<100000x128xf32, #tpu.memory_space<hbm>> -> memref<100000x128xf32, #tpu.memory_space<hbm>>
        %dma_start3A_394 = tpu.memref_slice %arg7[%dma_start3A_385] : memref<5x!tpu.dma_semaphore, #tpu.memory_space<semaphore_mem>> -> memref<1x!tpu.dma_semaphore, #tpu.memory_space<semaphore_mem>>
        %dma_start3A_395 = tpu.memref_squeeze %dma_start3A_394 : memref<1x!tpu.dma_semaphore, #tpu.memory_space<semaphore_mem>> -> memref<!tpu.dma_semaphore, #tpu.memory_space<semaphore_mem>>
        tpu.enqueue_indirect_dma source(%dma_start3A_393 : memref<100000x128xf32, #tpu.memory_space<hbm>>) target(%dma_start3A_389 : memref<128x128xf32, #tpu.memory_space<vmem>>) offsets(%dma_start3A_390 : memref<128xi32, #tpu.memory_space<vmem>>) semaphore(%dma_start3A_395 : memref<!tpu.dma_semaphore, #tpu.memory_space<semaphore_mem>>)
      } else {
      }
    }
    %scan3A_75 = arith.constant 10 : i32
    %dma_wait3A = arith.constant 0 : i32
    %dma_wait3A_76 = arith.constant 0 : i32
    %dma_wait3A_77 = arith.constant 0 : i32
    %dma_wait3A_78 = arith.constant 0 : i32
    %dma_wait3A_79 = tpu.memref_slice %arg6[%dma_wait3A, %dma_wait3A_77, %dma_wait3A_78] : memref<5x128x128xf32, #tpu.memory_space<vmem>> -> memref<1x128x128xf32, #tpu.memory_space<vmem>>
    %dma_wait3A_80 = tpu.memref_squeeze %dma_wait3A_79 : memref<1x128x128xf32, #tpu.memory_space<vmem>> -> memref<128x128xf32, #tpu.memory_space<vmem>>
    %dma_wait3A_81 = arith.constant 0 : i32
    %dma_wait3A_82 = tpu.memref_slice %arg4[%mul3A_2, %dma_wait3A_81] : memref<204800x128xf32, #tpu.memory_space<hbm>> -> memref<128x128xf32, #tpu.memory_space<hbm>>
    %dma_wait3A_83 = tpu.memref_slice %arg8[%dma_wait3A_76] : memref<5x!tpu.dma_semaphore, #tpu.memory_space<semaphore_mem>> -> memref<1x!tpu.dma_semaphore, #tpu.memory_space<semaphore_mem>>
    %dma_wait3A_84 = tpu.memref_squeeze %dma_wait3A_83 : memref<1x!tpu.dma_semaphore, #tpu.memory_space<semaphore_mem>> -> memref<!tpu.dma_semaphore, #tpu.memory_space<semaphore_mem>>
    %dma_wait3A_85 = arith.constant 0 : i32
    %dma_wait3A_86 = tpu.memref_slice %arg4[%mul3A_2, %dma_wait3A_85] : memref<204800x128xf32, #tpu.memory_space<hbm>> -> memref<128x128xf32, #tpu.memory_space<hbm>>
    %dma_wait3A_87 = arith.constant 0 : i32
    %dma_wait3A_88 = arith.constant 0 : i32
    %dma_wait3A_89 = tpu.memref_slice %arg6[%dma_wait3A, %dma_wait3A_87, %dma_wait3A_88] : memref<5x128x128xf32, #tpu.memory_space<vmem>> -> memref<1x128x128xf32, #tpu.memory_space<vmem>>
    %dma_wait3A_90 = tpu.memref_squeeze %dma_wait3A_89 : memref<1x128x128xf32, #tpu.memory_space<vmem>> -> memref<128x128xf32, #tpu.memory_space<vmem>>
    tpu.wait_dma2 semaphore(%dma_wait3A_84 : memref<!tpu.dma_semaphore, #tpu.memory_space<semaphore_mem>>) src(%dma_wait3A_90 : memref<128x128xf32, #tpu.memory_space<vmem>>) dst(%dma_wait3A_86 : memref<128x128xf32, #tpu.memory_space<hbm>>)
    %dma_wait3A_91 = arith.constant 1 : i32
    %dma_wait3A_92 = arith.constant 1 : i32
    %dma_wait3A_93 = arith.constant 0 : i32
    %dma_wait3A_94 = arith.constant 0 : i32
    %dma_wait3A_95 = tpu.memref_slice %arg6[%dma_wait3A_91, %dma_wait3A_93, %dma_wait3A_94] : memref<5x128x128xf32, #tpu.memory_space<vmem>> -> memref<1x128x128xf32, #tpu.memory_space<vmem>>
    %dma_wait3A_96 = tpu.memref_squeeze %dma_wait3A_95 : memref<1x128x128xf32, #tpu.memory_space<vmem>> -> memref<128x128xf32, #tpu.memory_space<vmem>>
    %dma_wait3A_97 = arith.constant 0 : i32
    %dma_wait3A_98 = tpu.memref_slice %arg4[%mul3A_2, %dma_wait3A_97] : memref<204800x128xf32, #tpu.memory_space<hbm>> -> memref<128x128xf32, #tpu.memory_space<hbm>>
    %dma_wait3A_99 = tpu.memref_slice %arg8[%dma_wait3A_92] : memref<5x!tpu.dma_semaphore, #tpu.memory_space<semaphore_mem>> -> memref<1x!tpu.dma_semaphore, #tpu.memory_space<semaphore_mem>>
    %dma_wait3A_100 = tpu.memref_squeeze %dma_wait3A_99 : memref<1x!tpu.dma_semaphore, #tpu.memory_space<semaphore_mem>> -> memref<!tpu.dma_semaphore, #tpu.memory_space<semaphore_mem>>
    %dma_wait3A_101 = arith.constant 0 : i32
    %dma_wait3A_102 = tpu.memref_slice %arg4[%mul3A_2, %dma_wait3A_101] : memref<204800x128xf32, #tpu.memory_space<hbm>> -> memref<128x128xf32, #tpu.memory_space<hbm>>
    %dma_wait3A_103 = arith.constant 0 : i32
    %dma_wait3A_104 = arith.constant 0 : i32
    %dma_wait3A_105 = tpu.memref_slice %arg6[%dma_wait3A_91, %dma_wait3A_103, %dma_wait3A_104] : memref<5x128x128xf32, #tpu.memory_space<vmem>> -> memref<1x128x128xf32, #tpu.memory_space<vmem>>
    %dma_wait3A_106 = tpu.memref_squeeze %dma_wait3A_105 : memref<1x128x128xf32, #tpu.memory_space<vmem>> -> memref<128x128xf32, #tpu.memory_space<vmem>>
    tpu.wait_dma2 semaphore(%dma_wait3A_100 : memref<!tpu.dma_semaphore, #tpu.memory_space<semaphore_mem>>) src(%dma_wait3A_106 : memref<128x128xf32, #tpu.memory_space<vmem>>) dst(%dma_wait3A_102 : memref<128x128xf32, #tpu.memory_space<hbm>>)
    %dma_wait3A_107 = arith.constant 2 : i32
    %dma_wait3A_108 = arith.constant 2 : i32
    %dma_wait3A_109 = arith.constant 0 : i32
    %dma_wait3A_110 = arith.constant 0 : i32
    %dma_wait3A_111 = tpu.memref_slice %arg6[%dma_wait3A_107, %dma_wait3A_109, %dma_wait3A_110] : memref<5x128x128xf32, #tpu.memory_space<vmem>> -> memref<1x128x128xf32, #tpu.memory_space<vmem>>
    %dma_wait3A_112 = tpu.memref_squeeze %dma_wait3A_111 : memref<1x128x128xf32, #tpu.memory_space<vmem>> -> memref<128x128xf32, #tpu.memory_space<vmem>>
    %dma_wait3A_113 = arith.constant 0 : i32
    %dma_wait3A_114 = tpu.memref_slice %arg4[%mul3A_2, %dma_wait3A_113] : memref<204800x128xf32, #tpu.memory_space<hbm>> -> memref<128x128xf32, #tpu.memory_space<hbm>>
    %dma_wait3A_115 = tpu.memref_slice %arg8[%dma_wait3A_108] : memref<5x!tpu.dma_semaphore, #tpu.memory_space<semaphore_mem>> -> memref<1x!tpu.dma_semaphore, #tpu.memory_space<semaphore_mem>>
    %dma_wait3A_116 = tpu.memref_squeeze %dma_wait3A_115 : memref<1x!tpu.dma_semaphore, #tpu.memory_space<semaphore_mem>> -> memref<!tpu.dma_semaphore, #tpu.memory_space<semaphore_mem>>
    %dma_wait3A_117 = arith.constant 0 : i32
    %dma_wait3A_118 = tpu.memref_slice %arg4[%mul3A_2, %dma_wait3A_117] : memref<204800x128xf32, #tpu.memory_space<hbm>> -> memref<128x128xf32, #tpu.memory_space<hbm>>
    %dma_wait3A_119 = arith.constant 0 : i32
    %dma_wait3A_120 = arith.constant 0 : i32
    %dma_wait3A_121 = tpu.memref_slice %arg6[%dma_wait3A_107, %dma_wait3A_119, %dma_wait3A_120] : memref<5x128x128xf32, #tpu.memory_space<vmem>> -> memref<1x128x128xf32, #tpu.memory_space<vmem>>
    %dma_wait3A_122 = tpu.memref_squeeze %dma_wait3A_121 : memref<1x128x128xf32, #tpu.memory_space<vmem>> -> memref<128x128xf32, #tpu.memory_space<vmem>>
    tpu.wait_dma2 semaphore(%dma_wait3A_116 : memref<!tpu.dma_semaphore, #tpu.memory_space<semaphore_mem>>) src(%dma_wait3A_122 : memref<128x128xf32, #tpu.memory_space<vmem>>) dst(%dma_wait3A_118 : memref<128x128xf32, #tpu.memory_space<hbm>>)
    %dma_wait3A_123 = arith.constant 3 : i32
    %dma_wait3A_124 = arith.constant 3 : i32
    %dma_wait3A_125 = arith.constant 0 : i32
    %dma_wait3A_126 = arith.constant 0 : i32
    %dma_wait3A_127 = tpu.memref_slice %arg6[%dma_wait3A_123, %dma_wait3A_125, %dma_wait3A_126] : memref<5x128x128xf32, #tpu.memory_space<vmem>> -> memref<1x128x128xf32, #tpu.memory_space<vmem>>
    %dma_wait3A_128 = tpu.memref_squeeze %dma_wait3A_127 : memref<1x128x128xf32, #tpu.memory_space<vmem>> -> memref<128x128xf32, #tpu.memory_space<vmem>>
    %dma_wait3A_129 = arith.constant 0 : i32
    %dma_wait3A_130 = tpu.memref_slice %arg4[%mul3A_2, %dma_wait3A_129] : memref<204800x128xf32, #tpu.memory_space<hbm>> -> memref<128x128xf32, #tpu.memory_space<hbm>>
    %dma_wait3A_131 = tpu.memref_slice %arg8[%dma_wait3A_124] : memref<5x!tpu.dma_semaphore, #tpu.memory_space<semaphore_mem>> -> memref<1x!tpu.dma_semaphore, #tpu.memory_space<semaphore_mem>>
    %dma_wait3A_132 = tpu.memref_squeeze %dma_wait3A_131 : memref<1x!tpu.dma_semaphore, #tpu.memory_space<semaphore_mem>> -> memref<!tpu.dma_semaphore, #tpu.memory_space<semaphore_mem>>
    %dma_wait3A_133 = arith.constant 0 : i32
    %dma_wait3A_134 = tpu.memref_slice %arg4[%mul3A_2, %dma_wait3A_133] : memref<204800x128xf32, #tpu.memory_space<hbm>> -> memref<128x128xf32, #tpu.memory_space<hbm>>
    %dma_wait3A_135 = arith.constant 0 : i32
    %dma_wait3A_136 = arith.constant 0 : i32
    %dma_wait3A_137 = tpu.memref_slice %arg6[%dma_wait3A_123, %dma_wait3A_135, %dma_wait3A_136] : memref<5x128x128xf32, #tpu.memory_space<vmem>> -> memref<1x128x128xf32, #tpu.memory_space<vmem>>
    %dma_wait3A_138 = tpu.memref_squeeze %dma_wait3A_137 : memref<1x128x128xf32, #tpu.memory_space<vmem>> -> memref<128x128xf32, #tpu.memory_space<vmem>>
    tpu.wait_dma2 semaphore(%dma_wait3A_132 : memref<!tpu.dma_semaphore, #tpu.memory_space<semaphore_mem>>) src(%dma_wait3A_138 : memref<128x128xf32, #tpu.memory_space<vmem>>) dst(%dma_wait3A_134 : memref<128x128xf32, #tpu.memory_space<hbm>>)
    %dma_wait3A_139 = arith.constant 4 : i32
    %dma_wait3A_140 = arith.constant 4 : i32
    %dma_wait3A_141 = arith.constant 0 : i32
    %dma_wait3A_142 = arith.constant 0 : i32
    %dma_wait3A_143 = tpu.memref_slice %arg6[%dma_wait3A_139, %dma_wait3A_141, %dma_wait3A_142] : memref<5x128x128xf32, #tpu.memory_space<vmem>> -> memref<1x128x128xf32, #tpu.memory_space<vmem>>
    %dma_wait3A_144 = tpu.memref_squeeze %dma_wait3A_143 : memref<1x128x128xf32, #tpu.memory_space<vmem>> -> memref<128x128xf32, #tpu.memory_space<vmem>>
    %dma_wait3A_145 = arith.constant 0 : i32
    %dma_wait3A_146 = tpu.memref_slice %arg4[%mul3A_2, %dma_wait3A_145] : memref<204800x128xf32, #tpu.memory_space<hbm>> -> memref<128x128xf32, #tpu.memory_space<hbm>>
    %dma_wait3A_147 = tpu.memref_slice %arg8[%dma_wait3A_140] : memref<5x!tpu.dma_semaphore, #tpu.memory_space<semaphore_mem>> -> memref<1x!tpu.dma_semaphore, #tpu.memory_space<semaphore_mem>>
    %dma_wait3A_148 = tpu.memref_squeeze %dma_wait3A_147 : memref<1x!tpu.dma_semaphore, #tpu.memory_space<semaphore_mem>> -> memref<!tpu.dma_semaphore, #tpu.memory_space<semaphore_mem>>
    %dma_wait3A_149 = arith.constant 0 : i32
    %dma_wait3A_150 = tpu.memref_slice %arg4[%mul3A_2, %dma_wait3A_149] : memref<204800x128xf32, #tpu.memory_space<hbm>> -> memref<128x128xf32, #tpu.memory_space<hbm>>
    %dma_wait3A_151 = arith.constant 0 : i32
    %dma_wait3A_152 = arith.constant 0 : i32
    %dma_wait3A_153 = tpu.memref_slice %arg6[%dma_wait3A_139, %dma_wait3A_151, %dma_wait3A_152] : memref<5x128x128xf32, #tpu.memory_space<vmem>> -> memref<1x128x128xf32, #tpu.memory_space<vmem>>
    %dma_wait3A_154 = tpu.memref_squeeze %dma_wait3A_153 : memref<1x128x128xf32, #tpu.memory_space<vmem>> -> memref<128x128xf32, #tpu.memory_space<vmem>>
    tpu.wait_dma2 semaphore(%dma_wait3A_148 : memref<!tpu.dma_semaphore, #tpu.memory_space<semaphore_mem>>) src(%dma_wait3A_154 : memref<128x128xf32, #tpu.memory_space<vmem>>) dst(%dma_wait3A_150 : memref<128x128xf32, #tpu.memory_space<hbm>>)
    return
  }
}

#map = affine_map<(d0, d1) -> (0)>
#map1 = affine_map<(d0, d1) -> (0, 0)>
module attributes {stable_mosaic.version = 14 : i64} {
  func.func @gather_kernel(%arg0: i32, %arg1: i32, %arg2: memref<204800xi32, #tpu.memory_space<hbm>>, %arg3: memref<100000x128xf32, #tpu.memory_space<hbm>>, %arg4: memref<204800x128xf32, #tpu.memory_space<hbm>>, %arg5: memref<6400xi32, #tpu.memory_space<vmem>>, %arg6: memref<5x128x128xf32, #tpu.memory_space<vmem>>, %arg7: memref<5x!tpu.dma_semaphore, #tpu.memory_space<semaphore_mem>>, %arg8: memref<5x!tpu.dma_semaphore, #tpu.memory_space<semaphore_mem>>) attributes {dimension_semantics = [#tpu.dimension_semantics<core_parallel>, #tpu.dimension_semantics<subcore_parallel>], iteration_bounds = array<i64: 2, 16>, scalar_prefetch = 0 : i64, scratch_operands = 4 : i64, tpu.core_type = #tpu.core_type<sc_vector_subcore>, window_params = [{transform_indices = #map}, {transform_indices = #map1}, {transform_indices = #map1}]} {
    %mul3A = arith.constant 2 : i32
    %mul3A_0 = arith.muli %arg1, %mul3A : i32
    %add3A = arith.addi %mul3A_0, %arg0 : i32
    %mul3A_1 = arith.constant 6400 : i32
    %mul3A_2 = arith.muli %add3A, %mul3A_1 : i32
    "tpu.region"() ({
      %run_scoped3A = tpu.sem_alloc : memref<!tpu.dma_semaphore, #tpu.memory_space<semaphore_mem>>
      %dma_start3A_155 = tpu.memref_slice %arg2[%mul3A_2] : memref<204800xi32, #tpu.memory_space<hbm>> -> memref<6400xi32, #tpu.memory_space<hbm>>
      %dma_start3A_156 = tpu.memref_slice %arg2[%mul3A_2] : memref<204800xi32, #tpu.memory_space<hbm>> -> memref<6400xi32, #tpu.memory_space<hbm>>
      tpu.enqueue_dma source(%dma_start3A_156 : memref<6400xi32, #tpu.memory_space<hbm>>) target(%arg5 : memref<6400xi32, #tpu.memory_space<vmem>>) target_semaphore(%run_scoped3A : memref<!tpu.dma_semaphore, #tpu.memory_space<semaphore_mem>>)
      %dma_wait3A_157 = tpu.memref_slice %arg2[%mul3A_2] : memref<204800xi32, #tpu.memory_space<hbm>> -> memref<6400xi32, #tpu.memory_space<hbm>>
      %dma_wait3A_158 = tpu.memref_slice %arg2[%mul3A_2] : memref<204800xi32, #tpu.memory_space<hbm>> -> memref<6400xi32, #tpu.memory_space<hbm>>
      tpu.wait_dma2 semaphore(%run_scoped3A : memref<!tpu.dma_semaphore, #tpu.memory_space<semaphore_mem>>) src(%dma_wait3A_158 : memref<6400xi32, #tpu.memory_space<hbm>>) dst(%arg5 : memref<6400xi32, #tpu.memory_space<vmem>>)
      tpu.yield
    }) : () -> ()
    %multiple_of3A = arith.constant 0 : i32
    %multiple_of3A_3 = tpu.assume_multiple %multiple_of3A, 128 : i32
    %dma_start3A = arith.constant 0 : i32
    %dma_start3A_4 = arith.constant 0 : i32
    %dma_start3A_5 = arith.constant 0 : i32
    %dma_start3A_6 = arith.constant 0 : i32
    %dma_start3A_7 = tpu.memref_slice %arg6[%dma_start3A, %dma_start3A_5, %dma_start3A_6] : memref<5x128x128xf32, #tpu.memory_space<vmem>> -> memref<1x128x128xf32, #tpu.memory_space<vmem>>
    %dma_start3A_8 = tpu.memref_squeeze %dma_start3A_7 : memref<1x128x128xf32, #tpu.memory_space<vmem>> -> memref<128x128xf32, #tpu.memory_space<vmem>>
    %dma_start3A_9 = tpu.memref_slice %arg5[%multiple_of3A_3] : memref<6400xi32, #tpu.memory_space<vmem>> -> memref<128xi32, #tpu.memory_space<vmem>>
    %dma_start3A_10 = arith.constant 0 : i32
    %dma_start3A_11 = arith.constant 0 : i32
    %dma_start3A_12 = tpu.memref_slice %arg3[%dma_start3A_10, %dma_start3A_11] : memref<100000x128xf32, #tpu.memory_space<hbm>> -> memref<100000x128xf32, #tpu.memory_space<hbm>>
    %dma_start3A_13 = tpu.memref_slice %arg7[%dma_start3A_4] : memref<5x!tpu.dma_semaphore, #tpu.memory_space<semaphore_mem>> -> memref<1x!tpu.dma_semaphore, #tpu.memory_space<semaphore_mem>>
    %dma_start3A_14 = tpu.memref_squeeze %dma_start3A_13 : memref<1x!tpu.dma_semaphore, #tpu.memory_space<semaphore_mem>> -> memref<!tpu.dma_semaphore, #tpu.memory_space<semaphore_mem>>
    tpu.enqueue_indirect_dma source(%dma_start3A_12 : memref<100000x128xf32, #tpu.memory_space<hbm>>) target(%dma_start3A_8 : memref<128x128xf32, #tpu.memory_space<vmem>>) offsets(%dma_start3A_9 : memref<128xi32, #tpu.memory_space<vmem>>) semaphore(%dma_start3A_14 : memref<!tpu.dma_semaphore, #tpu.memory_space<semaphore_mem>>)
    %multiple_of3A_15 = arith.constant 128 : i32
    %multiple_of3A_16 = tpu.assume_multiple %multiple_of3A_15, 128 : i32
    %dma_start3A_17 = arith.constant 1 : i32
    %dma_start3A_18 = arith.constant 1 : i32
    %dma_start3A_19 = arith.constant 0 : i32
    %dma_start3A_20 = arith.constant 0 : i32
    %dma_start3A_21 = tpu.memref_slice %arg6[%dma_start3A_17, %dma_start3A_19, %dma_start3A_20] : memref<5x128x128xf32, #tpu.memory_space<vmem>> -> memref<1x128x128xf32, #tpu.memory_space<vmem>>
    %dma_start3A_22 = tpu.memref_squeeze %dma_start3A_21 : memref<1x128x128xf32, #tpu.memory_space<vmem>> -> memref<128x128xf32, #tpu.memory_space<vmem>>
    %dma_start3A_23 = tpu.memref_slice %arg5[%multiple_of3A_16] : memref<6400xi32, #tpu.memory_space<vmem>> -> memref<128xi32, #tpu.memory_space<vmem>>
    %dma_start3A_24 = arith.constant 0 : i32
    %dma_start3A_25 = arith.constant 0 : i32
    %dma_start3A_26 = tpu.memref_slice %arg3[%dma_start3A_24, %dma_start3A_25] : memref<100000x128xf32, #tpu.memory_space<hbm>> -> memref<100000x128xf32, #tpu.memory_space<hbm>>
    %dma_start3A_27 = tpu.memref_slice %arg7[%dma_start3A_18] : memref<5x!tpu.dma_semaphore, #tpu.memory_space<semaphore_mem>> -> memref<1x!tpu.dma_semaphore, #tpu.memory_space<semaphore_mem>>
    %dma_start3A_28 = tpu.memref_squeeze %dma_start3A_27 : memref<1x!tpu.dma_semaphore, #tpu.memory_space<semaphore_mem>> -> memref<!tpu.dma_semaphore, #tpu.memory_space<semaphore_mem>>
    tpu.enqueue_indirect_dma source(%dma_start3A_26 : memref<100000x128xf32, #tpu.memory_space<hbm>>) target(%dma_start3A_22 : memref<128x128xf32, #tpu.memory_space<vmem>>) offsets(%dma_start3A_23 : memref<128xi32, #tpu.memory_space<vmem>>) semaphore(%dma_start3A_28 : memref<!tpu.dma_semaphore, #tpu.memory_space<semaphore_mem>>)
    %multiple_of3A_29 = arith.constant 256 : i32
    %multiple_of3A_30 = tpu.assume_multiple %multiple_of3A_29, 128 : i32
    %dma_start3A_31 = arith.constant 2 : i32
    %dma_start3A_32 = arith.constant 2 : i32
    %dma_start3A_33 = arith.constant 0 : i32
    %dma_start3A_34 = arith.constant 0 : i32
    %dma_start3A_35 = tpu.memref_slice %arg6[%dma_start3A_31, %dma_start3A_33, %dma_start3A_34] : memref<5x128x128xf32, #tpu.memory_space<vmem>> -> memref<1x128x128xf32, #tpu.memory_space<vmem>>
    %dma_start3A_36 = tpu.memref_squeeze %dma_start3A_35 : memref<1x128x128xf32, #tpu.memory_space<vmem>> -> memref<128x128xf32, #tpu.memory_space<vmem>>
    %dma_start3A_37 = tpu.memref_slice %arg5[%multiple_of3A_30] : memref<6400xi32, #tpu.memory_space<vmem>> -> memref<128xi32, #tpu.memory_space<vmem>>
    %dma_start3A_38 = arith.constant 0 : i32
    %dma_start3A_39 = arith.constant 0 : i32
    %dma_start3A_40 = tpu.memref_slice %arg3[%dma_start3A_38, %dma_start3A_39] : memref<100000x128xf32, #tpu.memory_space<hbm>> -> memref<100000x128xf32, #tpu.memory_space<hbm>>
    %dma_start3A_41 = tpu.memref_slice %arg7[%dma_start3A_32] : memref<5x!tpu.dma_semaphore, #tpu.memory_space<semaphore_mem>> -> memref<1x!tpu.dma_semaphore, #tpu.memory_space<semaphore_mem>>
    %dma_start3A_42 = tpu.memref_squeeze %dma_start3A_41 : memref<1x!tpu.dma_semaphore, #tpu.memory_space<semaphore_mem>> -> memref<!tpu.dma_semaphore, #tpu.memory_space<semaphore_mem>>
    tpu.enqueue_indirect_dma source(%dma_start3A_40 : memref<100000x128xf32, #tpu.memory_space<hbm>>) target(%dma_start3A_36 : memref<128x128xf32, #tpu.memory_space<vmem>>) offsets(%dma_start3A_37 : memref<128xi32, #tpu.memory_space<vmem>>) semaphore(%dma_start3A_42 : memref<!tpu.dma_semaphore, #tpu.memory_space<semaphore_mem>>)
    %multiple_of3A_43 = arith.constant 384 : i32
    %multiple_of3A_44 = tpu.assume_multiple %multiple_of3A_43, 128 : i32
    %dma_start3A_45 = arith.constant 3 : i32
    %dma_start3A_46 = arith.constant 3 : i32
    %dma_start3A_47 = arith.constant 0 : i32
    %dma_start3A_48 = arith.constant 0 : i32
    %dma_start3A_49 = tpu.memref_slice %arg6[%dma_start3A_45, %dma_start3A_47, %dma_start3A_48] : memref<5x128x128xf32, #tpu.memory_space<vmem>> -> memref<1x128x128xf32, #tpu.memory_space<vmem>>
    %dma_start3A_50 = tpu.memref_squeeze %dma_start3A_49 : memref<1x128x128xf32, #tpu.memory_space<vmem>> -> memref<128x128xf32, #tpu.memory_space<vmem>>
    %dma_start3A_51 = tpu.memref_slice %arg5[%multiple_of3A_44] : memref<6400xi32, #tpu.memory_space<vmem>> -> memref<128xi32, #tpu.memory_space<vmem>>
    %dma_start3A_52 = arith.constant 0 : i32
    %dma_start3A_53 = arith.constant 0 : i32
    %dma_start3A_54 = tpu.memref_slice %arg3[%dma_start3A_52, %dma_start3A_53] : memref<100000x128xf32, #tpu.memory_space<hbm>> -> memref<100000x128xf32, #tpu.memory_space<hbm>>
    %dma_start3A_55 = tpu.memref_slice %arg7[%dma_start3A_46] : memref<5x!tpu.dma_semaphore, #tpu.memory_space<semaphore_mem>> -> memref<1x!tpu.dma_semaphore, #tpu.memory_space<semaphore_mem>>
    %dma_start3A_56 = tpu.memref_squeeze %dma_start3A_55 : memref<1x!tpu.dma_semaphore, #tpu.memory_space<semaphore_mem>> -> memref<!tpu.dma_semaphore, #tpu.memory_space<semaphore_mem>>
    tpu.enqueue_indirect_dma source(%dma_start3A_54 : memref<100000x128xf32, #tpu.memory_space<hbm>>) target(%dma_start3A_50 : memref<128x128xf32, #tpu.memory_space<vmem>>) offsets(%dma_start3A_51 : memref<128xi32, #tpu.memory_space<vmem>>) semaphore(%dma_start3A_56 : memref<!tpu.dma_semaphore, #tpu.memory_space<semaphore_mem>>)
    %multiple_of3A_57 = arith.constant 512 : i32
    %multiple_of3A_58 = tpu.assume_multiple %multiple_of3A_57, 128 : i32
    %dma_start3A_59 = arith.constant 4 : i32
    %dma_start3A_60 = arith.constant 4 : i32
    %dma_start3A_61 = arith.constant 0 : i32
    %dma_start3A_62 = arith.constant 0 : i32
    %dma_start3A_63 = tpu.memref_slice %arg6[%dma_start3A_59, %dma_start3A_61, %dma_start3A_62] : memref<5x128x128xf32, #tpu.memory_space<vmem>> -> memref<1x128x128xf32, #tpu.memory_space<vmem>>
    %dma_start3A_64 = tpu.memref_squeeze %dma_start3A_63 : memref<1x128x128xf32, #tpu.memory_space<vmem>> -> memref<128x128xf32, #tpu.memory_space<vmem>>
    %dma_start3A_65 = tpu.memref_slice %arg5[%multiple_of3A_58] : memref<6400xi32, #tpu.memory_space<vmem>> -> memref<128xi32, #tpu.memory_space<vmem>>
    %dma_start3A_66 = arith.constant 0 : i32
    %dma_start3A_67 = arith.constant 0 : i32
    %dma_start3A_68 = tpu.memref_slice %arg3[%dma_start3A_66, %dma_start3A_67] : memref<100000x128xf32, #tpu.memory_space<hbm>> -> memref<100000x128xf32, #tpu.memory_space<hbm>>
    %dma_start3A_69 = tpu.memref_slice %arg7[%dma_start3A_60] : memref<5x!tpu.dma_semaphore, #tpu.memory_space<semaphore_mem>> -> memref<1x!tpu.dma_semaphore, #tpu.memory_space<semaphore_mem>>
    %dma_start3A_70 = tpu.memref_squeeze %dma_start3A_69 : memref<1x!tpu.dma_semaphore, #tpu.memory_space<semaphore_mem>> -> memref<!tpu.dma_semaphore, #tpu.memory_space<semaphore_mem>>
    tpu.enqueue_indirect_dma source(%dma_start3A_68 : memref<100000x128xf32, #tpu.memory_space<hbm>>) target(%dma_start3A_64 : memref<128x128xf32, #tpu.memory_space<vmem>>) offsets(%dma_start3A_65 : memref<128xi32, #tpu.memory_space<vmem>>) semaphore(%dma_start3A_70 : memref<!tpu.dma_semaphore, #tpu.memory_space<semaphore_mem>>)
    %scan3A = arith.constant 0 : i32
    %scan3A_71 = arith.constant 0 : i32
    %scan3A_72 = arith.constant 10 : i32
    %scan3A_73 = arith.addi %scan3A_71, %scan3A_72 : i32
    %scan3A_74 = arith.constant 1 : i32
    scf.for %scan3A_155 = %scan3A_71 to %scan3A_73 step %scan3A_74  : i32 {
      %mul3A_156 = arith.constant 5 : i32
      %mul3A_157 = arith.muli %scan3A_155, %mul3A_156 : i32
      %add3A_158 = arith.constant 0 : i32
      %add3A_159 = arith.addi %mul3A_157, %add3A_158 : i32
      %dma_wait3A_160 = arith.constant 0 : i32
      %dma_wait3A_161 = arith.constant 0 : i32
      %dma_wait3A_162 = arith.constant 0 : i32
      %dma_wait3A_163 = arith.constant 0 : i32
      %dma_wait3A_164 = tpu.memref_slice %arg6[%dma_wait3A_160, %dma_wait3A_162, %dma_wait3A_163] : memref<5x128x128xf32, #tpu.memory_space<vmem>> -> memref<1x128x128xf32, #tpu.memory_space<vmem>>
      %dma_wait3A_165 = tpu.memref_squeeze %dma_wait3A_164 : memref<1x128x128xf32, #tpu.memory_space<vmem>> -> memref<128x128xf32, #tpu.memory_space<vmem>>
      %dma_wait3A_166 = arith.constant 0 : i32
      %dma_wait3A_167 = tpu.memref_slice %arg5[%dma_wait3A_166] : memref<6400xi32, #tpu.memory_space<vmem>> -> memref<128xi32, #tpu.memory_space<vmem>>
      %dma_wait3A_168 = arith.constant 0 : i32
      %dma_wait3A_169 = arith.constant 0 : i32
      %dma_wait3A_170 = tpu.memref_slice %arg3[%dma_wait3A_168, %dma_wait3A_169] : memref<100000x128xf32, #tpu.memory_space<hbm>> -> memref<100000x128xf32, #tpu.memory_space<hbm>>
      %dma_wait3A_171 = tpu.memref_slice %arg7[%dma_wait3A_161] : memref<5x!tpu.dma_semaphore, #tpu.memory_space<semaphore_mem>> -> memref<1x!tpu.dma_semaphore, #tpu.memory_space<semaphore_mem>>
      %dma_wait3A_172 = tpu.memref_squeeze %dma_wait3A_171 : memref<1x!tpu.dma_semaphore, #tpu.memory_space<semaphore_mem>> -> memref<!tpu.dma_semaphore, #tpu.memory_space<semaphore_mem>>
      tpu.wait_indirect_dma semaphore(%dma_wait3A_172 : memref<!tpu.dma_semaphore, #tpu.memory_space<semaphore_mem>>) src(%dma_wait3A_170 : memref<100000x128xf32, #tpu.memory_space<hbm>>) dst(%dma_wait3A_165 : memref<128x128xf32, #tpu.memory_space<vmem>>)
      %mul3A_173 = arith.constant 128 : i32
      %mul3A_174 = arith.muli %add3A_159, %mul3A_173 : i32
      %multiple_of3A_175 = tpu.assume_multiple %mul3A_174, 128 : i32
      %add3A_176 = arith.addi %mul3A_2, %multiple_of3A_175 : i32
      %dma_start3A_177 = arith.constant 0 : i32
      %dma_start3A_178 = arith.constant 0 : i32
      %dma_start3A_179 = arith.constant 0 : i32
      %dma_start3A_180 = arith.constant 0 : i32
      %dma_start3A_181 = tpu.memref_slice %arg6[%dma_start3A_177, %dma_start3A_179, %dma_start3A_180] : memref<5x128x128xf32, #tpu.memory_space<vmem>> -> memref<1x128x128xf32, #tpu.memory_space<vmem>>
      %dma_start3A_182 = tpu.memref_squeeze %dma_start3A_181 : memref<1x128x128xf32, #tpu.memory_space<vmem>> -> memref<128x128xf32, #tpu.memory_space<vmem>>
      %dma_start3A_183 = arith.constant 0 : i32
      %dma_start3A_184 = tpu.memref_slice %arg4[%add3A_176, %dma_start3A_183] : memref<204800x128xf32, #tpu.memory_space<hbm>> -> memref<128x128xf32, #tpu.memory_space<hbm>>
      %dma_start3A_185 = tpu.memref_slice %arg8[%dma_start3A_178] : memref<5x!tpu.dma_semaphore, #tpu.memory_space<semaphore_mem>> -> memref<1x!tpu.dma_semaphore, #tpu.memory_space<semaphore_mem>>
      %dma_start3A_186 = tpu.memref_squeeze %dma_start3A_185 : memref<1x!tpu.dma_semaphore, #tpu.memory_space<semaphore_mem>> -> memref<!tpu.dma_semaphore, #tpu.memory_space<semaphore_mem>>
      %dma_start3A_187 = arith.constant 0 : i32
      %dma_start3A_188 = tpu.memref_slice %arg4[%add3A_176, %dma_start3A_187] : memref<204800x128xf32, #tpu.memory_space<hbm>> -> memref<128x128xf32, #tpu.memory_space<hbm>>
      %dma_start3A_189 = arith.constant 0 : i32
      %dma_start3A_190 = arith.constant 0 : i32
      %dma_start3A_191 = tpu.memref_slice %arg6[%dma_start3A_177, %dma_start3A_189, %dma_start3A_190] : memref<5x128x128xf32, #tpu.memory_space<vmem>> -> memref<1x128x128xf32, #tpu.memory_space<vmem>>
      %dma_start3A_192 = tpu.memref_squeeze %dma_start3A_191 : memref<1x128x128xf32, #tpu.memory_space<vmem>> -> memref<128x128xf32, #tpu.memory_space<vmem>>
      tpu.enqueue_dma source(%dma_start3A_192 : memref<128x128xf32, #tpu.memory_space<vmem>>) target(%dma_start3A_188 : memref<128x128xf32, #tpu.memory_space<hbm>>) target_semaphore(%dma_start3A_186 : memref<!tpu.dma_semaphore, #tpu.memory_space<semaphore_mem>>)
      %lt3A = arith.constant 9 : i32
      %lt3A_193 = arith.cmpi slt, %scan3A_155, %lt3A : i32
      %convert_element_type3A = arith.extui %lt3A_193 : i1 to i32
      %cond3A = arith.constant 0 : i32
      %cond3A_194 = arith.cmpi ne, %convert_element_type3A, %cond3A : i32
      scf.if %cond3A_194 {
        %dma_wait3A_363 = arith.constant 0 : i32
        %dma_wait3A_364 = arith.constant 0 : i32
        %dma_wait3A_365 = arith.constant 0 : i32
        %dma_wait3A_366 = arith.constant 0 : i32
        %dma_wait3A_367 = tpu.memref_slice %arg6[%dma_wait3A_363, %dma_wait3A_365, %dma_wait3A_366] : memref<5x128x128xf32, #tpu.memory_space<vmem>> -> memref<1x128x128xf32, #tpu.memory_space<vmem>>
        %dma_wait3A_368 = tpu.memref_squeeze %dma_wait3A_367 : memref<1x128x128xf32, #tpu.memory_space<vmem>> -> memref<128x128xf32, #tpu.memory_space<vmem>>
        %dma_wait3A_369 = arith.constant 0 : i32
        %dma_wait3A_370 = tpu.memref_slice %arg4[%mul3A_2, %dma_wait3A_369] : memref<204800x128xf32, #tpu.memory_space<hbm>> -> memref<128x128xf32, #tpu.memory_space<hbm>>
        %dma_wait3A_371 = tpu.memref_slice %arg8[%dma_wait3A_364] : memref<5x!tpu.dma_semaphore, #tpu.memory_space<semaphore_mem>> -> memref<1x!tpu.dma_semaphore, #tpu.memory_space<semaphore_mem>>
        %dma_wait3A_372 = tpu.memref_squeeze %dma_wait3A_371 : memref<1x!tpu.dma_semaphore, #tpu.memory_space<semaphore_mem>> -> memref<!tpu.dma_semaphore, #tpu.memory_space<semaphore_mem>>
        %dma_wait3A_373 = arith.constant 0 : i32
        %dma_wait3A_374 = tpu.memref_slice %arg4[%mul3A_2, %dma_wait3A_373] : memref<204800x128xf32, #tpu.memory_space<hbm>> -> memref<128x128xf32, #tpu.memory_space<hbm>>
        %dma_wait3A_375 = arith.constant 0 : i32
        %dma_wait3A_376 = arith.constant 0 : i32
        %dma_wait3A_377 = tpu.memref_slice %arg6[%dma_wait3A_363, %dma_wait3A_375, %dma_wait3A_376] : memref<5x128x128xf32, #tpu.memory_space<vmem>> -> memref<1x128x128xf32, #tpu.memory_space<vmem>>
        %dma_wait3A_378 = tpu.memref_squeeze %dma_wait3A_377 : memref<1x128x128xf32, #tpu.memory_space<vmem>> -> memref<128x128xf32, #tpu.memory_space<vmem>>
        tpu.wait_dma2 semaphore(%dma_wait3A_372 : memref<!tpu.dma_semaphore, #tpu.memory_space<semaphore_mem>>) src(%dma_wait3A_378 : memref<128x128xf32, #tpu.memory_space<vmem>>) dst(%dma_wait3A_374 : memref<128x128xf32, #tpu.memory_space<hbm>>)
        %add3A_379 = arith.constant 5 : i32
        %add3A_380 = arith.addi %add3A_159, %add3A_379 : i32
        %mul3A_381 = arith.constant 128 : i32
        %mul3A_382 = arith.muli %add3A_380, %mul3A_381 : i32
        %multiple_of3A_383 = tpu.assume_multiple %mul3A_382, 128 : i32
        %dma_start3A_384 = arith.constant 0 : i32
        %dma_start3A_385 = arith.constant 0 : i32
        %dma_start3A_386 = arith.constant 0 : i32
        %dma_start3A_387 = arith.constant 0 : i32
        %dma_start3A_388 = tpu.memref_slice %arg6[%dma_start3A_384, %dma_start3A_386, %dma_start3A_387] : memref<5x128x128xf32, #tpu.memory_space<vmem>> -> memref<1x128x128xf32, #tpu.memory_space<vmem>>
        %dma_start3A_389 = tpu.memref_squeeze %dma_start3A_388 : memref<1x128x128xf32, #tpu.memory_space<vmem>> -> memref<128x128xf32, #tpu.memory_space<vmem>>
        %dma_start3A_390 = tpu.memref_slice %arg5[%multiple_of3A_383] : memref<6400xi32, #tpu.memory_space<vmem>> -> memref<128xi32, #tpu.memory_space<vmem>>
        %dma_start3A_391 = arith.constant 0 : i32
        %dma_start3A_392 = arith.constant 0 : i32
        %dma_start3A_393 = tpu.memref_slice %arg3[%dma_start3A_391, %dma_start3A_392] : memref<100000x128xf32, #tpu.memory_space<hbm>> -> memref<100000x128xf32, #tpu.memory_space<hbm>>
        %dma_start3A_394 = tpu.memref_slice %arg7[%dma_start3A_385] : memref<5x!tpu.dma_semaphore, #tpu.memory_space<semaphore_mem>> -> memref<1x!tpu.dma_semaphore, #tpu.memory_space<semaphore_mem>>
        %dma_start3A_395 = tpu.memref_squeeze %dma_start3A_394 : memref<1x!tpu.dma_semaphore, #tpu.memory_space<semaphore_mem>> -> memref<!tpu.dma_semaphore, #tpu.memory_space<semaphore_mem>>
        tpu.enqueue_indirect_dma source(%dma_start3A_393 : memref<100000x128xf32, #tpu.memory_space<hbm>>) target(%dma_start3A_389 : memref<128x128xf32, #tpu.memory_space<vmem>>) offsets(%dma_start3A_390 : memref<128xi32, #tpu.memory_space<vmem>>) semaphore(%dma_start3A_395 : memref<!tpu.dma_semaphore, #tpu.memory_space<semaphore_mem>>)
      } else {
      }
      %mul3A_195 = arith.constant 5 : i32
      %mul3A_196 = arith.muli %scan3A_155, %mul3A_195 : i32
      %add3A_197 = arith.constant 1 : i32
      %add3A_198 = arith.addi %mul3A_196, %add3A_197 : i32
      %dma_wait3A_199 = arith.constant 1 : i32
      %dma_wait3A_200 = arith.constant 1 : i32
      %dma_wait3A_201 = arith.constant 0 : i32
      %dma_wait3A_202 = arith.constant 0 : i32
      %dma_wait3A_203 = tpu.memref_slice %arg6[%dma_wait3A_199, %dma_wait3A_201, %dma_wait3A_202] : memref<5x128x128xf32, #tpu.memory_space<vmem>> -> memref<1x128x128xf32, #tpu.memory_space<vmem>>
      %dma_wait3A_204 = tpu.memref_squeeze %dma_wait3A_203 : memref<1x128x128xf32, #tpu.memory_space<vmem>> -> memref<128x128xf32, #tpu.memory_space<vmem>>
      %dma_wait3A_205 = arith.constant 0 : i32
      %dma_wait3A_206 = tpu.memref_slice %arg5[%dma_wait3A_205] : memref<6400xi32, #tpu.memory_space<vmem>> -> memref<128xi32, #tpu.memory_space<vmem>>
      %dma_wait3A_207 = arith.constant 0 : i32
      %dma_wait3A_208 = arith.constant 0 : i32
      %dma_wait3A_209 = tpu.memref_slice %arg3[%dma_wait3A_207, %dma_wait3A_208] : memref<100000x128xf32, #tpu.memory_space<hbm>> -> memref<100000x128xf32, #tpu.memory_space<hbm>>
      %dma_wait3A_210 = tpu.memref_slice %arg7[%dma_wait3A_200] : memref<5x!tpu.dma_semaphore, #tpu.memory_space<semaphore_mem>> -> memref<1x!tpu.dma_semaphore, #tpu.memory_space<semaphore_mem>>
      %dma_wait3A_211 = tpu.memref_squeeze %dma_wait3A_210 : memref<1x!tpu.dma_semaphore, #tpu.memory_space<semaphore_mem>> -> memref<!tpu.dma_semaphore, #tpu.memory_space<semaphore_mem>>
      tpu.wait_indirect_dma semaphore(%dma_wait3A_211 : memref<!tpu.dma_semaphore, #tpu.memory_space<semaphore_mem>>) src(%dma_wait3A_209 : memref<100000x128xf32, #tpu.memory_space<hbm>>) dst(%dma_wait3A_204 : memref<128x128xf32, #tpu.memory_space<vmem>>)
      %mul3A_212 = arith.constant 128 : i32
      %mul3A_213 = arith.muli %add3A_198, %mul3A_212 : i32
      %multiple_of3A_214 = tpu.assume_multiple %mul3A_213, 128 : i32
      %add3A_215 = arith.addi %mul3A_2, %multiple_of3A_214 : i32
      %dma_start3A_216 = arith.constant 1 : i32
      %dma_start3A_217 = arith.constant 1 : i32
      %dma_start3A_218 = arith.constant 0 : i32
      %dma_start3A_219 = arith.constant 0 : i32
      %dma_start3A_220 = tpu.memref_slice %arg6[%dma_start3A_216, %dma_start3A_218, %dma_start3A_219] : memref<5x128x128xf32, #tpu.memory_space<vmem>> -> memref<1x128x128xf32, #tpu.memory_space<vmem>>
      %dma_start3A_221 = tpu.memref_squeeze %dma_start3A_220 : memref<1x128x128xf32, #tpu.memory_space<vmem>> -> memref<128x128xf32, #tpu.memory_space<vmem>>
      %dma_start3A_222 = arith.constant 0 : i32
      %dma_start3A_223 = tpu.memref_slice %arg4[%add3A_215, %dma_start3A_222] : memref<204800x128xf32, #tpu.memory_space<hbm>> -> memref<128x128xf32, #tpu.memory_space<hbm>>
      %dma_start3A_224 = tpu.memref_slice %arg8[%dma_start3A_217] : memref<5x!tpu.dma_semaphore, #tpu.memory_space<semaphore_mem>> -> memref<1x!tpu.dma_semaphore, #tpu.memory_space<semaphore_mem>>
      %dma_start3A_225 = tpu.memref_squeeze %dma_start3A_224 : memref<1x!tpu.dma_semaphore, #tpu.memory_space<semaphore_mem>> -> memref<!tpu.dma_semaphore, #tpu.memory_space<semaphore_mem>>
      %dma_start3A_226 = arith.constant 0 : i32
      %dma_start3A_227 = tpu.memref_slice %arg4[%add3A_215, %dma_start3A_226] : memref<204800x128xf32, #tpu.memory_space<hbm>> -> memref<128x128xf32, #tpu.memory_space<hbm>>
      %dma_start3A_228 = arith.constant 0 : i32
      %dma_start3A_229 = arith.constant 0 : i32
      %dma_start3A_230 = tpu.memref_slice %arg6[%dma_start3A_216, %dma_start3A_228, %dma_start3A_229] : memref<5x128x128xf32, #tpu.memory_space<vmem>> -> memref<1x128x128xf32, #tpu.memory_space<vmem>>
      %dma_start3A_231 = tpu.memref_squeeze %dma_start3A_230 : memref<1x128x128xf32, #tpu.memory_space<vmem>> -> memref<128x128xf32, #tpu.memory_space<vmem>>
      tpu.enqueue_dma source(%dma_start3A_231 : memref<128x128xf32, #tpu.memory_space<vmem>>) target(%dma_start3A_227 : memref<128x128xf32, #tpu.memory_space<hbm>>) target_semaphore(%dma_start3A_225 : memref<!tpu.dma_semaphore, #tpu.memory_space<semaphore_mem>>)
      %lt3A_232 = arith.constant 9 : i32
      %lt3A_233 = arith.cmpi slt, %scan3A_155, %lt3A_232 : i32
      %convert_element_type3A_234 = arith.extui %lt3A_233 : i1 to i32
      %cond3A_235 = arith.constant 0 : i32
      %cond3A_236 = arith.cmpi ne, %convert_element_type3A_234, %cond3A_235 : i32
      scf.if %cond3A_236 {
        %dma_wait3A_363 = arith.constant 1 : i32
        %dma_wait3A_364 = arith.constant 1 : i32
        %dma_wait3A_365 = arith.constant 0 : i32
        %dma_wait3A_366 = arith.constant 0 : i32
        %dma_wait3A_367 = tpu.memref_slice %arg6[%dma_wait3A_363, %dma_wait3A_365, %dma_wait3A_366] : memref<5x128x128xf32, #tpu.memory_space<vmem>> -> memref<1x128x128xf32, #tpu.memory_space<vmem>>
        %dma_wait3A_368 = tpu.memref_squeeze %dma_wait3A_367 : memref<1x128x128xf32, #tpu.memory_space<vmem>> -> memref<128x128xf32, #tpu.memory_space<vmem>>
        %dma_wait3A_369 = arith.constant 0 : i32
        %dma_wait3A_370 = tpu.memref_slice %arg4[%mul3A_2, %dma_wait3A_369] : memref<204800x128xf32, #tpu.memory_space<hbm>> -> memref<128x128xf32, #tpu.memory_space<hbm>>
        %dma_wait3A_371 = tpu.memref_slice %arg8[%dma_wait3A_364] : memref<5x!tpu.dma_semaphore, #tpu.memory_space<semaphore_mem>> -> memref<1x!tpu.dma_semaphore, #tpu.memory_space<semaphore_mem>>
        %dma_wait3A_372 = tpu.memref_squeeze %dma_wait3A_371 : memref<1x!tpu.dma_semaphore, #tpu.memory_space<semaphore_mem>> -> memref<!tpu.dma_semaphore, #tpu.memory_space<semaphore_mem>>
        %dma_wait3A_373 = arith.constant 0 : i32
        %dma_wait3A_374 = tpu.memref_slice %arg4[%mul3A_2, %dma_wait3A_373] : memref<204800x128xf32, #tpu.memory_space<hbm>> -> memref<128x128xf32, #tpu.memory_space<hbm>>
        %dma_wait3A_375 = arith.constant 0 : i32
        %dma_wait3A_376 = arith.constant 0 : i32
        %dma_wait3A_377 = tpu.memref_slice %arg6[%dma_wait3A_363, %dma_wait3A_375, %dma_wait3A_376] : memref<5x128x128xf32, #tpu.memory_space<vmem>> -> memref<1x128x128xf32, #tpu.memory_space<vmem>>
        %dma_wait3A_378 = tpu.memref_squeeze %dma_wait3A_377 : memref<1x128x128xf32, #tpu.memory_space<vmem>> -> memref<128x128xf32, #tpu.memory_space<vmem>>
        tpu.wait_dma2 semaphore(%dma_wait3A_372 : memref<!tpu.dma_semaphore, #tpu.memory_space<semaphore_mem>>) src(%dma_wait3A_378 : memref<128x128xf32, #tpu.memory_space<vmem>>) dst(%dma_wait3A_374 : memref<128x128xf32, #tpu.memory_space<hbm>>)
        %add3A_379 = arith.constant 5 : i32
        %add3A_380 = arith.addi %add3A_198, %add3A_379 : i32
        %mul3A_381 = arith.constant 128 : i32
        %mul3A_382 = arith.muli %add3A_380, %mul3A_381 : i32
        %multiple_of3A_383 = tpu.assume_multiple %mul3A_382, 128 : i32
        %dma_start3A_384 = arith.constant 1 : i32
        %dma_start3A_385 = arith.constant 1 : i32
        %dma_start3A_386 = arith.constant 0 : i32
        %dma_start3A_387 = arith.constant 0 : i32
        %dma_start3A_388 = tpu.memref_slice %arg6[%dma_start3A_384, %dma_start3A_386, %dma_start3A_387] : memref<5x128x128xf32, #tpu.memory_space<vmem>> -> memref<1x128x128xf32, #tpu.memory_space<vmem>>
        %dma_start3A_389 = tpu.memref_squeeze %dma_start3A_388 : memref<1x128x128xf32, #tpu.memory_space<vmem>> -> memref<128x128xf32, #tpu.memory_space<vmem>>
        %dma_start3A_390 = tpu.memref_slice %arg5[%multiple_of3A_383] : memref<6400xi32, #tpu.memory_space<vmem>> -> memref<128xi32, #tpu.memory_space<vmem>>
        %dma_start3A_391 = arith.constant 0 : i32
        %dma_start3A_392 = arith.constant 0 : i32
        %dma_start3A_393 = tpu.memref_slice %arg3[%dma_start3A_391, %dma_start3A_392] : memref<100000x128xf32, #tpu.memory_space<hbm>> -> memref<100000x128xf32, #tpu.memory_space<hbm>>
        %dma_start3A_394 = tpu.memref_slice %arg7[%dma_start3A_385] : memref<5x!tpu.dma_semaphore, #tpu.memory_space<semaphore_mem>> -> memref<1x!tpu.dma_semaphore, #tpu.memory_space<semaphore_mem>>
        %dma_start3A_395 = tpu.memref_squeeze %dma_start3A_394 : memref<1x!tpu.dma_semaphore, #tpu.memory_space<semaphore_mem>> -> memref<!tpu.dma_semaphore, #tpu.memory_space<semaphore_mem>>
        tpu.enqueue_indirect_dma source(%dma_start3A_393 : memref<100000x128xf32, #tpu.memory_space<hbm>>) target(%dma_start3A_389 : memref<128x128xf32, #tpu.memory_space<vmem>>) offsets(%dma_start3A_390 : memref<128xi32, #tpu.memory_space<vmem>>) semaphore(%dma_start3A_395 : memref<!tpu.dma_semaphore, #tpu.memory_space<semaphore_mem>>)
      } else {
      }
      %mul3A_237 = arith.constant 5 : i32
      %mul3A_238 = arith.muli %scan3A_155, %mul3A_237 : i32
      %add3A_239 = arith.constant 2 : i32
      %add3A_240 = arith.addi %mul3A_238, %add3A_239 : i32
      %dma_wait3A_241 = arith.constant 2 : i32
      %dma_wait3A_242 = arith.constant 2 : i32
      %dma_wait3A_243 = arith.constant 0 : i32
      %dma_wait3A_244 = arith.constant 0 : i32
      %dma_wait3A_245 = tpu.memref_slice %arg6[%dma_wait3A_241, %dma_wait3A_243, %dma_wait3A_244] : memref<5x128x128xf32, #tpu.memory_space<vmem>> -> memref<1x128x128xf32, #tpu.memory_space<vmem>>
      %dma_wait3A_246 = tpu.memref_squeeze %dma_wait3A_245 : memref<1x128x128xf32, #tpu.memory_space<vmem>> -> memref<128x128xf32, #tpu.memory_space<vmem>>
      %dma_wait3A_247 = arith.constant 0 : i32
      %dma_wait3A_248 = tpu.memref_slice %arg5[%dma_wait3A_247] : memref<6400xi32, #tpu.memory_space<vmem>> -> memref<128xi32, #tpu.memory_space<vmem>>
      %dma_wait3A_249 = arith.constant 0 : i32
      %dma_wait3A_250 = arith.constant 0 : i32
      %dma_wait3A_251 = tpu.memref_slice %arg3[%dma_wait3A_249, %dma_wait3A_250] : memref<100000x128xf32, #tpu.memory_space<hbm>> -> memref<100000x128xf32, #tpu.memory_space<hbm>>
      %dma_wait3A_252 = tpu.memref_slice %arg7[%dma_wait3A_242] : memref<5x!tpu.dma_semaphore, #tpu.memory_space<semaphore_mem>> -> memref<1x!tpu.dma_semaphore, #tpu.memory_space<semaphore_mem>>
      %dma_wait3A_253 = tpu.memref_squeeze %dma_wait3A_252 : memref<1x!tpu.dma_semaphore, #tpu.memory_space<semaphore_mem>> -> memref<!tpu.dma_semaphore, #tpu.memory_space<semaphore_mem>>
      tpu.wait_indirect_dma semaphore(%dma_wait3A_253 : memref<!tpu.dma_semaphore, #tpu.memory_space<semaphore_mem>>) src(%dma_wait3A_251 : memref<100000x128xf32, #tpu.memory_space<hbm>>) dst(%dma_wait3A_246 : memref<128x128xf32, #tpu.memory_space<vmem>>)
      %mul3A_254 = arith.constant 128 : i32
      %mul3A_255 = arith.muli %add3A_240, %mul3A_254 : i32
      %multiple_of3A_256 = tpu.assume_multiple %mul3A_255, 128 : i32
      %add3A_257 = arith.addi %mul3A_2, %multiple_of3A_256 : i32
      %dma_start3A_258 = arith.constant 2 : i32
      %dma_start3A_259 = arith.constant 2 : i32
      %dma_start3A_260 = arith.constant 0 : i32
      %dma_start3A_261 = arith.constant 0 : i32
      %dma_start3A_262 = tpu.memref_slice %arg6[%dma_start3A_258, %dma_start3A_260, %dma_start3A_261] : memref<5x128x128xf32, #tpu.memory_space<vmem>> -> memref<1x128x128xf32, #tpu.memory_space<vmem>>
      %dma_start3A_263 = tpu.memref_squeeze %dma_start3A_262 : memref<1x128x128xf32, #tpu.memory_space<vmem>> -> memref<128x128xf32, #tpu.memory_space<vmem>>
      %dma_start3A_264 = arith.constant 0 : i32
      %dma_start3A_265 = tpu.memref_slice %arg4[%add3A_257, %dma_start3A_264] : memref<204800x128xf32, #tpu.memory_space<hbm>> -> memref<128x128xf32, #tpu.memory_space<hbm>>
      %dma_start3A_266 = tpu.memref_slice %arg8[%dma_start3A_259] : memref<5x!tpu.dma_semaphore, #tpu.memory_space<semaphore_mem>> -> memref<1x!tpu.dma_semaphore, #tpu.memory_space<semaphore_mem>>
      %dma_start3A_267 = tpu.memref_squeeze %dma_start3A_266 : memref<1x!tpu.dma_semaphore, #tpu.memory_space<semaphore_mem>> -> memref<!tpu.dma_semaphore, #tpu.memory_space<semaphore_mem>>
      %dma_start3A_268 = arith.constant 0 : i32
      %dma_start3A_269 = tpu.memref_slice %arg4[%add3A_257, %dma_start3A_268] : memref<204800x128xf32, #tpu.memory_space<hbm>> -> memref<128x128xf32, #tpu.memory_space<hbm>>
      %dma_start3A_270 = arith.constant 0 : i32
      %dma_start3A_271 = arith.constant 0 : i32
      %dma_start3A_272 = tpu.memref_slice %arg6[%dma_start3A_258, %dma_start3A_270, %dma_start3A_271] : memref<5x128x128xf32, #tpu.memory_space<vmem>> -> memref<1x128x128xf32, #tpu.memory_space<vmem>>
      %dma_start3A_273 = tpu.memref_squeeze %dma_start3A_272 : memref<1x128x128xf32, #tpu.memory_space<vmem>> -> memref<128x128xf32, #tpu.memory_space<vmem>>
      tpu.enqueue_dma source(%dma_start3A_273 : memref<128x128xf32, #tpu.memory_space<vmem>>) target(%dma_start3A_269 : memref<128x128xf32, #tpu.memory_space<hbm>>) target_semaphore(%dma_start3A_267 : memref<!tpu.dma_semaphore, #tpu.memory_space<semaphore_mem>>)
      %lt3A_274 = arith.constant 9 : i32
      %lt3A_275 = arith.cmpi slt, %scan3A_155, %lt3A_274 : i32
      %convert_element_type3A_276 = arith.extui %lt3A_275 : i1 to i32
      %cond3A_277 = arith.constant 0 : i32
      %cond3A_278 = arith.cmpi ne, %convert_element_type3A_276, %cond3A_277 : i32
      scf.if %cond3A_278 {
        %dma_wait3A_363 = arith.constant 2 : i32
        %dma_wait3A_364 = arith.constant 2 : i32
        %dma_wait3A_365 = arith.constant 0 : i32
        %dma_wait3A_366 = arith.constant 0 : i32
        %dma_wait3A_367 = tpu.memref_slice %arg6[%dma_wait3A_363, %dma_wait3A_365, %dma_wait3A_366] : memref<5x128x128xf32, #tpu.memory_space<vmem>> -> memref<1x128x128xf32, #tpu.memory_space<vmem>>
        %dma_wait3A_368 = tpu.memref_squeeze %dma_wait3A_367 : memref<1x128x128xf32, #tpu.memory_space<vmem>> -> memref<128x128xf32, #tpu.memory_space<vmem>>
        %dma_wait3A_369 = arith.constant 0 : i32
        %dma_wait3A_370 = tpu.memref_slice %arg4[%mul3A_2, %dma_wait3A_369] : memref<204800x128xf32, #tpu.memory_space<hbm>> -> memref<128x128xf32, #tpu.memory_space<hbm>>
        %dma_wait3A_371 = tpu.memref_slice %arg8[%dma_wait3A_364] : memref<5x!tpu.dma_semaphore, #tpu.memory_space<semaphore_mem>> -> memref<1x!tpu.dma_semaphore, #tpu.memory_space<semaphore_mem>>
        %dma_wait3A_372 = tpu.memref_squeeze %dma_wait3A_371 : memref<1x!tpu.dma_semaphore, #tpu.memory_space<semaphore_mem>> -> memref<!tpu.dma_semaphore, #tpu.memory_space<semaphore_mem>>
        %dma_wait3A_373 = arith.constant 0 : i32
        %dma_wait3A_374 = tpu.memref_slice %arg4[%mul3A_2, %dma_wait3A_373] : memref<204800x128xf32, #tpu.memory_space<hbm>> -> memref<128x128xf32, #tpu.memory_space<hbm>>
        %dma_wait3A_375 = arith.constant 0 : i32
        %dma_wait3A_376 = arith.constant 0 : i32
        %dma_wait3A_377 = tpu.memref_slice %arg6[%dma_wait3A_363, %dma_wait3A_375, %dma_wait3A_376] : memref<5x128x128xf32, #tpu.memory_space<vmem>> -> memref<1x128x128xf32, #tpu.memory_space<vmem>>
        %dma_wait3A_378 = tpu.memref_squeeze %dma_wait3A_377 : memref<1x128x128xf32, #tpu.memory_space<vmem>> -> memref<128x128xf32, #tpu.memory_space<vmem>>
        tpu.wait_dma2 semaphore(%dma_wait3A_372 : memref<!tpu.dma_semaphore, #tpu.memory_space<semaphore_mem>>) src(%dma_wait3A_378 : memref<128x128xf32, #tpu.memory_space<vmem>>) dst(%dma_wait3A_374 : memref<128x128xf32, #tpu.memory_space<hbm>>)
        %add3A_379 = arith.constant 5 : i32
        %add3A_380 = arith.addi %add3A_240, %add3A_379 : i32
        %mul3A_381 = arith.constant 128 : i32
        %mul3A_382 = arith.muli %add3A_380, %mul3A_381 : i32
        %multiple_of3A_383 = tpu.assume_multiple %mul3A_382, 128 : i32
        %dma_start3A_384 = arith.constant 2 : i32
        %dma_start3A_385 = arith.constant 2 : i32
        %dma_start3A_386 = arith.constant 0 : i32
        %dma_start3A_387 = arith.constant 0 : i32
        %dma_start3A_388 = tpu.memref_slice %arg6[%dma_start3A_384, %dma_start3A_386, %dma_start3A_387] : memref<5x128x128xf32, #tpu.memory_space<vmem>> -> memref<1x128x128xf32, #tpu.memory_space<vmem>>
        %dma_start3A_389 = tpu.memref_squeeze %dma_start3A_388 : memref<1x128x128xf32, #tpu.memory_space<vmem>> -> memref<128x128xf32, #tpu.memory_space<vmem>>
        %dma_start3A_390 = tpu.memref_slice %arg5[%multiple_of3A_383] : memref<6400xi32, #tpu.memory_space<vmem>> -> memref<128xi32, #tpu.memory_space<vmem>>
        %dma_start3A_391 = arith.constant 0 : i32
        %dma_start3A_392 = arith.constant 0 : i32
        %dma_start3A_393 = tpu.memref_slice %arg3[%dma_start3A_391, %dma_start3A_392] : memref<100000x128xf32, #tpu.memory_space<hbm>> -> memref<100000x128xf32, #tpu.memory_space<hbm>>
        %dma_start3A_394 = tpu.memref_slice %arg7[%dma_start3A_385] : memref<5x!tpu.dma_semaphore, #tpu.memory_space<semaphore_mem>> -> memref<1x!tpu.dma_semaphore, #tpu.memory_space<semaphore_mem>>
        %dma_start3A_395 = tpu.memref_squeeze %dma_start3A_394 : memref<1x!tpu.dma_semaphore, #tpu.memory_space<semaphore_mem>> -> memref<!tpu.dma_semaphore, #tpu.memory_space<semaphore_mem>>
        tpu.enqueue_indirect_dma source(%dma_start3A_393 : memref<100000x128xf32, #tpu.memory_space<hbm>>) target(%dma_start3A_389 : memref<128x128xf32, #tpu.memory_space<vmem>>) offsets(%dma_start3A_390 : memref<128xi32, #tpu.memory_space<vmem>>) semaphore(%dma_start3A_395 : memref<!tpu.dma_semaphore, #tpu.memory_space<semaphore_mem>>)
      } else {
      }
      %mul3A_279 = arith.constant 5 : i32
      %mul3A_280 = arith.muli %scan3A_155, %mul3A_279 : i32
      %add3A_281 = arith.constant 3 : i32
      %add3A_282 = arith.addi %mul3A_280, %add3A_281 : i32
      %dma_wait3A_283 = arith.constant 3 : i32
      %dma_wait3A_284 = arith.constant 3 : i32
      %dma_wait3A_285 = arith.constant 0 : i32
      %dma_wait3A_286 = arith.constant 0 : i32
      %dma_wait3A_287 = tpu.memref_slice %arg6[%dma_wait3A_283, %dma_wait3A_285, %dma_wait3A_286] : memref<5x128x128xf32, #tpu.memory_space<vmem>> -> memref<1x128x128xf32, #tpu.memory_space<vmem>>
      %dma_wait3A_288 = tpu.memref_squeeze %dma_wait3A_287 : memref<1x128x128xf32, #tpu.memory_space<vmem>> -> memref<128x128xf32, #tpu.memory_space<vmem>>
      %dma_wait3A_289 = arith.constant 0 : i32
      %dma_wait3A_290 = tpu.memref_slice %arg5[%dma_wait3A_289] : memref<6400xi32, #tpu.memory_space<vmem>> -> memref<128xi32, #tpu.memory_space<vmem>>
      %dma_wait3A_291 = arith.constant 0 : i32
      %dma_wait3A_292 = arith.constant 0 : i32
      %dma_wait3A_293 = tpu.memref_slice %arg3[%dma_wait3A_291, %dma_wait3A_292] : memref<100000x128xf32, #tpu.memory_space<hbm>> -> memref<100000x128xf32, #tpu.memory_space<hbm>>
      %dma_wait3A_294 = tpu.memref_slice %arg7[%dma_wait3A_284] : memref<5x!tpu.dma_semaphore, #tpu.memory_space<semaphore_mem>> -> memref<1x!tpu.dma_semaphore, #tpu.memory_space<semaphore_mem>>
      %dma_wait3A_295 = tpu.memref_squeeze %dma_wait3A_294 : memref<1x!tpu.dma_semaphore, #tpu.memory_space<semaphore_mem>> -> memref<!tpu.dma_semaphore, #tpu.memory_space<semaphore_mem>>
      tpu.wait_indirect_dma semaphore(%dma_wait3A_295 : memref<!tpu.dma_semaphore, #tpu.memory_space<semaphore_mem>>) src(%dma_wait3A_293 : memref<100000x128xf32, #tpu.memory_space<hbm>>) dst(%dma_wait3A_288 : memref<128x128xf32, #tpu.memory_space<vmem>>)
      %mul3A_296 = arith.constant 128 : i32
      %mul3A_297 = arith.muli %add3A_282, %mul3A_296 : i32
      %multiple_of3A_298 = tpu.assume_multiple %mul3A_297, 128 : i32
      %add3A_299 = arith.addi %mul3A_2, %multiple_of3A_298 : i32
      %dma_start3A_300 = arith.constant 3 : i32
      %dma_start3A_301 = arith.constant 3 : i32
      %dma_start3A_302 = arith.constant 0 : i32
      %dma_start3A_303 = arith.constant 0 : i32
      %dma_start3A_304 = tpu.memref_slice %arg6[%dma_start3A_300, %dma_start3A_302, %dma_start3A_303] : memref<5x128x128xf32, #tpu.memory_space<vmem>> -> memref<1x128x128xf32, #tpu.memory_space<vmem>>
      %dma_start3A_305 = tpu.memref_squeeze %dma_start3A_304 : memref<1x128x128xf32, #tpu.memory_space<vmem>> -> memref<128x128xf32, #tpu.memory_space<vmem>>
      %dma_start3A_306 = arith.constant 0 : i32
      %dma_start3A_307 = tpu.memref_slice %arg4[%add3A_299, %dma_start3A_306] : memref<204800x128xf32, #tpu.memory_space<hbm>> -> memref<128x128xf32, #tpu.memory_space<hbm>>
      %dma_start3A_308 = tpu.memref_slice %arg8[%dma_start3A_301] : memref<5x!tpu.dma_semaphore, #tpu.memory_space<semaphore_mem>> -> memref<1x!tpu.dma_semaphore, #tpu.memory_space<semaphore_mem>>
      %dma_start3A_309 = tpu.memref_squeeze %dma_start3A_308 : memref<1x!tpu.dma_semaphore, #tpu.memory_space<semaphore_mem>> -> memref<!tpu.dma_semaphore, #tpu.memory_space<semaphore_mem>>
      %dma_start3A_310 = arith.constant 0 : i32
      %dma_start3A_311 = tpu.memref_slice %arg4[%add3A_299, %dma_start3A_310] : memref<204800x128xf32, #tpu.memory_space<hbm>> -> memref<128x128xf32, #tpu.memory_space<hbm>>
      %dma_start3A_312 = arith.constant 0 : i32
      %dma_start3A_313 = arith.constant 0 : i32
      %dma_start3A_314 = tpu.memref_slice %arg6[%dma_start3A_300, %dma_start3A_312, %dma_start3A_313] : memref<5x128x128xf32, #tpu.memory_space<vmem>> -> memref<1x128x128xf32, #tpu.memory_space<vmem>>
      %dma_start3A_315 = tpu.memref_squeeze %dma_start3A_314 : memref<1x128x128xf32, #tpu.memory_space<vmem>> -> memref<128x128xf32, #tpu.memory_space<vmem>>
      tpu.enqueue_dma source(%dma_start3A_315 : memref<128x128xf32, #tpu.memory_space<vmem>>) target(%dma_start3A_311 : memref<128x128xf32, #tpu.memory_space<hbm>>) target_semaphore(%dma_start3A_309 : memref<!tpu.dma_semaphore, #tpu.memory_space<semaphore_mem>>)
      %lt3A_316 = arith.constant 9 : i32
      %lt3A_317 = arith.cmpi slt, %scan3A_155, %lt3A_316 : i32
      %convert_element_type3A_318 = arith.extui %lt3A_317 : i1 to i32
      %cond3A_319 = arith.constant 0 : i32
      %cond3A_320 = arith.cmpi ne, %convert_element_type3A_318, %cond3A_319 : i32
      scf.if %cond3A_320 {
        %dma_wait3A_363 = arith.constant 3 : i32
        %dma_wait3A_364 = arith.constant 3 : i32
        %dma_wait3A_365 = arith.constant 0 : i32
        %dma_wait3A_366 = arith.constant 0 : i32
        %dma_wait3A_367 = tpu.memref_slice %arg6[%dma_wait3A_363, %dma_wait3A_365, %dma_wait3A_366] : memref<5x128x128xf32, #tpu.memory_space<vmem>> -> memref<1x128x128xf32, #tpu.memory_space<vmem>>
        %dma_wait3A_368 = tpu.memref_squeeze %dma_wait3A_367 : memref<1x128x128xf32, #tpu.memory_space<vmem>> -> memref<128x128xf32, #tpu.memory_space<vmem>>
        %dma_wait3A_369 = arith.constant 0 : i32
        %dma_wait3A_370 = tpu.memref_slice %arg4[%mul3A_2, %dma_wait3A_369] : memref<204800x128xf32, #tpu.memory_space<hbm>> -> memref<128x128xf32, #tpu.memory_space<hbm>>
        %dma_wait3A_371 = tpu.memref_slice %arg8[%dma_wait3A_364] : memref<5x!tpu.dma_semaphore, #tpu.memory_space<semaphore_mem>> -> memref<1x!tpu.dma_semaphore, #tpu.memory_space<semaphore_mem>>
        %dma_wait3A_372 = tpu.memref_squeeze %dma_wait3A_371 : memref<1x!tpu.dma_semaphore, #tpu.memory_space<semaphore_mem>> -> memref<!tpu.dma_semaphore, #tpu.memory_space<semaphore_mem>>
        %dma_wait3A_373 = arith.constant 0 : i32
        %dma_wait3A_374 = tpu.memref_slice %arg4[%mul3A_2, %dma_wait3A_373] : memref<204800x128xf32, #tpu.memory_space<hbm>> -> memref<128x128xf32, #tpu.memory_space<hbm>>
        %dma_wait3A_375 = arith.constant 0 : i32
        %dma_wait3A_376 = arith.constant 0 : i32
        %dma_wait3A_377 = tpu.memref_slice %arg6[%dma_wait3A_363, %dma_wait3A_375, %dma_wait3A_376] : memref<5x128x128xf32, #tpu.memory_space<vmem>> -> memref<1x128x128xf32, #tpu.memory_space<vmem>>
        %dma_wait3A_378 = tpu.memref_squeeze %dma_wait3A_377 : memref<1x128x128xf32, #tpu.memory_space<vmem>> -> memref<128x128xf32, #tpu.memory_space<vmem>>
        tpu.wait_dma2 semaphore(%dma_wait3A_372 : memref<!tpu.dma_semaphore, #tpu.memory_space<semaphore_mem>>) src(%dma_wait3A_378 : memref<128x128xf32, #tpu.memory_space<vmem>>) dst(%dma_wait3A_374 : memref<128x128xf32, #tpu.memory_space<hbm>>)
        %add3A_379 = arith.constant 5 : i32
        %add3A_380 = arith.addi %add3A_282, %add3A_379 : i32
        %mul3A_381 = arith.constant 128 : i32
        %mul3A_382 = arith.muli %add3A_380, %mul3A_381 : i32
        %multiple_of3A_383 = tpu.assume_multiple %mul3A_382, 128 : i32
        %dma_start3A_384 = arith.constant 3 : i32
        %dma_start3A_385 = arith.constant 3 : i32
        %dma_start3A_386 = arith.constant 0 : i32
        %dma_start3A_387 = arith.constant 0 : i32
        %dma_start3A_388 = tpu.memref_slice %arg6[%dma_start3A_384, %dma_start3A_386, %dma_start3A_387] : memref<5x128x128xf32, #tpu.memory_space<vmem>> -> memref<1x128x128xf32, #tpu.memory_space<vmem>>
        %dma_start3A_389 = tpu.memref_squeeze %dma_start3A_388 : memref<1x128x128xf32, #tpu.memory_space<vmem>> -> memref<128x128xf32, #tpu.memory_space<vmem>>
        %dma_start3A_390 = tpu.memref_slice %arg5[%multiple_of3A_383] : memref<6400xi32, #tpu.memory_space<vmem>> -> memref<128xi32, #tpu.memory_space<vmem>>
        %dma_start3A_391 = arith.constant 0 : i32
        %dma_start3A_392 = arith.constant 0 : i32
        %dma_start3A_393 = tpu.memref_slice %arg3[%dma_start3A_391, %dma_start3A_392] : memref<100000x128xf32, #tpu.memory_space<hbm>> -> memref<100000x128xf32, #tpu.memory_space<hbm>>
        %dma_start3A_394 = tpu.memref_slice %arg7[%dma_start3A_385] : memref<5x!tpu.dma_semaphore, #tpu.memory_space<semaphore_mem>> -> memref<1x!tpu.dma_semaphore, #tpu.memory_space<semaphore_mem>>
        %dma_start3A_395 = tpu.memref_squeeze %dma_start3A_394 : memref<1x!tpu.dma_semaphore, #tpu.memory_space<semaphore_mem>> -> memref<!tpu.dma_semaphore, #tpu.memory_space<semaphore_mem>>
        tpu.enqueue_indirect_dma source(%dma_start3A_393 : memref<100000x128xf32, #tpu.memory_space<hbm>>) target(%dma_start3A_389 : memref<128x128xf32, #tpu.memory_space<vmem>>) offsets(%dma_start3A_390 : memref<128xi32, #tpu.memory_space<vmem>>) semaphore(%dma_start3A_395 : memref<!tpu.dma_semaphore, #tpu.memory_space<semaphore_mem>>)
      } else {
      }
      %mul3A_321 = arith.constant 5 : i32
      %mul3A_322 = arith.muli %scan3A_155, %mul3A_321 : i32
      %add3A_323 = arith.constant 4 : i32
      %add3A_324 = arith.addi %mul3A_322, %add3A_323 : i32
      %dma_wait3A_325 = arith.constant 4 : i32
      %dma_wait3A_326 = arith.constant 4 : i32
      %dma_wait3A_327 = arith.constant 0 : i32
      %dma_wait3A_328 = arith.constant 0 : i32
      %dma_wait3A_329 = tpu.memref_slice %arg6[%dma_wait3A_325, %dma_wait3A_327, %dma_wait3A_328] : memref<5x128x128xf32, #tpu.memory_space<vmem>> -> memref<1x128x128xf32, #tpu.memory_space<vmem>>
      %dma_wait3A_330 = tpu.memref_squeeze %dma_wait3A_329 : memref<1x128x128xf32, #tpu.memory_space<vmem>> -> memref<128x128xf32, #tpu.memory_space<vmem>>
      %dma_wait3A_331 = arith.constant 0 : i32
      %dma_wait3A_332 = tpu.memref_slice %arg5[%dma_wait3A_331] : memref<6400xi32, #tpu.memory_space<vmem>> -> memref<128xi32, #tpu.memory_space<vmem>>
      %dma_wait3A_333 = arith.constant 0 : i32
      %dma_wait3A_334 = arith.constant 0 : i32
      %dma_wait3A_335 = tpu.memref_slice %arg3[%dma_wait3A_333, %dma_wait3A_334] : memref<100000x128xf32, #tpu.memory_space<hbm>> -> memref<100000x128xf32, #tpu.memory_space<hbm>>
      %dma_wait3A_336 = tpu.memref_slice %arg7[%dma_wait3A_326] : memref<5x!tpu.dma_semaphore, #tpu.memory_space<semaphore_mem>> -> memref<1x!tpu.dma_semaphore, #tpu.memory_space<semaphore_mem>>
      %dma_wait3A_337 = tpu.memref_squeeze %dma_wait3A_336 : memref<1x!tpu.dma_semaphore, #tpu.memory_space<semaphore_mem>> -> memref<!tpu.dma_semaphore, #tpu.memory_space<semaphore_mem>>
      tpu.wait_indirect_dma semaphore(%dma_wait3A_337 : memref<!tpu.dma_semaphore, #tpu.memory_space<semaphore_mem>>) src(%dma_wait3A_335 : memref<100000x128xf32, #tpu.memory_space<hbm>>) dst(%dma_wait3A_330 : memref<128x128xf32, #tpu.memory_space<vmem>>)
      %mul3A_338 = arith.constant 128 : i32
      %mul3A_339 = arith.muli %add3A_324, %mul3A_338 : i32
      %multiple_of3A_340 = tpu.assume_multiple %mul3A_339, 128 : i32
      %add3A_341 = arith.addi %mul3A_2, %multiple_of3A_340 : i32
      %dma_start3A_342 = arith.constant 4 : i32
      %dma_start3A_343 = arith.constant 4 : i32
      %dma_start3A_344 = arith.constant 0 : i32
      %dma_start3A_345 = arith.constant 0 : i32
      %dma_start3A_346 = tpu.memref_slice %arg6[%dma_start3A_342, %dma_start3A_344, %dma_start3A_345] : memref<5x128x128xf32, #tpu.memory_space<vmem>> -> memref<1x128x128xf32, #tpu.memory_space<vmem>>
      %dma_start3A_347 = tpu.memref_squeeze %dma_start3A_346 : memref<1x128x128xf32, #tpu.memory_space<vmem>> -> memref<128x128xf32, #tpu.memory_space<vmem>>
      %dma_start3A_348 = arith.constant 0 : i32
      %dma_start3A_349 = tpu.memref_slice %arg4[%add3A_341, %dma_start3A_348] : memref<204800x128xf32, #tpu.memory_space<hbm>> -> memref<128x128xf32, #tpu.memory_space<hbm>>
      %dma_start3A_350 = tpu.memref_slice %arg8[%dma_start3A_343] : memref<5x!tpu.dma_semaphore, #tpu.memory_space<semaphore_mem>> -> memref<1x!tpu.dma_semaphore, #tpu.memory_space<semaphore_mem>>
      %dma_start3A_351 = tpu.memref_squeeze %dma_start3A_350 : memref<1x!tpu.dma_semaphore, #tpu.memory_space<semaphore_mem>> -> memref<!tpu.dma_semaphore, #tpu.memory_space<semaphore_mem>>
      %dma_start3A_352 = arith.constant 0 : i32
      %dma_start3A_353 = tpu.memref_slice %arg4[%add3A_341, %dma_start3A_352] : memref<204800x128xf32, #tpu.memory_space<hbm>> -> memref<128x128xf32, #tpu.memory_space<hbm>>
      %dma_start3A_354 = arith.constant 0 : i32
      %dma_start3A_355 = arith.constant 0 : i32
      %dma_start3A_356 = tpu.memref_slice %arg6[%dma_start3A_342, %dma_start3A_354, %dma_start3A_355] : memref<5x128x128xf32, #tpu.memory_space<vmem>> -> memref<1x128x128xf32, #tpu.memory_space<vmem>>
      %dma_start3A_357 = tpu.memref_squeeze %dma_start3A_356 : memref<1x128x128xf32, #tpu.memory_space<vmem>> -> memref<128x128xf32, #tpu.memory_space<vmem>>
      tpu.enqueue_dma source(%dma_start3A_357 : memref<128x128xf32, #tpu.memory_space<vmem>>) target(%dma_start3A_353 : memref<128x128xf32, #tpu.memory_space<hbm>>) target_semaphore(%dma_start3A_351 : memref<!tpu.dma_semaphore, #tpu.memory_space<semaphore_mem>>)
      %lt3A_358 = arith.constant 9 : i32
      %lt3A_359 = arith.cmpi slt, %scan3A_155, %lt3A_358 : i32
      %convert_element_type3A_360 = arith.extui %lt3A_359 : i1 to i32
      %cond3A_361 = arith.constant 0 : i32
      %cond3A_362 = arith.cmpi ne, %convert_element_type3A_360, %cond3A_361 : i32
      scf.if %cond3A_362 {
        %dma_wait3A_363 = arith.constant 4 : i32
        %dma_wait3A_364 = arith.constant 4 : i32
        %dma_wait3A_365 = arith.constant 0 : i32
        %dma_wait3A_366 = arith.constant 0 : i32
        %dma_wait3A_367 = tpu.memref_slice %arg6[%dma_wait3A_363, %dma_wait3A_365, %dma_wait3A_366] : memref<5x128x128xf32, #tpu.memory_space<vmem>> -> memref<1x128x128xf32, #tpu.memory_space<vmem>>
        %dma_wait3A_368 = tpu.memref_squeeze %dma_wait3A_367 : memref<1x128x128xf32, #tpu.memory_space<vmem>> -> memref<128x128xf32, #tpu.memory_space<vmem>>
        %dma_wait3A_369 = arith.constant 0 : i32
        %dma_wait3A_370 = tpu.memref_slice %arg4[%mul3A_2, %dma_wait3A_369] : memref<204800x128xf32, #tpu.memory_space<hbm>> -> memref<128x128xf32, #tpu.memory_space<hbm>>
        %dma_wait3A_371 = tpu.memref_slice %arg8[%dma_wait3A_364] : memref<5x!tpu.dma_semaphore, #tpu.memory_space<semaphore_mem>> -> memref<1x!tpu.dma_semaphore, #tpu.memory_space<semaphore_mem>>
        %dma_wait3A_372 = tpu.memref_squeeze %dma_wait3A_371 : memref<1x!tpu.dma_semaphore, #tpu.memory_space<semaphore_mem>> -> memref<!tpu.dma_semaphore, #tpu.memory_space<semaphore_mem>>
        %dma_wait3A_373 = arith.constant 0 : i32
        %dma_wait3A_374 = tpu.memref_slice %arg4[%mul3A_2, %dma_wait3A_373] : memref<204800x128xf32, #tpu.memory_space<hbm>> -> memref<128x128xf32, #tpu.memory_space<hbm>>
        %dma_wait3A_375 = arith.constant 0 : i32
        %dma_wait3A_376 = arith.constant 0 : i32
        %dma_wait3A_377 = tpu.memref_slice %arg6[%dma_wait3A_363, %dma_wait3A_375, %dma_wait3A_376] : memref<5x128x128xf32, #tpu.memory_space<vmem>> -> memref<1x128x128xf32, #tpu.memory_space<vmem>>
        %dma_wait3A_378 = tpu.memref_squeeze %dma_wait3A_377 : memref<1x128x128xf32, #tpu.memory_space<vmem>> -> memref<128x128xf32, #tpu.memory_space<vmem>>
        tpu.wait_dma2 semaphore(%dma_wait3A_372 : memref<!tpu.dma_semaphore, #tpu.memory_space<semaphore_mem>>) src(%dma_wait3A_378 : memref<128x128xf32, #tpu.memory_space<vmem>>) dst(%dma_wait3A_374 : memref<128x128xf32, #tpu.memory_space<hbm>>)
        %add3A_379 = arith.constant 5 : i32
        %add3A_380 = arith.addi %add3A_324, %add3A_379 : i32
        %mul3A_381 = arith.constant 128 : i32
        %mul3A_382 = arith.muli %add3A_380, %mul3A_381 : i32
        %multiple_of3A_383 = tpu.assume_multiple %mul3A_382, 128 : i32
        %dma_start3A_384 = arith.constant 4 : i32
        %dma_start3A_385 = arith.constant 4 : i32
        %dma_start3A_386 = arith.constant 0 : i32
        %dma_start3A_387 = arith.constant 0 : i32
        %dma_start3A_388 = tpu.memref_slice %arg6[%dma_start3A_384, %dma_start3A_386, %dma_start3A_387] : memref<5x128x128xf32, #tpu.memory_space<vmem>> -> memref<1x128x128xf32, #tpu.memory_space<vmem>>
        %dma_start3A_389 = tpu.memref_squeeze %dma_start3A_388 : memref<1x128x128xf32, #tpu.memory_space<vmem>> -> memref<128x128xf32, #tpu.memory_space<vmem>>
        %dma_start3A_390 = tpu.memref_slice %arg5[%multiple_of3A_383] : memref<6400xi32, #tpu.memory_space<vmem>> -> memref<128xi32, #tpu.memory_space<vmem>>
        %dma_start3A_391 = arith.constant 0 : i32
        %dma_start3A_392 = arith.constant 0 : i32
        %dma_start3A_393 = tpu.memref_slice %arg3[%dma_start3A_391, %dma_start3A_392] : memref<100000x128xf32, #tpu.memory_space<hbm>> -> memref<100000x128xf32, #tpu.memory_space<hbm>>
        %dma_start3A_394 = tpu.memref_slice %arg7[%dma_start3A_385] : memref<5x!tpu.dma_semaphore, #tpu.memory_space<semaphore_mem>> -> memref<1x!tpu.dma_semaphore, #tpu.memory_space<semaphore_mem>>
        %dma_start3A_395 = tpu.memref_squeeze %dma_start3A_394 : memref<1x!tpu.dma_semaphore, #tpu.memory_space<semaphore_mem>> -> memref<!tpu.dma_semaphore, #tpu.memory_space<semaphore_mem>>
        tpu.enqueue_indirect_dma source(%dma_start3A_393 : memref<100000x128xf32, #tpu.memory_space<hbm>>) target(%dma_start3A_389 : memref<128x128xf32, #tpu.memory_space<vmem>>) offsets(%dma_start3A_390 : memref<128xi32, #tpu.memory_space<vmem>>) semaphore(%dma_start3A_395 : memref<!tpu.dma_semaphore, #tpu.memory_space<semaphore_mem>>)
      } else {
      }
    }
    %scan3A_75 = arith.constant 10 : i32
    %dma_wait3A = arith.constant 0 : i32
    %dma_wait3A_76 = arith.constant 0 : i32
    %dma_wait3A_77 = arith.constant 0 : i32
    %dma_wait3A_78 = arith.constant 0 : i32
    %dma_wait3A_79 = tpu.memref_slice %arg6[%dma_wait3A, %dma_wait3A_77, %dma_wait3A_78] : memref<5x128x128xf32, #tpu.memory_space<vmem>> -> memref<1x128x128xf32, #tpu.memory_space<vmem>>
    %dma_wait3A_80 = tpu.memref_squeeze %dma_wait3A_79 : memref<1x128x128xf32, #tpu.memory_space<vmem>> -> memref<128x128xf32, #tpu.memory_space<vmem>>
    %dma_wait3A_81 = arith.constant 0 : i32
    %dma_wait3A_82 = tpu.memref_slice %arg4[%mul3A_2, %dma_wait3A_81] : memref<204800x128xf32, #tpu.memory_space<hbm>> -> memref<128x128xf32, #tpu.memory_space<hbm>>
    %dma_wait3A_83 = tpu.memref_slice %arg8[%dma_wait3A_76] : memref<5x!tpu.dma_semaphore, #tpu.memory_space<semaphore_mem>> -> memref<1x!tpu.dma_semaphore, #tpu.memory_space<semaphore_mem>>
    %dma_wait3A_84 = tpu.memref_squeeze %dma_wait3A_83 : memref<1x!tpu.dma_semaphore, #tpu.memory_space<semaphore_mem>> -> memref<!tpu.dma_semaphore, #tpu.memory_space<semaphore_mem>>
    %dma_wait3A_85 = arith.constant 0 : i32
    %dma_wait3A_86 = tpu.memref_slice %arg4[%mul3A_2, %dma_wait3A_85] : memref<204800x128xf32, #tpu.memory_space<hbm>> -> memref<128x128xf32, #tpu.memory_space<hbm>>
    %dma_wait3A_87 = arith.constant 0 : i32
    %dma_wait3A_88 = arith.constant 0 : i32
    %dma_wait3A_89 = tpu.memref_slice %arg6[%dma_wait3A, %dma_wait3A_87, %dma_wait3A_88] : memref<5x128x128xf32, #tpu.memory_space<vmem>> -> memref<1x128x128xf32, #tpu.memory_space<vmem>>
    %dma_wait3A_90 = tpu.memref_squeeze %dma_wait3A_89 : memref<1x128x128xf32, #tpu.memory_space<vmem>> -> memref<128x128xf32, #tpu.memory_space<vmem>>
    tpu.wait_dma2 semaphore(%dma_wait3A_84 : memref<!tpu.dma_semaphore, #tpu.memory_space<semaphore_mem>>) src(%dma_wait3A_90 : memref<128x128xf32, #tpu.memory_space<vmem>>) dst(%dma_wait3A_86 : memref<128x128xf32, #tpu.memory_space<hbm>>)
    %dma_wait3A_91 = arith.constant 1 : i32
    %dma_wait3A_92 = arith.constant 1 : i32
    %dma_wait3A_93 = arith.constant 0 : i32
    %dma_wait3A_94 = arith.constant 0 : i32
    %dma_wait3A_95 = tpu.memref_slice %arg6[%dma_wait3A_91, %dma_wait3A_93, %dma_wait3A_94] : memref<5x128x128xf32, #tpu.memory_space<vmem>> -> memref<1x128x128xf32, #tpu.memory_space<vmem>>
    %dma_wait3A_96 = tpu.memref_squeeze %dma_wait3A_95 : memref<1x128x128xf32, #tpu.memory_space<vmem>> -> memref<128x128xf32, #tpu.memory_space<vmem>>
    %dma_wait3A_97 = arith.constant 0 : i32
    %dma_wait3A_98 = tpu.memref_slice %arg4[%mul3A_2, %dma_wait3A_97] : memref<204800x128xf32, #tpu.memory_space<hbm>> -> memref<128x128xf32, #tpu.memory_space<hbm>>
    %dma_wait3A_99 = tpu.memref_slice %arg8[%dma_wait3A_92] : memref<5x!tpu.dma_semaphore, #tpu.memory_space<semaphore_mem>> -> memref<1x!tpu.dma_semaphore, #tpu.memory_space<semaphore_mem>>
    %dma_wait3A_100 = tpu.memref_squeeze %dma_wait3A_99 : memref<1x!tpu.dma_semaphore, #tpu.memory_space<semaphore_mem>> -> memref<!tpu.dma_semaphore, #tpu.memory_space<semaphore_mem>>
    %dma_wait3A_101 = arith.constant 0 : i32
    %dma_wait3A_102 = tpu.memref_slice %arg4[%mul3A_2, %dma_wait3A_101] : memref<204800x128xf32, #tpu.memory_space<hbm>> -> memref<128x128xf32, #tpu.memory_space<hbm>>
    %dma_wait3A_103 = arith.constant 0 : i32
    %dma_wait3A_104 = arith.constant 0 : i32
    %dma_wait3A_105 = tpu.memref_slice %arg6[%dma_wait3A_91, %dma_wait3A_103, %dma_wait3A_104] : memref<5x128x128xf32, #tpu.memory_space<vmem>> -> memref<1x128x128xf32, #tpu.memory_space<vmem>>
    %dma_wait3A_106 = tpu.memref_squeeze %dma_wait3A_105 : memref<1x128x128xf32, #tpu.memory_space<vmem>> -> memref<128x128xf32, #tpu.memory_space<vmem>>
    tpu.wait_dma2 semaphore(%dma_wait3A_100 : memref<!tpu.dma_semaphore, #tpu.memory_space<semaphore_mem>>) src(%dma_wait3A_106 : memref<128x128xf32, #tpu.memory_space<vmem>>) dst(%dma_wait3A_102 : memref<128x128xf32, #tpu.memory_space<hbm>>)
    %dma_wait3A_107 = arith.constant 2 : i32
    %dma_wait3A_108 = arith.constant 2 : i32
    %dma_wait3A_109 = arith.constant 0 : i32
    %dma_wait3A_110 = arith.constant 0 : i32
    %dma_wait3A_111 = tpu.memref_slice %arg6[%dma_wait3A_107, %dma_wait3A_109, %dma_wait3A_110] : memref<5x128x128xf32, #tpu.memory_space<vmem>> -> memref<1x128x128xf32, #tpu.memory_space<vmem>>
    %dma_wait3A_112 = tpu.memref_squeeze %dma_wait3A_111 : memref<1x128x128xf32, #tpu.memory_space<vmem>> -> memref<128x128xf32, #tpu.memory_space<vmem>>
    %dma_wait3A_113 = arith.constant 0 : i32
    %dma_wait3A_114 = tpu.memref_slice %arg4[%mul3A_2, %dma_wait3A_113] : memref<204800x128xf32, #tpu.memory_space<hbm>> -> memref<128x128xf32, #tpu.memory_space<hbm>>
    %dma_wait3A_115 = tpu.memref_slice %arg8[%dma_wait3A_108] : memref<5x!tpu.dma_semaphore, #tpu.memory_space<semaphore_mem>> -> memref<1x!tpu.dma_semaphore, #tpu.memory_space<semaphore_mem>>
    %dma_wait3A_116 = tpu.memref_squeeze %dma_wait3A_115 : memref<1x!tpu.dma_semaphore, #tpu.memory_space<semaphore_mem>> -> memref<!tpu.dma_semaphore, #tpu.memory_space<semaphore_mem>>
    %dma_wait3A_117 = arith.constant 0 : i32
    %dma_wait3A_118 = tpu.memref_slice %arg4[%mul3A_2, %dma_wait3A_117] : memref<204800x128xf32, #tpu.memory_space<hbm>> -> memref<128x128xf32, #tpu.memory_space<hbm>>
    %dma_wait3A_119 = arith.constant 0 : i32
    %dma_wait3A_120 = arith.constant 0 : i32
    %dma_wait3A_121 = tpu.memref_slice %arg6[%dma_wait3A_107, %dma_wait3A_119, %dma_wait3A_120] : memref<5x128x128xf32, #tpu.memory_space<vmem>> -> memref<1x128x128xf32, #tpu.memory_space<vmem>>
    %dma_wait3A_122 = tpu.memref_squeeze %dma_wait3A_121 : memref<1x128x128xf32, #tpu.memory_space<vmem>> -> memref<128x128xf32, #tpu.memory_space<vmem>>
    tpu.wait_dma2 semaphore(%dma_wait3A_116 : memref<!tpu.dma_semaphore, #tpu.memory_space<semaphore_mem>>) src(%dma_wait3A_122 : memref<128x128xf32, #tpu.memory_space<vmem>>) dst(%dma_wait3A_118 : memref<128x128xf32, #tpu.memory_space<hbm>>)
    %dma_wait3A_123 = arith.constant 3 : i32
    %dma_wait3A_124 = arith.constant 3 : i32
    %dma_wait3A_125 = arith.constant 0 : i32
    %dma_wait3A_126 = arith.constant 0 : i32
    %dma_wait3A_127 = tpu.memref_slice %arg6[%dma_wait3A_123, %dma_wait3A_125, %dma_wait3A_126] : memref<5x128x128xf32, #tpu.memory_space<vmem>> -> memref<1x128x128xf32, #tpu.memory_space<vmem>>
    %dma_wait3A_128 = tpu.memref_squeeze %dma_wait3A_127 : memref<1x128x128xf32, #tpu.memory_space<vmem>> -> memref<128x128xf32, #tpu.memory_space<vmem>>
    %dma_wait3A_129 = arith.constant 0 : i32
    %dma_wait3A_130 = tpu.memref_slice %arg4[%mul3A_2, %dma_wait3A_129] : memref<204800x128xf32, #tpu.memory_space<hbm>> -> memref<128x128xf32, #tpu.memory_space<hbm>>
    %dma_wait3A_131 = tpu.memref_slice %arg8[%dma_wait3A_124] : memref<5x!tpu.dma_semaphore, #tpu.memory_space<semaphore_mem>> -> memref<1x!tpu.dma_semaphore, #tpu.memory_space<semaphore_mem>>
    %dma_wait3A_132 = tpu.memref_squeeze %dma_wait3A_131 : memref<1x!tpu.dma_semaphore, #tpu.memory_space<semaphore_mem>> -> memref<!tpu.dma_semaphore, #tpu.memory_space<semaphore_mem>>
    %dma_wait3A_133 = arith.constant 0 : i32
    %dma_wait3A_134 = tpu.memref_slice %arg4[%mul3A_2, %dma_wait3A_133] : memref<204800x128xf32, #tpu.memory_space<hbm>> -> memref<128x128xf32, #tpu.memory_space<hbm>>
    %dma_wait3A_135 = arith.constant 0 : i32
    %dma_wait3A_136 = arith.constant 0 : i32
    %dma_wait3A_137 = tpu.memref_slice %arg6[%dma_wait3A_123, %dma_wait3A_135, %dma_wait3A_136] : memref<5x128x128xf32, #tpu.memory_space<vmem>> -> memref<1x128x128xf32, #tpu.memory_space<vmem>>
    %dma_wait3A_138 = tpu.memref_squeeze %dma_wait3A_137 : memref<1x128x128xf32, #tpu.memory_space<vmem>> -> memref<128x128xf32, #tpu.memory_space<vmem>>
    tpu.wait_dma2 semaphore(%dma_wait3A_132 : memref<!tpu.dma_semaphore, #tpu.memory_space<semaphore_mem>>) src(%dma_wait3A_138 : memref<128x128xf32, #tpu.memory_space<vmem>>) dst(%dma_wait3A_134 : memref<128x128xf32, #tpu.memory_space<hbm>>)
    %dma_wait3A_139 = arith.constant 4 : i32
    %dma_wait3A_140 = arith.constant 4 : i32
    %dma_wait3A_141 = arith.constant 0 : i32
    %dma_wait3A_142 = arith.constant 0 : i32
    %dma_wait3A_143 = tpu.memref_slice %arg6[%dma_wait3A_139, %dma_wait3A_141, %dma_wait3A_142] : memref<5x128x128xf32, #tpu.memory_space<vmem>> -> memref<1x128x128xf32, #tpu.memory_space<vmem>>
    %dma_wait3A_144 = tpu.memref_squeeze %dma_wait3A_143 : memref<1x128x128xf32, #tpu.memory_space<vmem>> -> memref<128x128xf32, #tpu.memory_space<vmem>>
    %dma_wait3A_145 = arith.constant 0 : i32
    %dma_wait3A_146 = tpu.memref_slice %arg4[%mul3A_2, %dma_wait3A_145] : memref<204800x128xf32, #tpu.memory_space<hbm>> -> memref<128x128xf32, #tpu.memory_space<hbm>>
    %dma_wait3A_147 = tpu.memref_slice %arg8[%dma_wait3A_140] : memref<5x!tpu.dma_semaphore, #tpu.memory_space<semaphore_mem>> -> memref<1x!tpu.dma_semaphore, #tpu.memory_space<semaphore_mem>>
    %dma_wait3A_148 = tpu.memref_squeeze %dma_wait3A_147 : memref<1x!tpu.dma_semaphore, #tpu.memory_space<semaphore_mem>> -> memref<!tpu.dma_semaphore, #tpu.memory_space<semaphore_mem>>
    %dma_wait3A_149 = arith.constant 0 : i32
    %dma_wait3A_150 = tpu.memref_slice %arg4[%mul3A_2, %dma_wait3A_149] : memref<204800x128xf32, #tpu.memory_space<hbm>> -> memref<128x128xf32, #tpu.memory_space<hbm>>
    %dma_wait3A_151 = arith.constant 0 : i32
    %dma_wait3A_152 = arith.constant 0 : i32
    %dma_wait3A_153 = tpu.memref_slice %arg6[%dma_wait3A_139, %dma_wait3A_151, %dma_wait3A_152] : memref<5x128x128xf32, #tpu.memory_space<vmem>> -> memref<1x128x128xf32, #tpu.memory_space<vmem>>
    %dma_wait3A_154 = tpu.memref_squeeze %dma_wait3A_153 : memref<1x128x128xf32, #tpu.memory_space<vmem>> -> memref<128x128xf32, #tpu.memory_space<vmem>>
    tpu.wait_dma2 semaphore(%dma_wait3A_148 : memref<!tpu.dma_semaphore, #tpu.memory_space<semaphore_mem>>) src(%dma_wait3A_154 : memref<128x128xf32, #tpu.memory_space<vmem>>) dst(%dma_wait3A_150 : memref<128x128xf32, #tpu.memory_space<hbm>>)
    return
  }
}

#map = affine_map<(d0, d1) -> (0)>
#map1 = affine_map<(d0, d1) -> (0, 0)>
module attributes {stable_mosaic.version = 14 : i64} {
  func.func @gather_kernel(%arg0: i32, %arg1: i32, %arg2: memref<204800xi32, #tpu.memory_space<hbm>>, %arg3: memref<100000x128xf32, #tpu.memory_space<hbm>>, %arg4: memref<204800x128xf32, #tpu.memory_space<hbm>>, %arg5: memref<6400xi32, #tpu.memory_space<vmem>>, %arg6: memref<5x128x128xf32, #tpu.memory_space<vmem>>, %arg7: memref<5x!tpu.dma_semaphore, #tpu.memory_space<semaphore_mem>>, %arg8: memref<5x!tpu.dma_semaphore, #tpu.memory_space<semaphore_mem>>) attributes {dimension_semantics = [#tpu.dimension_semantics<core_parallel>, #tpu.dimension_semantics<subcore_parallel>], iteration_bounds = array<i64: 2, 16>, scalar_prefetch = 0 : i64, scratch_operands = 4 : i64, tpu.core_type = #tpu.core_type<sc_vector_subcore>, window_params = [{transform_indices = #map}, {transform_indices = #map1}, {transform_indices = #map1}]} {
    %mul3A = arith.constant 2 : i32
    %mul3A_0 = arith.muli %arg1, %mul3A : i32
    %add3A = arith.addi %mul3A_0, %arg0 : i32
    %mul3A_1 = arith.constant 6400 : i32
    %mul3A_2 = arith.muli %add3A, %mul3A_1 : i32
    "tpu.region"() ({
      %run_scoped3A = tpu.sem_alloc : memref<!tpu.dma_semaphore, #tpu.memory_space<semaphore_mem>>
      %dma_start3A_155 = tpu.memref_slice %arg2[%mul3A_2] : memref<204800xi32, #tpu.memory_space<hbm>> -> memref<6400xi32, #tpu.memory_space<hbm>>
      %dma_start3A_156 = tpu.memref_slice %arg2[%mul3A_2] : memref<204800xi32, #tpu.memory_space<hbm>> -> memref<6400xi32, #tpu.memory_space<hbm>>
      tpu.enqueue_dma source(%dma_start3A_156 : memref<6400xi32, #tpu.memory_space<hbm>>) target(%arg5 : memref<6400xi32, #tpu.memory_space<vmem>>) target_semaphore(%run_scoped3A : memref<!tpu.dma_semaphore, #tpu.memory_space<semaphore_mem>>)
      %dma_wait3A_157 = tpu.memref_slice %arg2[%mul3A_2] : memref<204800xi32, #tpu.memory_space<hbm>> -> memref<6400xi32, #tpu.memory_space<hbm>>
      %dma_wait3A_158 = tpu.memref_slice %arg2[%mul3A_2] : memref<204800xi32, #tpu.memory_space<hbm>> -> memref<6400xi32, #tpu.memory_space<hbm>>
      tpu.wait_dma2 semaphore(%run_scoped3A : memref<!tpu.dma_semaphore, #tpu.memory_space<semaphore_mem>>) src(%dma_wait3A_158 : memref<6400xi32, #tpu.memory_space<hbm>>) dst(%arg5 : memref<6400xi32, #tpu.memory_space<vmem>>)
      tpu.yield
    }) : () -> ()
    %multiple_of3A = arith.constant 0 : i32
    %multiple_of3A_3 = tpu.assume_multiple %multiple_of3A, 128 : i32
    %dma_start3A = arith.constant 0 : i32
    %dma_start3A_4 = arith.constant 0 : i32
    %dma_start3A_5 = arith.constant 0 : i32
    %dma_start3A_6 = arith.constant 0 : i32
    %dma_start3A_7 = tpu.memref_slice %arg6[%dma_start3A, %dma_start3A_5, %dma_start3A_6] : memref<5x128x128xf32, #tpu.memory_space<vmem>> -> memref<1x128x128xf32, #tpu.memory_space<vmem>>
    %dma_start3A_8 = tpu.memref_squeeze %dma_start3A_7 : memref<1x128x128xf32, #tpu.memory_space<vmem>> -> memref<128x128xf32, #tpu.memory_space<vmem>>
    %dma_start3A_9 = tpu.memref_slice %arg5[%multiple_of3A_3] : memref<6400xi32, #tpu.memory_space<vmem>> -> memref<128xi32, #tpu.memory_space<vmem>>
    %dma_start3A_10 = arith.constant 0 : i32
    %dma_start3A_11 = arith.constant 0 : i32
    %dma_start3A_12 = tpu.memref_slice %arg3[%dma_start3A_10, %dma_start3A_11] : memref<100000x128xf32, #tpu.memory_space<hbm>> -> memref<100000x128xf32, #tpu.memory_space<hbm>>
    %dma_start3A_13 = tpu.memref_slice %arg7[%dma_start3A_4] : memref<5x!tpu.dma_semaphore, #tpu.memory_space<semaphore_mem>> -> memref<1x!tpu.dma_semaphore, #tpu.memory_space<semaphore_mem>>
    %dma_start3A_14 = tpu.memref_squeeze %dma_start3A_13 : memref<1x!tpu.dma_semaphore, #tpu.memory_space<semaphore_mem>> -> memref<!tpu.dma_semaphore, #tpu.memory_space<semaphore_mem>>
    tpu.enqueue_indirect_dma source(%dma_start3A_12 : memref<100000x128xf32, #tpu.memory_space<hbm>>) target(%dma_start3A_8 : memref<128x128xf32, #tpu.memory_space<vmem>>) offsets(%dma_start3A_9 : memref<128xi32, #tpu.memory_space<vmem>>) semaphore(%dma_start3A_14 : memref<!tpu.dma_semaphore, #tpu.memory_space<semaphore_mem>>)
    %multiple_of3A_15 = arith.constant 128 : i32
    %multiple_of3A_16 = tpu.assume_multiple %multiple_of3A_15, 128 : i32
    %dma_start3A_17 = arith.constant 1 : i32
    %dma_start3A_18 = arith.constant 1 : i32
    %dma_start3A_19 = arith.constant 0 : i32
    %dma_start3A_20 = arith.constant 0 : i32
    %dma_start3A_21 = tpu.memref_slice %arg6[%dma_start3A_17, %dma_start3A_19, %dma_start3A_20] : memref<5x128x128xf32, #tpu.memory_space<vmem>> -> memref<1x128x128xf32, #tpu.memory_space<vmem>>
    %dma_start3A_22 = tpu.memref_squeeze %dma_start3A_21 : memref<1x128x128xf32, #tpu.memory_space<vmem>> -> memref<128x128xf32, #tpu.memory_space<vmem>>
    %dma_start3A_23 = tpu.memref_slice %arg5[%multiple_of3A_16] : memref<6400xi32, #tpu.memory_space<vmem>> -> memref<128xi32, #tpu.memory_space<vmem>>
    %dma_start3A_24 = arith.constant 0 : i32
    %dma_start3A_25 = arith.constant 0 : i32
    %dma_start3A_26 = tpu.memref_slice %arg3[%dma_start3A_24, %dma_start3A_25] : memref<100000x128xf32, #tpu.memory_space<hbm>> -> memref<100000x128xf32, #tpu.memory_space<hbm>>
    %dma_start3A_27 = tpu.memref_slice %arg7[%dma_start3A_18] : memref<5x!tpu.dma_semaphore, #tpu.memory_space<semaphore_mem>> -> memref<1x!tpu.dma_semaphore, #tpu.memory_space<semaphore_mem>>
    %dma_start3A_28 = tpu.memref_squeeze %dma_start3A_27 : memref<1x!tpu.dma_semaphore, #tpu.memory_space<semaphore_mem>> -> memref<!tpu.dma_semaphore, #tpu.memory_space<semaphore_mem>>
    tpu.enqueue_indirect_dma source(%dma_start3A_26 : memref<100000x128xf32, #tpu.memory_space<hbm>>) target(%dma_start3A_22 : memref<128x128xf32, #tpu.memory_space<vmem>>) offsets(%dma_start3A_23 : memref<128xi32, #tpu.memory_space<vmem>>) semaphore(%dma_start3A_28 : memref<!tpu.dma_semaphore, #tpu.memory_space<semaphore_mem>>)
    %multiple_of3A_29 = arith.constant 256 : i32
    %multiple_of3A_30 = tpu.assume_multiple %multiple_of3A_29, 128 : i32
    %dma_start3A_31 = arith.constant 2 : i32
    %dma_start3A_32 = arith.constant 2 : i32
    %dma_start3A_33 = arith.constant 0 : i32
    %dma_start3A_34 = arith.constant 0 : i32
    %dma_start3A_35 = tpu.memref_slice %arg6[%dma_start3A_31, %dma_start3A_33, %dma_start3A_34] : memref<5x128x128xf32, #tpu.memory_space<vmem>> -> memref<1x128x128xf32, #tpu.memory_space<vmem>>
    %dma_start3A_36 = tpu.memref_squeeze %dma_start3A_35 : memref<1x128x128xf32, #tpu.memory_space<vmem>> -> memref<128x128xf32, #tpu.memory_space<vmem>>
    %dma_start3A_37 = tpu.memref_slice %arg5[%multiple_of3A_30] : memref<6400xi32, #tpu.memory_space<vmem>> -> memref<128xi32, #tpu.memory_space<vmem>>
    %dma_start3A_38 = arith.constant 0 : i32
    %dma_start3A_39 = arith.constant 0 : i32
    %dma_start3A_40 = tpu.memref_slice %arg3[%dma_start3A_38, %dma_start3A_39] : memref<100000x128xf32, #tpu.memory_space<hbm>> -> memref<100000x128xf32, #tpu.memory_space<hbm>>
    %dma_start3A_41 = tpu.memref_slice %arg7[%dma_start3A_32] : memref<5x!tpu.dma_semaphore, #tpu.memory_space<semaphore_mem>> -> memref<1x!tpu.dma_semaphore, #tpu.memory_space<semaphore_mem>>
    %dma_start3A_42 = tpu.memref_squeeze %dma_start3A_41 : memref<1x!tpu.dma_semaphore, #tpu.memory_space<semaphore_mem>> -> memref<!tpu.dma_semaphore, #tpu.memory_space<semaphore_mem>>
    tpu.enqueue_indirect_dma source(%dma_start3A_40 : memref<100000x128xf32, #tpu.memory_space<hbm>>) target(%dma_start3A_36 : memref<128x128xf32, #tpu.memory_space<vmem>>) offsets(%dma_start3A_37 : memref<128xi32, #tpu.memory_space<vmem>>) semaphore(%dma_start3A_42 : memref<!tpu.dma_semaphore, #tpu.memory_space<semaphore_mem>>)
    %multiple_of3A_43 = arith.constant 384 : i32
    %multiple_of3A_44 = tpu.assume_multiple %multiple_of3A_43, 128 : i32
    %dma_start3A_45 = arith.constant 3 : i32
    %dma_start3A_46 = arith.constant 3 : i32
    %dma_start3A_47 = arith.constant 0 : i32
    %dma_start3A_48 = arith.constant 0 : i32
    %dma_start3A_49 = tpu.memref_slice %arg6[%dma_start3A_45, %dma_start3A_47, %dma_start3A_48] : memref<5x128x128xf32, #tpu.memory_space<vmem>> -> memref<1x128x128xf32, #tpu.memory_space<vmem>>
    %dma_start3A_50 = tpu.memref_squeeze %dma_start3A_49 : memref<1x128x128xf32, #tpu.memory_space<vmem>> -> memref<128x128xf32, #tpu.memory_space<vmem>>
    %dma_start3A_51 = tpu.memref_slice %arg5[%multiple_of3A_44] : memref<6400xi32, #tpu.memory_space<vmem>> -> memref<128xi32, #tpu.memory_space<vmem>>
    %dma_start3A_52 = arith.constant 0 : i32
    %dma_start3A_53 = arith.constant 0 : i32
    %dma_start3A_54 = tpu.memref_slice %arg3[%dma_start3A_52, %dma_start3A_53] : memref<100000x128xf32, #tpu.memory_space<hbm>> -> memref<100000x128xf32, #tpu.memory_space<hbm>>
    %dma_start3A_55 = tpu.memref_slice %arg7[%dma_start3A_46] : memref<5x!tpu.dma_semaphore, #tpu.memory_space<semaphore_mem>> -> memref<1x!tpu.dma_semaphore, #tpu.memory_space<semaphore_mem>>
    %dma_start3A_56 = tpu.memref_squeeze %dma_start3A_55 : memref<1x!tpu.dma_semaphore, #tpu.memory_space<semaphore_mem>> -> memref<!tpu.dma_semaphore, #tpu.memory_space<semaphore_mem>>
    tpu.enqueue_indirect_dma source(%dma_start3A_54 : memref<100000x128xf32, #tpu.memory_space<hbm>>) target(%dma_start3A_50 : memref<128x128xf32, #tpu.memory_space<vmem>>) offsets(%dma_start3A_51 : memref<128xi32, #tpu.memory_space<vmem>>) semaphore(%dma_start3A_56 : memref<!tpu.dma_semaphore, #tpu.memory_space<semaphore_mem>>)
    %multiple_of3A_57 = arith.constant 512 : i32
    %multiple_of3A_58 = tpu.assume_multiple %multiple_of3A_57, 128 : i32
    %dma_start3A_59 = arith.constant 4 : i32
    %dma_start3A_60 = arith.constant 4 : i32
    %dma_start3A_61 = arith.constant 0 : i32
    %dma_start3A_62 = arith.constant 0 : i32
    %dma_start3A_63 = tpu.memref_slice %arg6[%dma_start3A_59, %dma_start3A_61, %dma_start3A_62] : memref<5x128x128xf32, #tpu.memory_space<vmem>> -> memref<1x128x128xf32, #tpu.memory_space<vmem>>
    %dma_start3A_64 = tpu.memref_squeeze %dma_start3A_63 : memref<1x128x128xf32, #tpu.memory_space<vmem>> -> memref<128x128xf32, #tpu.memory_space<vmem>>
    %dma_start3A_65 = tpu.memref_slice %arg5[%multiple_of3A_58] : memref<6400xi32, #tpu.memory_space<vmem>> -> memref<128xi32, #tpu.memory_space<vmem>>
    %dma_start3A_66 = arith.constant 0 : i32
    %dma_start3A_67 = arith.constant 0 : i32
    %dma_start3A_68 = tpu.memref_slice %arg3[%dma_start3A_66, %dma_start3A_67] : memref<100000x128xf32, #tpu.memory_space<hbm>> -> memref<100000x128xf32, #tpu.memory_space<hbm>>
    %dma_start3A_69 = tpu.memref_slice %arg7[%dma_start3A_60] : memref<5x!tpu.dma_semaphore, #tpu.memory_space<semaphore_mem>> -> memref<1x!tpu.dma_semaphore, #tpu.memory_space<semaphore_mem>>
    %dma_start3A_70 = tpu.memref_squeeze %dma_start3A_69 : memref<1x!tpu.dma_semaphore, #tpu.memory_space<semaphore_mem>> -> memref<!tpu.dma_semaphore, #tpu.memory_space<semaphore_mem>>
    tpu.enqueue_indirect_dma source(%dma_start3A_68 : memref<100000x128xf32, #tpu.memory_space<hbm>>) target(%dma_start3A_64 : memref<128x128xf32, #tpu.memory_space<vmem>>) offsets(%dma_start3A_65 : memref<128xi32, #tpu.memory_space<vmem>>) semaphore(%dma_start3A_70 : memref<!tpu.dma_semaphore, #tpu.memory_space<semaphore_mem>>)
    %scan3A = arith.constant 0 : i32
    %scan3A_71 = arith.constant 0 : i32
    %scan3A_72 = arith.constant 10 : i32
    %scan3A_73 = arith.addi %scan3A_71, %scan3A_72 : i32
    %scan3A_74 = arith.constant 1 : i32
    scf.for %scan3A_155 = %scan3A_71 to %scan3A_73 step %scan3A_74  : i32 {
      %mul3A_156 = arith.constant 5 : i32
      %mul3A_157 = arith.muli %scan3A_155, %mul3A_156 : i32
      %add3A_158 = arith.constant 0 : i32
      %add3A_159 = arith.addi %mul3A_157, %add3A_158 : i32
      %dma_wait3A_160 = arith.constant 0 : i32
      %dma_wait3A_161 = arith.constant 0 : i32
      %dma_wait3A_162 = arith.constant 0 : i32
      %dma_wait3A_163 = arith.constant 0 : i32
      %dma_wait3A_164 = tpu.memref_slice %arg6[%dma_wait3A_160, %dma_wait3A_162, %dma_wait3A_163] : memref<5x128x128xf32, #tpu.memory_space<vmem>> -> memref<1x128x128xf32, #tpu.memory_space<vmem>>
      %dma_wait3A_165 = tpu.memref_squeeze %dma_wait3A_164 : memref<1x128x128xf32, #tpu.memory_space<vmem>> -> memref<128x128xf32, #tpu.memory_space<vmem>>
      %dma_wait3A_166 = arith.constant 0 : i32
      %dma_wait3A_167 = tpu.memref_slice %arg5[%dma_wait3A_166] : memref<6400xi32, #tpu.memory_space<vmem>> -> memref<128xi32, #tpu.memory_space<vmem>>
      %dma_wait3A_168 = arith.constant 0 : i32
      %dma_wait3A_169 = arith.constant 0 : i32
      %dma_wait3A_170 = tpu.memref_slice %arg3[%dma_wait3A_168, %dma_wait3A_169] : memref<100000x128xf32, #tpu.memory_space<hbm>> -> memref<100000x128xf32, #tpu.memory_space<hbm>>
      %dma_wait3A_171 = tpu.memref_slice %arg7[%dma_wait3A_161] : memref<5x!tpu.dma_semaphore, #tpu.memory_space<semaphore_mem>> -> memref<1x!tpu.dma_semaphore, #tpu.memory_space<semaphore_mem>>
      %dma_wait3A_172 = tpu.memref_squeeze %dma_wait3A_171 : memref<1x!tpu.dma_semaphore, #tpu.memory_space<semaphore_mem>> -> memref<!tpu.dma_semaphore, #tpu.memory_space<semaphore_mem>>
      tpu.wait_indirect_dma semaphore(%dma_wait3A_172 : memref<!tpu.dma_semaphore, #tpu.memory_space<semaphore_mem>>) src(%dma_wait3A_170 : memref<100000x128xf32, #tpu.memory_space<hbm>>) dst(%dma_wait3A_165 : memref<128x128xf32, #tpu.memory_space<vmem>>)
      %mul3A_173 = arith.constant 128 : i32
      %mul3A_174 = arith.muli %add3A_159, %mul3A_173 : i32
      %multiple_of3A_175 = tpu.assume_multiple %mul3A_174, 128 : i32
      %add3A_176 = arith.addi %mul3A_2, %multiple_of3A_175 : i32
      %dma_start3A_177 = arith.constant 0 : i32
      %dma_start3A_178 = arith.constant 0 : i32
      %dma_start3A_179 = arith.constant 0 : i32
      %dma_start3A_180 = arith.constant 0 : i32
      %dma_start3A_181 = tpu.memref_slice %arg6[%dma_start3A_177, %dma_start3A_179, %dma_start3A_180] : memref<5x128x128xf32, #tpu.memory_space<vmem>> -> memref<1x128x128xf32, #tpu.memory_space<vmem>>
      %dma_start3A_182 = tpu.memref_squeeze %dma_start3A_181 : memref<1x128x128xf32, #tpu.memory_space<vmem>> -> memref<128x128xf32, #tpu.memory_space<vmem>>
      %dma_start3A_183 = arith.constant 0 : i32
      %dma_start3A_184 = tpu.memref_slice %arg4[%add3A_176, %dma_start3A_183] : memref<204800x128xf32, #tpu.memory_space<hbm>> -> memref<128x128xf32, #tpu.memory_space<hbm>>
      %dma_start3A_185 = tpu.memref_slice %arg8[%dma_start3A_178] : memref<5x!tpu.dma_semaphore, #tpu.memory_space<semaphore_mem>> -> memref<1x!tpu.dma_semaphore, #tpu.memory_space<semaphore_mem>>
      %dma_start3A_186 = tpu.memref_squeeze %dma_start3A_185 : memref<1x!tpu.dma_semaphore, #tpu.memory_space<semaphore_mem>> -> memref<!tpu.dma_semaphore, #tpu.memory_space<semaphore_mem>>
      %dma_start3A_187 = arith.constant 0 : i32
      %dma_start3A_188 = tpu.memref_slice %arg4[%add3A_176, %dma_start3A_187] : memref<204800x128xf32, #tpu.memory_space<hbm>> -> memref<128x128xf32, #tpu.memory_space<hbm>>
      %dma_start3A_189 = arith.constant 0 : i32
      %dma_start3A_190 = arith.constant 0 : i32
      %dma_start3A_191 = tpu.memref_slice %arg6[%dma_start3A_177, %dma_start3A_189, %dma_start3A_190] : memref<5x128x128xf32, #tpu.memory_space<vmem>> -> memref<1x128x128xf32, #tpu.memory_space<vmem>>
      %dma_start3A_192 = tpu.memref_squeeze %dma_start3A_191 : memref<1x128x128xf32, #tpu.memory_space<vmem>> -> memref<128x128xf32, #tpu.memory_space<vmem>>
      tpu.enqueue_dma source(%dma_start3A_192 : memref<128x128xf32, #tpu.memory_space<vmem>>) target(%dma_start3A_188 : memref<128x128xf32, #tpu.memory_space<hbm>>) target_semaphore(%dma_start3A_186 : memref<!tpu.dma_semaphore, #tpu.memory_space<semaphore_mem>>)
      %lt3A = arith.constant 9 : i32
      %lt3A_193 = arith.cmpi slt, %scan3A_155, %lt3A : i32
      %convert_element_type3A = arith.extui %lt3A_193 : i1 to i32
      %cond3A = arith.constant 0 : i32
      %cond3A_194 = arith.cmpi ne, %convert_element_type3A, %cond3A : i32
      scf.if %cond3A_194 {
        %dma_wait3A_363 = arith.constant 0 : i32
        %dma_wait3A_364 = arith.constant 0 : i32
        %dma_wait3A_365 = arith.constant 0 : i32
        %dma_wait3A_366 = arith.constant 0 : i32
        %dma_wait3A_367 = tpu.memref_slice %arg6[%dma_wait3A_363, %dma_wait3A_365, %dma_wait3A_366] : memref<5x128x128xf32, #tpu.memory_space<vmem>> -> memref<1x128x128xf32, #tpu.memory_space<vmem>>
        %dma_wait3A_368 = tpu.memref_squeeze %dma_wait3A_367 : memref<1x128x128xf32, #tpu.memory_space<vmem>> -> memref<128x128xf32, #tpu.memory_space<vmem>>
        %dma_wait3A_369 = arith.constant 0 : i32
        %dma_wait3A_370 = tpu.memref_slice %arg4[%mul3A_2, %dma_wait3A_369] : memref<204800x128xf32, #tpu.memory_space<hbm>> -> memref<128x128xf32, #tpu.memory_space<hbm>>
        %dma_wait3A_371 = tpu.memref_slice %arg8[%dma_wait3A_364] : memref<5x!tpu.dma_semaphore, #tpu.memory_space<semaphore_mem>> -> memref<1x!tpu.dma_semaphore, #tpu.memory_space<semaphore_mem>>
        %dma_wait3A_372 = tpu.memref_squeeze %dma_wait3A_371 : memref<1x!tpu.dma_semaphore, #tpu.memory_space<semaphore_mem>> -> memref<!tpu.dma_semaphore, #tpu.memory_space<semaphore_mem>>
        %dma_wait3A_373 = arith.constant 0 : i32
        %dma_wait3A_374 = tpu.memref_slice %arg4[%mul3A_2, %dma_wait3A_373] : memref<204800x128xf32, #tpu.memory_space<hbm>> -> memref<128x128xf32, #tpu.memory_space<hbm>>
        %dma_wait3A_375 = arith.constant 0 : i32
        %dma_wait3A_376 = arith.constant 0 : i32
        %dma_wait3A_377 = tpu.memref_slice %arg6[%dma_wait3A_363, %dma_wait3A_375, %dma_wait3A_376] : memref<5x128x128xf32, #tpu.memory_space<vmem>> -> memref<1x128x128xf32, #tpu.memory_space<vmem>>
        %dma_wait3A_378 = tpu.memref_squeeze %dma_wait3A_377 : memref<1x128x128xf32, #tpu.memory_space<vmem>> -> memref<128x128xf32, #tpu.memory_space<vmem>>
        tpu.wait_dma2 semaphore(%dma_wait3A_372 : memref<!tpu.dma_semaphore, #tpu.memory_space<semaphore_mem>>) src(%dma_wait3A_378 : memref<128x128xf32, #tpu.memory_space<vmem>>) dst(%dma_wait3A_374 : memref<128x128xf32, #tpu.memory_space<hbm>>)
        %add3A_379 = arith.constant 5 : i32
        %add3A_380 = arith.addi %add3A_159, %add3A_379 : i32
        %mul3A_381 = arith.constant 128 : i32
        %mul3A_382 = arith.muli %add3A_380, %mul3A_381 : i32
        %multiple_of3A_383 = tpu.assume_multiple %mul3A_382, 128 : i32
        %dma_start3A_384 = arith.constant 0 : i32
        %dma_start3A_385 = arith.constant 0 : i32
        %dma_start3A_386 = arith.constant 0 : i32
        %dma_start3A_387 = arith.constant 0 : i32
        %dma_start3A_388 = tpu.memref_slice %arg6[%dma_start3A_384, %dma_start3A_386, %dma_start3A_387] : memref<5x128x128xf32, #tpu.memory_space<vmem>> -> memref<1x128x128xf32, #tpu.memory_space<vmem>>
        %dma_start3A_389 = tpu.memref_squeeze %dma_start3A_388 : memref<1x128x128xf32, #tpu.memory_space<vmem>> -> memref<128x128xf32, #tpu.memory_space<vmem>>
        %dma_start3A_390 = tpu.memref_slice %arg5[%multiple_of3A_383] : memref<6400xi32, #tpu.memory_space<vmem>> -> memref<128xi32, #tpu.memory_space<vmem>>
        %dma_start3A_391 = arith.constant 0 : i32
        %dma_start3A_392 = arith.constant 0 : i32
        %dma_start3A_393 = tpu.memref_slice %arg3[%dma_start3A_391, %dma_start3A_392] : memref<100000x128xf32, #tpu.memory_space<hbm>> -> memref<100000x128xf32, #tpu.memory_space<hbm>>
        %dma_start3A_394 = tpu.memref_slice %arg7[%dma_start3A_385] : memref<5x!tpu.dma_semaphore, #tpu.memory_space<semaphore_mem>> -> memref<1x!tpu.dma_semaphore, #tpu.memory_space<semaphore_mem>>
        %dma_start3A_395 = tpu.memref_squeeze %dma_start3A_394 : memref<1x!tpu.dma_semaphore, #tpu.memory_space<semaphore_mem>> -> memref<!tpu.dma_semaphore, #tpu.memory_space<semaphore_mem>>
        tpu.enqueue_indirect_dma source(%dma_start3A_393 : memref<100000x128xf32, #tpu.memory_space<hbm>>) target(%dma_start3A_389 : memref<128x128xf32, #tpu.memory_space<vmem>>) offsets(%dma_start3A_390 : memref<128xi32, #tpu.memory_space<vmem>>) semaphore(%dma_start3A_395 : memref<!tpu.dma_semaphore, #tpu.memory_space<semaphore_mem>>)
      } else {
      }
      %mul3A_195 = arith.constant 5 : i32
      %mul3A_196 = arith.muli %scan3A_155, %mul3A_195 : i32
      %add3A_197 = arith.constant 1 : i32
      %add3A_198 = arith.addi %mul3A_196, %add3A_197 : i32
      %dma_wait3A_199 = arith.constant 1 : i32
      %dma_wait3A_200 = arith.constant 1 : i32
      %dma_wait3A_201 = arith.constant 0 : i32
      %dma_wait3A_202 = arith.constant 0 : i32
      %dma_wait3A_203 = tpu.memref_slice %arg6[%dma_wait3A_199, %dma_wait3A_201, %dma_wait3A_202] : memref<5x128x128xf32, #tpu.memory_space<vmem>> -> memref<1x128x128xf32, #tpu.memory_space<vmem>>
      %dma_wait3A_204 = tpu.memref_squeeze %dma_wait3A_203 : memref<1x128x128xf32, #tpu.memory_space<vmem>> -> memref<128x128xf32, #tpu.memory_space<vmem>>
      %dma_wait3A_205 = arith.constant 0 : i32
      %dma_wait3A_206 = tpu.memref_slice %arg5[%dma_wait3A_205] : memref<6400xi32, #tpu.memory_space<vmem>> -> memref<128xi32, #tpu.memory_space<vmem>>
      %dma_wait3A_207 = arith.constant 0 : i32
      %dma_wait3A_208 = arith.constant 0 : i32
      %dma_wait3A_209 = tpu.memref_slice %arg3[%dma_wait3A_207, %dma_wait3A_208] : memref<100000x128xf32, #tpu.memory_space<hbm>> -> memref<100000x128xf32, #tpu.memory_space<hbm>>
      %dma_wait3A_210 = tpu.memref_slice %arg7[%dma_wait3A_200] : memref<5x!tpu.dma_semaphore, #tpu.memory_space<semaphore_mem>> -> memref<1x!tpu.dma_semaphore, #tpu.memory_space<semaphore_mem>>
      %dma_wait3A_211 = tpu.memref_squeeze %dma_wait3A_210 : memref<1x!tpu.dma_semaphore, #tpu.memory_space<semaphore_mem>> -> memref<!tpu.dma_semaphore, #tpu.memory_space<semaphore_mem>>
      tpu.wait_indirect_dma semaphore(%dma_wait3A_211 : memref<!tpu.dma_semaphore, #tpu.memory_space<semaphore_mem>>) src(%dma_wait3A_209 : memref<100000x128xf32, #tpu.memory_space<hbm>>) dst(%dma_wait3A_204 : memref<128x128xf32, #tpu.memory_space<vmem>>)
      %mul3A_212 = arith.constant 128 : i32
      %mul3A_213 = arith.muli %add3A_198, %mul3A_212 : i32
      %multiple_of3A_214 = tpu.assume_multiple %mul3A_213, 128 : i32
      %add3A_215 = arith.addi %mul3A_2, %multiple_of3A_214 : i32
      %dma_start3A_216 = arith.constant 1 : i32
      %dma_start3A_217 = arith.constant 1 : i32
      %dma_start3A_218 = arith.constant 0 : i32
      %dma_start3A_219 = arith.constant 0 : i32
      %dma_start3A_220 = tpu.memref_slice %arg6[%dma_start3A_216, %dma_start3A_218, %dma_start3A_219] : memref<5x128x128xf32, #tpu.memory_space<vmem>> -> memref<1x128x128xf32, #tpu.memory_space<vmem>>
      %dma_start3A_221 = tpu.memref_squeeze %dma_start3A_220 : memref<1x128x128xf32, #tpu.memory_space<vmem>> -> memref<128x128xf32, #tpu.memory_space<vmem>>
      %dma_start3A_222 = arith.constant 0 : i32
      %dma_start3A_223 = tpu.memref_slice %arg4[%add3A_215, %dma_start3A_222] : memref<204800x128xf32, #tpu.memory_space<hbm>> -> memref<128x128xf32, #tpu.memory_space<hbm>>
      %dma_start3A_224 = tpu.memref_slice %arg8[%dma_start3A_217] : memref<5x!tpu.dma_semaphore, #tpu.memory_space<semaphore_mem>> -> memref<1x!tpu.dma_semaphore, #tpu.memory_space<semaphore_mem>>
      %dma_start3A_225 = tpu.memref_squeeze %dma_start3A_224 : memref<1x!tpu.dma_semaphore, #tpu.memory_space<semaphore_mem>> -> memref<!tpu.dma_semaphore, #tpu.memory_space<semaphore_mem>>
      %dma_start3A_226 = arith.constant 0 : i32
      %dma_start3A_227 = tpu.memref_slice %arg4[%add3A_215, %dma_start3A_226] : memref<204800x128xf32, #tpu.memory_space<hbm>> -> memref<128x128xf32, #tpu.memory_space<hbm>>
      %dma_start3A_228 = arith.constant 0 : i32
      %dma_start3A_229 = arith.constant 0 : i32
      %dma_start3A_230 = tpu.memref_slice %arg6[%dma_start3A_216, %dma_start3A_228, %dma_start3A_229] : memref<5x128x128xf32, #tpu.memory_space<vmem>> -> memref<1x128x128xf32, #tpu.memory_space<vmem>>
      %dma_start3A_231 = tpu.memref_squeeze %dma_start3A_230 : memref<1x128x128xf32, #tpu.memory_space<vmem>> -> memref<128x128xf32, #tpu.memory_space<vmem>>
      tpu.enqueue_dma source(%dma_start3A_231 : memref<128x128xf32, #tpu.memory_space<vmem>>) target(%dma_start3A_227 : memref<128x128xf32, #tpu.memory_space<hbm>>) target_semaphore(%dma_start3A_225 : memref<!tpu.dma_semaphore, #tpu.memory_space<semaphore_mem>>)
      %lt3A_232 = arith.constant 9 : i32
      %lt3A_233 = arith.cmpi slt, %scan3A_155, %lt3A_232 : i32
      %convert_element_type3A_234 = arith.extui %lt3A_233 : i1 to i32
      %cond3A_235 = arith.constant 0 : i32
      %cond3A_236 = arith.cmpi ne, %convert_element_type3A_234, %cond3A_235 : i32
      scf.if %cond3A_236 {
        %dma_wait3A_363 = arith.constant 1 : i32
        %dma_wait3A_364 = arith.constant 1 : i32
        %dma_wait3A_365 = arith.constant 0 : i32
        %dma_wait3A_366 = arith.constant 0 : i32
        %dma_wait3A_367 = tpu.memref_slice %arg6[%dma_wait3A_363, %dma_wait3A_365, %dma_wait3A_366] : memref<5x128x128xf32, #tpu.memory_space<vmem>> -> memref<1x128x128xf32, #tpu.memory_space<vmem>>
        %dma_wait3A_368 = tpu.memref_squeeze %dma_wait3A_367 : memref<1x128x128xf32, #tpu.memory_space<vmem>> -> memref<128x128xf32, #tpu.memory_space<vmem>>
        %dma_wait3A_369 = arith.constant 0 : i32
        %dma_wait3A_370 = tpu.memref_slice %arg4[%mul3A_2, %dma_wait3A_369] : memref<204800x128xf32, #tpu.memory_space<hbm>> -> memref<128x128xf32, #tpu.memory_space<hbm>>
        %dma_wait3A_371 = tpu.memref_slice %arg8[%dma_wait3A_364] : memref<5x!tpu.dma_semaphore, #tpu.memory_space<semaphore_mem>> -> memref<1x!tpu.dma_semaphore, #tpu.memory_space<semaphore_mem>>
        %dma_wait3A_372 = tpu.memref_squeeze %dma_wait3A_371 : memref<1x!tpu.dma_semaphore, #tpu.memory_space<semaphore_mem>> -> memref<!tpu.dma_semaphore, #tpu.memory_space<semaphore_mem>>
        %dma_wait3A_373 = arith.constant 0 : i32
        %dma_wait3A_374 = tpu.memref_slice %arg4[%mul3A_2, %dma_wait3A_373] : memref<204800x128xf32, #tpu.memory_space<hbm>> -> memref<128x128xf32, #tpu.memory_space<hbm>>
        %dma_wait3A_375 = arith.constant 0 : i32
        %dma_wait3A_376 = arith.constant 0 : i32
        %dma_wait3A_377 = tpu.memref_slice %arg6[%dma_wait3A_363, %dma_wait3A_375, %dma_wait3A_376] : memref<5x128x128xf32, #tpu.memory_space<vmem>> -> memref<1x128x128xf32, #tpu.memory_space<vmem>>
        %dma_wait3A_378 = tpu.memref_squeeze %dma_wait3A_377 : memref<1x128x128xf32, #tpu.memory_space<vmem>> -> memref<128x128xf32, #tpu.memory_space<vmem>>
        tpu.wait_dma2 semaphore(%dma_wait3A_372 : memref<!tpu.dma_semaphore, #tpu.memory_space<semaphore_mem>>) src(%dma_wait3A_378 : memref<128x128xf32, #tpu.memory_space<vmem>>) dst(%dma_wait3A_374 : memref<128x128xf32, #tpu.memory_space<hbm>>)
        %add3A_379 = arith.constant 5 : i32
        %add3A_380 = arith.addi %add3A_198, %add3A_379 : i32
        %mul3A_381 = arith.constant 128 : i32
        %mul3A_382 = arith.muli %add3A_380, %mul3A_381 : i32
        %multiple_of3A_383 = tpu.assume_multiple %mul3A_382, 128 : i32
        %dma_start3A_384 = arith.constant 1 : i32
        %dma_start3A_385 = arith.constant 1 : i32
        %dma_start3A_386 = arith.constant 0 : i32
        %dma_start3A_387 = arith.constant 0 : i32
        %dma_start3A_388 = tpu.memref_slice %arg6[%dma_start3A_384, %dma_start3A_386, %dma_start3A_387] : memref<5x128x128xf32, #tpu.memory_space<vmem>> -> memref<1x128x128xf32, #tpu.memory_space<vmem>>
        %dma_start3A_389 = tpu.memref_squeeze %dma_start3A_388 : memref<1x128x128xf32, #tpu.memory_space<vmem>> -> memref<128x128xf32, #tpu.memory_space<vmem>>
        %dma_start3A_390 = tpu.memref_slice %arg5[%multiple_of3A_383] : memref<6400xi32, #tpu.memory_space<vmem>> -> memref<128xi32, #tpu.memory_space<vmem>>
        %dma_start3A_391 = arith.constant 0 : i32
        %dma_start3A_392 = arith.constant 0 : i32
        %dma_start3A_393 = tpu.memref_slice %arg3[%dma_start3A_391, %dma_start3A_392] : memref<100000x128xf32, #tpu.memory_space<hbm>> -> memref<100000x128xf32, #tpu.memory_space<hbm>>
        %dma_start3A_394 = tpu.memref_slice %arg7[%dma_start3A_385] : memref<5x!tpu.dma_semaphore, #tpu.memory_space<semaphore_mem>> -> memref<1x!tpu.dma_semaphore, #tpu.memory_space<semaphore_mem>>
        %dma_start3A_395 = tpu.memref_squeeze %dma_start3A_394 : memref<1x!tpu.dma_semaphore, #tpu.memory_space<semaphore_mem>> -> memref<!tpu.dma_semaphore, #tpu.memory_space<semaphore_mem>>
        tpu.enqueue_indirect_dma source(%dma_start3A_393 : memref<100000x128xf32, #tpu.memory_space<hbm>>) target(%dma_start3A_389 : memref<128x128xf32, #tpu.memory_space<vmem>>) offsets(%dma_start3A_390 : memref<128xi32, #tpu.memory_space<vmem>>) semaphore(%dma_start3A_395 : memref<!tpu.dma_semaphore, #tpu.memory_space<semaphore_mem>>)
      } else {
      }
      %mul3A_237 = arith.constant 5 : i32
      %mul3A_238 = arith.muli %scan3A_155, %mul3A_237 : i32
      %add3A_239 = arith.constant 2 : i32
      %add3A_240 = arith.addi %mul3A_238, %add3A_239 : i32
      %dma_wait3A_241 = arith.constant 2 : i32
      %dma_wait3A_242 = arith.constant 2 : i32
      %dma_wait3A_243 = arith.constant 0 : i32
      %dma_wait3A_244 = arith.constant 0 : i32
      %dma_wait3A_245 = tpu.memref_slice %arg6[%dma_wait3A_241, %dma_wait3A_243, %dma_wait3A_244] : memref<5x128x128xf32, #tpu.memory_space<vmem>> -> memref<1x128x128xf32, #tpu.memory_space<vmem>>
      %dma_wait3A_246 = tpu.memref_squeeze %dma_wait3A_245 : memref<1x128x128xf32, #tpu.memory_space<vmem>> -> memref<128x128xf32, #tpu.memory_space<vmem>>
      %dma_wait3A_247 = arith.constant 0 : i32
      %dma_wait3A_248 = tpu.memref_slice %arg5[%dma_wait3A_247] : memref<6400xi32, #tpu.memory_space<vmem>> -> memref<128xi32, #tpu.memory_space<vmem>>
      %dma_wait3A_249 = arith.constant 0 : i32
      %dma_wait3A_250 = arith.constant 0 : i32
      %dma_wait3A_251 = tpu.memref_slice %arg3[%dma_wait3A_249, %dma_wait3A_250] : memref<100000x128xf32, #tpu.memory_space<hbm>> -> memref<100000x128xf32, #tpu.memory_space<hbm>>
      %dma_wait3A_252 = tpu.memref_slice %arg7[%dma_wait3A_242] : memref<5x!tpu.dma_semaphore, #tpu.memory_space<semaphore_mem>> -> memref<1x!tpu.dma_semaphore, #tpu.memory_space<semaphore_mem>>
      %dma_wait3A_253 = tpu.memref_squeeze %dma_wait3A_252 : memref<1x!tpu.dma_semaphore, #tpu.memory_space<semaphore_mem>> -> memref<!tpu.dma_semaphore, #tpu.memory_space<semaphore_mem>>
      tpu.wait_indirect_dma semaphore(%dma_wait3A_253 : memref<!tpu.dma_semaphore, #tpu.memory_space<semaphore_mem>>) src(%dma_wait3A_251 : memref<100000x128xf32, #tpu.memory_space<hbm>>) dst(%dma_wait3A_246 : memref<128x128xf32, #tpu.memory_space<vmem>>)
      %mul3A_254 = arith.constant 128 : i32
      %mul3A_255 = arith.muli %add3A_240, %mul3A_254 : i32
      %multiple_of3A_256 = tpu.assume_multiple %mul3A_255, 128 : i32
      %add3A_257 = arith.addi %mul3A_2, %multiple_of3A_256 : i32
      %dma_start3A_258 = arith.constant 2 : i32
      %dma_start3A_259 = arith.constant 2 : i32
      %dma_start3A_260 = arith.constant 0 : i32
      %dma_start3A_261 = arith.constant 0 : i32
      %dma_start3A_262 = tpu.memref_slice %arg6[%dma_start3A_258, %dma_start3A_260, %dma_start3A_261] : memref<5x128x128xf32, #tpu.memory_space<vmem>> -> memref<1x128x128xf32, #tpu.memory_space<vmem>>
      %dma_start3A_263 = tpu.memref_squeeze %dma_start3A_262 : memref<1x128x128xf32, #tpu.memory_space<vmem>> -> memref<128x128xf32, #tpu.memory_space<vmem>>
      %dma_start3A_264 = arith.constant 0 : i32
      %dma_start3A_265 = tpu.memref_slice %arg4[%add3A_257, %dma_start3A_264] : memref<204800x128xf32, #tpu.memory_space<hbm>> -> memref<128x128xf32, #tpu.memory_space<hbm>>
      %dma_start3A_266 = tpu.memref_slice %arg8[%dma_start3A_259] : memref<5x!tpu.dma_semaphore, #tpu.memory_space<semaphore_mem>> -> memref<1x!tpu.dma_semaphore, #tpu.memory_space<semaphore_mem>>
      %dma_start3A_267 = tpu.memref_squeeze %dma_start3A_266 : memref<1x!tpu.dma_semaphore, #tpu.memory_space<semaphore_mem>> -> memref<!tpu.dma_semaphore, #tpu.memory_space<semaphore_mem>>
      %dma_start3A_268 = arith.constant 0 : i32
      %dma_start3A_269 = tpu.memref_slice %arg4[%add3A_257, %dma_start3A_268] : memref<204800x128xf32, #tpu.memory_space<hbm>> -> memref<128x128xf32, #tpu.memory_space<hbm>>
      %dma_start3A_270 = arith.constant 0 : i32
      %dma_start3A_271 = arith.constant 0 : i32
      %dma_start3A_272 = tpu.memref_slice %arg6[%dma_start3A_258, %dma_start3A_270, %dma_start3A_271] : memref<5x128x128xf32, #tpu.memory_space<vmem>> -> memref<1x128x128xf32, #tpu.memory_space<vmem>>
      %dma_start3A_273 = tpu.memref_squeeze %dma_start3A_272 : memref<1x128x128xf32, #tpu.memory_space<vmem>> -> memref<128x128xf32, #tpu.memory_space<vmem>>
      tpu.enqueue_dma source(%dma_start3A_273 : memref<128x128xf32, #tpu.memory_space<vmem>>) target(%dma_start3A_269 : memref<128x128xf32, #tpu.memory_space<hbm>>) target_semaphore(%dma_start3A_267 : memref<!tpu.dma_semaphore, #tpu.memory_space<semaphore_mem>>)
      %lt3A_274 = arith.constant 9 : i32
      %lt3A_275 = arith.cmpi slt, %scan3A_155, %lt3A_274 : i32
      %convert_element_type3A_276 = arith.extui %lt3A_275 : i1 to i32
      %cond3A_277 = arith.constant 0 : i32
      %cond3A_278 = arith.cmpi ne, %convert_element_type3A_276, %cond3A_277 : i32
      scf.if %cond3A_278 {
        %dma_wait3A_363 = arith.constant 2 : i32
        %dma_wait3A_364 = arith.constant 2 : i32
        %dma_wait3A_365 = arith.constant 0 : i32
        %dma_wait3A_366 = arith.constant 0 : i32
        %dma_wait3A_367 = tpu.memref_slice %arg6[%dma_wait3A_363, %dma_wait3A_365, %dma_wait3A_366] : memref<5x128x128xf32, #tpu.memory_space<vmem>> -> memref<1x128x128xf32, #tpu.memory_space<vmem>>
        %dma_wait3A_368 = tpu.memref_squeeze %dma_wait3A_367 : memref<1x128x128xf32, #tpu.memory_space<vmem>> -> memref<128x128xf32, #tpu.memory_space<vmem>>
        %dma_wait3A_369 = arith.constant 0 : i32
        %dma_wait3A_370 = tpu.memref_slice %arg4[%mul3A_2, %dma_wait3A_369] : memref<204800x128xf32, #tpu.memory_space<hbm>> -> memref<128x128xf32, #tpu.memory_space<hbm>>
        %dma_wait3A_371 = tpu.memref_slice %arg8[%dma_wait3A_364] : memref<5x!tpu.dma_semaphore, #tpu.memory_space<semaphore_mem>> -> memref<1x!tpu.dma_semaphore, #tpu.memory_space<semaphore_mem>>
        %dma_wait3A_372 = tpu.memref_squeeze %dma_wait3A_371 : memref<1x!tpu.dma_semaphore, #tpu.memory_space<semaphore_mem>> -> memref<!tpu.dma_semaphore, #tpu.memory_space<semaphore_mem>>
        %dma_wait3A_373 = arith.constant 0 : i32
        %dma_wait3A_374 = tpu.memref_slice %arg4[%mul3A_2, %dma_wait3A_373] : memref<204800x128xf32, #tpu.memory_space<hbm>> -> memref<128x128xf32, #tpu.memory_space<hbm>>
        %dma_wait3A_375 = arith.constant 0 : i32
        %dma_wait3A_376 = arith.constant 0 : i32
        %dma_wait3A_377 = tpu.memref_slice %arg6[%dma_wait3A_363, %dma_wait3A_375, %dma_wait3A_376] : memref<5x128x128xf32, #tpu.memory_space<vmem>> -> memref<1x128x128xf32, #tpu.memory_space<vmem>>
        %dma_wait3A_378 = tpu.memref_squeeze %dma_wait3A_377 : memref<1x128x128xf32, #tpu.memory_space<vmem>> -> memref<128x128xf32, #tpu.memory_space<vmem>>
        tpu.wait_dma2 semaphore(%dma_wait3A_372 : memref<!tpu.dma_semaphore, #tpu.memory_space<semaphore_mem>>) src(%dma_wait3A_378 : memref<128x128xf32, #tpu.memory_space<vmem>>) dst(%dma_wait3A_374 : memref<128x128xf32, #tpu.memory_space<hbm>>)
        %add3A_379 = arith.constant 5 : i32
        %add3A_380 = arith.addi %add3A_240, %add3A_379 : i32
        %mul3A_381 = arith.constant 128 : i32
        %mul3A_382 = arith.muli %add3A_380, %mul3A_381 : i32
        %multiple_of3A_383 = tpu.assume_multiple %mul3A_382, 128 : i32
        %dma_start3A_384 = arith.constant 2 : i32
        %dma_start3A_385 = arith.constant 2 : i32
        %dma_start3A_386 = arith.constant 0 : i32
        %dma_start3A_387 = arith.constant 0 : i32
        %dma_start3A_388 = tpu.memref_slice %arg6[%dma_start3A_384, %dma_start3A_386, %dma_start3A_387] : memref<5x128x128xf32, #tpu.memory_space<vmem>> -> memref<1x128x128xf32, #tpu.memory_space<vmem>>
        %dma_start3A_389 = tpu.memref_squeeze %dma_start3A_388 : memref<1x128x128xf32, #tpu.memory_space<vmem>> -> memref<128x128xf32, #tpu.memory_space<vmem>>
        %dma_start3A_390 = tpu.memref_slice %arg5[%multiple_of3A_383] : memref<6400xi32, #tpu.memory_space<vmem>> -> memref<128xi32, #tpu.memory_space<vmem>>
        %dma_start3A_391 = arith.constant 0 : i32
        %dma_start3A_392 = arith.constant 0 : i32
        %dma_start3A_393 = tpu.memref_slice %arg3[%dma_start3A_391, %dma_start3A_392] : memref<100000x128xf32, #tpu.memory_space<hbm>> -> memref<100000x128xf32, #tpu.memory_space<hbm>>
        %dma_start3A_394 = tpu.memref_slice %arg7[%dma_start3A_385] : memref<5x!tpu.dma_semaphore, #tpu.memory_space<semaphore_mem>> -> memref<1x!tpu.dma_semaphore, #tpu.memory_space<semaphore_mem>>
        %dma_start3A_395 = tpu.memref_squeeze %dma_start3A_394 : memref<1x!tpu.dma_semaphore, #tpu.memory_space<semaphore_mem>> -> memref<!tpu.dma_semaphore, #tpu.memory_space<semaphore_mem>>
        tpu.enqueue_indirect_dma source(%dma_start3A_393 : memref<100000x128xf32, #tpu.memory_space<hbm>>) target(%dma_start3A_389 : memref<128x128xf32, #tpu.memory_space<vmem>>) offsets(%dma_start3A_390 : memref<128xi32, #tpu.memory_space<vmem>>) semaphore(%dma_start3A_395 : memref<!tpu.dma_semaphore, #tpu.memory_space<semaphore_mem>>)
      } else {
      }
      %mul3A_279 = arith.constant 5 : i32
      %mul3A_280 = arith.muli %scan3A_155, %mul3A_279 : i32
      %add3A_281 = arith.constant 3 : i32
      %add3A_282 = arith.addi %mul3A_280, %add3A_281 : i32
      %dma_wait3A_283 = arith.constant 3 : i32
      %dma_wait3A_284 = arith.constant 3 : i32
      %dma_wait3A_285 = arith.constant 0 : i32
      %dma_wait3A_286 = arith.constant 0 : i32
      %dma_wait3A_287 = tpu.memref_slice %arg6[%dma_wait3A_283, %dma_wait3A_285, %dma_wait3A_286] : memref<5x128x128xf32, #tpu.memory_space<vmem>> -> memref<1x128x128xf32, #tpu.memory_space<vmem>>
      %dma_wait3A_288 = tpu.memref_squeeze %dma_wait3A_287 : memref<1x128x128xf32, #tpu.memory_space<vmem>> -> memref<128x128xf32, #tpu.memory_space<vmem>>
      %dma_wait3A_289 = arith.constant 0 : i32
      %dma_wait3A_290 = tpu.memref_slice %arg5[%dma_wait3A_289] : memref<6400xi32, #tpu.memory_space<vmem>> -> memref<128xi32, #tpu.memory_space<vmem>>
      %dma_wait3A_291 = arith.constant 0 : i32
      %dma_wait3A_292 = arith.constant 0 : i32
      %dma_wait3A_293 = tpu.memref_slice %arg3[%dma_wait3A_291, %dma_wait3A_292] : memref<100000x128xf32, #tpu.memory_space<hbm>> -> memref<100000x128xf32, #tpu.memory_space<hbm>>
      %dma_wait3A_294 = tpu.memref_slice %arg7[%dma_wait3A_284] : memref<5x!tpu.dma_semaphore, #tpu.memory_space<semaphore_mem>> -> memref<1x!tpu.dma_semaphore, #tpu.memory_space<semaphore_mem>>
      %dma_wait3A_295 = tpu.memref_squeeze %dma_wait3A_294 : memref<1x!tpu.dma_semaphore, #tpu.memory_space<semaphore_mem>> -> memref<!tpu.dma_semaphore, #tpu.memory_space<semaphore_mem>>
      tpu.wait_indirect_dma semaphore(%dma_wait3A_295 : memref<!tpu.dma_semaphore, #tpu.memory_space<semaphore_mem>>) src(%dma_wait3A_293 : memref<100000x128xf32, #tpu.memory_space<hbm>>) dst(%dma_wait3A_288 : memref<128x128xf32, #tpu.memory_space<vmem>>)
      %mul3A_296 = arith.constant 128 : i32
      %mul3A_297 = arith.muli %add3A_282, %mul3A_296 : i32
      %multiple_of3A_298 = tpu.assume_multiple %mul3A_297, 128 : i32
      %add3A_299 = arith.addi %mul3A_2, %multiple_of3A_298 : i32
      %dma_start3A_300 = arith.constant 3 : i32
      %dma_start3A_301 = arith.constant 3 : i32
      %dma_start3A_302 = arith.constant 0 : i32
      %dma_start3A_303 = arith.constant 0 : i32
      %dma_start3A_304 = tpu.memref_slice %arg6[%dma_start3A_300, %dma_start3A_302, %dma_start3A_303] : memref<5x128x128xf32, #tpu.memory_space<vmem>> -> memref<1x128x128xf32, #tpu.memory_space<vmem>>
      %dma_start3A_305 = tpu.memref_squeeze %dma_start3A_304 : memref<1x128x128xf32, #tpu.memory_space<vmem>> -> memref<128x128xf32, #tpu.memory_space<vmem>>
      %dma_start3A_306 = arith.constant 0 : i32
      %dma_start3A_307 = tpu.memref_slice %arg4[%add3A_299, %dma_start3A_306] : memref<204800x128xf32, #tpu.memory_space<hbm>> -> memref<128x128xf32, #tpu.memory_space<hbm>>
      %dma_start3A_308 = tpu.memref_slice %arg8[%dma_start3A_301] : memref<5x!tpu.dma_semaphore, #tpu.memory_space<semaphore_mem>> -> memref<1x!tpu.dma_semaphore, #tpu.memory_space<semaphore_mem>>
      %dma_start3A_309 = tpu.memref_squeeze %dma_start3A_308 : memref<1x!tpu.dma_semaphore, #tpu.memory_space<semaphore_mem>> -> memref<!tpu.dma_semaphore, #tpu.memory_space<semaphore_mem>>
      %dma_start3A_310 = arith.constant 0 : i32
      %dma_start3A_311 = tpu.memref_slice %arg4[%add3A_299, %dma_start3A_310] : memref<204800x128xf32, #tpu.memory_space<hbm>> -> memref<128x128xf32, #tpu.memory_space<hbm>>
      %dma_start3A_312 = arith.constant 0 : i32
      %dma_start3A_313 = arith.constant 0 : i32
      %dma_start3A_314 = tpu.memref_slice %arg6[%dma_start3A_300, %dma_start3A_312, %dma_start3A_313] : memref<5x128x128xf32, #tpu.memory_space<vmem>> -> memref<1x128x128xf32, #tpu.memory_space<vmem>>
      %dma_start3A_315 = tpu.memref_squeeze %dma_start3A_314 : memref<1x128x128xf32, #tpu.memory_space<vmem>> -> memref<128x128xf32, #tpu.memory_space<vmem>>
      tpu.enqueue_dma source(%dma_start3A_315 : memref<128x128xf32, #tpu.memory_space<vmem>>) target(%dma_start3A_311 : memref<128x128xf32, #tpu.memory_space<hbm>>) target_semaphore(%dma_start3A_309 : memref<!tpu.dma_semaphore, #tpu.memory_space<semaphore_mem>>)
      %lt3A_316 = arith.constant 9 : i32
      %lt3A_317 = arith.cmpi slt, %scan3A_155, %lt3A_316 : i32
      %convert_element_type3A_318 = arith.extui %lt3A_317 : i1 to i32
      %cond3A_319 = arith.constant 0 : i32
      %cond3A_320 = arith.cmpi ne, %convert_element_type3A_318, %cond3A_319 : i32
      scf.if %cond3A_320 {
        %dma_wait3A_363 = arith.constant 3 : i32
        %dma_wait3A_364 = arith.constant 3 : i32
        %dma_wait3A_365 = arith.constant 0 : i32
        %dma_wait3A_366 = arith.constant 0 : i32
        %dma_wait3A_367 = tpu.memref_slice %arg6[%dma_wait3A_363, %dma_wait3A_365, %dma_wait3A_366] : memref<5x128x128xf32, #tpu.memory_space<vmem>> -> memref<1x128x128xf32, #tpu.memory_space<vmem>>
        %dma_wait3A_368 = tpu.memref_squeeze %dma_wait3A_367 : memref<1x128x128xf32, #tpu.memory_space<vmem>> -> memref<128x128xf32, #tpu.memory_space<vmem>>
        %dma_wait3A_369 = arith.constant 0 : i32
        %dma_wait3A_370 = tpu.memref_slice %arg4[%mul3A_2, %dma_wait3A_369] : memref<204800x128xf32, #tpu.memory_space<hbm>> -> memref<128x128xf32, #tpu.memory_space<hbm>>
        %dma_wait3A_371 = tpu.memref_slice %arg8[%dma_wait3A_364] : memref<5x!tpu.dma_semaphore, #tpu.memory_space<semaphore_mem>> -> memref<1x!tpu.dma_semaphore, #tpu.memory_space<semaphore_mem>>
        %dma_wait3A_372 = tpu.memref_squeeze %dma_wait3A_371 : memref<1x!tpu.dma_semaphore, #tpu.memory_space<semaphore_mem>> -> memref<!tpu.dma_semaphore, #tpu.memory_space<semaphore_mem>>
        %dma_wait3A_373 = arith.constant 0 : i32
        %dma_wait3A_374 = tpu.memref_slice %arg4[%mul3A_2, %dma_wait3A_373] : memref<204800x128xf32, #tpu.memory_space<hbm>> -> memref<128x128xf32, #tpu.memory_space<hbm>>
        %dma_wait3A_375 = arith.constant 0 : i32
        %dma_wait3A_376 = arith.constant 0 : i32
        %dma_wait3A_377 = tpu.memref_slice %arg6[%dma_wait3A_363, %dma_wait3A_375, %dma_wait3A_376] : memref<5x128x128xf32, #tpu.memory_space<vmem>> -> memref<1x128x128xf32, #tpu.memory_space<vmem>>
        %dma_wait3A_378 = tpu.memref_squeeze %dma_wait3A_377 : memref<1x128x128xf32, #tpu.memory_space<vmem>> -> memref<128x128xf32, #tpu.memory_space<vmem>>
        tpu.wait_dma2 semaphore(%dma_wait3A_372 : memref<!tpu.dma_semaphore, #tpu.memory_space<semaphore_mem>>) src(%dma_wait3A_378 : memref<128x128xf32, #tpu.memory_space<vmem>>) dst(%dma_wait3A_374 : memref<128x128xf32, #tpu.memory_space<hbm>>)
        %add3A_379 = arith.constant 5 : i32
        %add3A_380 = arith.addi %add3A_282, %add3A_379 : i32
        %mul3A_381 = arith.constant 128 : i32
        %mul3A_382 = arith.muli %add3A_380, %mul3A_381 : i32
        %multiple_of3A_383 = tpu.assume_multiple %mul3A_382, 128 : i32
        %dma_start3A_384 = arith.constant 3 : i32
        %dma_start3A_385 = arith.constant 3 : i32
        %dma_start3A_386 = arith.constant 0 : i32
        %dma_start3A_387 = arith.constant 0 : i32
        %dma_start3A_388 = tpu.memref_slice %arg6[%dma_start3A_384, %dma_start3A_386, %dma_start3A_387] : memref<5x128x128xf32, #tpu.memory_space<vmem>> -> memref<1x128x128xf32, #tpu.memory_space<vmem>>
        %dma_start3A_389 = tpu.memref_squeeze %dma_start3A_388 : memref<1x128x128xf32, #tpu.memory_space<vmem>> -> memref<128x128xf32, #tpu.memory_space<vmem>>
        %dma_start3A_390 = tpu.memref_slice %arg5[%multiple_of3A_383] : memref<6400xi32, #tpu.memory_space<vmem>> -> memref<128xi32, #tpu.memory_space<vmem>>
        %dma_start3A_391 = arith.constant 0 : i32
        %dma_start3A_392 = arith.constant 0 : i32
        %dma_start3A_393 = tpu.memref_slice %arg3[%dma_start3A_391, %dma_start3A_392] : memref<100000x128xf32, #tpu.memory_space<hbm>> -> memref<100000x128xf32, #tpu.memory_space<hbm>>
        %dma_start3A_394 = tpu.memref_slice %arg7[%dma_start3A_385] : memref<5x!tpu.dma_semaphore, #tpu.memory_space<semaphore_mem>> -> memref<1x!tpu.dma_semaphore, #tpu.memory_space<semaphore_mem>>
        %dma_start3A_395 = tpu.memref_squeeze %dma_start3A_394 : memref<1x!tpu.dma_semaphore, #tpu.memory_space<semaphore_mem>> -> memref<!tpu.dma_semaphore, #tpu.memory_space<semaphore_mem>>
        tpu.enqueue_indirect_dma source(%dma_start3A_393 : memref<100000x128xf32, #tpu.memory_space<hbm>>) target(%dma_start3A_389 : memref<128x128xf32, #tpu.memory_space<vmem>>) offsets(%dma_start3A_390 : memref<128xi32, #tpu.memory_space<vmem>>) semaphore(%dma_start3A_395 : memref<!tpu.dma_semaphore, #tpu.memory_space<semaphore_mem>>)
      } else {
      }
      %mul3A_321 = arith.constant 5 : i32
      %mul3A_322 = arith.muli %scan3A_155, %mul3A_321 : i32
      %add3A_323 = arith.constant 4 : i32
      %add3A_324 = arith.addi %mul3A_322, %add3A_323 : i32
      %dma_wait3A_325 = arith.constant 4 : i32
      %dma_wait3A_326 = arith.constant 4 : i32
      %dma_wait3A_327 = arith.constant 0 : i32
      %dma_wait3A_328 = arith.constant 0 : i32
      %dma_wait3A_329 = tpu.memref_slice %arg6[%dma_wait3A_325, %dma_wait3A_327, %dma_wait3A_328] : memref<5x128x128xf32, #tpu.memory_space<vmem>> -> memref<1x128x128xf32, #tpu.memory_space<vmem>>
      %dma_wait3A_330 = tpu.memref_squeeze %dma_wait3A_329 : memref<1x128x128xf32, #tpu.memory_space<vmem>> -> memref<128x128xf32, #tpu.memory_space<vmem>>
      %dma_wait3A_331 = arith.constant 0 : i32
      %dma_wait3A_332 = tpu.memref_slice %arg5[%dma_wait3A_331] : memref<6400xi32, #tpu.memory_space<vmem>> -> memref<128xi32, #tpu.memory_space<vmem>>
      %dma_wait3A_333 = arith.constant 0 : i32
      %dma_wait3A_334 = arith.constant 0 : i32
      %dma_wait3A_335 = tpu.memref_slice %arg3[%dma_wait3A_333, %dma_wait3A_334] : memref<100000x128xf32, #tpu.memory_space<hbm>> -> memref<100000x128xf32, #tpu.memory_space<hbm>>
      %dma_wait3A_336 = tpu.memref_slice %arg7[%dma_wait3A_326] : memref<5x!tpu.dma_semaphore, #tpu.memory_space<semaphore_mem>> -> memref<1x!tpu.dma_semaphore, #tpu.memory_space<semaphore_mem>>
      %dma_wait3A_337 = tpu.memref_squeeze %dma_wait3A_336 : memref<1x!tpu.dma_semaphore, #tpu.memory_space<semaphore_mem>> -> memref<!tpu.dma_semaphore, #tpu.memory_space<semaphore_mem>>
      tpu.wait_indirect_dma semaphore(%dma_wait3A_337 : memref<!tpu.dma_semaphore, #tpu.memory_space<semaphore_mem>>) src(%dma_wait3A_335 : memref<100000x128xf32, #tpu.memory_space<hbm>>) dst(%dma_wait3A_330 : memref<128x128xf32, #tpu.memory_space<vmem>>)
      %mul3A_338 = arith.constant 128 : i32
      %mul3A_339 = arith.muli %add3A_324, %mul3A_338 : i32
      %multiple_of3A_340 = tpu.assume_multiple %mul3A_339, 128 : i32
      %add3A_341 = arith.addi %mul3A_2, %multiple_of3A_340 : i32
      %dma_start3A_342 = arith.constant 4 : i32
      %dma_start3A_343 = arith.constant 4 : i32
      %dma_start3A_344 = arith.constant 0 : i32
      %dma_start3A_345 = arith.constant 0 : i32
      %dma_start3A_346 = tpu.memref_slice %arg6[%dma_start3A_342, %dma_start3A_344, %dma_start3A_345] : memref<5x128x128xf32, #tpu.memory_space<vmem>> -> memref<1x128x128xf32, #tpu.memory_space<vmem>>
      %dma_start3A_347 = tpu.memref_squeeze %dma_start3A_346 : memref<1x128x128xf32, #tpu.memory_space<vmem>> -> memref<128x128xf32, #tpu.memory_space<vmem>>
      %dma_start3A_348 = arith.constant 0 : i32
      %dma_start3A_349 = tpu.memref_slice %arg4[%add3A_341, %dma_start3A_348] : memref<204800x128xf32, #tpu.memory_space<hbm>> -> memref<128x128xf32, #tpu.memory_space<hbm>>
      %dma_start3A_350 = tpu.memref_slice %arg8[%dma_start3A_343] : memref<5x!tpu.dma_semaphore, #tpu.memory_space<semaphore_mem>> -> memref<1x!tpu.dma_semaphore, #tpu.memory_space<semaphore_mem>>
      %dma_start3A_351 = tpu.memref_squeeze %dma_start3A_350 : memref<1x!tpu.dma_semaphore, #tpu.memory_space<semaphore_mem>> -> memref<!tpu.dma_semaphore, #tpu.memory_space<semaphore_mem>>
      %dma_start3A_352 = arith.constant 0 : i32
      %dma_start3A_353 = tpu.memref_slice %arg4[%add3A_341, %dma_start3A_352] : memref<204800x128xf32, #tpu.memory_space<hbm>> -> memref<128x128xf32, #tpu.memory_space<hbm>>
      %dma_start3A_354 = arith.constant 0 : i32
      %dma_start3A_355 = arith.constant 0 : i32
      %dma_start3A_356 = tpu.memref_slice %arg6[%dma_start3A_342, %dma_start3A_354, %dma_start3A_355] : memref<5x128x128xf32, #tpu.memory_space<vmem>> -> memref<1x128x128xf32, #tpu.memory_space<vmem>>
      %dma_start3A_357 = tpu.memref_squeeze %dma_start3A_356 : memref<1x128x128xf32, #tpu.memory_space<vmem>> -> memref<128x128xf32, #tpu.memory_space<vmem>>
      tpu.enqueue_dma source(%dma_start3A_357 : memref<128x128xf32, #tpu.memory_space<vmem>>) target(%dma_start3A_353 : memref<128x128xf32, #tpu.memory_space<hbm>>) target_semaphore(%dma_start3A_351 : memref<!tpu.dma_semaphore, #tpu.memory_space<semaphore_mem>>)
      %lt3A_358 = arith.constant 9 : i32
      %lt3A_359 = arith.cmpi slt, %scan3A_155, %lt3A_358 : i32
      %convert_element_type3A_360 = arith.extui %lt3A_359 : i1 to i32
      %cond3A_361 = arith.constant 0 : i32
      %cond3A_362 = arith.cmpi ne, %convert_element_type3A_360, %cond3A_361 : i32
      scf.if %cond3A_362 {
        %dma_wait3A_363 = arith.constant 4 : i32
        %dma_wait3A_364 = arith.constant 4 : i32
        %dma_wait3A_365 = arith.constant 0 : i32
        %dma_wait3A_366 = arith.constant 0 : i32
        %dma_wait3A_367 = tpu.memref_slice %arg6[%dma_wait3A_363, %dma_wait3A_365, %dma_wait3A_366] : memref<5x128x128xf32, #tpu.memory_space<vmem>> -> memref<1x128x128xf32, #tpu.memory_space<vmem>>
        %dma_wait3A_368 = tpu.memref_squeeze %dma_wait3A_367 : memref<1x128x128xf32, #tpu.memory_space<vmem>> -> memref<128x128xf32, #tpu.memory_space<vmem>>
        %dma_wait3A_369 = arith.constant 0 : i32
        %dma_wait3A_370 = tpu.memref_slice %arg4[%mul3A_2, %dma_wait3A_369] : memref<204800x128xf32, #tpu.memory_space<hbm>> -> memref<128x128xf32, #tpu.memory_space<hbm>>
        %dma_wait3A_371 = tpu.memref_slice %arg8[%dma_wait3A_364] : memref<5x!tpu.dma_semaphore, #tpu.memory_space<semaphore_mem>> -> memref<1x!tpu.dma_semaphore, #tpu.memory_space<semaphore_mem>>
        %dma_wait3A_372 = tpu.memref_squeeze %dma_wait3A_371 : memref<1x!tpu.dma_semaphore, #tpu.memory_space<semaphore_mem>> -> memref<!tpu.dma_semaphore, #tpu.memory_space<semaphore_mem>>
        %dma_wait3A_373 = arith.constant 0 : i32
        %dma_wait3A_374 = tpu.memref_slice %arg4[%mul3A_2, %dma_wait3A_373] : memref<204800x128xf32, #tpu.memory_space<hbm>> -> memref<128x128xf32, #tpu.memory_space<hbm>>
        %dma_wait3A_375 = arith.constant 0 : i32
        %dma_wait3A_376 = arith.constant 0 : i32
        %dma_wait3A_377 = tpu.memref_slice %arg6[%dma_wait3A_363, %dma_wait3A_375, %dma_wait3A_376] : memref<5x128x128xf32, #tpu.memory_space<vmem>> -> memref<1x128x128xf32, #tpu.memory_space<vmem>>
        %dma_wait3A_378 = tpu.memref_squeeze %dma_wait3A_377 : memref<1x128x128xf32, #tpu.memory_space<vmem>> -> memref<128x128xf32, #tpu.memory_space<vmem>>
        tpu.wait_dma2 semaphore(%dma_wait3A_372 : memref<!tpu.dma_semaphore, #tpu.memory_space<semaphore_mem>>) src(%dma_wait3A_378 : memref<128x128xf32, #tpu.memory_space<vmem>>) dst(%dma_wait3A_374 : memref<128x128xf32, #tpu.memory_space<hbm>>)
        %add3A_379 = arith.constant 5 : i32
        %add3A_380 = arith.addi %add3A_324, %add3A_379 : i32
        %mul3A_381 = arith.constant 128 : i32
        %mul3A_382 = arith.muli %add3A_380, %mul3A_381 : i32
        %multiple_of3A_383 = tpu.assume_multiple %mul3A_382, 128 : i32
        %dma_start3A_384 = arith.constant 4 : i32
        %dma_start3A_385 = arith.constant 4 : i32
        %dma_start3A_386 = arith.constant 0 : i32
        %dma_start3A_387 = arith.constant 0 : i32
        %dma_start3A_388 = tpu.memref_slice %arg6[%dma_start3A_384, %dma_start3A_386, %dma_start3A_387] : memref<5x128x128xf32, #tpu.memory_space<vmem>> -> memref<1x128x128xf32, #tpu.memory_space<vmem>>
        %dma_start3A_389 = tpu.memref_squeeze %dma_start3A_388 : memref<1x128x128xf32, #tpu.memory_space<vmem>> -> memref<128x128xf32, #tpu.memory_space<vmem>>
        %dma_start3A_390 = tpu.memref_slice %arg5[%multiple_of3A_383] : memref<6400xi32, #tpu.memory_space<vmem>> -> memref<128xi32, #tpu.memory_space<vmem>>
        %dma_start3A_391 = arith.constant 0 : i32
        %dma_start3A_392 = arith.constant 0 : i32
        %dma_start3A_393 = tpu.memref_slice %arg3[%dma_start3A_391, %dma_start3A_392] : memref<100000x128xf32, #tpu.memory_space<hbm>> -> memref<100000x128xf32, #tpu.memory_space<hbm>>
        %dma_start3A_394 = tpu.memref_slice %arg7[%dma_start3A_385] : memref<5x!tpu.dma_semaphore, #tpu.memory_space<semaphore_mem>> -> memref<1x!tpu.dma_semaphore, #tpu.memory_space<semaphore_mem>>
        %dma_start3A_395 = tpu.memref_squeeze %dma_start3A_394 : memref<1x!tpu.dma_semaphore, #tpu.memory_space<semaphore_mem>> -> memref<!tpu.dma_semaphore, #tpu.memory_space<semaphore_mem>>
        tpu.enqueue_indirect_dma source(%dma_start3A_393 : memref<100000x128xf32, #tpu.memory_space<hbm>>) target(%dma_start3A_389 : memref<128x128xf32, #tpu.memory_space<vmem>>) offsets(%dma_start3A_390 : memref<128xi32, #tpu.memory_space<vmem>>) semaphore(%dma_start3A_395 : memref<!tpu.dma_semaphore, #tpu.memory_space<semaphore_mem>>)
      } else {
      }
    }
    %scan3A_75 = arith.constant 10 : i32
    %dma_wait3A = arith.constant 0 : i32
    %dma_wait3A_76 = arith.constant 0 : i32
    %dma_wait3A_77 = arith.constant 0 : i32
    %dma_wait3A_78 = arith.constant 0 : i32
    %dma_wait3A_79 = tpu.memref_slice %arg6[%dma_wait3A, %dma_wait3A_77, %dma_wait3A_78] : memref<5x128x128xf32, #tpu.memory_space<vmem>> -> memref<1x128x128xf32, #tpu.memory_space<vmem>>
    %dma_wait3A_80 = tpu.memref_squeeze %dma_wait3A_79 : memref<1x128x128xf32, #tpu.memory_space<vmem>> -> memref<128x128xf32, #tpu.memory_space<vmem>>
    %dma_wait3A_81 = arith.constant 0 : i32
    %dma_wait3A_82 = tpu.memref_slice %arg4[%mul3A_2, %dma_wait3A_81] : memref<204800x128xf32, #tpu.memory_space<hbm>> -> memref<128x128xf32, #tpu.memory_space<hbm>>
    %dma_wait3A_83 = tpu.memref_slice %arg8[%dma_wait3A_76] : memref<5x!tpu.dma_semaphore, #tpu.memory_space<semaphore_mem>> -> memref<1x!tpu.dma_semaphore, #tpu.memory_space<semaphore_mem>>
    %dma_wait3A_84 = tpu.memref_squeeze %dma_wait3A_83 : memref<1x!tpu.dma_semaphore, #tpu.memory_space<semaphore_mem>> -> memref<!tpu.dma_semaphore, #tpu.memory_space<semaphore_mem>>
    %dma_wait3A_85 = arith.constant 0 : i32
    %dma_wait3A_86 = tpu.memref_slice %arg4[%mul3A_2, %dma_wait3A_85] : memref<204800x128xf32, #tpu.memory_space<hbm>> -> memref<128x128xf32, #tpu.memory_space<hbm>>
    %dma_wait3A_87 = arith.constant 0 : i32
    %dma_wait3A_88 = arith.constant 0 : i32
    %dma_wait3A_89 = tpu.memref_slice %arg6[%dma_wait3A, %dma_wait3A_87, %dma_wait3A_88] : memref<5x128x128xf32, #tpu.memory_space<vmem>> -> memref<1x128x128xf32, #tpu.memory_space<vmem>>
    %dma_wait3A_90 = tpu.memref_squeeze %dma_wait3A_89 : memref<1x128x128xf32, #tpu.memory_space<vmem>> -> memref<128x128xf32, #tpu.memory_space<vmem>>
    tpu.wait_dma2 semaphore(%dma_wait3A_84 : memref<!tpu.dma_semaphore, #tpu.memory_space<semaphore_mem>>) src(%dma_wait3A_90 : memref<128x128xf32, #tpu.memory_space<vmem>>) dst(%dma_wait3A_86 : memref<128x128xf32, #tpu.memory_space<hbm>>)
    %dma_wait3A_91 = arith.constant 1 : i32
    %dma_wait3A_92 = arith.constant 1 : i32
    %dma_wait3A_93 = arith.constant 0 : i32
    %dma_wait3A_94 = arith.constant 0 : i32
    %dma_wait3A_95 = tpu.memref_slice %arg6[%dma_wait3A_91, %dma_wait3A_93, %dma_wait3A_94] : memref<5x128x128xf32, #tpu.memory_space<vmem>> -> memref<1x128x128xf32, #tpu.memory_space<vmem>>
    %dma_wait3A_96 = tpu.memref_squeeze %dma_wait3A_95 : memref<1x128x128xf32, #tpu.memory_space<vmem>> -> memref<128x128xf32, #tpu.memory_space<vmem>>
    %dma_wait3A_97 = arith.constant 0 : i32
    %dma_wait3A_98 = tpu.memref_slice %arg4[%mul3A_2, %dma_wait3A_97] : memref<204800x128xf32, #tpu.memory_space<hbm>> -> memref<128x128xf32, #tpu.memory_space<hbm>>
    %dma_wait3A_99 = tpu.memref_slice %arg8[%dma_wait3A_92] : memref<5x!tpu.dma_semaphore, #tpu.memory_space<semaphore_mem>> -> memref<1x!tpu.dma_semaphore, #tpu.memory_space<semaphore_mem>>
    %dma_wait3A_100 = tpu.memref_squeeze %dma_wait3A_99 : memref<1x!tpu.dma_semaphore, #tpu.memory_space<semaphore_mem>> -> memref<!tpu.dma_semaphore, #tpu.memory_space<semaphore_mem>>
    %dma_wait3A_101 = arith.constant 0 : i32
    %dma_wait3A_102 = tpu.memref_slice %arg4[%mul3A_2, %dma_wait3A_101] : memref<204800x128xf32, #tpu.memory_space<hbm>> -> memref<128x128xf32, #tpu.memory_space<hbm>>
    %dma_wait3A_103 = arith.constant 0 : i32
    %dma_wait3A_104 = arith.constant 0 : i32
    %dma_wait3A_105 = tpu.memref_slice %arg6[%dma_wait3A_91, %dma_wait3A_103, %dma_wait3A_104] : memref<5x128x128xf32, #tpu.memory_space<vmem>> -> memref<1x128x128xf32, #tpu.memory_space<vmem>>
    %dma_wait3A_106 = tpu.memref_squeeze %dma_wait3A_105 : memref<1x128x128xf32, #tpu.memory_space<vmem>> -> memref<128x128xf32, #tpu.memory_space<vmem>>
    tpu.wait_dma2 semaphore(%dma_wait3A_100 : memref<!tpu.dma_semaphore, #tpu.memory_space<semaphore_mem>>) src(%dma_wait3A_106 : memref<128x128xf32, #tpu.memory_space<vmem>>) dst(%dma_wait3A_102 : memref<128x128xf32, #tpu.memory_space<hbm>>)
    %dma_wait3A_107 = arith.constant 2 : i32
    %dma_wait3A_108 = arith.constant 2 : i32
    %dma_wait3A_109 = arith.constant 0 : i32
    %dma_wait3A_110 = arith.constant 0 : i32
    %dma_wait3A_111 = tpu.memref_slice %arg6[%dma_wait3A_107, %dma_wait3A_109, %dma_wait3A_110] : memref<5x128x128xf32, #tpu.memory_space<vmem>> -> memref<1x128x128xf32, #tpu.memory_space<vmem>>
    %dma_wait3A_112 = tpu.memref_squeeze %dma_wait3A_111 : memref<1x128x128xf32, #tpu.memory_space<vmem>> -> memref<128x128xf32, #tpu.memory_space<vmem>>
    %dma_wait3A_113 = arith.constant 0 : i32
    %dma_wait3A_114 = tpu.memref_slice %arg4[%mul3A_2, %dma_wait3A_113] : memref<204800x128xf32, #tpu.memory_space<hbm>> -> memref<128x128xf32, #tpu.memory_space<hbm>>
    %dma_wait3A_115 = tpu.memref_slice %arg8[%dma_wait3A_108] : memref<5x!tpu.dma_semaphore, #tpu.memory_space<semaphore_mem>> -> memref<1x!tpu.dma_semaphore, #tpu.memory_space<semaphore_mem>>
    %dma_wait3A_116 = tpu.memref_squeeze %dma_wait3A_115 : memref<1x!tpu.dma_semaphore, #tpu.memory_space<semaphore_mem>> -> memref<!tpu.dma_semaphore, #tpu.memory_space<semaphore_mem>>
    %dma_wait3A_117 = arith.constant 0 : i32
    %dma_wait3A_118 = tpu.memref_slice %arg4[%mul3A_2, %dma_wait3A_117] : memref<204800x128xf32, #tpu.memory_space<hbm>> -> memref<128x128xf32, #tpu.memory_space<hbm>>
    %dma_wait3A_119 = arith.constant 0 : i32
    %dma_wait3A_120 = arith.constant 0 : i32
    %dma_wait3A_121 = tpu.memref_slice %arg6[%dma_wait3A_107, %dma_wait3A_119, %dma_wait3A_120] : memref<5x128x128xf32, #tpu.memory_space<vmem>> -> memref<1x128x128xf32, #tpu.memory_space<vmem>>
    %dma_wait3A_122 = tpu.memref_squeeze %dma_wait3A_121 : memref<1x128x128xf32, #tpu.memory_space<vmem>> -> memref<128x128xf32, #tpu.memory_space<vmem>>
    tpu.wait_dma2 semaphore(%dma_wait3A_116 : memref<!tpu.dma_semaphore, #tpu.memory_space<semaphore_mem>>) src(%dma_wait3A_122 : memref<128x128xf32, #tpu.memory_space<vmem>>) dst(%dma_wait3A_118 : memref<128x128xf32, #tpu.memory_space<hbm>>)
    %dma_wait3A_123 = arith.constant 3 : i32
    %dma_wait3A_124 = arith.constant 3 : i32
    %dma_wait3A_125 = arith.constant 0 : i32
    %dma_wait3A_126 = arith.constant 0 : i32
    %dma_wait3A_127 = tpu.memref_slice %arg6[%dma_wait3A_123, %dma_wait3A_125, %dma_wait3A_126] : memref<5x128x128xf32, #tpu.memory_space<vmem>> -> memref<1x128x128xf32, #tpu.memory_space<vmem>>
    %dma_wait3A_128 = tpu.memref_squeeze %dma_wait3A_127 : memref<1x128x128xf32, #tpu.memory_space<vmem>> -> memref<128x128xf32, #tpu.memory_space<vmem>>
    %dma_wait3A_129 = arith.constant 0 : i32
    %dma_wait3A_130 = tpu.memref_slice %arg4[%mul3A_2, %dma_wait3A_129] : memref<204800x128xf32, #tpu.memory_space<hbm>> -> memref<128x128xf32, #tpu.memory_space<hbm>>
    %dma_wait3A_131 = tpu.memref_slice %arg8[%dma_wait3A_124] : memref<5x!tpu.dma_semaphore, #tpu.memory_space<semaphore_mem>> -> memref<1x!tpu.dma_semaphore, #tpu.memory_space<semaphore_mem>>
    %dma_wait3A_132 = tpu.memref_squeeze %dma_wait3A_131 : memref<1x!tpu.dma_semaphore, #tpu.memory_space<semaphore_mem>> -> memref<!tpu.dma_semaphore, #tpu.memory_space<semaphore_mem>>
    %dma_wait3A_133 = arith.constant 0 : i32
    %dma_wait3A_134 = tpu.memref_slice %arg4[%mul3A_2, %dma_wait3A_133] : memref<204800x128xf32, #tpu.memory_space<hbm>> -> memref<128x128xf32, #tpu.memory_space<hbm>>
    %dma_wait3A_135 = arith.constant 0 : i32
    %dma_wait3A_136 = arith.constant 0 : i32
    %dma_wait3A_137 = tpu.memref_slice %arg6[%dma_wait3A_123, %dma_wait3A_135, %dma_wait3A_136] : memref<5x128x128xf32, #tpu.memory_space<vmem>> -> memref<1x128x128xf32, #tpu.memory_space<vmem>>
    %dma_wait3A_138 = tpu.memref_squeeze %dma_wait3A_137 : memref<1x128x128xf32, #tpu.memory_space<vmem>> -> memref<128x128xf32, #tpu.memory_space<vmem>>
    tpu.wait_dma2 semaphore(%dma_wait3A_132 : memref<!tpu.dma_semaphore, #tpu.memory_space<semaphore_mem>>) src(%dma_wait3A_138 : memref<128x128xf32, #tpu.memory_space<vmem>>) dst(%dma_wait3A_134 : memref<128x128xf32, #tpu.memory_space<hbm>>)
    %dma_wait3A_139 = arith.constant 4 : i32
    %dma_wait3A_140 = arith.constant 4 : i32
    %dma_wait3A_141 = arith.constant 0 : i32
    %dma_wait3A_142 = arith.constant 0 : i32
    %dma_wait3A_143 = tpu.memref_slice %arg6[%dma_wait3A_139, %dma_wait3A_141, %dma_wait3A_142] : memref<5x128x128xf32, #tpu.memory_space<vmem>> -> memref<1x128x128xf32, #tpu.memory_space<vmem>>
    %dma_wait3A_144 = tpu.memref_squeeze %dma_wait3A_143 : memref<1x128x128xf32, #tpu.memory_space<vmem>> -> memref<128x128xf32, #tpu.memory_space<vmem>>
    %dma_wait3A_145 = arith.constant 0 : i32
    %dma_wait3A_146 = tpu.memref_slice %arg4[%mul3A_2, %dma_wait3A_145] : memref<204800x128xf32, #tpu.memory_space<hbm>> -> memref<128x128xf32, #tpu.memory_space<hbm>>
    %dma_wait3A_147 = tpu.memref_slice %arg8[%dma_wait3A_140] : memref<5x!tpu.dma_semaphore, #tpu.memory_space<semaphore_mem>> -> memref<1x!tpu.dma_semaphore, #tpu.memory_space<semaphore_mem>>
    %dma_wait3A_148 = tpu.memref_squeeze %dma_wait3A_147 : memref<1x!tpu.dma_semaphore, #tpu.memory_space<semaphore_mem>> -> memref<!tpu.dma_semaphore, #tpu.memory_space<semaphore_mem>>
    %dma_wait3A_149 = arith.constant 0 : i32
    %dma_wait3A_150 = tpu.memref_slice %arg4[%mul3A_2, %dma_wait3A_149] : memref<204800x128xf32, #tpu.memory_space<hbm>> -> memref<128x128xf32, #tpu.memory_space<hbm>>
    %dma_wait3A_151 = arith.constant 0 : i32
    %dma_wait3A_152 = arith.constant 0 : i32
    %dma_wait3A_153 = tpu.memref_slice %arg6[%dma_wait3A_139, %dma_wait3A_151, %dma_wait3A_152] : memref<5x128x128xf32, #tpu.memory_space<vmem>> -> memref<1x128x128xf32, #tpu.memory_space<vmem>>
    %dma_wait3A_154 = tpu.memref_squeeze %dma_wait3A_153 : memref<1x128x128xf32, #tpu.memory_space<vmem>> -> memref<128x128xf32, #tpu.memory_space<vmem>>
    tpu.wait_dma2 semaphore(%dma_wait3A_148 : memref<!tpu.dma_semaphore, #tpu.memory_space<semaphore_mem>>) src(%dma_wait3A_154 : memref<128x128xf32, #tpu.memory_space<vmem>>) dst(%dma_wait3A_150 : memref<128x128xf32, #tpu.memory_space<hbm>>)
    return
  }
}

#map = affine_map<(d0, d1) -> (0)>
#map1 = affine_map<(d0, d1) -> (0, 0)>
module attributes {stable_mosaic.version = 14 : i64} {
  func.func @gather_kernel(%arg0: i32, %arg1: i32, %arg2: memref<204800xi32, #tpu.memory_space<hbm>>, %arg3: memref<100000x128xf32, #tpu.memory_space<hbm>>, %arg4: memref<204800x128xf32, #tpu.memory_space<hbm>>, %arg5: memref<6400xi32, #tpu.memory_space<vmem>>, %arg6: memref<5x128x128xf32, #tpu.memory_space<vmem>>, %arg7: memref<5x!tpu.dma_semaphore, #tpu.memory_space<semaphore_mem>>, %arg8: memref<5x!tpu.dma_semaphore, #tpu.memory_space<semaphore_mem>>) attributes {dimension_semantics = [#tpu.dimension_semantics<core_parallel>, #tpu.dimension_semantics<subcore_parallel>], iteration_bounds = array<i64: 2, 16>, scalar_prefetch = 0 : i64, scratch_operands = 4 : i64, tpu.core_type = #tpu.core_type<sc_vector_subcore>, window_params = [{transform_indices = #map}, {transform_indices = #map1}, {transform_indices = #map1}]} {
    %mul3A = arith.constant 2 : i32
    %mul3A_0 = arith.muli %arg1, %mul3A : i32
    %add3A = arith.addi %mul3A_0, %arg0 : i32
    %mul3A_1 = arith.constant 6400 : i32
    %mul3A_2 = arith.muli %add3A, %mul3A_1 : i32
    "tpu.region"() ({
      %run_scoped3A = tpu.sem_alloc : memref<!tpu.dma_semaphore, #tpu.memory_space<semaphore_mem>>
      %dma_start3A_155 = tpu.memref_slice %arg2[%mul3A_2] : memref<204800xi32, #tpu.memory_space<hbm>> -> memref<6400xi32, #tpu.memory_space<hbm>>
      %dma_start3A_156 = tpu.memref_slice %arg2[%mul3A_2] : memref<204800xi32, #tpu.memory_space<hbm>> -> memref<6400xi32, #tpu.memory_space<hbm>>
      tpu.enqueue_dma source(%dma_start3A_156 : memref<6400xi32, #tpu.memory_space<hbm>>) target(%arg5 : memref<6400xi32, #tpu.memory_space<vmem>>) target_semaphore(%run_scoped3A : memref<!tpu.dma_semaphore, #tpu.memory_space<semaphore_mem>>)
      %dma_wait3A_157 = tpu.memref_slice %arg2[%mul3A_2] : memref<204800xi32, #tpu.memory_space<hbm>> -> memref<6400xi32, #tpu.memory_space<hbm>>
      %dma_wait3A_158 = tpu.memref_slice %arg2[%mul3A_2] : memref<204800xi32, #tpu.memory_space<hbm>> -> memref<6400xi32, #tpu.memory_space<hbm>>
      tpu.wait_dma2 semaphore(%run_scoped3A : memref<!tpu.dma_semaphore, #tpu.memory_space<semaphore_mem>>) src(%dma_wait3A_158 : memref<6400xi32, #tpu.memory_space<hbm>>) dst(%arg5 : memref<6400xi32, #tpu.memory_space<vmem>>)
      tpu.yield
    }) : () -> ()
    %multiple_of3A = arith.constant 0 : i32
    %multiple_of3A_3 = tpu.assume_multiple %multiple_of3A, 128 : i32
    %dma_start3A = arith.constant 0 : i32
    %dma_start3A_4 = arith.constant 0 : i32
    %dma_start3A_5 = arith.constant 0 : i32
    %dma_start3A_6 = arith.constant 0 : i32
    %dma_start3A_7 = tpu.memref_slice %arg6[%dma_start3A, %dma_start3A_5, %dma_start3A_6] : memref<5x128x128xf32, #tpu.memory_space<vmem>> -> memref<1x128x128xf32, #tpu.memory_space<vmem>>
    %dma_start3A_8 = tpu.memref_squeeze %dma_start3A_7 : memref<1x128x128xf32, #tpu.memory_space<vmem>> -> memref<128x128xf32, #tpu.memory_space<vmem>>
    %dma_start3A_9 = tpu.memref_slice %arg5[%multiple_of3A_3] : memref<6400xi32, #tpu.memory_space<vmem>> -> memref<128xi32, #tpu.memory_space<vmem>>
    %dma_start3A_10 = arith.constant 0 : i32
    %dma_start3A_11 = arith.constant 0 : i32
    %dma_start3A_12 = tpu.memref_slice %arg3[%dma_start3A_10, %dma_start3A_11] : memref<100000x128xf32, #tpu.memory_space<hbm>> -> memref<100000x128xf32, #tpu.memory_space<hbm>>
    %dma_start3A_13 = tpu.memref_slice %arg7[%dma_start3A_4] : memref<5x!tpu.dma_semaphore, #tpu.memory_space<semaphore_mem>> -> memref<1x!tpu.dma_semaphore, #tpu.memory_space<semaphore_mem>>
    %dma_start3A_14 = tpu.memref_squeeze %dma_start3A_13 : memref<1x!tpu.dma_semaphore, #tpu.memory_space<semaphore_mem>> -> memref<!tpu.dma_semaphore, #tpu.memory_space<semaphore_mem>>
    tpu.enqueue_indirect_dma source(%dma_start3A_12 : memref<100000x128xf32, #tpu.memory_space<hbm>>) target(%dma_start3A_8 : memref<128x128xf32, #tpu.memory_space<vmem>>) offsets(%dma_start3A_9 : memref<128xi32, #tpu.memory_space<vmem>>) semaphore(%dma_start3A_14 : memref<!tpu.dma_semaphore, #tpu.memory_space<semaphore_mem>>)
    %multiple_of3A_15 = arith.constant 128 : i32
    %multiple_of3A_16 = tpu.assume_multiple %multiple_of3A_15, 128 : i32
    %dma_start3A_17 = arith.constant 1 : i32
    %dma_start3A_18 = arith.constant 1 : i32
    %dma_start3A_19 = arith.constant 0 : i32
    %dma_start3A_20 = arith.constant 0 : i32
    %dma_start3A_21 = tpu.memref_slice %arg6[%dma_start3A_17, %dma_start3A_19, %dma_start3A_20] : memref<5x128x128xf32, #tpu.memory_space<vmem>> -> memref<1x128x128xf32, #tpu.memory_space<vmem>>
    %dma_start3A_22 = tpu.memref_squeeze %dma_start3A_21 : memref<1x128x128xf32, #tpu.memory_space<vmem>> -> memref<128x128xf32, #tpu.memory_space<vmem>>
    %dma_start3A_23 = tpu.memref_slice %arg5[%multiple_of3A_16] : memref<6400xi32, #tpu.memory_space<vmem>> -> memref<128xi32, #tpu.memory_space<vmem>>
    %dma_start3A_24 = arith.constant 0 : i32
    %dma_start3A_25 = arith.constant 0 : i32
    %dma_start3A_26 = tpu.memref_slice %arg3[%dma_start3A_24, %dma_start3A_25] : memref<100000x128xf32, #tpu.memory_space<hbm>> -> memref<100000x128xf32, #tpu.memory_space<hbm>>
    %dma_start3A_27 = tpu.memref_slice %arg7[%dma_start3A_18] : memref<5x!tpu.dma_semaphore, #tpu.memory_space<semaphore_mem>> -> memref<1x!tpu.dma_semaphore, #tpu.memory_space<semaphore_mem>>
    %dma_start3A_28 = tpu.memref_squeeze %dma_start3A_27 : memref<1x!tpu.dma_semaphore, #tpu.memory_space<semaphore_mem>> -> memref<!tpu.dma_semaphore, #tpu.memory_space<semaphore_mem>>
    tpu.enqueue_indirect_dma source(%dma_start3A_26 : memref<100000x128xf32, #tpu.memory_space<hbm>>) target(%dma_start3A_22 : memref<128x128xf32, #tpu.memory_space<vmem>>) offsets(%dma_start3A_23 : memref<128xi32, #tpu.memory_space<vmem>>) semaphore(%dma_start3A_28 : memref<!tpu.dma_semaphore, #tpu.memory_space<semaphore_mem>>)
    %multiple_of3A_29 = arith.constant 256 : i32
    %multiple_of3A_30 = tpu.assume_multiple %multiple_of3A_29, 128 : i32
    %dma_start3A_31 = arith.constant 2 : i32
    %dma_start3A_32 = arith.constant 2 : i32
    %dma_start3A_33 = arith.constant 0 : i32
    %dma_start3A_34 = arith.constant 0 : i32
    %dma_start3A_35 = tpu.memref_slice %arg6[%dma_start3A_31, %dma_start3A_33, %dma_start3A_34] : memref<5x128x128xf32, #tpu.memory_space<vmem>> -> memref<1x128x128xf32, #tpu.memory_space<vmem>>
    %dma_start3A_36 = tpu.memref_squeeze %dma_start3A_35 : memref<1x128x128xf32, #tpu.memory_space<vmem>> -> memref<128x128xf32, #tpu.memory_space<vmem>>
    %dma_start3A_37 = tpu.memref_slice %arg5[%multiple_of3A_30] : memref<6400xi32, #tpu.memory_space<vmem>> -> memref<128xi32, #tpu.memory_space<vmem>>
    %dma_start3A_38 = arith.constant 0 : i32
    %dma_start3A_39 = arith.constant 0 : i32
    %dma_start3A_40 = tpu.memref_slice %arg3[%dma_start3A_38, %dma_start3A_39] : memref<100000x128xf32, #tpu.memory_space<hbm>> -> memref<100000x128xf32, #tpu.memory_space<hbm>>
    %dma_start3A_41 = tpu.memref_slice %arg7[%dma_start3A_32] : memref<5x!tpu.dma_semaphore, #tpu.memory_space<semaphore_mem>> -> memref<1x!tpu.dma_semaphore, #tpu.memory_space<semaphore_mem>>
    %dma_start3A_42 = tpu.memref_squeeze %dma_start3A_41 : memref<1x!tpu.dma_semaphore, #tpu.memory_space<semaphore_mem>> -> memref<!tpu.dma_semaphore, #tpu.memory_space<semaphore_mem>>
    tpu.enqueue_indirect_dma source(%dma_start3A_40 : memref<100000x128xf32, #tpu.memory_space<hbm>>) target(%dma_start3A_36 : memref<128x128xf32, #tpu.memory_space<vmem>>) offsets(%dma_start3A_37 : memref<128xi32, #tpu.memory_space<vmem>>) semaphore(%dma_start3A_42 : memref<!tpu.dma_semaphore, #tpu.memory_space<semaphore_mem>>)
    %multiple_of3A_43 = arith.constant 384 : i32
    %multiple_of3A_44 = tpu.assume_multiple %multiple_of3A_43, 128 : i32
    %dma_start3A_45 = arith.constant 3 : i32
    %dma_start3A_46 = arith.constant 3 : i32
    %dma_start3A_47 = arith.constant 0 : i32
    %dma_start3A_48 = arith.constant 0 : i32
    %dma_start3A_49 = tpu.memref_slice %arg6[%dma_start3A_45, %dma_start3A_47, %dma_start3A_48] : memref<5x128x128xf32, #tpu.memory_space<vmem>> -> memref<1x128x128xf32, #tpu.memory_space<vmem>>
    %dma_start3A_50 = tpu.memref_squeeze %dma_start3A_49 : memref<1x128x128xf32, #tpu.memory_space<vmem>> -> memref<128x128xf32, #tpu.memory_space<vmem>>
    %dma_start3A_51 = tpu.memref_slice %arg5[%multiple_of3A_44] : memref<6400xi32, #tpu.memory_space<vmem>> -> memref<128xi32, #tpu.memory_space<vmem>>
    %dma_start3A_52 = arith.constant 0 : i32
    %dma_start3A_53 = arith.constant 0 : i32
    %dma_start3A_54 = tpu.memref_slice %arg3[%dma_start3A_52, %dma_start3A_53] : memref<100000x128xf32, #tpu.memory_space<hbm>> -> memref<100000x128xf32, #tpu.memory_space<hbm>>
    %dma_start3A_55 = tpu.memref_slice %arg7[%dma_start3A_46] : memref<5x!tpu.dma_semaphore, #tpu.memory_space<semaphore_mem>> -> memref<1x!tpu.dma_semaphore, #tpu.memory_space<semaphore_mem>>
    %dma_start3A_56 = tpu.memref_squeeze %dma_start3A_55 : memref<1x!tpu.dma_semaphore, #tpu.memory_space<semaphore_mem>> -> memref<!tpu.dma_semaphore, #tpu.memory_space<semaphore_mem>>
    tpu.enqueue_indirect_dma source(%dma_start3A_54 : memref<100000x128xf32, #tpu.memory_space<hbm>>) target(%dma_start3A_50 : memref<128x128xf32, #tpu.memory_space<vmem>>) offsets(%dma_start3A_51 : memref<128xi32, #tpu.memory_space<vmem>>) semaphore(%dma_start3A_56 : memref<!tpu.dma_semaphore, #tpu.memory_space<semaphore_mem>>)
    %multiple_of3A_57 = arith.constant 512 : i32
    %multiple_of3A_58 = tpu.assume_multiple %multiple_of3A_57, 128 : i32
    %dma_start3A_59 = arith.constant 4 : i32
    %dma_start3A_60 = arith.constant 4 : i32
    %dma_start3A_61 = arith.constant 0 : i32
    %dma_start3A_62 = arith.constant 0 : i32
    %dma_start3A_63 = tpu.memref_slice %arg6[%dma_start3A_59, %dma_start3A_61, %dma_start3A_62] : memref<5x128x128xf32, #tpu.memory_space<vmem>> -> memref<1x128x128xf32, #tpu.memory_space<vmem>>
    %dma_start3A_64 = tpu.memref_squeeze %dma_start3A_63 : memref<1x128x128xf32, #tpu.memory_space<vmem>> -> memref<128x128xf32, #tpu.memory_space<vmem>>
    %dma_start3A_65 = tpu.memref_slice %arg5[%multiple_of3A_58] : memref<6400xi32, #tpu.memory_space<vmem>> -> memref<128xi32, #tpu.memory_space<vmem>>
    %dma_start3A_66 = arith.constant 0 : i32
    %dma_start3A_67 = arith.constant 0 : i32
    %dma_start3A_68 = tpu.memref_slice %arg3[%dma_start3A_66, %dma_start3A_67] : memref<100000x128xf32, #tpu.memory_space<hbm>> -> memref<100000x128xf32, #tpu.memory_space<hbm>>
    %dma_start3A_69 = tpu.memref_slice %arg7[%dma_start3A_60] : memref<5x!tpu.dma_semaphore, #tpu.memory_space<semaphore_mem>> -> memref<1x!tpu.dma_semaphore, #tpu.memory_space<semaphore_mem>>
    %dma_start3A_70 = tpu.memref_squeeze %dma_start3A_69 : memref<1x!tpu.dma_semaphore, #tpu.memory_space<semaphore_mem>> -> memref<!tpu.dma_semaphore, #tpu.memory_space<semaphore_mem>>
    tpu.enqueue_indirect_dma source(%dma_start3A_68 : memref<100000x128xf32, #tpu.memory_space<hbm>>) target(%dma_start3A_64 : memref<128x128xf32, #tpu.memory_space<vmem>>) offsets(%dma_start3A_65 : memref<128xi32, #tpu.memory_space<vmem>>) semaphore(%dma_start3A_70 : memref<!tpu.dma_semaphore, #tpu.memory_space<semaphore_mem>>)
    %scan3A = arith.constant 0 : i32
    %scan3A_71 = arith.constant 0 : i32
    %scan3A_72 = arith.constant 10 : i32
    %scan3A_73 = arith.addi %scan3A_71, %scan3A_72 : i32
    %scan3A_74 = arith.constant 1 : i32
    scf.for %scan3A_155 = %scan3A_71 to %scan3A_73 step %scan3A_74  : i32 {
      %mul3A_156 = arith.constant 5 : i32
      %mul3A_157 = arith.muli %scan3A_155, %mul3A_156 : i32
      %add3A_158 = arith.constant 0 : i32
      %add3A_159 = arith.addi %mul3A_157, %add3A_158 : i32
      %dma_wait3A_160 = arith.constant 0 : i32
      %dma_wait3A_161 = arith.constant 0 : i32
      %dma_wait3A_162 = arith.constant 0 : i32
      %dma_wait3A_163 = arith.constant 0 : i32
      %dma_wait3A_164 = tpu.memref_slice %arg6[%dma_wait3A_160, %dma_wait3A_162, %dma_wait3A_163] : memref<5x128x128xf32, #tpu.memory_space<vmem>> -> memref<1x128x128xf32, #tpu.memory_space<vmem>>
      %dma_wait3A_165 = tpu.memref_squeeze %dma_wait3A_164 : memref<1x128x128xf32, #tpu.memory_space<vmem>> -> memref<128x128xf32, #tpu.memory_space<vmem>>
      %dma_wait3A_166 = arith.constant 0 : i32
      %dma_wait3A_167 = tpu.memref_slice %arg5[%dma_wait3A_166] : memref<6400xi32, #tpu.memory_space<vmem>> -> memref<128xi32, #tpu.memory_space<vmem>>
      %dma_wait3A_168 = arith.constant 0 : i32
      %dma_wait3A_169 = arith.constant 0 : i32
      %dma_wait3A_170 = tpu.memref_slice %arg3[%dma_wait3A_168, %dma_wait3A_169] : memref<100000x128xf32, #tpu.memory_space<hbm>> -> memref<100000x128xf32, #tpu.memory_space<hbm>>
      %dma_wait3A_171 = tpu.memref_slice %arg7[%dma_wait3A_161] : memref<5x!tpu.dma_semaphore, #tpu.memory_space<semaphore_mem>> -> memref<1x!tpu.dma_semaphore, #tpu.memory_space<semaphore_mem>>
      %dma_wait3A_172 = tpu.memref_squeeze %dma_wait3A_171 : memref<1x!tpu.dma_semaphore, #tpu.memory_space<semaphore_mem>> -> memref<!tpu.dma_semaphore, #tpu.memory_space<semaphore_mem>>
      tpu.wait_indirect_dma semaphore(%dma_wait3A_172 : memref<!tpu.dma_semaphore, #tpu.memory_space<semaphore_mem>>) src(%dma_wait3A_170 : memref<100000x128xf32, #tpu.memory_space<hbm>>) dst(%dma_wait3A_165 : memref<128x128xf32, #tpu.memory_space<vmem>>)
      %mul3A_173 = arith.constant 128 : i32
      %mul3A_174 = arith.muli %add3A_159, %mul3A_173 : i32
      %multiple_of3A_175 = tpu.assume_multiple %mul3A_174, 128 : i32
      %add3A_176 = arith.addi %mul3A_2, %multiple_of3A_175 : i32
      %dma_start3A_177 = arith.constant 0 : i32
      %dma_start3A_178 = arith.constant 0 : i32
      %dma_start3A_179 = arith.constant 0 : i32
      %dma_start3A_180 = arith.constant 0 : i32
      %dma_start3A_181 = tpu.memref_slice %arg6[%dma_start3A_177, %dma_start3A_179, %dma_start3A_180] : memref<5x128x128xf32, #tpu.memory_space<vmem>> -> memref<1x128x128xf32, #tpu.memory_space<vmem>>
      %dma_start3A_182 = tpu.memref_squeeze %dma_start3A_181 : memref<1x128x128xf32, #tpu.memory_space<vmem>> -> memref<128x128xf32, #tpu.memory_space<vmem>>
      %dma_start3A_183 = arith.constant 0 : i32
      %dma_start3A_184 = tpu.memref_slice %arg4[%add3A_176, %dma_start3A_183] : memref<204800x128xf32, #tpu.memory_space<hbm>> -> memref<128x128xf32, #tpu.memory_space<hbm>>
      %dma_start3A_185 = tpu.memref_slice %arg8[%dma_start3A_178] : memref<5x!tpu.dma_semaphore, #tpu.memory_space<semaphore_mem>> -> memref<1x!tpu.dma_semaphore, #tpu.memory_space<semaphore_mem>>
      %dma_start3A_186 = tpu.memref_squeeze %dma_start3A_185 : memref<1x!tpu.dma_semaphore, #tpu.memory_space<semaphore_mem>> -> memref<!tpu.dma_semaphore, #tpu.memory_space<semaphore_mem>>
      %dma_start3A_187 = arith.constant 0 : i32
      %dma_start3A_188 = tpu.memref_slice %arg4[%add3A_176, %dma_start3A_187] : memref<204800x128xf32, #tpu.memory_space<hbm>> -> memref<128x128xf32, #tpu.memory_space<hbm>>
      %dma_start3A_189 = arith.constant 0 : i32
      %dma_start3A_190 = arith.constant 0 : i32
      %dma_start3A_191 = tpu.memref_slice %arg6[%dma_start3A_177, %dma_start3A_189, %dma_start3A_190] : memref<5x128x128xf32, #tpu.memory_space<vmem>> -> memref<1x128x128xf32, #tpu.memory_space<vmem>>
      %dma_start3A_192 = tpu.memref_squeeze %dma_start3A_191 : memref<1x128x128xf32, #tpu.memory_space<vmem>> -> memref<128x128xf32, #tpu.memory_space<vmem>>
      tpu.enqueue_dma source(%dma_start3A_192 : memref<128x128xf32, #tpu.memory_space<vmem>>) target(%dma_start3A_188 : memref<128x128xf32, #tpu.memory_space<hbm>>) target_semaphore(%dma_start3A_186 : memref<!tpu.dma_semaphore, #tpu.memory_space<semaphore_mem>>)
      %lt3A = arith.constant 9 : i32
      %lt3A_193 = arith.cmpi slt, %scan3A_155, %lt3A : i32
      %convert_element_type3A = arith.extui %lt3A_193 : i1 to i32
      %cond3A = arith.constant 0 : i32
      %cond3A_194 = arith.cmpi ne, %convert_element_type3A, %cond3A : i32
      scf.if %cond3A_194 {
        %dma_wait3A_363 = arith.constant 0 : i32
        %dma_wait3A_364 = arith.constant 0 : i32
        %dma_wait3A_365 = arith.constant 0 : i32
        %dma_wait3A_366 = arith.constant 0 : i32
        %dma_wait3A_367 = tpu.memref_slice %arg6[%dma_wait3A_363, %dma_wait3A_365, %dma_wait3A_366] : memref<5x128x128xf32, #tpu.memory_space<vmem>> -> memref<1x128x128xf32, #tpu.memory_space<vmem>>
        %dma_wait3A_368 = tpu.memref_squeeze %dma_wait3A_367 : memref<1x128x128xf32, #tpu.memory_space<vmem>> -> memref<128x128xf32, #tpu.memory_space<vmem>>
        %dma_wait3A_369 = arith.constant 0 : i32
        %dma_wait3A_370 = tpu.memref_slice %arg4[%mul3A_2, %dma_wait3A_369] : memref<204800x128xf32, #tpu.memory_space<hbm>> -> memref<128x128xf32, #tpu.memory_space<hbm>>
        %dma_wait3A_371 = tpu.memref_slice %arg8[%dma_wait3A_364] : memref<5x!tpu.dma_semaphore, #tpu.memory_space<semaphore_mem>> -> memref<1x!tpu.dma_semaphore, #tpu.memory_space<semaphore_mem>>
        %dma_wait3A_372 = tpu.memref_squeeze %dma_wait3A_371 : memref<1x!tpu.dma_semaphore, #tpu.memory_space<semaphore_mem>> -> memref<!tpu.dma_semaphore, #tpu.memory_space<semaphore_mem>>
        %dma_wait3A_373 = arith.constant 0 : i32
        %dma_wait3A_374 = tpu.memref_slice %arg4[%mul3A_2, %dma_wait3A_373] : memref<204800x128xf32, #tpu.memory_space<hbm>> -> memref<128x128xf32, #tpu.memory_space<hbm>>
        %dma_wait3A_375 = arith.constant 0 : i32
        %dma_wait3A_376 = arith.constant 0 : i32
        %dma_wait3A_377 = tpu.memref_slice %arg6[%dma_wait3A_363, %dma_wait3A_375, %dma_wait3A_376] : memref<5x128x128xf32, #tpu.memory_space<vmem>> -> memref<1x128x128xf32, #tpu.memory_space<vmem>>
        %dma_wait3A_378 = tpu.memref_squeeze %dma_wait3A_377 : memref<1x128x128xf32, #tpu.memory_space<vmem>> -> memref<128x128xf32, #tpu.memory_space<vmem>>
        tpu.wait_dma2 semaphore(%dma_wait3A_372 : memref<!tpu.dma_semaphore, #tpu.memory_space<semaphore_mem>>) src(%dma_wait3A_378 : memref<128x128xf32, #tpu.memory_space<vmem>>) dst(%dma_wait3A_374 : memref<128x128xf32, #tpu.memory_space<hbm>>)
        %add3A_379 = arith.constant 5 : i32
        %add3A_380 = arith.addi %add3A_159, %add3A_379 : i32
        %mul3A_381 = arith.constant 128 : i32
        %mul3A_382 = arith.muli %add3A_380, %mul3A_381 : i32
        %multiple_of3A_383 = tpu.assume_multiple %mul3A_382, 128 : i32
        %dma_start3A_384 = arith.constant 0 : i32
        %dma_start3A_385 = arith.constant 0 : i32
        %dma_start3A_386 = arith.constant 0 : i32
        %dma_start3A_387 = arith.constant 0 : i32
        %dma_start3A_388 = tpu.memref_slice %arg6[%dma_start3A_384, %dma_start3A_386, %dma_start3A_387] : memref<5x128x128xf32, #tpu.memory_space<vmem>> -> memref<1x128x128xf32, #tpu.memory_space<vmem>>
        %dma_start3A_389 = tpu.memref_squeeze %dma_start3A_388 : memref<1x128x128xf32, #tpu.memory_space<vmem>> -> memref<128x128xf32, #tpu.memory_space<vmem>>
        %dma_start3A_390 = tpu.memref_slice %arg5[%multiple_of3A_383] : memref<6400xi32, #tpu.memory_space<vmem>> -> memref<128xi32, #tpu.memory_space<vmem>>
        %dma_start3A_391 = arith.constant 0 : i32
        %dma_start3A_392 = arith.constant 0 : i32
        %dma_start3A_393 = tpu.memref_slice %arg3[%dma_start3A_391, %dma_start3A_392] : memref<100000x128xf32, #tpu.memory_space<hbm>> -> memref<100000x128xf32, #tpu.memory_space<hbm>>
        %dma_start3A_394 = tpu.memref_slice %arg7[%dma_start3A_385] : memref<5x!tpu.dma_semaphore, #tpu.memory_space<semaphore_mem>> -> memref<1x!tpu.dma_semaphore, #tpu.memory_space<semaphore_mem>>
        %dma_start3A_395 = tpu.memref_squeeze %dma_start3A_394 : memref<1x!tpu.dma_semaphore, #tpu.memory_space<semaphore_mem>> -> memref<!tpu.dma_semaphore, #tpu.memory_space<semaphore_mem>>
        tpu.enqueue_indirect_dma source(%dma_start3A_393 : memref<100000x128xf32, #tpu.memory_space<hbm>>) target(%dma_start3A_389 : memref<128x128xf32, #tpu.memory_space<vmem>>) offsets(%dma_start3A_390 : memref<128xi32, #tpu.memory_space<vmem>>) semaphore(%dma_start3A_395 : memref<!tpu.dma_semaphore, #tpu.memory_space<semaphore_mem>>)
      } else {
      }
      %mul3A_195 = arith.constant 5 : i32
      %mul3A_196 = arith.muli %scan3A_155, %mul3A_195 : i32
      %add3A_197 = arith.constant 1 : i32
      %add3A_198 = arith.addi %mul3A_196, %add3A_197 : i32
      %dma_wait3A_199 = arith.constant 1 : i32
      %dma_wait3A_200 = arith.constant 1 : i32
      %dma_wait3A_201 = arith.constant 0 : i32
      %dma_wait3A_202 = arith.constant 0 : i32
      %dma_wait3A_203 = tpu.memref_slice %arg6[%dma_wait3A_199, %dma_wait3A_201, %dma_wait3A_202] : memref<5x128x128xf32, #tpu.memory_space<vmem>> -> memref<1x128x128xf32, #tpu.memory_space<vmem>>
      %dma_wait3A_204 = tpu.memref_squeeze %dma_wait3A_203 : memref<1x128x128xf32, #tpu.memory_space<vmem>> -> memref<128x128xf32, #tpu.memory_space<vmem>>
      %dma_wait3A_205 = arith.constant 0 : i32
      %dma_wait3A_206 = tpu.memref_slice %arg5[%dma_wait3A_205] : memref<6400xi32, #tpu.memory_space<vmem>> -> memref<128xi32, #tpu.memory_space<vmem>>
      %dma_wait3A_207 = arith.constant 0 : i32
      %dma_wait3A_208 = arith.constant 0 : i32
      %dma_wait3A_209 = tpu.memref_slice %arg3[%dma_wait3A_207, %dma_wait3A_208] : memref<100000x128xf32, #tpu.memory_space<hbm>> -> memref<100000x128xf32, #tpu.memory_space<hbm>>
      %dma_wait3A_210 = tpu.memref_slice %arg7[%dma_wait3A_200] : memref<5x!tpu.dma_semaphore, #tpu.memory_space<semaphore_mem>> -> memref<1x!tpu.dma_semaphore, #tpu.memory_space<semaphore_mem>>
      %dma_wait3A_211 = tpu.memref_squeeze %dma_wait3A_210 : memref<1x!tpu.dma_semaphore, #tpu.memory_space<semaphore_mem>> -> memref<!tpu.dma_semaphore, #tpu.memory_space<semaphore_mem>>
      tpu.wait_indirect_dma semaphore(%dma_wait3A_211 : memref<!tpu.dma_semaphore, #tpu.memory_space<semaphore_mem>>) src(%dma_wait3A_209 : memref<100000x128xf32, #tpu.memory_space<hbm>>) dst(%dma_wait3A_204 : memref<128x128xf32, #tpu.memory_space<vmem>>)
      %mul3A_212 = arith.constant 128 : i32
      %mul3A_213 = arith.muli %add3A_198, %mul3A_212 : i32
      %multiple_of3A_214 = tpu.assume_multiple %mul3A_213, 128 : i32
      %add3A_215 = arith.addi %mul3A_2, %multiple_of3A_214 : i32
      %dma_start3A_216 = arith.constant 1 : i32
      %dma_start3A_217 = arith.constant 1 : i32
      %dma_start3A_218 = arith.constant 0 : i32
      %dma_start3A_219 = arith.constant 0 : i32
      %dma_start3A_220 = tpu.memref_slice %arg6[%dma_start3A_216, %dma_start3A_218, %dma_start3A_219] : memref<5x128x128xf32, #tpu.memory_space<vmem>> -> memref<1x128x128xf32, #tpu.memory_space<vmem>>
      %dma_start3A_221 = tpu.memref_squeeze %dma_start3A_220 : memref<1x128x128xf32, #tpu.memory_space<vmem>> -> memref<128x128xf32, #tpu.memory_space<vmem>>
      %dma_start3A_222 = arith.constant 0 : i32
      %dma_start3A_223 = tpu.memref_slice %arg4[%add3A_215, %dma_start3A_222] : memref<204800x128xf32, #tpu.memory_space<hbm>> -> memref<128x128xf32, #tpu.memory_space<hbm>>
      %dma_start3A_224 = tpu.memref_slice %arg8[%dma_start3A_217] : memref<5x!tpu.dma_semaphore, #tpu.memory_space<semaphore_mem>> -> memref<1x!tpu.dma_semaphore, #tpu.memory_space<semaphore_mem>>
      %dma_start3A_225 = tpu.memref_squeeze %dma_start3A_224 : memref<1x!tpu.dma_semaphore, #tpu.memory_space<semaphore_mem>> -> memref<!tpu.dma_semaphore, #tpu.memory_space<semaphore_mem>>
      %dma_start3A_226 = arith.constant 0 : i32
      %dma_start3A_227 = tpu.memref_slice %arg4[%add3A_215, %dma_start3A_226] : memref<204800x128xf32, #tpu.memory_space<hbm>> -> memref<128x128xf32, #tpu.memory_space<hbm>>
      %dma_start3A_228 = arith.constant 0 : i32
      %dma_start3A_229 = arith.constant 0 : i32
      %dma_start3A_230 = tpu.memref_slice %arg6[%dma_start3A_216, %dma_start3A_228, %dma_start3A_229] : memref<5x128x128xf32, #tpu.memory_space<vmem>> -> memref<1x128x128xf32, #tpu.memory_space<vmem>>
      %dma_start3A_231 = tpu.memref_squeeze %dma_start3A_230 : memref<1x128x128xf32, #tpu.memory_space<vmem>> -> memref<128x128xf32, #tpu.memory_space<vmem>>
      tpu.enqueue_dma source(%dma_start3A_231 : memref<128x128xf32, #tpu.memory_space<vmem>>) target(%dma_start3A_227 : memref<128x128xf32, #tpu.memory_space<hbm>>) target_semaphore(%dma_start3A_225 : memref<!tpu.dma_semaphore, #tpu.memory_space<semaphore_mem>>)
      %lt3A_232 = arith.constant 9 : i32
      %lt3A_233 = arith.cmpi slt, %scan3A_155, %lt3A_232 : i32
      %convert_element_type3A_234 = arith.extui %lt3A_233 : i1 to i32
      %cond3A_235 = arith.constant 0 : i32
      %cond3A_236 = arith.cmpi ne, %convert_element_type3A_234, %cond3A_235 : i32
      scf.if %cond3A_236 {
        %dma_wait3A_363 = arith.constant 1 : i32
        %dma_wait3A_364 = arith.constant 1 : i32
        %dma_wait3A_365 = arith.constant 0 : i32
        %dma_wait3A_366 = arith.constant 0 : i32
        %dma_wait3A_367 = tpu.memref_slice %arg6[%dma_wait3A_363, %dma_wait3A_365, %dma_wait3A_366] : memref<5x128x128xf32, #tpu.memory_space<vmem>> -> memref<1x128x128xf32, #tpu.memory_space<vmem>>
        %dma_wait3A_368 = tpu.memref_squeeze %dma_wait3A_367 : memref<1x128x128xf32, #tpu.memory_space<vmem>> -> memref<128x128xf32, #tpu.memory_space<vmem>>
        %dma_wait3A_369 = arith.constant 0 : i32
        %dma_wait3A_370 = tpu.memref_slice %arg4[%mul3A_2, %dma_wait3A_369] : memref<204800x128xf32, #tpu.memory_space<hbm>> -> memref<128x128xf32, #tpu.memory_space<hbm>>
        %dma_wait3A_371 = tpu.memref_slice %arg8[%dma_wait3A_364] : memref<5x!tpu.dma_semaphore, #tpu.memory_space<semaphore_mem>> -> memref<1x!tpu.dma_semaphore, #tpu.memory_space<semaphore_mem>>
        %dma_wait3A_372 = tpu.memref_squeeze %dma_wait3A_371 : memref<1x!tpu.dma_semaphore, #tpu.memory_space<semaphore_mem>> -> memref<!tpu.dma_semaphore, #tpu.memory_space<semaphore_mem>>
        %dma_wait3A_373 = arith.constant 0 : i32
        %dma_wait3A_374 = tpu.memref_slice %arg4[%mul3A_2, %dma_wait3A_373] : memref<204800x128xf32, #tpu.memory_space<hbm>> -> memref<128x128xf32, #tpu.memory_space<hbm>>
        %dma_wait3A_375 = arith.constant 0 : i32
        %dma_wait3A_376 = arith.constant 0 : i32
        %dma_wait3A_377 = tpu.memref_slice %arg6[%dma_wait3A_363, %dma_wait3A_375, %dma_wait3A_376] : memref<5x128x128xf32, #tpu.memory_space<vmem>> -> memref<1x128x128xf32, #tpu.memory_space<vmem>>
        %dma_wait3A_378 = tpu.memref_squeeze %dma_wait3A_377 : memref<1x128x128xf32, #tpu.memory_space<vmem>> -> memref<128x128xf32, #tpu.memory_space<vmem>>
        tpu.wait_dma2 semaphore(%dma_wait3A_372 : memref<!tpu.dma_semaphore, #tpu.memory_space<semaphore_mem>>) src(%dma_wait3A_378 : memref<128x128xf32, #tpu.memory_space<vmem>>) dst(%dma_wait3A_374 : memref<128x128xf32, #tpu.memory_space<hbm>>)
        %add3A_379 = arith.constant 5 : i32
        %add3A_380 = arith.addi %add3A_198, %add3A_379 : i32
        %mul3A_381 = arith.constant 128 : i32
        %mul3A_382 = arith.muli %add3A_380, %mul3A_381 : i32
        %multiple_of3A_383 = tpu.assume_multiple %mul3A_382, 128 : i32
        %dma_start3A_384 = arith.constant 1 : i32
        %dma_start3A_385 = arith.constant 1 : i32
        %dma_start3A_386 = arith.constant 0 : i32
        %dma_start3A_387 = arith.constant 0 : i32
        %dma_start3A_388 = tpu.memref_slice %arg6[%dma_start3A_384, %dma_start3A_386, %dma_start3A_387] : memref<5x128x128xf32, #tpu.memory_space<vmem>> -> memref<1x128x128xf32, #tpu.memory_space<vmem>>
        %dma_start3A_389 = tpu.memref_squeeze %dma_start3A_388 : memref<1x128x128xf32, #tpu.memory_space<vmem>> -> memref<128x128xf32, #tpu.memory_space<vmem>>
        %dma_start3A_390 = tpu.memref_slice %arg5[%multiple_of3A_383] : memref<6400xi32, #tpu.memory_space<vmem>> -> memref<128xi32, #tpu.memory_space<vmem>>
        %dma_start3A_391 = arith.constant 0 : i32
        %dma_start3A_392 = arith.constant 0 : i32
        %dma_start3A_393 = tpu.memref_slice %arg3[%dma_start3A_391, %dma_start3A_392] : memref<100000x128xf32, #tpu.memory_space<hbm>> -> memref<100000x128xf32, #tpu.memory_space<hbm>>
        %dma_start3A_394 = tpu.memref_slice %arg7[%dma_start3A_385] : memref<5x!tpu.dma_semaphore, #tpu.memory_space<semaphore_mem>> -> memref<1x!tpu.dma_semaphore, #tpu.memory_space<semaphore_mem>>
        %dma_start3A_395 = tpu.memref_squeeze %dma_start3A_394 : memref<1x!tpu.dma_semaphore, #tpu.memory_space<semaphore_mem>> -> memref<!tpu.dma_semaphore, #tpu.memory_space<semaphore_mem>>
        tpu.enqueue_indirect_dma source(%dma_start3A_393 : memref<100000x128xf32, #tpu.memory_space<hbm>>) target(%dma_start3A_389 : memref<128x128xf32, #tpu.memory_space<vmem>>) offsets(%dma_start3A_390 : memref<128xi32, #tpu.memory_space<vmem>>) semaphore(%dma_start3A_395 : memref<!tpu.dma_semaphore, #tpu.memory_space<semaphore_mem>>)
      } else {
      }
      %mul3A_237 = arith.constant 5 : i32
      %mul3A_238 = arith.muli %scan3A_155, %mul3A_237 : i32
      %add3A_239 = arith.constant 2 : i32
      %add3A_240 = arith.addi %mul3A_238, %add3A_239 : i32
      %dma_wait3A_241 = arith.constant 2 : i32
      %dma_wait3A_242 = arith.constant 2 : i32
      %dma_wait3A_243 = arith.constant 0 : i32
      %dma_wait3A_244 = arith.constant 0 : i32
      %dma_wait3A_245 = tpu.memref_slice %arg6[%dma_wait3A_241, %dma_wait3A_243, %dma_wait3A_244] : memref<5x128x128xf32, #tpu.memory_space<vmem>> -> memref<1x128x128xf32, #tpu.memory_space<vmem>>
      %dma_wait3A_246 = tpu.memref_squeeze %dma_wait3A_245 : memref<1x128x128xf32, #tpu.memory_space<vmem>> -> memref<128x128xf32, #tpu.memory_space<vmem>>
      %dma_wait3A_247 = arith.constant 0 : i32
      %dma_wait3A_248 = tpu.memref_slice %arg5[%dma_wait3A_247] : memref<6400xi32, #tpu.memory_space<vmem>> -> memref<128xi32, #tpu.memory_space<vmem>>
      %dma_wait3A_249 = arith.constant 0 : i32
      %dma_wait3A_250 = arith.constant 0 : i32
      %dma_wait3A_251 = tpu.memref_slice %arg3[%dma_wait3A_249, %dma_wait3A_250] : memref<100000x128xf32, #tpu.memory_space<hbm>> -> memref<100000x128xf32, #tpu.memory_space<hbm>>
      %dma_wait3A_252 = tpu.memref_slice %arg7[%dma_wait3A_242] : memref<5x!tpu.dma_semaphore, #tpu.memory_space<semaphore_mem>> -> memref<1x!tpu.dma_semaphore, #tpu.memory_space<semaphore_mem>>
      %dma_wait3A_253 = tpu.memref_squeeze %dma_wait3A_252 : memref<1x!tpu.dma_semaphore, #tpu.memory_space<semaphore_mem>> -> memref<!tpu.dma_semaphore, #tpu.memory_space<semaphore_mem>>
      tpu.wait_indirect_dma semaphore(%dma_wait3A_253 : memref<!tpu.dma_semaphore, #tpu.memory_space<semaphore_mem>>) src(%dma_wait3A_251 : memref<100000x128xf32, #tpu.memory_space<hbm>>) dst(%dma_wait3A_246 : memref<128x128xf32, #tpu.memory_space<vmem>>)
      %mul3A_254 = arith.constant 128 : i32
      %mul3A_255 = arith.muli %add3A_240, %mul3A_254 : i32
      %multiple_of3A_256 = tpu.assume_multiple %mul3A_255, 128 : i32
      %add3A_257 = arith.addi %mul3A_2, %multiple_of3A_256 : i32
      %dma_start3A_258 = arith.constant 2 : i32
      %dma_start3A_259 = arith.constant 2 : i32
      %dma_start3A_260 = arith.constant 0 : i32
      %dma_start3A_261 = arith.constant 0 : i32
      %dma_start3A_262 = tpu.memref_slice %arg6[%dma_start3A_258, %dma_start3A_260, %dma_start3A_261] : memref<5x128x128xf32, #tpu.memory_space<vmem>> -> memref<1x128x128xf32, #tpu.memory_space<vmem>>
      %dma_start3A_263 = tpu.memref_squeeze %dma_start3A_262 : memref<1x128x128xf32, #tpu.memory_space<vmem>> -> memref<128x128xf32, #tpu.memory_space<vmem>>
      %dma_start3A_264 = arith.constant 0 : i32
      %dma_start3A_265 = tpu.memref_slice %arg4[%add3A_257, %dma_start3A_264] : memref<204800x128xf32, #tpu.memory_space<hbm>> -> memref<128x128xf32, #tpu.memory_space<hbm>>
      %dma_start3A_266 = tpu.memref_slice %arg8[%dma_start3A_259] : memref<5x!tpu.dma_semaphore, #tpu.memory_space<semaphore_mem>> -> memref<1x!tpu.dma_semaphore, #tpu.memory_space<semaphore_mem>>
      %dma_start3A_267 = tpu.memref_squeeze %dma_start3A_266 : memref<1x!tpu.dma_semaphore, #tpu.memory_space<semaphore_mem>> -> memref<!tpu.dma_semaphore, #tpu.memory_space<semaphore_mem>>
      %dma_start3A_268 = arith.constant 0 : i32
      %dma_start3A_269 = tpu.memref_slice %arg4[%add3A_257, %dma_start3A_268] : memref<204800x128xf32, #tpu.memory_space<hbm>> -> memref<128x128xf32, #tpu.memory_space<hbm>>
      %dma_start3A_270 = arith.constant 0 : i32
      %dma_start3A_271 = arith.constant 0 : i32
      %dma_start3A_272 = tpu.memref_slice %arg6[%dma_start3A_258, %dma_start3A_270, %dma_start3A_271] : memref<5x128x128xf32, #tpu.memory_space<vmem>> -> memref<1x128x128xf32, #tpu.memory_space<vmem>>
      %dma_start3A_273 = tpu.memref_squeeze %dma_start3A_272 : memref<1x128x128xf32, #tpu.memory_space<vmem>> -> memref<128x128xf32, #tpu.memory_space<vmem>>
      tpu.enqueue_dma source(%dma_start3A_273 : memref<128x128xf32, #tpu.memory_space<vmem>>) target(%dma_start3A_269 : memref<128x128xf32, #tpu.memory_space<hbm>>) target_semaphore(%dma_start3A_267 : memref<!tpu.dma_semaphore, #tpu.memory_space<semaphore_mem>>)
      %lt3A_274 = arith.constant 9 : i32
      %lt3A_275 = arith.cmpi slt, %scan3A_155, %lt3A_274 : i32
      %convert_element_type3A_276 = arith.extui %lt3A_275 : i1 to i32
      %cond3A_277 = arith.constant 0 : i32
      %cond3A_278 = arith.cmpi ne, %convert_element_type3A_276, %cond3A_277 : i32
      scf.if %cond3A_278 {
        %dma_wait3A_363 = arith.constant 2 : i32
        %dma_wait3A_364 = arith.constant 2 : i32
        %dma_wait3A_365 = arith.constant 0 : i32
        %dma_wait3A_366 = arith.constant 0 : i32
        %dma_wait3A_367 = tpu.memref_slice %arg6[%dma_wait3A_363, %dma_wait3A_365, %dma_wait3A_366] : memref<5x128x128xf32, #tpu.memory_space<vmem>> -> memref<1x128x128xf32, #tpu.memory_space<vmem>>
        %dma_wait3A_368 = tpu.memref_squeeze %dma_wait3A_367 : memref<1x128x128xf32, #tpu.memory_space<vmem>> -> memref<128x128xf32, #tpu.memory_space<vmem>>
        %dma_wait3A_369 = arith.constant 0 : i32
        %dma_wait3A_370 = tpu.memref_slice %arg4[%mul3A_2, %dma_wait3A_369] : memref<204800x128xf32, #tpu.memory_space<hbm>> -> memref<128x128xf32, #tpu.memory_space<hbm>>
        %dma_wait3A_371 = tpu.memref_slice %arg8[%dma_wait3A_364] : memref<5x!tpu.dma_semaphore, #tpu.memory_space<semaphore_mem>> -> memref<1x!tpu.dma_semaphore, #tpu.memory_space<semaphore_mem>>
        %dma_wait3A_372 = tpu.memref_squeeze %dma_wait3A_371 : memref<1x!tpu.dma_semaphore, #tpu.memory_space<semaphore_mem>> -> memref<!tpu.dma_semaphore, #tpu.memory_space<semaphore_mem>>
        %dma_wait3A_373 = arith.constant 0 : i32
        %dma_wait3A_374 = tpu.memref_slice %arg4[%mul3A_2, %dma_wait3A_373] : memref<204800x128xf32, #tpu.memory_space<hbm>> -> memref<128x128xf32, #tpu.memory_space<hbm>>
        %dma_wait3A_375 = arith.constant 0 : i32
        %dma_wait3A_376 = arith.constant 0 : i32
        %dma_wait3A_377 = tpu.memref_slice %arg6[%dma_wait3A_363, %dma_wait3A_375, %dma_wait3A_376] : memref<5x128x128xf32, #tpu.memory_space<vmem>> -> memref<1x128x128xf32, #tpu.memory_space<vmem>>
        %dma_wait3A_378 = tpu.memref_squeeze %dma_wait3A_377 : memref<1x128x128xf32, #tpu.memory_space<vmem>> -> memref<128x128xf32, #tpu.memory_space<vmem>>
        tpu.wait_dma2 semaphore(%dma_wait3A_372 : memref<!tpu.dma_semaphore, #tpu.memory_space<semaphore_mem>>) src(%dma_wait3A_378 : memref<128x128xf32, #tpu.memory_space<vmem>>) dst(%dma_wait3A_374 : memref<128x128xf32, #tpu.memory_space<hbm>>)
        %add3A_379 = arith.constant 5 : i32
        %add3A_380 = arith.addi %add3A_240, %add3A_379 : i32
        %mul3A_381 = arith.constant 128 : i32
        %mul3A_382 = arith.muli %add3A_380, %mul3A_381 : i32
        %multiple_of3A_383 = tpu.assume_multiple %mul3A_382, 128 : i32
        %dma_start3A_384 = arith.constant 2 : i32
        %dma_start3A_385 = arith.constant 2 : i32
        %dma_start3A_386 = arith.constant 0 : i32
        %dma_start3A_387 = arith.constant 0 : i32
        %dma_start3A_388 = tpu.memref_slice %arg6[%dma_start3A_384, %dma_start3A_386, %dma_start3A_387] : memref<5x128x128xf32, #tpu.memory_space<vmem>> -> memref<1x128x128xf32, #tpu.memory_space<vmem>>
        %dma_start3A_389 = tpu.memref_squeeze %dma_start3A_388 : memref<1x128x128xf32, #tpu.memory_space<vmem>> -> memref<128x128xf32, #tpu.memory_space<vmem>>
        %dma_start3A_390 = tpu.memref_slice %arg5[%multiple_of3A_383] : memref<6400xi32, #tpu.memory_space<vmem>> -> memref<128xi32, #tpu.memory_space<vmem>>
        %dma_start3A_391 = arith.constant 0 : i32
        %dma_start3A_392 = arith.constant 0 : i32
        %dma_start3A_393 = tpu.memref_slice %arg3[%dma_start3A_391, %dma_start3A_392] : memref<100000x128xf32, #tpu.memory_space<hbm>> -> memref<100000x128xf32, #tpu.memory_space<hbm>>
        %dma_start3A_394 = tpu.memref_slice %arg7[%dma_start3A_385] : memref<5x!tpu.dma_semaphore, #tpu.memory_space<semaphore_mem>> -> memref<1x!tpu.dma_semaphore, #tpu.memory_space<semaphore_mem>>
        %dma_start3A_395 = tpu.memref_squeeze %dma_start3A_394 : memref<1x!tpu.dma_semaphore, #tpu.memory_space<semaphore_mem>> -> memref<!tpu.dma_semaphore, #tpu.memory_space<semaphore_mem>>
        tpu.enqueue_indirect_dma source(%dma_start3A_393 : memref<100000x128xf32, #tpu.memory_space<hbm>>) target(%dma_start3A_389 : memref<128x128xf32, #tpu.memory_space<vmem>>) offsets(%dma_start3A_390 : memref<128xi32, #tpu.memory_space<vmem>>) semaphore(%dma_start3A_395 : memref<!tpu.dma_semaphore, #tpu.memory_space<semaphore_mem>>)
      } else {
      }
      %mul3A_279 = arith.constant 5 : i32
      %mul3A_280 = arith.muli %scan3A_155, %mul3A_279 : i32
      %add3A_281 = arith.constant 3 : i32
      %add3A_282 = arith.addi %mul3A_280, %add3A_281 : i32
      %dma_wait3A_283 = arith.constant 3 : i32
      %dma_wait3A_284 = arith.constant 3 : i32
      %dma_wait3A_285 = arith.constant 0 : i32
      %dma_wait3A_286 = arith.constant 0 : i32
      %dma_wait3A_287 = tpu.memref_slice %arg6[%dma_wait3A_283, %dma_wait3A_285, %dma_wait3A_286] : memref<5x128x128xf32, #tpu.memory_space<vmem>> -> memref<1x128x128xf32, #tpu.memory_space<vmem>>
      %dma_wait3A_288 = tpu.memref_squeeze %dma_wait3A_287 : memref<1x128x128xf32, #tpu.memory_space<vmem>> -> memref<128x128xf32, #tpu.memory_space<vmem>>
      %dma_wait3A_289 = arith.constant 0 : i32
      %dma_wait3A_290 = tpu.memref_slice %arg5[%dma_wait3A_289] : memref<6400xi32, #tpu.memory_space<vmem>> -> memref<128xi32, #tpu.memory_space<vmem>>
      %dma_wait3A_291 = arith.constant 0 : i32
      %dma_wait3A_292 = arith.constant 0 : i32
      %dma_wait3A_293 = tpu.memref_slice %arg3[%dma_wait3A_291, %dma_wait3A_292] : memref<100000x128xf32, #tpu.memory_space<hbm>> -> memref<100000x128xf32, #tpu.memory_space<hbm>>
      %dma_wait3A_294 = tpu.memref_slice %arg7[%dma_wait3A_284] : memref<5x!tpu.dma_semaphore, #tpu.memory_space<semaphore_mem>> -> memref<1x!tpu.dma_semaphore, #tpu.memory_space<semaphore_mem>>
      %dma_wait3A_295 = tpu.memref_squeeze %dma_wait3A_294 : memref<1x!tpu.dma_semaphore, #tpu.memory_space<semaphore_mem>> -> memref<!tpu.dma_semaphore, #tpu.memory_space<semaphore_mem>>
      tpu.wait_indirect_dma semaphore(%dma_wait3A_295 : memref<!tpu.dma_semaphore, #tpu.memory_space<semaphore_mem>>) src(%dma_wait3A_293 : memref<100000x128xf32, #tpu.memory_space<hbm>>) dst(%dma_wait3A_288 : memref<128x128xf32, #tpu.memory_space<vmem>>)
      %mul3A_296 = arith.constant 128 : i32
      %mul3A_297 = arith.muli %add3A_282, %mul3A_296 : i32
      %multiple_of3A_298 = tpu.assume_multiple %mul3A_297, 128 : i32
      %add3A_299 = arith.addi %mul3A_2, %multiple_of3A_298 : i32
      %dma_start3A_300 = arith.constant 3 : i32
      %dma_start3A_301 = arith.constant 3 : i32
      %dma_start3A_302 = arith.constant 0 : i32
      %dma_start3A_303 = arith.constant 0 : i32
      %dma_start3A_304 = tpu.memref_slice %arg6[%dma_start3A_300, %dma_start3A_302, %dma_start3A_303] : memref<5x128x128xf32, #tpu.memory_space<vmem>> -> memref<1x128x128xf32, #tpu.memory_space<vmem>>
      %dma_start3A_305 = tpu.memref_squeeze %dma_start3A_304 : memref<1x128x128xf32, #tpu.memory_space<vmem>> -> memref<128x128xf32, #tpu.memory_space<vmem>>
      %dma_start3A_306 = arith.constant 0 : i32
      %dma_start3A_307 = tpu.memref_slice %arg4[%add3A_299, %dma_start3A_306] : memref<204800x128xf32, #tpu.memory_space<hbm>> -> memref<128x128xf32, #tpu.memory_space<hbm>>
      %dma_start3A_308 = tpu.memref_slice %arg8[%dma_start3A_301] : memref<5x!tpu.dma_semaphore, #tpu.memory_space<semaphore_mem>> -> memref<1x!tpu.dma_semaphore, #tpu.memory_space<semaphore_mem>>
      %dma_start3A_309 = tpu.memref_squeeze %dma_start3A_308 : memref<1x!tpu.dma_semaphore, #tpu.memory_space<semaphore_mem>> -> memref<!tpu.dma_semaphore, #tpu.memory_space<semaphore_mem>>
      %dma_start3A_310 = arith.constant 0 : i32
      %dma_start3A_311 = tpu.memref_slice %arg4[%add3A_299, %dma_start3A_310] : memref<204800x128xf32, #tpu.memory_space<hbm>> -> memref<128x128xf32, #tpu.memory_space<hbm>>
      %dma_start3A_312 = arith.constant 0 : i32
      %dma_start3A_313 = arith.constant 0 : i32
      %dma_start3A_314 = tpu.memref_slice %arg6[%dma_start3A_300, %dma_start3A_312, %dma_start3A_313] : memref<5x128x128xf32, #tpu.memory_space<vmem>> -> memref<1x128x128xf32, #tpu.memory_space<vmem>>
      %dma_start3A_315 = tpu.memref_squeeze %dma_start3A_314 : memref<1x128x128xf32, #tpu.memory_space<vmem>> -> memref<128x128xf32, #tpu.memory_space<vmem>>
      tpu.enqueue_dma source(%dma_start3A_315 : memref<128x128xf32, #tpu.memory_space<vmem>>) target(%dma_start3A_311 : memref<128x128xf32, #tpu.memory_space<hbm>>) target_semaphore(%dma_start3A_309 : memref<!tpu.dma_semaphore, #tpu.memory_space<semaphore_mem>>)
      %lt3A_316 = arith.constant 9 : i32
      %lt3A_317 = arith.cmpi slt, %scan3A_155, %lt3A_316 : i32
      %convert_element_type3A_318 = arith.extui %lt3A_317 : i1 to i32
      %cond3A_319 = arith.constant 0 : i32
      %cond3A_320 = arith.cmpi ne, %convert_element_type3A_318, %cond3A_319 : i32
      scf.if %cond3A_320 {
        %dma_wait3A_363 = arith.constant 3 : i32
        %dma_wait3A_364 = arith.constant 3 : i32
        %dma_wait3A_365 = arith.constant 0 : i32
        %dma_wait3A_366 = arith.constant 0 : i32
        %dma_wait3A_367 = tpu.memref_slice %arg6[%dma_wait3A_363, %dma_wait3A_365, %dma_wait3A_366] : memref<5x128x128xf32, #tpu.memory_space<vmem>> -> memref<1x128x128xf32, #tpu.memory_space<vmem>>
        %dma_wait3A_368 = tpu.memref_squeeze %dma_wait3A_367 : memref<1x128x128xf32, #tpu.memory_space<vmem>> -> memref<128x128xf32, #tpu.memory_space<vmem>>
        %dma_wait3A_369 = arith.constant 0 : i32
        %dma_wait3A_370 = tpu.memref_slice %arg4[%mul3A_2, %dma_wait3A_369] : memref<204800x128xf32, #tpu.memory_space<hbm>> -> memref<128x128xf32, #tpu.memory_space<hbm>>
        %dma_wait3A_371 = tpu.memref_slice %arg8[%dma_wait3A_364] : memref<5x!tpu.dma_semaphore, #tpu.memory_space<semaphore_mem>> -> memref<1x!tpu.dma_semaphore, #tpu.memory_space<semaphore_mem>>
        %dma_wait3A_372 = tpu.memref_squeeze %dma_wait3A_371 : memref<1x!tpu.dma_semaphore, #tpu.memory_space<semaphore_mem>> -> memref<!tpu.dma_semaphore, #tpu.memory_space<semaphore_mem>>
        %dma_wait3A_373 = arith.constant 0 : i32
        %dma_wait3A_374 = tpu.memref_slice %arg4[%mul3A_2, %dma_wait3A_373] : memref<204800x128xf32, #tpu.memory_space<hbm>> -> memref<128x128xf32, #tpu.memory_space<hbm>>
        %dma_wait3A_375 = arith.constant 0 : i32
        %dma_wait3A_376 = arith.constant 0 : i32
        %dma_wait3A_377 = tpu.memref_slice %arg6[%dma_wait3A_363, %dma_wait3A_375, %dma_wait3A_376] : memref<5x128x128xf32, #tpu.memory_space<vmem>> -> memref<1x128x128xf32, #tpu.memory_space<vmem>>
        %dma_wait3A_378 = tpu.memref_squeeze %dma_wait3A_377 : memref<1x128x128xf32, #tpu.memory_space<vmem>> -> memref<128x128xf32, #tpu.memory_space<vmem>>
        tpu.wait_dma2 semaphore(%dma_wait3A_372 : memref<!tpu.dma_semaphore, #tpu.memory_space<semaphore_mem>>) src(%dma_wait3A_378 : memref<128x128xf32, #tpu.memory_space<vmem>>) dst(%dma_wait3A_374 : memref<128x128xf32, #tpu.memory_space<hbm>>)
        %add3A_379 = arith.constant 5 : i32
        %add3A_380 = arith.addi %add3A_282, %add3A_379 : i32
        %mul3A_381 = arith.constant 128 : i32
        %mul3A_382 = arith.muli %add3A_380, %mul3A_381 : i32
        %multiple_of3A_383 = tpu.assume_multiple %mul3A_382, 128 : i32
        %dma_start3A_384 = arith.constant 3 : i32
        %dma_start3A_385 = arith.constant 3 : i32
        %dma_start3A_386 = arith.constant 0 : i32
        %dma_start3A_387 = arith.constant 0 : i32
        %dma_start3A_388 = tpu.memref_slice %arg6[%dma_start3A_384, %dma_start3A_386, %dma_start3A_387] : memref<5x128x128xf32, #tpu.memory_space<vmem>> -> memref<1x128x128xf32, #tpu.memory_space<vmem>>
        %dma_start3A_389 = tpu.memref_squeeze %dma_start3A_388 : memref<1x128x128xf32, #tpu.memory_space<vmem>> -> memref<128x128xf32, #tpu.memory_space<vmem>>
        %dma_start3A_390 = tpu.memref_slice %arg5[%multiple_of3A_383] : memref<6400xi32, #tpu.memory_space<vmem>> -> memref<128xi32, #tpu.memory_space<vmem>>
        %dma_start3A_391 = arith.constant 0 : i32
        %dma_start3A_392 = arith.constant 0 : i32
        %dma_start3A_393 = tpu.memref_slice %arg3[%dma_start3A_391, %dma_start3A_392] : memref<100000x128xf32, #tpu.memory_space<hbm>> -> memref<100000x128xf32, #tpu.memory_space<hbm>>
        %dma_start3A_394 = tpu.memref_slice %arg7[%dma_start3A_385] : memref<5x!tpu.dma_semaphore, #tpu.memory_space<semaphore_mem>> -> memref<1x!tpu.dma_semaphore, #tpu.memory_space<semaphore_mem>>
        %dma_start3A_395 = tpu.memref_squeeze %dma_start3A_394 : memref<1x!tpu.dma_semaphore, #tpu.memory_space<semaphore_mem>> -> memref<!tpu.dma_semaphore, #tpu.memory_space<semaphore_mem>>
        tpu.enqueue_indirect_dma source(%dma_start3A_393 : memref<100000x128xf32, #tpu.memory_space<hbm>>) target(%dma_start3A_389 : memref<128x128xf32, #tpu.memory_space<vmem>>) offsets(%dma_start3A_390 : memref<128xi32, #tpu.memory_space<vmem>>) semaphore(%dma_start3A_395 : memref<!tpu.dma_semaphore, #tpu.memory_space<semaphore_mem>>)
      } else {
      }
      %mul3A_321 = arith.constant 5 : i32
      %mul3A_322 = arith.muli %scan3A_155, %mul3A_321 : i32
      %add3A_323 = arith.constant 4 : i32
      %add3A_324 = arith.addi %mul3A_322, %add3A_323 : i32
      %dma_wait3A_325 = arith.constant 4 : i32
      %dma_wait3A_326 = arith.constant 4 : i32
      %dma_wait3A_327 = arith.constant 0 : i32
      %dma_wait3A_328 = arith.constant 0 : i32
      %dma_wait3A_329 = tpu.memref_slice %arg6[%dma_wait3A_325, %dma_wait3A_327, %dma_wait3A_328] : memref<5x128x128xf32, #tpu.memory_space<vmem>> -> memref<1x128x128xf32, #tpu.memory_space<vmem>>
      %dma_wait3A_330 = tpu.memref_squeeze %dma_wait3A_329 : memref<1x128x128xf32, #tpu.memory_space<vmem>> -> memref<128x128xf32, #tpu.memory_space<vmem>>
      %dma_wait3A_331 = arith.constant 0 : i32
      %dma_wait3A_332 = tpu.memref_slice %arg5[%dma_wait3A_331] : memref<6400xi32, #tpu.memory_space<vmem>> -> memref<128xi32, #tpu.memory_space<vmem>>
      %dma_wait3A_333 = arith.constant 0 : i32
      %dma_wait3A_334 = arith.constant 0 : i32
      %dma_wait3A_335 = tpu.memref_slice %arg3[%dma_wait3A_333, %dma_wait3A_334] : memref<100000x128xf32, #tpu.memory_space<hbm>> -> memref<100000x128xf32, #tpu.memory_space<hbm>>
      %dma_wait3A_336 = tpu.memref_slice %arg7[%dma_wait3A_326] : memref<5x!tpu.dma_semaphore, #tpu.memory_space<semaphore_mem>> -> memref<1x!tpu.dma_semaphore, #tpu.memory_space<semaphore_mem>>
      %dma_wait3A_337 = tpu.memref_squeeze %dma_wait3A_336 : memref<1x!tpu.dma_semaphore, #tpu.memory_space<semaphore_mem>> -> memref<!tpu.dma_semaphore, #tpu.memory_space<semaphore_mem>>
      tpu.wait_indirect_dma semaphore(%dma_wait3A_337 : memref<!tpu.dma_semaphore, #tpu.memory_space<semaphore_mem>>) src(%dma_wait3A_335 : memref<100000x128xf32, #tpu.memory_space<hbm>>) dst(%dma_wait3A_330 : memref<128x128xf32, #tpu.memory_space<vmem>>)
      %mul3A_338 = arith.constant 128 : i32
      %mul3A_339 = arith.muli %add3A_324, %mul3A_338 : i32
      %multiple_of3A_340 = tpu.assume_multiple %mul3A_339, 128 : i32
      %add3A_341 = arith.addi %mul3A_2, %multiple_of3A_340 : i32
      %dma_start3A_342 = arith.constant 4 : i32
      %dma_start3A_343 = arith.constant 4 : i32
      %dma_start3A_344 = arith.constant 0 : i32
      %dma_start3A_345 = arith.constant 0 : i32
      %dma_start3A_346 = tpu.memref_slice %arg6[%dma_start3A_342, %dma_start3A_344, %dma_start3A_345] : memref<5x128x128xf32, #tpu.memory_space<vmem>> -> memref<1x128x128xf32, #tpu.memory_space<vmem>>
      %dma_start3A_347 = tpu.memref_squeeze %dma_start3A_346 : memref<1x128x128xf32, #tpu.memory_space<vmem>> -> memref<128x128xf32, #tpu.memory_space<vmem>>
      %dma_start3A_348 = arith.constant 0 : i32
      %dma_start3A_349 = tpu.memref_slice %arg4[%add3A_341, %dma_start3A_348] : memref<204800x128xf32, #tpu.memory_space<hbm>> -> memref<128x128xf32, #tpu.memory_space<hbm>>
      %dma_start3A_350 = tpu.memref_slice %arg8[%dma_start3A_343] : memref<5x!tpu.dma_semaphore, #tpu.memory_space<semaphore_mem>> -> memref<1x!tpu.dma_semaphore, #tpu.memory_space<semaphore_mem>>
      %dma_start3A_351 = tpu.memref_squeeze %dma_start3A_350 : memref<1x!tpu.dma_semaphore, #tpu.memory_space<semaphore_mem>> -> memref<!tpu.dma_semaphore, #tpu.memory_space<semaphore_mem>>
      %dma_start3A_352 = arith.constant 0 : i32
      %dma_start3A_353 = tpu.memref_slice %arg4[%add3A_341, %dma_start3A_352] : memref<204800x128xf32, #tpu.memory_space<hbm>> -> memref<128x128xf32, #tpu.memory_space<hbm>>
      %dma_start3A_354 = arith.constant 0 : i32
      %dma_start3A_355 = arith.constant 0 : i32
      %dma_start3A_356 = tpu.memref_slice %arg6[%dma_start3A_342, %dma_start3A_354, %dma_start3A_355] : memref<5x128x128xf32, #tpu.memory_space<vmem>> -> memref<1x128x128xf32, #tpu.memory_space<vmem>>
      %dma_start3A_357 = tpu.memref_squeeze %dma_start3A_356 : memref<1x128x128xf32, #tpu.memory_space<vmem>> -> memref<128x128xf32, #tpu.memory_space<vmem>>
      tpu.enqueue_dma source(%dma_start3A_357 : memref<128x128xf32, #tpu.memory_space<vmem>>) target(%dma_start3A_353 : memref<128x128xf32, #tpu.memory_space<hbm>>) target_semaphore(%dma_start3A_351 : memref<!tpu.dma_semaphore, #tpu.memory_space<semaphore_mem>>)
      %lt3A_358 = arith.constant 9 : i32
      %lt3A_359 = arith.cmpi slt, %scan3A_155, %lt3A_358 : i32
      %convert_element_type3A_360 = arith.extui %lt3A_359 : i1 to i32
      %cond3A_361 = arith.constant 0 : i32
      %cond3A_362 = arith.cmpi ne, %convert_element_type3A_360, %cond3A_361 : i32
      scf.if %cond3A_362 {
        %dma_wait3A_363 = arith.constant 4 : i32
        %dma_wait3A_364 = arith.constant 4 : i32
        %dma_wait3A_365 = arith.constant 0 : i32
        %dma_wait3A_366 = arith.constant 0 : i32
        %dma_wait3A_367 = tpu.memref_slice %arg6[%dma_wait3A_363, %dma_wait3A_365, %dma_wait3A_366] : memref<5x128x128xf32, #tpu.memory_space<vmem>> -> memref<1x128x128xf32, #tpu.memory_space<vmem>>
        %dma_wait3A_368 = tpu.memref_squeeze %dma_wait3A_367 : memref<1x128x128xf32, #tpu.memory_space<vmem>> -> memref<128x128xf32, #tpu.memory_space<vmem>>
        %dma_wait3A_369 = arith.constant 0 : i32
        %dma_wait3A_370 = tpu.memref_slice %arg4[%mul3A_2, %dma_wait3A_369] : memref<204800x128xf32, #tpu.memory_space<hbm>> -> memref<128x128xf32, #tpu.memory_space<hbm>>
        %dma_wait3A_371 = tpu.memref_slice %arg8[%dma_wait3A_364] : memref<5x!tpu.dma_semaphore, #tpu.memory_space<semaphore_mem>> -> memref<1x!tpu.dma_semaphore, #tpu.memory_space<semaphore_mem>>
        %dma_wait3A_372 = tpu.memref_squeeze %dma_wait3A_371 : memref<1x!tpu.dma_semaphore, #tpu.memory_space<semaphore_mem>> -> memref<!tpu.dma_semaphore, #tpu.memory_space<semaphore_mem>>
        %dma_wait3A_373 = arith.constant 0 : i32
        %dma_wait3A_374 = tpu.memref_slice %arg4[%mul3A_2, %dma_wait3A_373] : memref<204800x128xf32, #tpu.memory_space<hbm>> -> memref<128x128xf32, #tpu.memory_space<hbm>>
        %dma_wait3A_375 = arith.constant 0 : i32
        %dma_wait3A_376 = arith.constant 0 : i32
        %dma_wait3A_377 = tpu.memref_slice %arg6[%dma_wait3A_363, %dma_wait3A_375, %dma_wait3A_376] : memref<5x128x128xf32, #tpu.memory_space<vmem>> -> memref<1x128x128xf32, #tpu.memory_space<vmem>>
        %dma_wait3A_378 = tpu.memref_squeeze %dma_wait3A_377 : memref<1x128x128xf32, #tpu.memory_space<vmem>> -> memref<128x128xf32, #tpu.memory_space<vmem>>
        tpu.wait_dma2 semaphore(%dma_wait3A_372 : memref<!tpu.dma_semaphore, #tpu.memory_space<semaphore_mem>>) src(%dma_wait3A_378 : memref<128x128xf32, #tpu.memory_space<vmem>>) dst(%dma_wait3A_374 : memref<128x128xf32, #tpu.memory_space<hbm>>)
        %add3A_379 = arith.constant 5 : i32
        %add3A_380 = arith.addi %add3A_324, %add3A_379 : i32
        %mul3A_381 = arith.constant 128 : i32
        %mul3A_382 = arith.muli %add3A_380, %mul3A_381 : i32
        %multiple_of3A_383 = tpu.assume_multiple %mul3A_382, 128 : i32
        %dma_start3A_384 = arith.constant 4 : i32
        %dma_start3A_385 = arith.constant 4 : i32
        %dma_start3A_386 = arith.constant 0 : i32
        %dma_start3A_387 = arith.constant 0 : i32
        %dma_start3A_388 = tpu.memref_slice %arg6[%dma_start3A_384, %dma_start3A_386, %dma_start3A_387] : memref<5x128x128xf32, #tpu.memory_space<vmem>> -> memref<1x128x128xf32, #tpu.memory_space<vmem>>
        %dma_start3A_389 = tpu.memref_squeeze %dma_start3A_388 : memref<1x128x128xf32, #tpu.memory_space<vmem>> -> memref<128x128xf32, #tpu.memory_space<vmem>>
        %dma_start3A_390 = tpu.memref_slice %arg5[%multiple_of3A_383] : memref<6400xi32, #tpu.memory_space<vmem>> -> memref<128xi32, #tpu.memory_space<vmem>>
        %dma_start3A_391 = arith.constant 0 : i32
        %dma_start3A_392 = arith.constant 0 : i32
        %dma_start3A_393 = tpu.memref_slice %arg3[%dma_start3A_391, %dma_start3A_392] : memref<100000x128xf32, #tpu.memory_space<hbm>> -> memref<100000x128xf32, #tpu.memory_space<hbm>>
        %dma_start3A_394 = tpu.memref_slice %arg7[%dma_start3A_385] : memref<5x!tpu.dma_semaphore, #tpu.memory_space<semaphore_mem>> -> memref<1x!tpu.dma_semaphore, #tpu.memory_space<semaphore_mem>>
        %dma_start3A_395 = tpu.memref_squeeze %dma_start3A_394 : memref<1x!tpu.dma_semaphore, #tpu.memory_space<semaphore_mem>> -> memref<!tpu.dma_semaphore, #tpu.memory_space<semaphore_mem>>
        tpu.enqueue_indirect_dma source(%dma_start3A_393 : memref<100000x128xf32, #tpu.memory_space<hbm>>) target(%dma_start3A_389 : memref<128x128xf32, #tpu.memory_space<vmem>>) offsets(%dma_start3A_390 : memref<128xi32, #tpu.memory_space<vmem>>) semaphore(%dma_start3A_395 : memref<!tpu.dma_semaphore, #tpu.memory_space<semaphore_mem>>)
      } else {
      }
    }
    %scan3A_75 = arith.constant 10 : i32
    %dma_wait3A = arith.constant 0 : i32
    %dma_wait3A_76 = arith.constant 0 : i32
    %dma_wait3A_77 = arith.constant 0 : i32
    %dma_wait3A_78 = arith.constant 0 : i32
    %dma_wait3A_79 = tpu.memref_slice %arg6[%dma_wait3A, %dma_wait3A_77, %dma_wait3A_78] : memref<5x128x128xf32, #tpu.memory_space<vmem>> -> memref<1x128x128xf32, #tpu.memory_space<vmem>>
    %dma_wait3A_80 = tpu.memref_squeeze %dma_wait3A_79 : memref<1x128x128xf32, #tpu.memory_space<vmem>> -> memref<128x128xf32, #tpu.memory_space<vmem>>
    %dma_wait3A_81 = arith.constant 0 : i32
    %dma_wait3A_82 = tpu.memref_slice %arg4[%mul3A_2, %dma_wait3A_81] : memref<204800x128xf32, #tpu.memory_space<hbm>> -> memref<128x128xf32, #tpu.memory_space<hbm>>
    %dma_wait3A_83 = tpu.memref_slice %arg8[%dma_wait3A_76] : memref<5x!tpu.dma_semaphore, #tpu.memory_space<semaphore_mem>> -> memref<1x!tpu.dma_semaphore, #tpu.memory_space<semaphore_mem>>
    %dma_wait3A_84 = tpu.memref_squeeze %dma_wait3A_83 : memref<1x!tpu.dma_semaphore, #tpu.memory_space<semaphore_mem>> -> memref<!tpu.dma_semaphore, #tpu.memory_space<semaphore_mem>>
    %dma_wait3A_85 = arith.constant 0 : i32
    %dma_wait3A_86 = tpu.memref_slice %arg4[%mul3A_2, %dma_wait3A_85] : memref<204800x128xf32, #tpu.memory_space<hbm>> -> memref<128x128xf32, #tpu.memory_space<hbm>>
    %dma_wait3A_87 = arith.constant 0 : i32
    %dma_wait3A_88 = arith.constant 0 : i32
    %dma_wait3A_89 = tpu.memref_slice %arg6[%dma_wait3A, %dma_wait3A_87, %dma_wait3A_88] : memref<5x128x128xf32, #tpu.memory_space<vmem>> -> memref<1x128x128xf32, #tpu.memory_space<vmem>>
    %dma_wait3A_90 = tpu.memref_squeeze %dma_wait3A_89 : memref<1x128x128xf32, #tpu.memory_space<vmem>> -> memref<128x128xf32, #tpu.memory_space<vmem>>
    tpu.wait_dma2 semaphore(%dma_wait3A_84 : memref<!tpu.dma_semaphore, #tpu.memory_space<semaphore_mem>>) src(%dma_wait3A_90 : memref<128x128xf32, #tpu.memory_space<vmem>>) dst(%dma_wait3A_86 : memref<128x128xf32, #tpu.memory_space<hbm>>)
    %dma_wait3A_91 = arith.constant 1 : i32
    %dma_wait3A_92 = arith.constant 1 : i32
    %dma_wait3A_93 = arith.constant 0 : i32
    %dma_wait3A_94 = arith.constant 0 : i32
    %dma_wait3A_95 = tpu.memref_slice %arg6[%dma_wait3A_91, %dma_wait3A_93, %dma_wait3A_94] : memref<5x128x128xf32, #tpu.memory_space<vmem>> -> memref<1x128x128xf32, #tpu.memory_space<vmem>>
    %dma_wait3A_96 = tpu.memref_squeeze %dma_wait3A_95 : memref<1x128x128xf32, #tpu.memory_space<vmem>> -> memref<128x128xf32, #tpu.memory_space<vmem>>
    %dma_wait3A_97 = arith.constant 0 : i32
    %dma_wait3A_98 = tpu.memref_slice %arg4[%mul3A_2, %dma_wait3A_97] : memref<204800x128xf32, #tpu.memory_space<hbm>> -> memref<128x128xf32, #tpu.memory_space<hbm>>
    %dma_wait3A_99 = tpu.memref_slice %arg8[%dma_wait3A_92] : memref<5x!tpu.dma_semaphore, #tpu.memory_space<semaphore_mem>> -> memref<1x!tpu.dma_semaphore, #tpu.memory_space<semaphore_mem>>
    %dma_wait3A_100 = tpu.memref_squeeze %dma_wait3A_99 : memref<1x!tpu.dma_semaphore, #tpu.memory_space<semaphore_mem>> -> memref<!tpu.dma_semaphore, #tpu.memory_space<semaphore_mem>>
    %dma_wait3A_101 = arith.constant 0 : i32
    %dma_wait3A_102 = tpu.memref_slice %arg4[%mul3A_2, %dma_wait3A_101] : memref<204800x128xf32, #tpu.memory_space<hbm>> -> memref<128x128xf32, #tpu.memory_space<hbm>>
    %dma_wait3A_103 = arith.constant 0 : i32
    %dma_wait3A_104 = arith.constant 0 : i32
    %dma_wait3A_105 = tpu.memref_slice %arg6[%dma_wait3A_91, %dma_wait3A_103, %dma_wait3A_104] : memref<5x128x128xf32, #tpu.memory_space<vmem>> -> memref<1x128x128xf32, #tpu.memory_space<vmem>>
    %dma_wait3A_106 = tpu.memref_squeeze %dma_wait3A_105 : memref<1x128x128xf32, #tpu.memory_space<vmem>> -> memref<128x128xf32, #tpu.memory_space<vmem>>
    tpu.wait_dma2 semaphore(%dma_wait3A_100 : memref<!tpu.dma_semaphore, #tpu.memory_space<semaphore_mem>>) src(%dma_wait3A_106 : memref<128x128xf32, #tpu.memory_space<vmem>>) dst(%dma_wait3A_102 : memref<128x128xf32, #tpu.memory_space<hbm>>)
    %dma_wait3A_107 = arith.constant 2 : i32
    %dma_wait3A_108 = arith.constant 2 : i32
    %dma_wait3A_109 = arith.constant 0 : i32
    %dma_wait3A_110 = arith.constant 0 : i32
    %dma_wait3A_111 = tpu.memref_slice %arg6[%dma_wait3A_107, %dma_wait3A_109, %dma_wait3A_110] : memref<5x128x128xf32, #tpu.memory_space<vmem>> -> memref<1x128x128xf32, #tpu.memory_space<vmem>>
    %dma_wait3A_112 = tpu.memref_squeeze %dma_wait3A_111 : memref<1x128x128xf32, #tpu.memory_space<vmem>> -> memref<128x128xf32, #tpu.memory_space<vmem>>
    %dma_wait3A_113 = arith.constant 0 : i32
    %dma_wait3A_114 = tpu.memref_slice %arg4[%mul3A_2, %dma_wait3A_113] : memref<204800x128xf32, #tpu.memory_space<hbm>> -> memref<128x128xf32, #tpu.memory_space<hbm>>
    %dma_wait3A_115 = tpu.memref_slice %arg8[%dma_wait3A_108] : memref<5x!tpu.dma_semaphore, #tpu.memory_space<semaphore_mem>> -> memref<1x!tpu.dma_semaphore, #tpu.memory_space<semaphore_mem>>
    %dma_wait3A_116 = tpu.memref_squeeze %dma_wait3A_115 : memref<1x!tpu.dma_semaphore, #tpu.memory_space<semaphore_mem>> -> memref<!tpu.dma_semaphore, #tpu.memory_space<semaphore_mem>>
    %dma_wait3A_117 = arith.constant 0 : i32
    %dma_wait3A_118 = tpu.memref_slice %arg4[%mul3A_2, %dma_wait3A_117] : memref<204800x128xf32, #tpu.memory_space<hbm>> -> memref<128x128xf32, #tpu.memory_space<hbm>>
    %dma_wait3A_119 = arith.constant 0 : i32
    %dma_wait3A_120 = arith.constant 0 : i32
    %dma_wait3A_121 = tpu.memref_slice %arg6[%dma_wait3A_107, %dma_wait3A_119, %dma_wait3A_120] : memref<5x128x128xf32, #tpu.memory_space<vmem>> -> memref<1x128x128xf32, #tpu.memory_space<vmem>>
    %dma_wait3A_122 = tpu.memref_squeeze %dma_wait3A_121 : memref<1x128x128xf32, #tpu.memory_space<vmem>> -> memref<128x128xf32, #tpu.memory_space<vmem>>
    tpu.wait_dma2 semaphore(%dma_wait3A_116 : memref<!tpu.dma_semaphore, #tpu.memory_space<semaphore_mem>>) src(%dma_wait3A_122 : memref<128x128xf32, #tpu.memory_space<vmem>>) dst(%dma_wait3A_118 : memref<128x128xf32, #tpu.memory_space<hbm>>)
    %dma_wait3A_123 = arith.constant 3 : i32
    %dma_wait3A_124 = arith.constant 3 : i32
    %dma_wait3A_125 = arith.constant 0 : i32
    %dma_wait3A_126 = arith.constant 0 : i32
    %dma_wait3A_127 = tpu.memref_slice %arg6[%dma_wait3A_123, %dma_wait3A_125, %dma_wait3A_126] : memref<5x128x128xf32, #tpu.memory_space<vmem>> -> memref<1x128x128xf32, #tpu.memory_space<vmem>>
    %dma_wait3A_128 = tpu.memref_squeeze %dma_wait3A_127 : memref<1x128x128xf32, #tpu.memory_space<vmem>> -> memref<128x128xf32, #tpu.memory_space<vmem>>
    %dma_wait3A_129 = arith.constant 0 : i32
    %dma_wait3A_130 = tpu.memref_slice %arg4[%mul3A_2, %dma_wait3A_129] : memref<204800x128xf32, #tpu.memory_space<hbm>> -> memref<128x128xf32, #tpu.memory_space<hbm>>
    %dma_wait3A_131 = tpu.memref_slice %arg8[%dma_wait3A_124] : memref<5x!tpu.dma_semaphore, #tpu.memory_space<semaphore_mem>> -> memref<1x!tpu.dma_semaphore, #tpu.memory_space<semaphore_mem>>
    %dma_wait3A_132 = tpu.memref_squeeze %dma_wait3A_131 : memref<1x!tpu.dma_semaphore, #tpu.memory_space<semaphore_mem>> -> memref<!tpu.dma_semaphore, #tpu.memory_space<semaphore_mem>>
    %dma_wait3A_133 = arith.constant 0 : i32
    %dma_wait3A_134 = tpu.memref_slice %arg4[%mul3A_2, %dma_wait3A_133] : memref<204800x128xf32, #tpu.memory_space<hbm>> -> memref<128x128xf32, #tpu.memory_space<hbm>>
    %dma_wait3A_135 = arith.constant 0 : i32
    %dma_wait3A_136 = arith.constant 0 : i32
    %dma_wait3A_137 = tpu.memref_slice %arg6[%dma_wait3A_123, %dma_wait3A_135, %dma_wait3A_136] : memref<5x128x128xf32, #tpu.memory_space<vmem>> -> memref<1x128x128xf32, #tpu.memory_space<vmem>>
    %dma_wait3A_138 = tpu.memref_squeeze %dma_wait3A_137 : memref<1x128x128xf32, #tpu.memory_space<vmem>> -> memref<128x128xf32, #tpu.memory_space<vmem>>
    tpu.wait_dma2 semaphore(%dma_wait3A_132 : memref<!tpu.dma_semaphore, #tpu.memory_space<semaphore_mem>>) src(%dma_wait3A_138 : memref<128x128xf32, #tpu.memory_space<vmem>>) dst(%dma_wait3A_134 : memref<128x128xf32, #tpu.memory_space<hbm>>)
    %dma_wait3A_139 = arith.constant 4 : i32
    %dma_wait3A_140 = arith.constant 4 : i32
    %dma_wait3A_141 = arith.constant 0 : i32
    %dma_wait3A_142 = arith.constant 0 : i32
    %dma_wait3A_143 = tpu.memref_slice %arg6[%dma_wait3A_139, %dma_wait3A_141, %dma_wait3A_142] : memref<5x128x128xf32, #tpu.memory_space<vmem>> -> memref<1x128x128xf32, #tpu.memory_space<vmem>>
    %dma_wait3A_144 = tpu.memref_squeeze %dma_wait3A_143 : memref<1x128x128xf32, #tpu.memory_space<vmem>> -> memref<128x128xf32, #tpu.memory_space<vmem>>
    %dma_wait3A_145 = arith.constant 0 : i32
    %dma_wait3A_146 = tpu.memref_slice %arg4[%mul3A_2, %dma_wait3A_145] : memref<204800x128xf32, #tpu.memory_space<hbm>> -> memref<128x128xf32, #tpu.memory_space<hbm>>
    %dma_wait3A_147 = tpu.memref_slice %arg8[%dma_wait3A_140] : memref<5x!tpu.dma_semaphore, #tpu.memory_space<semaphore_mem>> -> memref<1x!tpu.dma_semaphore, #tpu.memory_space<semaphore_mem>>
    %dma_wait3A_148 = tpu.memref_squeeze %dma_wait3A_147 : memref<1x!tpu.dma_semaphore, #tpu.memory_space<semaphore_mem>> -> memref<!tpu.dma_semaphore, #tpu.memory_space<semaphore_mem>>
    %dma_wait3A_149 = arith.constant 0 : i32
    %dma_wait3A_150 = tpu.memref_slice %arg4[%mul3A_2, %dma_wait3A_149] : memref<204800x128xf32, #tpu.memory_space<hbm>> -> memref<128x128xf32, #tpu.memory_space<hbm>>
    %dma_wait3A_151 = arith.constant 0 : i32
    %dma_wait3A_152 = arith.constant 0 : i32
    %dma_wait3A_153 = tpu.memref_slice %arg6[%dma_wait3A_139, %dma_wait3A_151, %dma_wait3A_152] : memref<5x128x128xf32, #tpu.memory_space<vmem>> -> memref<1x128x128xf32, #tpu.memory_space<vmem>>
    %dma_wait3A_154 = tpu.memref_squeeze %dma_wait3A_153 : memref<1x128x128xf32, #tpu.memory_space<vmem>> -> memref<128x128xf32, #tpu.memory_space<vmem>>
    tpu.wait_dma2 semaphore(%dma_wait3A_148 : memref<!tpu.dma_semaphore, #tpu.memory_space<semaphore_mem>>) src(%dma_wait3A_154 : memref<128x128xf32, #tpu.memory_space<vmem>>) dst(%dma_wait3A_150 : memref<128x128xf32, #tpu.memory_space<hbm>>)
    return
  }
}

module attributes {stable_mosaic.version = 14 : i64} {
  func.func @body(%arg0: i32, %arg1: i32, %arg2: memref<4096x128xf32, #tpu.memory_space<vmem>>, %arg3: memref<1x100x4096xf32, #tpu.memory_space<vmem>>) attributes {dimension_semantics = [#tpu.dimension_semantics<arbitrary>, #tpu.dimension_semantics<arbitrary>], iteration_bounds = array<i64: 50, 1>, scalar_prefetch = 0 : i64, scratch_operands = 0 : i64, tpu.core_type = #tpu.core_type<tc>, window_params = [{transform_indices = @transform_0, window_bounds = array<i64: 4096, 128>}, {transform_indices = @transform_1, window_bounds = array<i64: 1, 100, 4096>}]} {
    %get3A = arith.constant 0 : index
    %get3A_0 = arith.constant 0 : index
    %get3A_1 = vector.load %arg2[%get3A, %get3A_0] : memref<4096x128xf32, #tpu.memory_space<vmem>>, vector<4096x128xf32>
    %transpose3A = tpu.transpose %get3A_1, [1, 0] : vector<4096x128xf32> -> vector<128x4096xf32>
    %slice3A = vector.extract_strided_slice %transpose3A {offsets = [0, 0], sizes = [100, 4096], strides = [1, 1]} : vector<128x4096xf32> to vector<100x4096xf32>
    %broadcast_in_dim3A = vector.shape_cast %slice3A : vector<100x4096xf32> to vector<1x100x4096xf32>
    %swap3A = arith.constant 0 : index
    %swap3A_2 = arith.constant 0 : index
    %swap3A_3 = arith.constant 0 : index
    %swap3A_4 = vector.load %arg3[%swap3A, %swap3A_2, %swap3A_3] : memref<1x100x4096xf32, #tpu.memory_space<vmem>>, vector<1x100x4096xf32>
    tpu.vector_store %arg3[%swap3A, %swap3A_2, %swap3A_3], %broadcast_in_dim3A {strides = array<i32>} : memref<1x100x4096xf32, #tpu.memory_space<vmem>>, vector<1x100x4096xf32>,
    return
  }
  func.func @transform_0(%arg0: i32, %arg1: i32) -> (i32, i32) {
    %mul3A = arith.constant 1 : i32
    %mul3A_0 = arith.muli %arg0, %mul3A : i32
    %add3A = arith.addi %mul3A_0, %arg1 : i32
    %c0_i32 = arith.constant 0 : i32
    %c0_i32_1 = arith.constant 0 : i32
    return %add3A, %c0_i32 : i32, i32
  }
  func.func @transform_1(%arg0: i32, %arg1: i32) -> (i32, i32, i32) {
    %add3A = arith.constant 0 : i32
    %add3A_0 = arith.addi %add3A, %arg1 : i32
    %c0_i32 = arith.constant 0 : i32
    %c0_i32_1 = arith.constant 0 : i32
    return %arg0, %c0_i32, %add3A_0 : i32, i32, i32
  }
}

module attributes {stable_mosaic.version = 14 : i64} {
  func.func @body(%arg0: i32, %arg1: memref<100x3200xf32, #tpu.memory_space<vmem>>, %arg2: memref<3200x128xf32, #tpu.memory_space<vmem>>) attributes {dimension_semantics = [#tpu.dimension_semantics<arbitrary>], iteration_bounds = array<i64: 32>, scalar_prefetch = 0 : i64, scratch_operands = 0 : i64, tpu.core_type = #tpu.core_type<tc>, window_params = [{transform_indices = @transform_0, window_bounds = array<i64: 100, 3200>}, {transform_indices = @transform_1, window_bounds = array<i64: 3200, 128>}]} {
    %get3A = arith.constant 0 : index
    %get3A_0 = arith.constant 0 : index
    %get3A_1 = vector.load %arg1[%get3A, %get3A_0] : memref<100x3200xf32, #tpu.memory_space<vmem>>, vector<100x3200xf32>
    %transpose3A = tpu.transpose %get3A_1, [1, 0] : vector<100x3200xf32> -> vector<3200x100xf32>
    %swap3A = arith.constant 0 : index
    %swap3A_2 = arith.constant 0 : index
    %swap3A_3 = vector.load %arg2[%swap3A, %swap3A_2] : memref<3200x128xf32, #tpu.memory_space<vmem>>, vector<3200x100xf32>
    tpu.vector_store %arg2[%swap3A, %swap3A_2], %transpose3A {strides = array<i32>} : memref<3200x128xf32, #tpu.memory_space<vmem>>, vector<3200x100xf32>,
    return
  }
  func.func @transform_0(%arg0: i32) -> (i32, i32) {
    %c0_i32 = arith.constant 0 : i32
    %c0_i32_0 = arith.constant 0 : i32
    return %c0_i32, %arg0 : i32, i32
  }
  func.func @transform_1(%arg0: i32) -> (i32, i32) {
    %c0_i32 = arith.constant 0 : i32
    %c0_i32_0 = arith.constant 0 : i32
    return %arg0, %c0_i32 : i32, i32
  }
}

module attributes {stable_mosaic.version = 14 : i64} {
  func.func @body(%arg0: i32, %arg1: i32, %arg2: memref<4096x128xf32, #tpu.memory_space<vmem>>, %arg3: memref<50x100x16384xf32, #tpu.memory_space<any>>, %arg4: memref<1x100x4096xf32, #tpu.memory_space<vmem>>) attributes {dimension_semantics = [#tpu.dimension_semantics<arbitrary>, #tpu.dimension_semantics<arbitrary>], iteration_bounds = array<i64: 50, 1>, scalar_prefetch = 0 : i64, scratch_operands = 0 : i64, tpu.core_type = #tpu.core_type<tc>, window_params = [{transform_indices = @transform_0, window_bounds = array<i64: 4096, 128>}, {}, {transform_indices = @transform_2, window_bounds = array<i64: 1, 100, 4096>}]} {
    %get3A = arith.constant 0 : index
    %get3A_0 = arith.constant 0 : index
    %get3A_1 = vector.load %arg2[%get3A, %get3A_0] : memref<4096x128xf32, #tpu.memory_space<vmem>>, vector<4096x128xf32>
    %transpose3A = tpu.transpose %get3A_1, [1, 0] : vector<4096x128xf32> -> vector<128x4096xf32>
    %slice3A = vector.extract_strided_slice %transpose3A {offsets = [0, 0], sizes = [100, 4096], strides = [1, 1]} : vector<128x4096xf32> to vector<100x4096xf32>
    %broadcast_in_dim3A = vector.shape_cast %slice3A : vector<100x4096xf32> to vector<1x100x4096xf32>
    %swap3A = arith.constant 0 : index
    %swap3A_2 = arith.constant 0 : index
    %swap3A_3 = arith.constant 0 : index
    %swap3A_4 = vector.load %arg4[%swap3A, %swap3A_2, %swap3A_3] : memref<1x100x4096xf32, #tpu.memory_space<vmem>>, vector<1x100x4096xf32>
    tpu.vector_store %arg4[%swap3A, %swap3A_2, %swap3A_3], %broadcast_in_dim3A {strides = array<i32>} : memref<1x100x4096xf32, #tpu.memory_space<vmem>>, vector<1x100x4096xf32>,
    return
  }
  func.func @transform_0(%arg0: i32, %arg1: i32) -> (i32, i32) {
    %mul3A = arith.constant 1 : i32
    %mul3A_0 = arith.muli %arg0, %mul3A : i32
    %add3A = arith.addi %mul3A_0, %arg1 : i32
    %c0_i32 = arith.constant 0 : i32
    %c0_i32_1 = arith.constant 0 : i32
    return %add3A, %c0_i32 : i32, i32
  }
  func.func @transform_2(%arg0: i32, %arg1: i32) -> (i32, i32, i32) {
    %add3A = arith.constant 1 : i32
    %add3A_0 = arith.addi %add3A, %arg1 : i32
    %c0_i32 = arith.constant 0 : i32
    %c0_i32_1 = arith.constant 0 : i32
    return %arg0, %c0_i32, %add3A_0 : i32, i32, i32
  }
}

module attributes {stable_mosaic.version = 14 : i64} {
  func.func @body(%arg0: i32, %arg1: i32, %arg2: memref<4096x128xf32, #tpu.memory_space<vmem>>, %arg3: memref<50x100x16384xf32, #tpu.memory_space<any>>, %arg4: memref<1x100x4096xf32, #tpu.memory_space<vmem>>) attributes {dimension_semantics = [#tpu.dimension_semantics<arbitrary>, #tpu.dimension_semantics<arbitrary>], iteration_bounds = array<i64: 50, 1>, scalar_prefetch = 0 : i64, scratch_operands = 0 : i64, tpu.core_type = #tpu.core_type<tc>, window_params = [{transform_indices = @transform_0, window_bounds = array<i64: 4096, 128>}, {}, {transform_indices = @transform_2, window_bounds = array<i64: 1, 100, 4096>}]} {
    %get3A = arith.constant 0 : index
    %get3A_0 = arith.constant 0 : index
    %get3A_1 = vector.load %arg2[%get3A, %get3A_0] : memref<4096x128xf32, #tpu.memory_space<vmem>>, vector<4096x128xf32>
    %transpose3A = tpu.transpose %get3A_1, [1, 0] : vector<4096x128xf32> -> vector<128x4096xf32>
    %slice3A = vector.extract_strided_slice %transpose3A {offsets = [0, 0], sizes = [100, 4096], strides = [1, 1]} : vector<128x4096xf32> to vector<100x4096xf32>
    %broadcast_in_dim3A = vector.shape_cast %slice3A : vector<100x4096xf32> to vector<1x100x4096xf32>
    %swap3A = arith.constant 0 : index
    %swap3A_2 = arith.constant 0 : index
    %swap3A_3 = arith.constant 0 : index
    %swap3A_4 = vector.load %arg4[%swap3A, %swap3A_2, %swap3A_3] : memref<1x100x4096xf32, #tpu.memory_space<vmem>>, vector<1x100x4096xf32>
    tpu.vector_store %arg4[%swap3A, %swap3A_2, %swap3A_3], %broadcast_in_dim3A {strides = array<i32>} : memref<1x100x4096xf32, #tpu.memory_space<vmem>>, vector<1x100x4096xf32>,
    return
  }
  func.func @transform_0(%arg0: i32, %arg1: i32) -> (i32, i32) {
    %mul3A = arith.constant 1 : i32
    %mul3A_0 = arith.muli %arg0, %mul3A : i32
    %add3A = arith.addi %mul3A_0, %arg1 : i32
    %c0_i32 = arith.constant 0 : i32
    %c0_i32_1 = arith.constant 0 : i32
    return %add3A, %c0_i32 : i32, i32
  }
  func.func @transform_2(%arg0: i32, %arg1: i32) -> (i32, i32, i32) {
    %add3A = arith.constant 2 : i32
    %add3A_0 = arith.addi %add3A, %arg1 : i32
    %c0_i32 = arith.constant 0 : i32
    %c0_i32_1 = arith.constant 0 : i32
    return %arg0, %c0_i32, %add3A_0 : i32, i32, i32
  }
}

module attributes {stable_mosaic.version = 14 : i64} {
  func.func @body(%arg0: i32, %arg1: i32, %arg2: memref<4096x128xf32, #tpu.memory_space<vmem>>, %arg3: memref<50x100x16384xf32, #tpu.memory_space<any>>, %arg4: memref<1x100x4096xf32, #tpu.memory_space<vmem>>) attributes {dimension_semantics = [#tpu.dimension_semantics<arbitrary>, #tpu.dimension_semantics<arbitrary>], iteration_bounds = array<i64: 50, 1>, scalar_prefetch = 0 : i64, scratch_operands = 0 : i64, tpu.core_type = #tpu.core_type<tc>, window_params = [{transform_indices = @transform_0, window_bounds = array<i64: 4096, 128>}, {}, {transform_indices = @transform_2, window_bounds = array<i64: 1, 100, 4096>}]} {
    %get3A = arith.constant 0 : index
    %get3A_0 = arith.constant 0 : index
    %get3A_1 = vector.load %arg2[%get3A, %get3A_0] : memref<4096x128xf32, #tpu.memory_space<vmem>>, vector<4096x128xf32>
    %transpose3A = tpu.transpose %get3A_1, [1, 0] : vector<4096x128xf32> -> vector<128x4096xf32>
    %slice3A = vector.extract_strided_slice %transpose3A {offsets = [0, 0], sizes = [100, 4096], strides = [1, 1]} : vector<128x4096xf32> to vector<100x4096xf32>
    %broadcast_in_dim3A = vector.shape_cast %slice3A : vector<100x4096xf32> to vector<1x100x4096xf32>
    %swap3A = arith.constant 0 : index
    %swap3A_2 = arith.constant 0 : index
    %swap3A_3 = arith.constant 0 : index
    %swap3A_4 = vector.load %arg4[%swap3A, %swap3A_2, %swap3A_3] : memref<1x100x4096xf32, #tpu.memory_space<vmem>>, vector<1x100x4096xf32>
    tpu.vector_store %arg4[%swap3A, %swap3A_2, %swap3A_3], %broadcast_in_dim3A {strides = array<i32>} : memref<1x100x4096xf32, #tpu.memory_space<vmem>>, vector<1x100x4096xf32>,
    return
  }
  func.func @transform_0(%arg0: i32, %arg1: i32) -> (i32, i32) {
    %mul3A = arith.constant 1 : i32
    %mul3A_0 = arith.muli %arg0, %mul3A : i32
    %add3A = arith.addi %mul3A_0, %arg1 : i32
    %c0_i32 = arith.constant 0 : i32
    %c0_i32_1 = arith.constant 0 : i32
    return %add3A, %c0_i32 : i32, i32
  }
  func.func @transform_2(%arg0: i32, %arg1: i32) -> (i32, i32, i32) {
    %add3A = arith.constant 3 : i32
    %add3A_0 = arith.addi %add3A, %arg1 : i32
    %c0_i32 = arith.constant 0 : i32
    %c0_i32_1 = arith.constant 0 : i32
    return %arg0, %c0_i32, %add3A_0 : i32, i32, i32
  }
}

</mosaic_0001>

<sc_bundles>
// kernel: kernel.11.cloned.1.call-start
scs
__scs_entry_jumppad:
0x0: {  	(pc) =	sbr.rel $0x88, $3  }
0x1: {  	(tag) =	ssettag $0x0;
	lr =	simm.s32 $0x1  }
0x2: {  	[smem:$0x3F9F] =	sst lr;
	_ =	strace $0xD0000000  }
0x3: {  	_ = 	snop  }
0x4: {  	_ = 	snop  }
0x5: {  	_ = 	snop  }
0x6: {  	_ = 	snop  }
0x7: {  	_ = 	snop  }
__scs_overlays_trampoline_lowered:
0x8: {  	[smem:$0x3FAE] =	sst s0  }
0x9: {  	[smem:$0x3FAF] =	sst s1  }
0xa: {  	[smem:$0x3FB0] =	sst s2  }
0xb: {  	[smem:$0x3FB1] =	sst s3  }
0xc: {  	[smem:$0x3FB2] =	sst s4  }
0xd: {  	[smem:$0x3FB3] =	sst s5  }
0xe: {  	[smem:$0x3FB4] =	sst s6  }
0xf: {  	[smem:$0x3FB5] =	sst s7  }
0x10: {  	[smem:$0x3FB6] =	sst s8  }
0x11: {  	[smem:$0x3FB7] =	sst s9;
	s0 =	simm.s32 @!p0 $0x0  }
0x12: {  	s1 =	sld [smem:$0x3F9D];
	s0 =	simm.s32 @p0 $0x1  }
0x13: {  	[smem:$0x3FB8] =	sst s0;
	s0 =	simm.s32 @!p1 $0x0  }
0x14: {  	s2 =	sld [smem:$0x3F9C];
	s0 =	simm.s32 @p1 $0x1  }
0x15: {  	[smem:$0x3FB9] =	sst s0;
	s0 =	simm.s32 @!p2 $0x0  }
0x16: {  	s3 =	sld [smem:$0x3FDB];
	s0 =	simm.s32 @p2 $0x1  }
0x17: {  	s4 =	simm.s32 $0x1BF5;
	[smem:$0x3FBB] =	sst s0  }
0x18: {  	s0 =	sld [smem:$0x3F9E];
	_ =	swait.ge [sflag:s4], $0x0  }
0x19: {  	s7 =	sld [smem:$0x3F9F]  }
0x1a: {  	s8 =	sadd.s32 $0xFFFFE003, lr  }
0x1b: {  	s9 =	sadd.s32 $0xFFFFFEF7, lr;
	s5 =	simm.s32 $0xFFFFFFFF;
	p2 =	slt.u32 s8, $0xFFFFF086  }
0x1c: {  	p1 =	slt.u32 s9, $0xF7A;
	s5 =	simm.s32 @!p2 $0x0  }
0x1d: {  	s5 =	simm.s32 @p1 $0x1;
	p0 =	seq.s32 s7, s2  }
0x1e: {  	s7 =	smul.u32 @!p0 $0xF7A, s2;
	p2 =	seq.s32 @!p0 s5, $0x0  }
0x1f: {  	s9 =	smul.u32 $0xF7A, s1;
	s8 =	simm.s32 @!p0 $0x1BF5;
	p2 =	por !p2, p0  }
0x20: {  	[sflag:s8] =	ssyncset.s32 @!p0 $0xFFFFF086;
	s6 =	sadd.s32 @!p0 s3, s7;
	s7 =	simm.s32 @!p0 $0x108  }
0x21: {  	s3 =	sadd.s32 s3, s9;
	s6 =	sadd.s32 @!p0 $0x88, s6;
	s7 =	simm.s32 @p2 $0x1082  }
0x22: {  	[simem:s7], [sflag:s8] =	dma.local @!p0 [hbm:s6], $0xF7A  }
0x23: {  	s9 =	sor.u32 $0xD0000000, s2;
	s6 =	simm.s32 $0x108;
	_ =	swait.ge @!p0 [sflag:s8], $0x0  }
0x24: {  	s3 =	sadd.s32 $0x88, s3;
	s6 =	simm.s32 @!p1 $0x1082;
	[sflag:s4] =	ssyncset.s32 $0xFFFFF086  }
0x25: {  	[simem:s6], [sflag:s4] =	dma.local [hbm:s3], $0xF7A  }
0x26: {  	[smem:$0x3F9F] =	sst s1;
	(tag) =	ssettag s2;
	_ =	strace s9  }
0x27: {  	s1 =	sld [smem:$0x3FAF]  }
0x28: {  	s2 =	sld [smem:$0x3FB0]  }
0x29: {  	s4 =	sld [smem:$0x3FB2]  }
0x2a: {  	p0 =	seq.s32 s5, $0x0;
	s5 =	sld [smem:$0x3FB3]  }
0x2b: {  	s6 =	sld [smem:$0x3FB4]  }
0x2c: {  	s7 =	sld [smem:$0x3FB5]  }
0x2d: {  	s3 =	simm.s32 $0x108;
	s8 =	sld [smem:$0x3FB6]  }
0x2e: {  	s3 =	simm.s32 @!p0 $0x1082;
	s9 =	sld [smem:$0x3FB7]  }
0x2f: {  	lr =	sadd.s32 s0, s3;
	s0 =	sld [smem:$0x3FAE]  }
0x30: {  	s3 =	sld [smem:$0x3FB1]  }
0x31: {  	[smem:$0x3FBA] =	sst s10  }
0x32: {  	s10 =	sld [smem:$0x3FB8];
	_ =	sdelay $0x3  }
0x33: {  	p0 =	seq.s32 s10, $0x1;
	s10 =	sld [smem:$0x3FBA];
	_ =	sdelay $0x3  }
0x34: {  	[smem:$0x3FBA] =	sst s10  }
0x35: {  	s10 =	sld [smem:$0x3FB9];
	_ =	sdelay $0x3  }
0x36: {  	p1 =	seq.s32 s10, $0x1;
	s10 =	sld [smem:$0x3FBA];
	_ =	sdelay $0x3  }
0x37: {  	[smem:$0x3FBA] =	sst s10  }
0x38: {  	s10 =	sld [smem:$0x3FBB]  }
0x39: {  	_ = 	snop;
	(pc) =	sbr.ind lr, $3  }
0x3a: {  	_ = 	snop  }
0x3b: {  	_ = 	snop  }
0x3c: {  	p2 =	seq.s32 s10, $0x1;
	s10 =	sld [smem:$0x3FBA]  }
0x3d: {  	_ =	shalt  }
0x3e: {  	_ =	shalt  }
0x3f: {  	_ =	shalt  }
0x40: {  	_ =	shalt  }
0x41: {  	_ =	shalt  }
0x42: {  	_ =	shalt  }
0x43: {  	_ =	shalt  }
0x44: {  	_ =	shalt  }
0x45: {  	_ =	shalt  }
0x46: {  	_ =	shalt  }
0x47: {  	_ =	shalt  }
0x48: {  	_ =	shalt  }
0x49: {  	_ =	shalt  }
0x4a: {  	_ =	shalt  }
0x4b: {  	_ =	shalt  }
0x4c: {  	_ =	shalt  }
0x4d: {  	_ =	shalt  }
0x4e: {  	_ =	shalt  }
0x4f: {  	_ =	shalt  }
0x50: {  	_ =	shalt  }
0x51: {  	_ =	shalt  }
0x52: {  	_ =	shalt  }
0x53: {  	_ =	shalt  }
0x54: {  	_ =	shalt  }
0x55: {  	_ =	shalt  }
0x56: {  	_ =	shalt  }
0x57: {  	_ =	shalt  }
0x58: {  	_ =	shalt  }
0x59: {  	_ =	shalt  }
0x5a: {  	_ =	shalt  }
0x5b: {  	_ =	shalt  }
0x5c: {  	_ =	shalt  }
0x5d: {  	_ =	shalt  }
0x5e: {  	_ =	shalt  }
0x5f: {  	_ =	shalt  }
0x60: {  	_ =	shalt  }
0x61: {  	_ =	shalt  }
0x62: {  	_ =	shalt  }
0x63: {  	_ =	shalt  }
0x64: {  	_ =	shalt  }
0x65: {  	_ =	shalt  }
0x66: {  	_ =	shalt  }
0x67: {  	_ =	shalt  }
0x68: {  	_ =	shalt  }
0x69: {  	_ =	shalt  }
0x6a: {  	_ =	shalt  }
0x6b: {  	_ =	shalt  }
0x6c: {  	_ =	shalt  }
0x6d: {  	_ =	shalt  }
0x6e: {  	_ =	shalt  }
0x6f: {  	_ =	shalt  }
0x70: {  	_ =	shalt  }
0x71: {  	_ =	shalt  }
0x72: {  	_ =	shalt  }
0x73: {  	_ =	shalt  }
0x74: {  	_ =	shalt  }
0x75: {  	_ =	shalt  }
0x76: {  	_ =	shalt  }
0x77: {  	_ =	shalt  }
0x78: {  	_ =	shalt  }
0x79: {  	_ =	shalt  }
0x7a: {  	_ =	shalt  }
0x7b: {  	_ =	shalt  }
0x7c: {  	_ =	shalt  }
0x7d: {  	_ =	shalt  }
0x7e: {  	_ =	shalt  }
0x7f: {  	_ =	shalt  }
0x80: {  	_ =	shalt  }
0x81: {  	_ =	shalt  }
0x82: {  	_ =	shalt  }
0x83: {  	_ =	shalt  }
0x84: {  	_ =	shalt  }
0x85: {  	_ =	shalt  }
0x86: {  	_ =	shalt  }
0x87: {  	_ =	shalt  }
.Lfunc_end0:
.L_simem_size_0:
called_computation_lowered:
.L_overlay_start_0:
0x88: {  	s2 =	sld [smem:$0x3FD9]  }
0x89: {  	s3 =	sld [smem:$0x3FFE];
	_ =	sdelay $0x1  }
0x8a: {  	s1 =	srdreg.scid  }
0x8b: {  	s0 =	sand.u32 $0x1, s1  }
0x8c: {  	s16 =	sshll.u32 s0, $0xA;
	s2 =	sadd.s32 s3, s2  }
0x8d: {  	s2 =	sadd.s32 s2, s16  }
0x8e: {  	[smem:$0x3FC6] =	sst s2  }
0x8f: {  	_ = 	snop  }
0x90: {  	(tm) =	ssettm $0x1  }
0x91: {  	s17 =	sld [smem:$0x3FFB];
	_ =	sdelay $0x3  }
0x92: {  	_ =	strace s17  }
0x93: {  	s2 =	sld [smem:$0x3FFC];
	_ =	sdelay $0x3  }
0x94: {  	_ =	strace s2  }
0x95: {  	s2 =	sld [smem:$0x3FFD];
	_ =	sdelay $0x3  }
0x96: {  	_ =	strace s2  }
0x97: {  	_ =	strace $0x8FFFFFFF  }
0x98: {  	s18 =	sld [smem:$0x3FDB];
	_ =	sdelay $0x1  }
0x99: {  	s19 =	simm.s32 $_scs_section_size  }
0x9a: {  	s4 =	simm.s32 $_size__tile_overlayer_lowered;
	s5 =	simm.s32 $_tile_overlayer_lowered  }
0x9b: {  	s22 =	simm.s32 $0x1BFF;
	s21 =	sshll.u32 s5, $0x1;
	s2 =	sadd.s32 s19, s18  }
0x9c: {  	s6 =	simm.s32 $0x0;
	s20 =	sshll.u32 s4, $0x1;
	s4 =	sadd.s32 s21, s2  }
0x9d: {  	[timem:s6], [sflag:s22] =	dma.local [hbm:s4], s20  }
0x9e: {  	_ =	swait.ge [sflag:s22], s20  }
0x9f: {  	s3 =	ssub.s32 $0x0, s20;
	[sflag:s22] =	ssyncset.done $0x0  }
0xa0: {  	[sflag:s22] =	ssyncadd.s32 s3;
	_ =	sdelay $0x1  }
0xa1: {  	s23 =	simm.s32 $0x1B8B  }
0xa2: {  	_ =	swait.ge [sflag:s23], $0x1  }
0xa3: {  	[sflag:s23] =	ssyncset.done $0x0  }
0xa4: {  	s25 =	simm.s32 $0x1B8E;
	s24 =	sld [smem:$0x3FFE];
	[sflag:s23] =	ssyncadd.s32 $0xFFFFFFFF  }
0xa5: {  	s26 =	simm.s32 $execute0_lowered;
	[smem:$0x3FD2] =	sst s25  }
0xa6: {  	s4 =	sshll.u32 s26, $0x1;
	_ =	strace $0x80000046;
	[dreg:$0x1] =	wrdreg $0xFFFFFFFF  }
0xa7: {  	s28 =	simm.s32 $_size_execute0_lowered;
	s2 =	sadd.s32 s2, s4;
	[dreg:$0x0] =	wrdreg $0x0  }
0xa8: {  	s4 =	sshll.u32 s28, $0x1;
	[dreg:$0x2] =	wrdreg s2  }
0xa9: {  	[dreg:$0x3] =	wrdreg s4  }
0xaa: {  	[dreg:$0x4] =	wrdreg $0xC0  }
0xab: {  	_ =	task [dreg:s6], $0x5FFFF  }
0xac: {  	[dreg:$0x1] =	wrdreg $0xFFFFFFFF  }
0xad: {  	[dreg:$0x0] =	wrdreg $0x60  }
0xae: {  	[dreg:$0x2] =	wrdreg s24  }
0xaf: {  	[dreg:$0x3] =	wrdreg $0x9  }
0xb0: {  	_ =	task.clear_ibuf [dreg:s6], $0x4FFFF;
	_ =	strace $0x90000046  }
0xb1: {  	s29 =	simm.s32 $0x9;
	_ =	strace $0x80000048  }
0xb2: {  	_ =	swait.ge [sflag:s29], $0x1  }
0xb3: {  	[sflag:s29] =	ssyncadd.s32 $0xFFFFFFFF  }
0xb4: {  	_ =	strace $0x90000048  }
0xb5: {  	_ =	sfence  }
0xb6: {  	s30 =	sld [smem:$0x0];
	_ =	sdelay $0x2  }
0xb7: {  	s31 =	sshll.u32 s1, $0xD;
	s1 =	sshrl.u32 s1, $0x2  }
0xb8: {  	s3 =	sand.u32 $0x4000, s31;
	s1 =	sadd.s32 s1, s30  }
0xb9: {  	s0 =	sor.u32 s3, s0;
	s1 =	sshll.u32 s1, $0x11  }
0xba: {  	s0 =	sor.u32 s1, s0  }
0xbb: {  	s0 =	sadd.s32 $0x8F2B, s0  }
0xbc: {  	[sflag:s0] =	ssyncadd.remote.s32 $0x1  }
0xbd: {  	_ =	sfence.sel $0xFFFF  }
0xbe: {  	[dreg:$0x0] =	wrdreg $0xFFFFFFFF;
	(pc) =	sbr.abs _section_cstart, $3  }
0xbf: {  	[dreg:$0x1] =	wrdreg $0xFFFFFFFF  }
0xc0: {  	_ =	task.clear_ibuf [dreg:s6], $0x2FFFF;
	_ =	strace $0x9FFFFFFF  }
0xc1: {  	(tm) =	ssettm $0x7FFFFFFF  }
tec
execute0_lowered:
.L_overlay_start_1:
0x0: {  	(tag) =	ssettag $0x1  }
0x1: {  	s1 =	srdreg.scid  }
0x2: {  	s0 =	stileid.u32;
	s5 =	rddreg [dreg:$0x0]  }
0x3: {  	s2 =	simm.s32 $0x0;
	s11 =	simm.s32 $0x1900;
	s14 =	simm.s32 $0x9900  }
0x4: {  	s16 =	simm.s32 $0xD900;
	s17 =	simm.s32 $0x200;
	s18 =	simm.s32 $0x11900  }
0x5: {  	s19 =	simm.s32 $0x1;
	s20 =	simm.s32 $0x3;
	s21 =	simm.s32 $0x5  }
0x6: {  	s22 =	simm.s32 $0x6;
	s23 =	simm.s32 $0x7;
	s24 =	simm.s32 $0x8  }
0x7: {  	s25 =	simm.s32 $0x9;
	s4 =	sand.u32 $0x1, s1;
	s30 =	sshll.u32 s0, $0x1  }
0x8: {  	s26 =	simm.s32 $0xA;
	s10 =	smul.u32 $0x32000, s0;
	s3 =	sor.u32 s4, s30  }
0x9: {  	s28 =	simm.s32 $0x0;
	[smem:$0x7FF] =	sst s2;
	s6 =	smul.u32 $0x1900, s3  }
0xa: {  	_ =	strace $0x80000047;
	s7 =	ssub.s32 $0x2, s4;
	s31 =	smul.u32 $0x19000, s4  }
0xb: {  	s8 =	smul.u32 $0x19000, s3;
	s3 =	sadd.s32 $0x1800, s5;
	s6 =	sshrl.u32 s6, $0x3  }
.Ltmp0:
0xc: {  	s9 =	sshrl.u32 s7, $0x1;
	s6 =	sadd.s32 s6, s5;
	(pc) =	sbr.rel .LBB2_1-.Ltmp0, $4  }
0xd: {  	s7 =	ssub.s32 s7, s9;
	s5 =	sadd.s32 $0x19C600, s5;
	s4 =	sadd.s32 $0x196200, s6  }
0xe: {  	s8 =	sadd.s32 s5, s8;
	s10 =	sadd.s32 s10, s5;
	s5 =	smax.u32 s7, $0x1  }
0xf: {  	s6 =	sadd.s32 $0x17000, s8;
	s9 =	sadd.s32 s31, s10;
	s7 =	sadd.s32 $0x18000, s8  }
0x10: {  	s10 =	simm.s32 $0x80;
	s8 =	sadd.s32 $0x2000, s9;
	s9 =	simm.s32 $0xB  }
.LBB2_4:
0x11: {  	_ =	swait.ge [sflag:s22], $0x4000  }
0x12: {  	[sflag:s22] =	ssyncset.done $0x0  }
0x13: {  	[sflag:s22] =	ssyncadd.s32 $0xFFFFC000  }
0x14: {  	_ =	swait.ge [sflag:s23], $0x4000  }
0x15: {  	[sflag:s23] =	ssyncset.done $0x0  }
0x16: {  	[sflag:s23] =	ssyncadd.s32 $0xFFFFC000  }
0x17: {  	_ =	swait.ge [sflag:s24], $0x4000  }
0x18: {  	[sflag:s24] =	ssyncset.done $0x0  }
0x19: {  	s28 =	sadd.s32 $0x1, s28;
	[sflag:s24] =	ssyncadd.s32 $0xFFFFC000  }
0x1a: {  	p0 =	sne.s32 s28, s5;
	_ =	swait.ge [sflag:s25], $0x4000  }
.Ltmp1:
0x1b: {  	[sflag:s25] =	ssyncset.done $0x0;
	(pc) =	sbr.rel @!p0 .LBB2_5-.Ltmp1, $4  }
0x1c: {  	[sflag:s25] =	ssyncadd.s32 $0xFFFFC000  }
0x1d: {  	_ =	swait.ge [sflag:s26], $0x4000  }
0x1e: {  	[sflag:s26] =	ssyncset.done $0x0  }
0x1f: {  	[sflag:s26] =	ssyncadd.s32 $0xFFFFC000  }
.LBB2_1:
0x20: {  	[tilespmem:s2], [sflag:$0xB] =	stream.linear.gather [hbm4b:s4+s2], $0x1900, $0x38;
	[tilespmem:$0x15900] =	vst v63  }
0x21: {  	_ =	swait.ge [sflag:s9], $0x1900  }
0x22: {  	[sflag:s9] =	ssyncset.done $0x0  }
0x23: {  	[sflag:s9] =	ssyncadd.s32 $0xFFFFE700  }
0x24: {  	[tilespmem:s11], [sflag:$0x1] =	stream.indirect.gather [hbm4b:s3+s10], $0x80, s2, s10, $0xb8;
	[tilespmem:$0x15900] =	vst v63  }
0x25: {  	s0 =	simm.s32 $0x5900  }
0x26: {  	[tilespmem:s0], [sflag:$0x2] =	stream.indirect.gather [hbm4b:s3+s10], $0x80, s10, s10, $0xb8;
	[tilespmem:$0x15900] =	vst v63  }
0x27: {  	s15 =	simm.s32 $0x100  }
0x28: {  	[tilespmem:s14], [sflag:$0x3] =	stream.indirect.gather [hbm4b:s3+s10], $0x80, s15, s10, $0xb8;
	[tilespmem:$0x15900] =	vst v63  }
0x29: {  	s31 =	simm.s32 $0x180  }
0x2a: {  	[tilespmem:s16], [sflag:$0x4] =	stream.indirect.gather [hbm4b:s3+s10], $0x80, s31, s10, $0xb8;
	[tilespmem:$0x15900] =	vst v63  }
0x2b: {  	s29 =	smov.u32 s8;
	s30 =	simm.s32 $0x0  }
0x2c: {  	[tilespmem:s18], [sflag:$0x5] =	stream.indirect.gather [hbm4b:s3+s10], $0x80, s17, s10, $0xb8;
	[tilespmem:$0x15900] =	vst v63  }
.LBB2_2:
0x2d: {  	_ =	swait.ge [sflag:s19], $0x4000  }
0x2e: {  	[sflag:s19] =	ssyncset.done $0x0  }
0x2f: {  	s31 =	sadd.s32 $0xFFFFE000, s29;
	p0 =	seq.s32 s30, $0x5A00;
	[sflag:s19] =	ssyncadd.s32 $0xFFFFC000  }
0x30: {  	[hbm4b:s31+s2] =	stream.linear.scatter [tilespmem:s11], [sflag:$0x6], $0x4000, $0x38;
	[tilespmem:$0x15900] =	vst v63  }
0x31: {  	s31 =	simm.s32 @p0 $0x2  }
0x32: {  	_ =	swait.ge @p0 [sflag:s31], $0x4000  }
0x33: {  	[sflag:s31] =	ssyncset.done @p0 $0x0  }
0x34: {  	s1 =	simm.s32 @p0 $0x5900;
	[sflag:s31] =	ssyncadd.s32 @p0 $0xFFFFC000;
	s31 =	simm.s32 @p0 $0x0  }
0x35: {  	[hbm4b:s6+s31] =	stream.linear.scatter @p0 [tilespmem:s1], [sflag:$0x7], $0x4000, $0x38;
	[tilespmem:$0x15900] =	vst v63  }
0x36: {  	s1 =	simm.s32 @!p0 $0x6  }
0x37: {  	_ =	swait.ge @!p0 [sflag:s1], $0x4000  }
0x38: {  	[sflag:s1] =	ssyncset.done @!p0 $0x0  }
0x39: {  	[sflag:s1] =	ssyncadd.s32 @!p0 $0xFFFFC000;
	s1 =	sshra.s32 @!p0 s30, $0x2  }
0x3a: {  	s12 =	simm.s32 @!p0 $0x80;
	s13 =	simm.s32 @!p0 $0x1900;
	s0 =	sadd.s32 @!p0 $0x280, s1  }
0x3b: {  	[tilespmem:s13], [sflag:$0x1] =	stream.indirect.gather @!p0 [hbm4b:s3+s12], $0x80, s0, s12, $0xb8;
	[tilespmem:$0x15900] =	vst v63  }
0x3c: {  	s0 =	simm.s32 @!p0 $0x2  }
0x3d: {  	_ =	swait.ge @!p0 [sflag:s0], $0x4000  }
0x3e: {  	s15 =	simm.s32 @!p0 $0x5900;
	[sflag:s0] =	ssyncset.done @!p0 $0x0  }
0x3f: {  	s13 =	simm.s32 @!p0 $0x0;
	[sflag:s0] =	ssyncadd.s32 @!p0 $0xFFFFC000;
	s0 =	sadd.s32 @!p0 $0xFFFFE800, s29  }
0x40: {  	[hbm4b:s0+s13] =	stream.linear.scatter @!p0 [tilespmem:s15], [sflag:$0x7], $0x4000, $0x38;
	[tilespmem:$0x15900] =	vst v63  }
0x41: {  	s0 =	simm.s32 @!p0 $0x7  }
0x42: {  	_ =	swait.ge @!p0 [sflag:s0], $0x4000  }
0x43: {  	[sflag:s0] =	ssyncset.done @!p0 $0x0  }
0x44: {  	[sflag:s0] =	ssyncadd.s32 @!p0 $0xFFFFC000;
	s0 =	sadd.s32 @!p0 $0x300, s1  }
0x45: {  	[tilespmem:s15], [sflag:$0x2] =	stream.indirect.gather @!p0 [hbm4b:s3+s12], $0x80, s0, s12, $0xb8;
	[tilespmem:$0x15900] =	vst v63  }
0x46: {  	_ =	swait.ge [sflag:s20], $0x4000  }
0x47: {  	[sflag:s20] =	ssyncset.done $0x0  }
0x48: {  	s15 =	sadd.s32 $0xFFFFF000, s29;
	s0 =	simm.s32 @p0 $0x4;
	[sflag:s20] =	ssyncadd.s32 $0xFFFFC000  }
0x49: {  	[hbm4b:s15+s2] =	stream.linear.scatter [tilespmem:s14], [sflag:$0x8], $0x4000, $0x38;
	[tilespmem:$0x15900] =	vst v63  }
0x4a: {  	_ =	swait.ge @p0 [sflag:s0], $0x4000  }
0x4b: {  	[sflag:s0] =	ssyncset.done @p0 $0x0  }
0x4c: {  	[sflag:s0] =	ssyncadd.s32 @p0 $0xFFFFC000;
	s0 =	simm.s32 @p0 $0xD900  }
0x4d: {  	[hbm4b:s7+s31] =	stream.linear.scatter @p0 [tilespmem:s0], [sflag:$0x9], $0x4000, $0x38;
	[tilespmem:$0x15900] =	vst v63  }
0x4e: {  	s0 =	simm.s32 @!p0 $0x8  }
0x4f: {  	_ =	swait.ge @!p0 [sflag:s0], $0x4000  }
0x50: {  	[sflag:s0] =	ssyncset.done @!p0 $0x0  }
0x51: {  	s15 =	simm.s32 @!p0 $0x9900;
	[sflag:s0] =	ssyncadd.s32 @!p0 $0xFFFFC000;
	s0 =	sadd.s32 @!p0 $0x380, s1  }
0x52: {  	[tilespmem:s15], [sflag:$0x3] =	stream.indirect.gather @!p0 [hbm4b:s3+s12], $0x80, s0, s12, $0xb8;
	[tilespmem:$0x15900] =	vst v63  }
0x53: {  	s0 =	simm.s32 @!p0 $0x4  }
0x54: {  	_ =	swait.ge @!p0 [sflag:s0], $0x4000  }
0x55: {  	[sflag:s0] =	ssyncset.done @!p0 $0x0  }
0x56: {  	s15 =	simm.s32 @!p0 $0xD900;
	[sflag:s0] =	ssyncadd.s32 @!p0 $0xFFFFC000;
	s0 =	sadd.s32 @!p0 $0xFFFFF800, s29  }
0x57: {  	[hbm4b:s0+s13] =	stream.linear.scatter @!p0 [tilespmem:s15], [sflag:$0x9], $0x4000, $0x38;
	[tilespmem:$0x15900] =	vst v63  }
0x58: {  	s0 =	simm.s32 @!p0 $0x9  }
0x59: {  	_ =	swait.ge @!p0 [sflag:s0], $0x4000  }
0x5a: {  	[sflag:s0] =	ssyncset.done @!p0 $0x0  }
0x5b: {  	[sflag:s0] =	ssyncadd.s32 @!p0 $0xFFFFC000;
	s0 =	sadd.s32 @!p0 $0x400, s1  }
0x5c: {  	[tilespmem:s15], [sflag:$0x4] =	stream.indirect.gather @!p0 [hbm4b:s3+s12], $0x80, s0, s12, $0xb8;
	[tilespmem:$0x15900] =	vst v63  }
.Ltmp2:
0x5d: {  	_ = 	snop;
	(pc) =	sbr.rel @p0 .LBB2_4-.Ltmp2, $4  }
0x5e: {  	_ =	swait.ge [sflag:s21], $0x4000  }
0x5f: {  	[sflag:s21] =	ssyncset.done $0x0  }
0x60: {  	[sflag:s21] =	ssyncadd.s32 $0xFFFFC000  }
0x61: {  	[hbm4b:s29+s2] =	stream.linear.scatter [tilespmem:s18], [sflag:$0xA], $0x4000, $0x38;
	[tilespmem:$0x15900] =	vst v63  }
.Ltmp3:
0x62: {  	(pc) =	sbr.rel .LBB2_2-.Ltmp3, $4  }
0x63: {  	_ =	swait.ge [sflag:s26], $0x4000  }
0x64: {  	s0 =	sshra.s32 s30, $0x2;
	s30 =	sadd.s32 $0xA00, s30;
	[sflag:s26] =	ssyncset.done $0x0  }
0x65: {  	s29 =	sadd.s32 $0x2800, s29;
	s0 =	sadd.s32 $0x480, s0;
	[sflag:s26] =	ssyncadd.s32 $0xFFFFC000  }
0x66: {  	[tilespmem:s18], [sflag:$0x5] =	stream.indirect.gather [hbm4b:s3+s10], $0x80, s0, s10, $0xb8;
	[tilespmem:$0x15900] =	vst v63  }
.LBB2_5:
0x67: {  	_ =	sfence.sel $0x180000  }
0x68: {  	[bflag:$0x0] =	sbarrier.arrive $0xFFFF  }
0x69: {  	_ =	strace $0x90000047  }
0x6a: {  	s0 =	stileid.u32;
	[bflag:$0x2] =	sbarrier.arrive $0xFFFF  }
0x6b: {  	p0 =	sne.s32 s0, $0x0;
	s0 =	rddreg [dreg:$0x1]  }
0x6c: {  	s0 =	sadd.s32 @!p0 $0x100000, s0  }
0x6d: {  	[sflag:s0] =	ssyncadd.tile.s32 @!p0 $0x1;
	_ =	shalt  }
.Lfunc_end2:
_tile_overlayer_lowered:
.L_overlay_start_2:
0x6e: {  	(tag) =	ssettag $0x2  }
0x6f: {  	s0 =	rddreg [dreg:$0x0];
	s2 =	stileid.u32  }
0x70: {  	s1 =	rddreg [dreg:$0x1];
	p0 =	sne.s32 s2, $0x0  }
0x71: {  	s3 =	rddreg [dreg:$0x2];
	[bflag:$0x3] =	sbarrier.arrive $0xFFFF;
	s2 =	simm.s32 @!p0 $0x1C0B  }
0x72: {  	[timem:s3], [sflag:s2] =	dma.local @!p0 [hbm:s0], s1  }
0x73: {  	s0 =	simm.s32 @!p0 $0xB  }
0x74: {  	_ =	swait.ge @!p0 [sflag:s0], s1  }
0x75: {  	s1 =	ssub.s32 @!p0 $0x0, s1;
	[sflag:s0] =	ssyncset.done @!p0 $0x0  }
0x76: {  	[sflag:s0] =	ssyncadd.s32 @!p0 s1  }
0x77: {  	[bflag:$0x3] =	sbarrier.arrive $0xFFFF  }
0x78: {  	_ =	shalt  }

// kernel: kernel.14.cloned.1.call-start
scs
__scs_entry_jumppad:
0x0: {  	(pc) =	sbr.rel $0x88, $3  }
0x1: {  	(tag) =	ssettag $0x0;
	lr =	simm.s32 $0x1  }
0x2: {  	[smem:$0x3F9F] =	sst lr;
	_ =	strace $0xD0000000  }
0x3: {  	_ = 	snop  }
0x4: {  	_ = 	snop  }
0x5: {  	_ = 	snop  }
0x6: {  	_ = 	snop  }
0x7: {  	_ = 	snop  }
__scs_overlays_trampoline_lowered:
0x8: {  	[smem:$0x3FAE] =	sst s0  }
0x9: {  	[smem:$0x3FAF] =	sst s1  }
0xa: {  	[smem:$0x3FB0] =	sst s2  }
0xb: {  	[smem:$0x3FB1] =	sst s3  }
0xc: {  	[smem:$0x3FB2] =	sst s4  }
0xd: {  	[smem:$0x3FB3] =	sst s5  }
0xe: {  	[smem:$0x3FB4] =	sst s6  }
0xf: {  	[smem:$0x3FB5] =	sst s7  }
0x10: {  	[smem:$0x3FB6] =	sst s8  }
0x11: {  	[smem:$0x3FB7] =	sst s9;
	s0 =	simm.s32 @!p0 $0x0  }
0x12: {  	s1 =	sld [smem:$0x3F9D];
	s0 =	simm.s32 @p0 $0x1  }
0x13: {  	[smem:$0x3FB8] =	sst s0;
	s0 =	simm.s32 @!p1 $0x0  }
0x14: {  	s2 =	sld [smem:$0x3F9C];
	s0 =	simm.s32 @p1 $0x1  }
0x15: {  	[smem:$0x3FB9] =	sst s0;
	s0 =	simm.s32 @!p2 $0x0  }
0x16: {  	s3 =	sld [smem:$0x3FDB];
	s0 =	simm.s32 @p2 $0x1  }
0x17: {  	s4 =	simm.s32 $0x1BF5;
	[smem:$0x3FBB] =	sst s0  }
0x18: {  	s0 =	sld [smem:$0x3F9E];
	_ =	swait.ge [sflag:s4], $0x0  }
0x19: {  	s7 =	sld [smem:$0x3F9F]  }
0x1a: {  	s8 =	sadd.s32 $0xFFFFE003, lr  }
0x1b: {  	s9 =	sadd.s32 $0xFFFFFEF7, lr;
	s5 =	simm.s32 $0xFFFFFFFF;
	p2 =	slt.u32 s8, $0xFFFFF086  }
0x1c: {  	p1 =	slt.u32 s9, $0xF7A;
	s5 =	simm.s32 @!p2 $0x0  }
0x1d: {  	s5 =	simm.s32 @p1 $0x1;
	p0 =	seq.s32 s7, s2  }
0x1e: {  	s7 =	smul.u32 @!p0 $0xF7A, s2;
	p2 =	seq.s32 @!p0 s5, $0x0  }
0x1f: {  	s9 =	smul.u32 $0xF7A, s1;
	s8 =	simm.s32 @!p0 $0x1BF5;
	p2 =	por !p2, p0  }
0x20: {  	[sflag:s8] =	ssyncset.s32 @!p0 $0xFFFFF086;
	s6 =	sadd.s32 @!p0 s3, s7;
	s7 =	simm.s32 @!p0 $0x108  }
0x21: {  	s3 =	sadd.s32 s3, s9;
	s6 =	sadd.s32 @!p0 $0x88, s6;
	s7 =	simm.s32 @p2 $0x1082  }
0x22: {  	[simem:s7], [sflag:s8] =	dma.local @!p0 [hbm:s6], $0xF7A  }
0x23: {  	s9 =	sor.u32 $0xD0000000, s2;
	s6 =	simm.s32 $0x108;
	_ =	swait.ge @!p0 [sflag:s8], $0x0  }
0x24: {  	s3 =	sadd.s32 $0x88, s3;
	s6 =	simm.s32 @!p1 $0x1082;
	[sflag:s4] =	ssyncset.s32 $0xFFFFF086  }
0x25: {  	[simem:s6], [sflag:s4] =	dma.local [hbm:s3], $0xF7A  }
0x26: {  	[smem:$0x3F9F] =	sst s1;
	(tag) =	ssettag s2;
	_ =	strace s9  }
0x27: {  	s1 =	sld [smem:$0x3FAF]  }
0x28: {  	s2 =	sld [smem:$0x3FB0]  }
0x29: {  	s4 =	sld [smem:$0x3FB2]  }
0x2a: {  	p0 =	seq.s32 s5, $0x0;
	s5 =	sld [smem:$0x3FB3]  }
0x2b: {  	s6 =	sld [smem:$0x3FB4]  }
0x2c: {  	s7 =	sld [smem:$0x3FB5]  }
0x2d: {  	s3 =	simm.s32 $0x108;
	s8 =	sld [smem:$0x3FB6]  }
0x2e: {  	s3 =	simm.s32 @!p0 $0x1082;
	s9 =	sld [smem:$0x3FB7]  }
0x2f: {  	lr =	sadd.s32 s0, s3;
	s0 =	sld [smem:$0x3FAE]  }
0x30: {  	s3 =	sld [smem:$0x3FB1]  }
0x31: {  	[smem:$0x3FBA] =	sst s10  }
0x32: {  	s10 =	sld [smem:$0x3FB8];
	_ =	sdelay $0x3  }
0x33: {  	p0 =	seq.s32 s10, $0x1;
	s10 =	sld [smem:$0x3FBA];
	_ =	sdelay $0x3  }
0x34: {  	[smem:$0x3FBA] =	sst s10  }
0x35: {  	s10 =	sld [smem:$0x3FB9];
	_ =	sdelay $0x3  }
0x36: {  	p1 =	seq.s32 s10, $0x1;
	s10 =	sld [smem:$0x3FBA];
	_ =	sdelay $0x3  }
0x37: {  	[smem:$0x3FBA] =	sst s10  }
0x38: {  	s10 =	sld [smem:$0x3FBB]  }
0x39: {  	_ = 	snop;
	(pc) =	sbr.ind lr, $3  }
0x3a: {  	_ = 	snop  }
0x3b: {  	_ = 	snop  }
0x3c: {  	p2 =	seq.s32 s10, $0x1;
	s10 =	sld [smem:$0x3FBA]  }
0x3d: {  	_ =	shalt  }
0x3e: {  	_ =	shalt  }
0x3f: {  	_ =	shalt  }
0x40: {  	_ =	shalt  }
0x41: {  	_ =	shalt  }
0x42: {  	_ =	shalt  }
0x43: {  	_ =	shalt  }
0x44: {  	_ =	shalt  }
0x45: {  	_ =	shalt  }
0x46: {  	_ =	shalt  }
0x47: {  	_ =	shalt  }
0x48: {  	_ =	shalt  }
0x49: {  	_ =	shalt  }
0x4a: {  	_ =	shalt  }
0x4b: {  	_ =	shalt  }
0x4c: {  	_ =	shalt  }
0x4d: {  	_ =	shalt  }
0x4e: {  	_ =	shalt  }
0x4f: {  	_ =	shalt  }
0x50: {  	_ =	shalt  }
0x51: {  	_ =	shalt  }
0x52: {  	_ =	shalt  }
0x53: {  	_ =	shalt  }
0x54: {  	_ =	shalt  }
0x55: {  	_ =	shalt  }
0x56: {  	_ =	shalt  }
0x57: {  	_ =	shalt  }
0x58: {  	_ =	shalt  }
0x59: {  	_ =	shalt  }
0x5a: {  	_ =	shalt  }
0x5b: {  	_ =	shalt  }
0x5c: {  	_ =	shalt  }
0x5d: {  	_ =	shalt  }
0x5e: {  	_ =	shalt  }
0x5f: {  	_ =	shalt  }
0x60: {  	_ =	shalt  }
0x61: {  	_ =	shalt  }
0x62: {  	_ =	shalt  }
0x63: {  	_ =	shalt  }
0x64: {  	_ =	shalt  }
0x65: {  	_ =	shalt  }
0x66: {  	_ =	shalt  }
0x67: {  	_ =	shalt  }
0x68: {  	_ =	shalt  }
0x69: {  	_ =	shalt  }
0x6a: {  	_ =	shalt  }
0x6b: {  	_ =	shalt  }
0x6c: {  	_ =	shalt  }
0x6d: {  	_ =	shalt  }
0x6e: {  	_ =	shalt  }
0x6f: {  	_ =	shalt  }
0x70: {  	_ =	shalt  }
0x71: {  	_ =	shalt  }
0x72: {  	_ =	shalt  }
0x73: {  	_ =	shalt  }
0x74: {  	_ =	shalt  }
0x75: {  	_ =	shalt  }
0x76: {  	_ =	shalt  }
0x77: {  	_ =	shalt  }
0x78: {  	_ =	shalt  }
0x79: {  	_ =	shalt  }
0x7a: {  	_ =	shalt  }
0x7b: {  	_ =	shalt  }
0x7c: {  	_ =	shalt  }
0x7d: {  	_ =	shalt  }
0x7e: {  	_ =	shalt  }
0x7f: {  	_ =	shalt  }
0x80: {  	_ =	shalt  }
0x81: {  	_ =	shalt  }
0x82: {  	_ =	shalt  }
0x83: {  	_ =	shalt  }
0x84: {  	_ =	shalt  }
0x85: {  	_ =	shalt  }
0x86: {  	_ =	shalt  }
0x87: {  	_ =	shalt  }
.Lfunc_end0:
.L_simem_size_0:
called_computation.1_lowered:
.L_overlay_start_0:
0x88: {  	s2 =	sld [smem:$0x3FD9]  }
0x89: {  	s3 =	sld [smem:$0x3FFE];
	_ =	sdelay $0x1  }
0x8a: {  	s1 =	srdreg.scid  }
0x8b: {  	s0 =	sand.u32 $0x1, s1  }
0x8c: {  	s17 =	sshll.u32 s0, $0xA;
	s2 =	sadd.s32 s3, s2  }
0x8d: {  	s2 =	sadd.s32 s2, s17  }
0x8e: {  	[smem:$0x3FC6] =	sst s2  }
0x8f: {  	_ = 	snop  }
0x90: {  	(tm) =	ssettm $0x1  }
0x91: {  	s18 =	sld [smem:$0x3FFB];
	_ =	sdelay $0x3  }
0x92: {  	_ =	strace s18  }
0x93: {  	s2 =	sld [smem:$0x3FFC];
	_ =	sdelay $0x3  }
0x94: {  	_ =	strace s2  }
0x95: {  	s2 =	sld [smem:$0x3FFD];
	_ =	sdelay $0x3  }
0x96: {  	_ =	strace s2  }
0x97: {  	_ =	strace $0x8FFFFFFF  }
0x98: {  	s19 =	sld [smem:$0x3FDB];
	_ =	sdelay $0x1  }
0x99: {  	s20 =	simm.s32 $_scs_section_size  }
0x9a: {  	s4 =	simm.s32 $_size__tile_overlayer_lowered;
	s5 =	simm.s32 $_tile_overlayer_lowered  }
0x9b: {  	s6 =	simm.s32 $0x1BFF;
	s21 =	sshll.u32 s5, $0x1;
	s3 =	sadd.s32 s20, s19  }
0x9c: {  	s22 =	simm.s32 $0x0;
	s4 =	sshll.u32 s4, $0x1;
	s5 =	sadd.s32 s21, s3  }
0x9d: {  	[timem:s22], [sflag:s6] =	dma.local [hbm:s5], s4  }
0x9e: {  	_ =	swait.ge [sflag:s6], s4  }
0x9f: {  	s4 =	ssub.s32 $0x0, s4;
	[sflag:s6] =	ssyncset.done $0x0  }
0xa0: {  	[sflag:s6] =	ssyncadd.s32 s4;
	_ =	sdelay $0x1  }
0xa1: {  	s23 =	simm.s32 $0x1B8B  }
0xa2: {  	_ =	swait.ge [sflag:s23], $0x1  }
0xa3: {  	[sflag:s23] =	ssyncset.done $0x0  }
0xa4: {  	[sflag:s23] =	ssyncadd.s32 $0xFFFFFFFF  }
0xa5: {  	s4 =	sld [smem:$0x0]  }
0xa6: {  	s5 =	sand.u32 $0xFFFFFFFE, s1  }
0xa7: {  	p0 =	sne.s32 s1, s5  }
0xa8: {  	s5 =	sshll.u32 @p0 s5, $0xE  }
0xa9: {  	s5 =	sadd.s32 @p0 $0x11B8D, s5;
	s6 =	sshll.u32 @p0 s4, $0x11  }
0xaa: {  	s5 =	sor.u32 @p0 s6, s5  }
0xab: {  	[sflag:s5] =	ssyncadd.remote.s32 @p0 $0x1;
	_ =	sdelay $0x1  }
0xac: {  	s5 =	simm.s32 @p0 $0x1B8D  }
0xad: {  	_ =	swait.eq @p0 [sflag:s5], $0x1  }
0xae: {  	[sflag:s5] =	ssyncadd.s32 @p0 $0xFFFFFFFF  }
0xaf: {  	s6 =	sshll.u32 @!p0 s1, $0xE  }
0xb0: {  	s6 =	sor.u32 @!p0 $0x4000, s6;
	s5 =	simm.s32 @!p0 $0x1B8D  }
0xb1: {  	s4 =	sshll.u32 @!p0 s4, $0x11;
	s6 =	sadd.s32 @!p0 $0x11B8D, s6;
	_ =	swait.eq @!p0 [sflag:s5], $0x1  }
0xb2: {  	s4 =	sor.u32 @!p0 s4, s6;
	[sflag:s5] =	ssyncadd.s32 @!p0 $0xFFFFFFFF  }
0xb3: {  	s25 =	simm.s32 $0x1B8E;
	s24 =	sld [smem:$0x3FFE];
	[sflag:s4] =	ssyncadd.remote.s32 @!p0 $0x1  }
0xb4: {  	s26 =	simm.s32 $execute0_lowered;
	[smem:$0x3FD2] =	sst s25  }
0xb5: {  	s5 =	sshll.u32 s26, $0x1;
	_ =	strace $0x80000049;
	[dreg:$0x1] =	wrdreg $0xFFFFFFFF  }
0xb6: {  	s28 =	simm.s32 $_size_execute0_lowered;
	s3 =	sadd.s32 s3, s5;
	[dreg:$0x0] =	wrdreg $0x0  }
0xb7: {  	s5 =	sshll.u32 s28, $0x1;
	[dreg:$0x2] =	wrdreg s3  }
0xb8: {  	[dreg:$0x3] =	wrdreg s5  }
0xb9: {  	[dreg:$0x4] =	wrdreg $0xC0  }
0xba: {  	_ =	task [dreg:s22], $0x5FFFF  }
0xbb: {  	[dreg:$0x1] =	wrdreg $0xFFFFFFFF  }
0xbc: {  	[dreg:$0x0] =	wrdreg $0x60  }
0xbd: {  	[dreg:$0x2] =	wrdreg s24  }
0xbe: {  	[dreg:$0x3] =	wrdreg $0xA  }
0xbf: {  	_ =	task.clear_ibuf [dreg:s22], $0x4FFFF;
	_ =	strace $0x90000049  }
0xc0: {  	s29 =	simm.s32 $0xA;
	_ =	strace $0x8000004B  }
0xc1: {  	_ =	swait.ge [sflag:s29], $0x1  }
0xc2: {  	[sflag:s29] =	ssyncadd.s32 $0xFFFFFFFF  }
0xc3: {  	_ =	strace $0x9000004B  }
0xc4: {  	_ =	sfence  }
0xc5: {  	s30 =	sld [smem:$0x0];
	_ =	sdelay $0x2  }
0xc6: {  	s31 =	sshll.u32 s1, $0xD;
	s1 =	sshrl.u32 s1, $0x2  }
0xc7: {  	s4 =	sand.u32 $0x4000, s31;
	s1 =	sadd.s32 s1, s30  }
0xc8: {  	s0 =	sor.u32 s4, s0;
	s1 =	sshll.u32 s1, $0x11  }
0xc9: {  	s0 =	sor.u32 s1, s0  }
0xca: {  	s0 =	sadd.s32 $0x8F2B, s0  }
0xcb: {  	[sflag:s0] =	ssyncadd.remote.s32 $0x1  }
0xcc: {  	_ =	sfence.sel $0xFFFF  }
0xcd: {  	[dreg:$0x0] =	wrdreg $0xFFFFFFFF;
	(pc) =	sbr.abs _section_cstart, $3  }
0xce: {  	[dreg:$0x1] =	wrdreg $0xFFFFFFFF  }
0xcf: {  	_ =	task.clear_ibuf [dreg:s22], $0x2FFFF;
	_ =	strace $0x9FFFFFFF  }
0xd0: {  	(tm) =	ssettm $0x7FFFFFFF  }
0xd1: {  	_ =	shalt  }
tec
execute0_lowered:
.L_overlay_start_1:
0x0: {  	(tag) =	ssettag $0x1  }
0x1: {  	s1 =	srdreg.scid  }
0x2: {  	s0 =	stileid.u32;
	s5 =	rddreg [dreg:$0x0]  }
0x3: {  	s2 =	simm.s32 $0x0;
	s11 =	simm.s32 $0x1900;
	s14 =	simm.s32 $0x9900  }
0x4: {  	s16 =	simm.s32 $0xD900;
	s17 =	simm.s32 $0x200;
	s18 =	simm.s32 $0x11900  }
0x5: {  	s19 =	simm.s32 $0x1;
	s20 =	simm.s32 $0x3;
	s21 =	simm.s32 $0x5  }
0x6: {  	s22 =	simm.s32 $0x6;
	s23 =	simm.s32 $0x7;
	s24 =	simm.s32 $0x8  }
0x7: {  	s25 =	simm.s32 $0x9;
	s4 =	sand.u32 $0x1, s1;
	s30 =	sshll.u32 s0, $0x1  }
0x8: {  	s26 =	simm.s32 $0xA;
	s10 =	smul.u32 $0x32000, s0;
	s3 =	sor.u32 s4, s30  }
0x9: {  	s28 =	simm.s32 $0x0;
	[smem:$0x7FF] =	sst s2;
	s6 =	smul.u32 $0x1900, s3  }
0xa: {  	_ =	strace $0x8000004A;
	s7 =	ssub.s32 $0x2, s4;
	s31 =	smul.u32 $0x19000, s4  }
0xb: {  	s8 =	smul.u32 $0x19000, s3;
	s3 =	sadd.s32 $0x1800, s5;
	s6 =	sshrl.u32 s6, $0x3  }
.Ltmp0:
0xc: {  	s9 =	sshrl.u32 s7, $0x1;
	s6 =	sadd.s32 s6, s5;
	(pc) =	sbr.rel .LBB2_1-.Ltmp0, $4  }
0xd: {  	s7 =	ssub.s32 s7, s9;
	s5 =	sadd.s32 $0x4C2A00, s5;
	s4 =	sadd.s32 $0x4BC600, s6  }
0xe: {  	s8 =	sadd.s32 s5, s8;
	s10 =	sadd.s32 s10, s5;
	s5 =	smax.u32 s7, $0x1  }
0xf: {  	s6 =	sadd.s32 $0x17000, s8;
	s9 =	sadd.s32 s31, s10;
	s7 =	sadd.s32 $0x18000, s8  }
0x10: {  	s10 =	simm.s32 $0x80;
	s8 =	sadd.s32 $0x2000, s9;
	s9 =	simm.s32 $0xB  }
.LBB2_4:
0x11: {  	_ =	swait.ge [sflag:s22], $0x4000  }
0x12: {  	[sflag:s22] =	ssyncset.done $0x0  }
0x13: {  	[sflag:s22] =	ssyncadd.s32 $0xFFFFC000  }
0x14: {  	_ =	swait.ge [sflag:s23], $0x4000  }
0x15: {  	[sflag:s23] =	ssyncset.done $0x0  }
0x16: {  	[sflag:s23] =	ssyncadd.s32 $0xFFFFC000  }
0x17: {  	_ =	swait.ge [sflag:s24], $0x4000  }
0x18: {  	[sflag:s24] =	ssyncset.done $0x0  }
0x19: {  	s28 =	sadd.s32 $0x1, s28;
	[sflag:s24] =	ssyncadd.s32 $0xFFFFC000  }
0x1a: {  	p0 =	sne.s32 s28, s5;
	_ =	swait.ge [sflag:s25], $0x4000  }
.Ltmp1:
0x1b: {  	[sflag:s25] =	ssyncset.done $0x0;
	(pc) =	sbr.rel @!p0 .LBB2_5-.Ltmp1, $4  }
0x1c: {  	[sflag:s25] =	ssyncadd.s32 $0xFFFFC000  }
0x1d: {  	_ =	swait.ge [sflag:s26], $0x4000  }
0x1e: {  	[sflag:s26] =	ssyncset.done $0x0  }
0x1f: {  	[sflag:s26] =	ssyncadd.s32 $0xFFFFC000  }
.LBB2_1:
0x20: {  	[tilespmem:s2], [sflag:$0xB] =	stream.linear.gather [hbm4b:s4+s2], $0x1900, $0x38;
	[tilespmem:$0x15900] =	vst v63  }
0x21: {  	_ =	swait.ge [sflag:s9], $0x1900  }
0x22: {  	[sflag:s9] =	ssyncset.done $0x0  }
0x23: {  	[sflag:s9] =	ssyncadd.s32 $0xFFFFE700  }
0x24: {  	[tilespmem:s11], [sflag:$0x1] =	stream.indirect.gather [hbm4b:s3+s10], $0x80, s2, s10, $0xb8;
	[tilespmem:$0x15900] =	vst v63  }
0x25: {  	s0 =	simm.s32 $0x5900  }
0x26: {  	[tilespmem:s0], [sflag:$0x2] =	stream.indirect.gather [hbm4b:s3+s10], $0x80, s10, s10, $0xb8;
	[tilespmem:$0x15900] =	vst v63  }
0x27: {  	s15 =	simm.s32 $0x100  }
0x28: {  	[tilespmem:s14], [sflag:$0x3] =	stream.indirect.gather [hbm4b:s3+s10], $0x80, s15, s10, $0xb8;
	[tilespmem:$0x15900] =	vst v63  }
0x29: {  	s31 =	simm.s32 $0x180  }
0x2a: {  	[tilespmem:s16], [sflag:$0x4] =	stream.indirect.gather [hbm4b:s3+s10], $0x80, s31, s10, $0xb8;
	[tilespmem:$0x15900] =	vst v63  }
0x2b: {  	s29 =	smov.u32 s8;
	s30 =	simm.s32 $0x0  }
0x2c: {  	[tilespmem:s18], [sflag:$0x5] =	stream.indirect.gather [hbm4b:s3+s10], $0x80, s17, s10, $0xb8;
	[tilespmem:$0x15900] =	vst v63  }
.LBB2_2:
0x2d: {  	_ =	swait.ge [sflag:s19], $0x4000  }
0x2e: {  	[sflag:s19] =	ssyncset.done $0x0  }
0x2f: {  	s31 =	sadd.s32 $0xFFFFE000, s29;
	p0 =	seq.s32 s30, $0x5A00;
	[sflag:s19] =	ssyncadd.s32 $0xFFFFC000  }
0x30: {  	[hbm4b:s31+s2] =	stream.linear.scatter [tilespmem:s11], [sflag:$0x6], $0x4000, $0x38;
	[tilespmem:$0x15900] =	vst v63  }
0x31: {  	s31 =	simm.s32 @p0 $0x2  }
0x32: {  	_ =	swait.ge @p0 [sflag:s31], $0x4000  }
0x33: {  	[sflag:s31] =	ssyncset.done @p0 $0x0  }
0x34: {  	s1 =	simm.s32 @p0 $0x5900;
	[sflag:s31] =	ssyncadd.s32 @p0 $0xFFFFC000;
	s31 =	simm.s32 @p0 $0x0  }
0x35: {  	[hbm4b:s6+s31] =	stream.linear.scatter @p0 [tilespmem:s1], [sflag:$0x7], $0x4000, $0x38;
	[tilespmem:$0x15900] =	vst v63  }
0x36: {  	s1 =	simm.s32 @!p0 $0x6  }
0x37: {  	_ =	swait.ge @!p0 [sflag:s1], $0x4000  }
0x38: {  	[sflag:s1] =	ssyncset.done @!p0 $0x0  }
0x39: {  	[sflag:s1] =	ssyncadd.s32 @!p0 $0xFFFFC000;
	s1 =	sshra.s32 @!p0 s30, $0x2  }
0x3a: {  	s12 =	simm.s32 @!p0 $0x80;
	s13 =	simm.s32 @!p0 $0x1900;
	s0 =	sadd.s32 @!p0 $0x280, s1  }
0x3b: {  	[tilespmem:s13], [sflag:$0x1] =	stream.indirect.gather @!p0 [hbm4b:s3+s12], $0x80, s0, s12, $0xb8;
	[tilespmem:$0x15900] =	vst v63  }
0x3c: {  	s0 =	simm.s32 @!p0 $0x2  }
0x3d: {  	_ =	swait.ge @!p0 [sflag:s0], $0x4000  }
0x3e: {  	s15 =	simm.s32 @!p0 $0x5900;
	[sflag:s0] =	ssyncset.done @!p0 $0x0  }
0x3f: {  	s13 =	simm.s32 @!p0 $0x0;
	[sflag:s0] =	ssyncadd.s32 @!p0 $0xFFFFC000;
	s0 =	sadd.s32 @!p0 $0xFFFFE800, s29  }
0x40: {  	[hbm4b:s0+s13] =	stream.linear.scatter @!p0 [tilespmem:s15], [sflag:$0x7], $0x4000, $0x38;
	[tilespmem:$0x15900] =	vst v63  }
0x41: {  	s0 =	simm.s32 @!p0 $0x7  }
0x42: {  	_ =	swait.ge @!p0 [sflag:s0], $0x4000  }
0x43: {  	[sflag:s0] =	ssyncset.done @!p0 $0x0  }
0x44: {  	[sflag:s0] =	ssyncadd.s32 @!p0 $0xFFFFC000;
	s0 =	sadd.s32 @!p0 $0x300, s1  }
0x45: {  	[tilespmem:s15], [sflag:$0x2] =	stream.indirect.gather @!p0 [hbm4b:s3+s12], $0x80, s0, s12, $0xb8;
	[tilespmem:$0x15900] =	vst v63  }
0x46: {  	_ =	swait.ge [sflag:s20], $0x4000  }
0x47: {  	[sflag:s20] =	ssyncset.done $0x0  }
0x48: {  	s15 =	sadd.s32 $0xFFFFF000, s29;
	s0 =	simm.s32 @p0 $0x4;
	[sflag:s20] =	ssyncadd.s32 $0xFFFFC000  }
0x49: {  	[hbm4b:s15+s2] =	stream.linear.scatter [tilespmem:s14], [sflag:$0x8], $0x4000, $0x38;
	[tilespmem:$0x15900] =	vst v63  }
0x4a: {  	_ =	swait.ge @p0 [sflag:s0], $0x4000  }
0x4b: {  	[sflag:s0] =	ssyncset.done @p0 $0x0  }
0x4c: {  	[sflag:s0] =	ssyncadd.s32 @p0 $0xFFFFC000;
	s0 =	simm.s32 @p0 $0xD900  }
0x4d: {  	[hbm4b:s7+s31] =	stream.linear.scatter @p0 [tilespmem:s0], [sflag:$0x9], $0x4000, $0x38;
	[tilespmem:$0x15900] =	vst v63  }
0x4e: {  	s0 =	simm.s32 @!p0 $0x8  }
0x4f: {  	_ =	swait.ge @!p0 [sflag:s0], $0x4000  }
0x50: {  	[sflag:s0] =	ssyncset.done @!p0 $0x0  }
0x51: {  	s15 =	simm.s32 @!p0 $0x9900;
	[sflag:s0] =	ssyncadd.s32 @!p0 $0xFFFFC000;
	s0 =	sadd.s32 @!p0 $0x380, s1  }
0x52: {  	[tilespmem:s15], [sflag:$0x3] =	stream.indirect.gather @!p0 [hbm4b:s3+s12], $0x80, s0, s12, $0xb8;
	[tilespmem:$0x15900] =	vst v63  }
0x53: {  	s0 =	simm.s32 @!p0 $0x4  }
0x54: {  	_ =	swait.ge @!p0 [sflag:s0], $0x4000  }
0x55: {  	[sflag:s0] =	ssyncset.done @!p0 $0x0  }
0x56: {  	s15 =	simm.s32 @!p0 $0xD900;
	[sflag:s0] =	ssyncadd.s32 @!p0 $0xFFFFC000;
	s0 =	sadd.s32 @!p0 $0xFFFFF800, s29  }
0x57: {  	[hbm4b:s0+s13] =	stream.linear.scatter @!p0 [tilespmem:s15], [sflag:$0x9], $0x4000, $0x38;
	[tilespmem:$0x15900] =	vst v63  }
0x58: {  	s0 =	simm.s32 @!p0 $0x9  }
0x59: {  	_ =	swait.ge @!p0 [sflag:s0], $0x4000  }
0x5a: {  	[sflag:s0] =	ssyncset.done @!p0 $0x0  }
0x5b: {  	[sflag:s0] =	ssyncadd.s32 @!p0 $0xFFFFC000;
	s0 =	sadd.s32 @!p0 $0x400, s1  }
0x5c: {  	[tilespmem:s15], [sflag:$0x4] =	stream.indirect.gather @!p0 [hbm4b:s3+s12], $0x80, s0, s12, $0xb8;
	[tilespmem:$0x15900] =	vst v63  }
.Ltmp2:
0x5d: {  	_ = 	snop;
	(pc) =	sbr.rel @p0 .LBB2_4-.Ltmp2, $4  }
0x5e: {  	_ =	swait.ge [sflag:s21], $0x4000  }
0x5f: {  	[sflag:s21] =	ssyncset.done $0x0  }
0x60: {  	[sflag:s21] =	ssyncadd.s32 $0xFFFFC000  }
0x61: {  	[hbm4b:s29+s2] =	stream.linear.scatter [tilespmem:s18], [sflag:$0xA], $0x4000, $0x38;
	[tilespmem:$0x15900] =	vst v63  }
.Ltmp3:
0x62: {  	(pc) =	sbr.rel .LBB2_2-.Ltmp3, $4  }
0x63: {  	_ =	swait.ge [sflag:s26], $0x4000  }
0x64: {  	s0 =	sshra.s32 s30, $0x2;
	s30 =	sadd.s32 $0xA00, s30;
	[sflag:s26] =	ssyncset.done $0x0  }
0x65: {  	s29 =	sadd.s32 $0x2800, s29;
	s0 =	sadd.s32 $0x480, s0;
	[sflag:s26] =	ssyncadd.s32 $0xFFFFC000  }
0x66: {  	[tilespmem:s18], [sflag:$0x5] =	stream.indirect.gather [hbm4b:s3+s10], $0x80, s0, s10, $0xb8;
	[tilespmem:$0x15900] =	vst v63  }
.LBB2_5:
0x67: {  	_ =	sfence.sel $0x180000  }
0x68: {  	[bflag:$0x0] =	sbarrier.arrive $0xFFFF  }
0x69: {  	_ =	strace $0x9000004A  }
0x6a: {  	s0 =	stileid.u32;
	[bflag:$0x2] =	sbarrier.arrive $0xFFFF  }
0x6b: {  	p0 =	sne.s32 s0, $0x0;
	s0 =	rddreg [dreg:$0x1]  }
0x6c: {  	s0 =	sadd.s32 @!p0 $0x100000, s0  }
0x6d: {  	[sflag:s0] =	ssyncadd.tile.s32 @!p0 $0x1;
	_ =	shalt  }
.Lfunc_end2:
_tile_overlayer_lowered:
.L_overlay_start_2:
0x6e: {  	(tag) =	ssettag $0x2  }
0x6f: {  	s0 =	rddreg [dreg:$0x0];
	s2 =	stileid.u32  }
0x70: {  	s1 =	rddreg [dreg:$0x1];
	p0 =	sne.s32 s2, $0x0  }
0x71: {  	s3 =	rddreg [dreg:$0x2];
	[bflag:$0x3] =	sbarrier.arrive $0xFFFF;
	s2 =	simm.s32 @!p0 $0x1C0B  }
0x72: {  	[timem:s3], [sflag:s2] =	dma.local @!p0 [hbm:s0], s1  }
0x73: {  	s0 =	simm.s32 @!p0 $0xB  }
0x74: {  	_ =	swait.ge @!p0 [sflag:s0], s1  }
0x75: {  	s1 =	ssub.s32 @!p0 $0x0, s1;
	[sflag:s0] =	ssyncset.done @!p0 $0x0  }
0x76: {  	[sflag:s0] =	ssyncadd.s32 @!p0 s1  }
0x77: {  	[bflag:$0x3] =	sbarrier.arrive $0xFFFF  }
0x78: {  	_ =	shalt  }

// kernel: kernel.17.cloned.1.call-start
scs
__scs_entry_jumppad:
0x0: {  	(pc) =	sbr.rel $0x88, $3  }
0x1: {  	(tag) =	ssettag $0x0;
	lr =	simm.s32 $0x1  }
0x2: {  	[smem:$0x3F9F] =	sst lr;
	_ =	strace $0xD0000000  }
0x3: {  	_ = 	snop  }
0x4: {  	_ = 	snop  }
0x5: {  	_ = 	snop  }
0x6: {  	_ = 	snop  }
0x7: {  	_ = 	snop  }
__scs_overlays_trampoline_lowered:
0x8: {  	[smem:$0x3FAE] =	sst s0  }
0x9: {  	[smem:$0x3FAF] =	sst s1  }
0xa: {  	[smem:$0x3FB0] =	sst s2  }
0xb: {  	[smem:$0x3FB1] =	sst s3  }
0xc: {  	[smem:$0x3FB2] =	sst s4  }
0xd: {  	[smem:$0x3FB3] =	sst s5  }
0xe: {  	[smem:$0x3FB4] =	sst s6  }
0xf: {  	[smem:$0x3FB5] =	sst s7  }
0x10: {  	[smem:$0x3FB6] =	sst s8  }
0x11: {  	[smem:$0x3FB7] =	sst s9;
	s0 =	simm.s32 @!p0 $0x0  }
0x12: {  	s1 =	sld [smem:$0x3F9D];
	s0 =	simm.s32 @p0 $0x1  }
0x13: {  	[smem:$0x3FB8] =	sst s0;
	s0 =	simm.s32 @!p1 $0x0  }
0x14: {  	s2 =	sld [smem:$0x3F9C];
	s0 =	simm.s32 @p1 $0x1  }
0x15: {  	[smem:$0x3FB9] =	sst s0;
	s0 =	simm.s32 @!p2 $0x0  }
0x16: {  	s3 =	sld [smem:$0x3FDB];
	s0 =	simm.s32 @p2 $0x1  }
0x17: {  	s4 =	simm.s32 $0x1BF5;
	[smem:$0x3FBB] =	sst s0  }
0x18: {  	s0 =	sld [smem:$0x3F9E];
	_ =	swait.ge [sflag:s4], $0x0  }
0x19: {  	s7 =	sld [smem:$0x3F9F]  }
0x1a: {  	s8 =	sadd.s32 $0xFFFFE003, lr  }
0x1b: {  	s9 =	sadd.s32 $0xFFFFFEF7, lr;
	s5 =	simm.s32 $0xFFFFFFFF;
	p2 =	slt.u32 s8, $0xFFFFF086  }
0x1c: {  	p1 =	slt.u32 s9, $0xF7A;
	s5 =	simm.s32 @!p2 $0x0  }
0x1d: {  	s5 =	simm.s32 @p1 $0x1;
	p0 =	seq.s32 s7, s2  }
0x1e: {  	s7 =	smul.u32 @!p0 $0xF7A, s2;
	p2 =	seq.s32 @!p0 s5, $0x0  }
0x1f: {  	s9 =	smul.u32 $0xF7A, s1;
	s8 =	simm.s32 @!p0 $0x1BF5;
	p2 =	por !p2, p0  }
0x20: {  	[sflag:s8] =	ssyncset.s32 @!p0 $0xFFFFF086;
	s6 =	sadd.s32 @!p0 s3, s7;
	s7 =	simm.s32 @!p0 $0x108  }
0x21: {  	s3 =	sadd.s32 s3, s9;
	s6 =	sadd.s32 @!p0 $0x88, s6;
	s7 =	simm.s32 @p2 $0x1082  }
0x22: {  	[simem:s7], [sflag:s8] =	dma.local @!p0 [hbm:s6], $0xF7A  }
0x23: {  	s9 =	sor.u32 $0xD0000000, s2;
	s6 =	simm.s32 $0x108;
	_ =	swait.ge @!p0 [sflag:s8], $0x0  }
0x24: {  	s3 =	sadd.s32 $0x88, s3;
	s6 =	simm.s32 @!p1 $0x1082;
	[sflag:s4] =	ssyncset.s32 $0xFFFFF086  }
0x25: {  	[simem:s6], [sflag:s4] =	dma.local [hbm:s3], $0xF7A  }
0x26: {  	[smem:$0x3F9F] =	sst s1;
	(tag) =	ssettag s2;
	_ =	strace s9  }
0x27: {  	s1 =	sld [smem:$0x3FAF]  }
0x28: {  	s2 =	sld [smem:$0x3FB0]  }
0x29: {  	s4 =	sld [smem:$0x3FB2]  }
0x2a: {  	p0 =	seq.s32 s5, $0x0;
	s5 =	sld [smem:$0x3FB3]  }
0x2b: {  	s6 =	sld [smem:$0x3FB4]  }
0x2c: {  	s7 =	sld [smem:$0x3FB5]  }
0x2d: {  	s3 =	simm.s32 $0x108;
	s8 =	sld [smem:$0x3FB6]  }
0x2e: {  	s3 =	simm.s32 @!p0 $0x1082;
	s9 =	sld [smem:$0x3FB7]  }
0x2f: {  	lr =	sadd.s32 s0, s3;
	s0 =	sld [smem:$0x3FAE]  }
0x30: {  	s3 =	sld [smem:$0x3FB1]  }
0x31: {  	[smem:$0x3FBA] =	sst s10  }
0x32: {  	s10 =	sld [smem:$0x3FB8];
	_ =	sdelay $0x3  }
0x33: {  	p0 =	seq.s32 s10, $0x1;
	s10 =	sld [smem:$0x3FBA];
	_ =	sdelay $0x3  }
0x34: {  	[smem:$0x3FBA] =	sst s10  }
0x35: {  	s10 =	sld [smem:$0x3FB9];
	_ =	sdelay $0x3  }
0x36: {  	p1 =	seq.s32 s10, $0x1;
	s10 =	sld [smem:$0x3FBA];
	_ =	sdelay $0x3  }
0x37: {  	[smem:$0x3FBA] =	sst s10  }
0x38: {  	s10 =	sld [smem:$0x3FBB]  }
0x39: {  	_ = 	snop;
	(pc) =	sbr.ind lr, $3  }
0x3a: {  	_ = 	snop  }
0x3b: {  	_ = 	snop  }
0x3c: {  	p2 =	seq.s32 s10, $0x1;
	s10 =	sld [smem:$0x3FBA]  }
0x3d: {  	_ =	shalt  }
0x3e: {  	_ =	shalt  }
0x3f: {  	_ =	shalt  }
0x40: {  	_ =	shalt  }
0x41: {  	_ =	shalt  }
0x42: {  	_ =	shalt  }
0x43: {  	_ =	shalt  }
0x44: {  	_ =	shalt  }
0x45: {  	_ =	shalt  }
0x46: {  	_ =	shalt  }
0x47: {  	_ =	shalt  }
0x48: {  	_ =	shalt  }
0x49: {  	_ =	shalt  }
0x4a: {  	_ =	shalt  }
0x4b: {  	_ =	shalt  }
0x4c: {  	_ =	shalt  }
0x4d: {  	_ =	shalt  }
0x4e: {  	_ =	shalt  }
0x4f: {  	_ =	shalt  }
0x50: {  	_ =	shalt  }
0x51: {  	_ =	shalt  }
0x52: {  	_ =	shalt  }
0x53: {  	_ =	shalt  }
0x54: {  	_ =	shalt  }
0x55: {  	_ =	shalt  }
0x56: {  	_ =	shalt  }
0x57: {  	_ =	shalt  }
0x58: {  	_ =	shalt  }
0x59: {  	_ =	shalt  }
0x5a: {  	_ =	shalt  }
0x5b: {  	_ =	shalt  }
0x5c: {  	_ =	shalt  }
0x5d: {  	_ =	shalt  }
0x5e: {  	_ =	shalt  }
0x5f: {  	_ =	shalt  }
0x60: {  	_ =	shalt  }
0x61: {  	_ =	shalt  }
0x62: {  	_ =	shalt  }
0x63: {  	_ =	shalt  }
0x64: {  	_ =	shalt  }
0x65: {  	_ =	shalt  }
0x66: {  	_ =	shalt  }
0x67: {  	_ =	shalt  }
0x68: {  	_ =	shalt  }
0x69: {  	_ =	shalt  }
0x6a: {  	_ =	shalt  }
0x6b: {  	_ =	shalt  }
0x6c: {  	_ =	shalt  }
0x6d: {  	_ =	shalt  }
0x6e: {  	_ =	shalt  }
0x6f: {  	_ =	shalt  }
0x70: {  	_ =	shalt  }
0x71: {  	_ =	shalt  }
0x72: {  	_ =	shalt  }
0x73: {  	_ =	shalt  }
0x74: {  	_ =	shalt  }
0x75: {  	_ =	shalt  }
0x76: {  	_ =	shalt  }
0x77: {  	_ =	shalt  }
0x78: {  	_ =	shalt  }
0x79: {  	_ =	shalt  }
0x7a: {  	_ =	shalt  }
0x7b: {  	_ =	shalt  }
0x7c: {  	_ =	shalt  }
0x7d: {  	_ =	shalt  }
0x7e: {  	_ =	shalt  }
0x7f: {  	_ =	shalt  }
0x80: {  	_ =	shalt  }
0x81: {  	_ =	shalt  }
0x82: {  	_ =	shalt  }
0x83: {  	_ =	shalt  }
0x84: {  	_ =	shalt  }
0x85: {  	_ =	shalt  }
0x86: {  	_ =	shalt  }
0x87: {  	_ =	shalt  }
.Lfunc_end0:
.L_simem_size_0:
called_computation.2_lowered:
.L_overlay_start_0:
0x88: {  	s2 =	sld [smem:$0x3FD9]  }
0x89: {  	s3 =	sld [smem:$0x3FFE];
	_ =	sdelay $0x1  }
0x8a: {  	s1 =	srdreg.scid  }
0x8b: {  	s0 =	sand.u32 $0x1, s1  }
0x8c: {  	s17 =	sshll.u32 s0, $0xA;
	s2 =	sadd.s32 s3, s2  }
0x8d: {  	s2 =	sadd.s32 s2, s17  }
0x8e: {  	[smem:$0x3FC6] =	sst s2  }
0x8f: {  	_ = 	snop  }
0x90: {  	(tm) =	ssettm $0x1  }
0x91: {  	s18 =	sld [smem:$0x3FFB];
	_ =	sdelay $0x3  }
0x92: {  	_ =	strace s18  }
0x93: {  	s2 =	sld [smem:$0x3FFC];
	_ =	sdelay $0x3  }
0x94: {  	_ =	strace s2  }
0x95: {  	s2 =	sld [smem:$0x3FFD];
	_ =	sdelay $0x3  }
0x96: {  	_ =	strace s2  }
0x97: {  	_ =	strace $0x8FFFFFFF  }
0x98: {  	s19 =	sld [smem:$0x3FDB];
	_ =	sdelay $0x1  }
0x99: {  	s20 =	simm.s32 $_scs_section_size  }
0x9a: {  	s4 =	simm.s32 $_size__tile_overlayer_lowered;
	s5 =	simm.s32 $_tile_overlayer_lowered  }
0x9b: {  	s6 =	simm.s32 $0x1BFF;
	s21 =	sshll.u32 s5, $0x1;
	s3 =	sadd.s32 s20, s19  }
0x9c: {  	s22 =	simm.s32 $0x0;
	s4 =	sshll.u32 s4, $0x1;
	s5 =	sadd.s32 s21, s3  }
0x9d: {  	[timem:s22], [sflag:s6] =	dma.local [hbm:s5], s4  }
0x9e: {  	_ =	swait.ge [sflag:s6], s4  }
0x9f: {  	s4 =	ssub.s32 $0x0, s4;
	[sflag:s6] =	ssyncset.done $0x0  }
0xa0: {  	[sflag:s6] =	ssyncadd.s32 s4;
	_ =	sdelay $0x1  }
0xa1: {  	s23 =	simm.s32 $0x1B8B  }
0xa2: {  	_ =	swait.ge [sflag:s23], $0x1  }
0xa3: {  	[sflag:s23] =	ssyncset.done $0x0  }
0xa4: {  	[sflag:s23] =	ssyncadd.s32 $0xFFFFFFFF  }
0xa5: {  	s4 =	sld [smem:$0x0]  }
0xa6: {  	s5 =	sand.u32 $0xFFFFFFFE, s1  }
0xa7: {  	p0 =	sne.s32 s1, s5  }
0xa8: {  	s5 =	sshll.u32 @p0 s5, $0xE  }
0xa9: {  	s5 =	sadd.s32 @p0 $0x11B8D, s5;
	s6 =	sshll.u32 @p0 s4, $0x11  }
0xaa: {  	s5 =	sor.u32 @p0 s6, s5  }
0xab: {  	[sflag:s5] =	ssyncadd.remote.s32 @p0 $0x1;
	_ =	sdelay $0x1  }
0xac: {  	s5 =	simm.s32 @p0 $0x1B8D  }
0xad: {  	_ =	swait.eq @p0 [sflag:s5], $0x1  }
0xae: {  	[sflag:s5] =	ssyncadd.s32 @p0 $0xFFFFFFFF  }
0xaf: {  	s6 =	sshll.u32 @!p0 s1, $0xE  }
0xb0: {  	s6 =	sor.u32 @!p0 $0x4000, s6;
	s5 =	simm.s32 @!p0 $0x1B8D  }
0xb1: {  	s4 =	sshll.u32 @!p0 s4, $0x11;
	s6 =	sadd.s32 @!p0 $0x11B8D, s6;
	_ =	swait.eq @!p0 [sflag:s5], $0x1  }
0xb2: {  	s4 =	sor.u32 @!p0 s4, s6;
	[sflag:s5] =	ssyncadd.s32 @!p0 $0xFFFFFFFF  }
0xb3: {  	s25 =	simm.s32 $0x1B8E;
	s24 =	sld [smem:$0x3FFE];
	[sflag:s4] =	ssyncadd.remote.s32 @!p0 $0x1  }
0xb4: {  	s26 =	simm.s32 $execute0_lowered;
	[smem:$0x3FD2] =	sst s25  }
0xb5: {  	s5 =	sshll.u32 s26, $0x1;
	_ =	strace $0x8000004C;
	[dreg:$0x1] =	wrdreg $0xFFFFFFFF  }
0xb6: {  	s28 =	simm.s32 $_size_execute0_lowered;
	s3 =	sadd.s32 s3, s5;
	[dreg:$0x0] =	wrdreg $0x0  }
0xb7: {  	s5 =	sshll.u32 s28, $0x1;
	[dreg:$0x2] =	wrdreg s3  }
0xb8: {  	[dreg:$0x3] =	wrdreg s5  }
0xb9: {  	[dreg:$0x4] =	wrdreg $0xC0  }
0xba: {  	_ =	task [dreg:s22], $0x5FFFF  }
0xbb: {  	[dreg:$0x1] =	wrdreg $0xFFFFFFFF  }
0xbc: {  	[dreg:$0x0] =	wrdreg $0x60  }
0xbd: {  	[dreg:$0x2] =	wrdreg s24  }
0xbe: {  	[dreg:$0x3] =	wrdreg $0xB  }
0xbf: {  	_ =	task.clear_ibuf [dreg:s22], $0x4FFFF;
	_ =	strace $0x9000004C  }
0xc0: {  	s29 =	simm.s32 $0xB;
	_ =	strace $0x8000004E  }
0xc1: {  	_ =	swait.ge [sflag:s29], $0x1  }
0xc2: {  	[sflag:s29] =	ssyncadd.s32 $0xFFFFFFFF  }
0xc3: {  	_ =	strace $0x9000004E  }
0xc4: {  	_ =	sfence  }
0xc5: {  	s30 =	sld [smem:$0x0];
	_ =	sdelay $0x2  }
0xc6: {  	s31 =	sshll.u32 s1, $0xD;
	s1 =	sshrl.u32 s1, $0x2  }
0xc7: {  	s4 =	sand.u32 $0x4000, s31;
	s1 =	sadd.s32 s1, s30  }
0xc8: {  	s0 =	sor.u32 s4, s0;
	s1 =	sshll.u32 s1, $0x11  }
0xc9: {  	s0 =	sor.u32 s1, s0  }
0xca: {  	s0 =	sadd.s32 $0x8F2B, s0  }
0xcb: {  	[sflag:s0] =	ssyncadd.remote.s32 $0x1  }
0xcc: {  	_ =	sfence.sel $0xFFFF  }
0xcd: {  	[dreg:$0x0] =	wrdreg $0xFFFFFFFF;
	(pc) =	sbr.abs _section_cstart, $3  }
0xce: {  	[dreg:$0x1] =	wrdreg $0xFFFFFFFF  }
0xcf: {  	_ =	task.clear_ibuf [dreg:s22], $0x2FFFF;
	_ =	strace $0x9FFFFFFF  }
0xd0: {  	(tm) =	ssettm $0x7FFFFFFF  }
0xd1: {  	_ =	shalt  }
tec
execute0_lowered:
.L_overlay_start_1:
0x0: {  	(tag) =	ssettag $0x1  }
0x1: {  	s1 =	srdreg.scid  }
0x2: {  	s0 =	stileid.u32;
	s5 =	rddreg [dreg:$0x0]  }
0x3: {  	s2 =	simm.s32 $0x0;
	s11 =	simm.s32 $0x1900;
	s14 =	simm.s32 $0x9900  }
0x4: {  	s16 =	simm.s32 $0xD900;
	s17 =	simm.s32 $0x200;
	s18 =	simm.s32 $0x11900  }
0x5: {  	s19 =	simm.s32 $0x1;
	s20 =	simm.s32 $0x3;
	s21 =	simm.s32 $0x5  }
0x6: {  	s22 =	simm.s32 $0x6;
	s23 =	simm.s32 $0x7;
	s24 =	simm.s32 $0x8  }
0x7: {  	s25 =	simm.s32 $0x9;
	s4 =	sand.u32 $0x1, s1;
	s30 =	sshll.u32 s0, $0x1  }
0x8: {  	s26 =	simm.s32 $0xA;
	s10 =	smul.u32 $0x32000, s0;
	s3 =	sor.u32 s4, s30  }
0x9: {  	s28 =	simm.s32 $0x0;
	[smem:$0x7FF] =	sst s2;
	s6 =	smul.u32 $0x1900, s3  }
0xa: {  	_ =	strace $0x8000004D;
	s7 =	ssub.s32 $0x2, s4;
	s31 =	smul.u32 $0x19000, s4  }
0xb: {  	s8 =	smul.u32 $0x19000, s3;
	s3 =	sadd.s32 $0x1800, s5;
	s6 =	sshrl.u32 s6, $0x3  }
.Ltmp0:
0xc: {  	s9 =	sshrl.u32 s7, $0x1;
	s6 =	sadd.s32 s6, s5;
	(pc) =	sbr.rel .LBB2_1-.Ltmp0, $4  }
0xd: {  	s7 =	ssub.s32 s7, s9;
	s5 =	sadd.s32 $0x7E2A00, s5;
	s4 =	sadd.s32 $0x188200, s6  }
0xe: {  	s8 =	sadd.s32 s5, s8;
	s10 =	sadd.s32 s10, s5;
	s5 =	smax.u32 s7, $0x1  }
0xf: {  	s6 =	sadd.s32 $0x17000, s8;
	s9 =	sadd.s32 s31, s10;
	s7 =	sadd.s32 $0x18000, s8  }
0x10: {  	s10 =	simm.s32 $0x80;
	s8 =	sadd.s32 $0x2000, s9;
	s9 =	simm.s32 $0xB  }
.LBB2_4:
0x11: {  	_ =	swait.ge [sflag:s22], $0x4000  }
0x12: {  	[sflag:s22] =	ssyncset.done $0x0  }
0x13: {  	[sflag:s22] =	ssyncadd.s32 $0xFFFFC000  }
0x14: {  	_ =	swait.ge [sflag:s23], $0x4000  }
0x15: {  	[sflag:s23] =	ssyncset.done $0x0  }
0x16: {  	[sflag:s23] =	ssyncadd.s32 $0xFFFFC000  }
0x17: {  	_ =	swait.ge [sflag:s24], $0x4000  }
0x18: {  	[sflag:s24] =	ssyncset.done $0x0  }
0x19: {  	s28 =	sadd.s32 $0x1, s28;
	[sflag:s24] =	ssyncadd.s32 $0xFFFFC000  }
0x1a: {  	p0 =	sne.s32 s28, s5;
	_ =	swait.ge [sflag:s25], $0x4000  }
.Ltmp1:
0x1b: {  	[sflag:s25] =	ssyncset.done $0x0;
	(pc) =	sbr.rel @!p0 .LBB2_5-.Ltmp1, $4  }
0x1c: {  	[sflag:s25] =	ssyncadd.s32 $0xFFFFC000  }
0x1d: {  	_ =	swait.ge [sflag:s26], $0x4000  }
0x1e: {  	[sflag:s26] =	ssyncset.done $0x0  }
0x1f: {  	[sflag:s26] =	ssyncadd.s32 $0xFFFFC000  }
.LBB2_1:
0x20: {  	[tilespmem:s2], [sflag:$0xB] =	stream.linear.gather [hbm4b:s4+s2], $0x1900, $0x38;
	[tilespmem:$0x15900] =	vst v63  }
0x21: {  	_ =	swait.ge [sflag:s9], $0x1900  }
0x22: {  	[sflag:s9] =	ssyncset.done $0x0  }
0x23: {  	[sflag:s9] =	ssyncadd.s32 $0xFFFFE700  }
0x24: {  	[tilespmem:s11], [sflag:$0x1] =	stream.indirect.gather [hbm4b:s3+s10], $0x80, s2, s10, $0xb8;
	[tilespmem:$0x15900] =	vst v63  }
0x25: {  	s0 =	simm.s32 $0x5900  }
0x26: {  	[tilespmem:s0], [sflag:$0x2] =	stream.indirect.gather [hbm4b:s3+s10], $0x80, s10, s10, $0xb8;
	[tilespmem:$0x15900] =	vst v63  }
0x27: {  	s15 =	simm.s32 $0x100  }
0x28: {  	[tilespmem:s14], [sflag:$0x3] =	stream.indirect.gather [hbm4b:s3+s10], $0x80, s15, s10, $0xb8;
	[tilespmem:$0x15900] =	vst v63  }
0x29: {  	s31 =	simm.s32 $0x180  }
0x2a: {  	[tilespmem:s16], [sflag:$0x4] =	stream.indirect.gather [hbm4b:s3+s10], $0x80, s31, s10, $0xb8;
	[tilespmem:$0x15900] =	vst v63  }
0x2b: {  	s29 =	smov.u32 s8;
	s30 =	simm.s32 $0x0  }
0x2c: {  	[tilespmem:s18], [sflag:$0x5] =	stream.indirect.gather [hbm4b:s3+s10], $0x80, s17, s10, $0xb8;
	[tilespmem:$0x15900] =	vst v63  }
.LBB2_2:
0x2d: {  	_ =	swait.ge [sflag:s19], $0x4000  }
0x2e: {  	[sflag:s19] =	ssyncset.done $0x0  }
0x2f: {  	s31 =	sadd.s32 $0xFFFFE000, s29;
	p0 =	seq.s32 s30, $0x5A00;
	[sflag:s19] =	ssyncadd.s32 $0xFFFFC000  }
0x30: {  	[hbm4b:s31+s2] =	stream.linear.scatter [tilespmem:s11], [sflag:$0x6], $0x4000, $0x38;
	[tilespmem:$0x15900] =	vst v63  }
0x31: {  	s31 =	simm.s32 @p0 $0x2  }
0x32: {  	_ =	swait.ge @p0 [sflag:s31], $0x4000  }
0x33: {  	[sflag:s31] =	ssyncset.done @p0 $0x0  }
0x34: {  	s1 =	simm.s32 @p0 $0x5900;
	[sflag:s31] =	ssyncadd.s32 @p0 $0xFFFFC000;
	s31 =	simm.s32 @p0 $0x0  }
0x35: {  	[hbm4b:s6+s31] =	stream.linear.scatter @p0 [tilespmem:s1], [sflag:$0x7], $0x4000, $0x38;
	[tilespmem:$0x15900] =	vst v63  }
0x36: {  	s1 =	simm.s32 @!p0 $0x6  }
0x37: {  	_ =	swait.ge @!p0 [sflag:s1], $0x4000  }
0x38: {  	[sflag:s1] =	ssyncset.done @!p0 $0x0  }
0x39: {  	[sflag:s1] =	ssyncadd.s32 @!p0 $0xFFFFC000;
	s1 =	sshra.s32 @!p0 s30, $0x2  }
0x3a: {  	s12 =	simm.s32 @!p0 $0x80;
	s13 =	simm.s32 @!p0 $0x1900;
	s0 =	sadd.s32 @!p0 $0x280, s1  }
0x3b: {  	[tilespmem:s13], [sflag:$0x1] =	stream.indirect.gather @!p0 [hbm4b:s3+s12], $0x80, s0, s12, $0xb8;
	[tilespmem:$0x15900] =	vst v63  }
0x3c: {  	s0 =	simm.s32 @!p0 $0x2  }
0x3d: {  	_ =	swait.ge @!p0 [sflag:s0], $0x4000  }
0x3e: {  	s15 =	simm.s32 @!p0 $0x5900;
	[sflag:s0] =	ssyncset.done @!p0 $0x0  }
0x3f: {  	s13 =	simm.s32 @!p0 $0x0;
	[sflag:s0] =	ssyncadd.s32 @!p0 $0xFFFFC000;
	s0 =	sadd.s32 @!p0 $0xFFFFE800, s29  }
0x40: {  	[hbm4b:s0+s13] =	stream.linear.scatter @!p0 [tilespmem:s15], [sflag:$0x7], $0x4000, $0x38;
	[tilespmem:$0x15900] =	vst v63  }
0x41: {  	s0 =	simm.s32 @!p0 $0x7  }
0x42: {  	_ =	swait.ge @!p0 [sflag:s0], $0x4000  }
0x43: {  	[sflag:s0] =	ssyncset.done @!p0 $0x0  }
0x44: {  	[sflag:s0] =	ssyncadd.s32 @!p0 $0xFFFFC000;
	s0 =	sadd.s32 @!p0 $0x300, s1  }
0x45: {  	[tilespmem:s15], [sflag:$0x2] =	stream.indirect.gather @!p0 [hbm4b:s3+s12], $0x80, s0, s12, $0xb8;
	[tilespmem:$0x15900] =	vst v63  }
0x46: {  	_ =	swait.ge [sflag:s20], $0x4000  }
0x47: {  	[sflag:s20] =	ssyncset.done $0x0  }
0x48: {  	s15 =	sadd.s32 $0xFFFFF000, s29;
	s0 =	simm.s32 @p0 $0x4;
	[sflag:s20] =	ssyncadd.s32 $0xFFFFC000  }
0x49: {  	[hbm4b:s15+s2] =	stream.linear.scatter [tilespmem:s14], [sflag:$0x8], $0x4000, $0x38;
	[tilespmem:$0x15900] =	vst v63  }
0x4a: {  	_ =	swait.ge @p0 [sflag:s0], $0x4000  }
0x4b: {  	[sflag:s0] =	ssyncset.done @p0 $0x0  }
0x4c: {  	[sflag:s0] =	ssyncadd.s32 @p0 $0xFFFFC000;
	s0 =	simm.s32 @p0 $0xD900  }
0x4d: {  	[hbm4b:s7+s31] =	stream.linear.scatter @p0 [tilespmem:s0], [sflag:$0x9], $0x4000, $0x38;
	[tilespmem:$0x15900] =	vst v63  }
0x4e: {  	s0 =	simm.s32 @!p0 $0x8  }
0x4f: {  	_ =	swait.ge @!p0 [sflag:s0], $0x4000  }
0x50: {  	[sflag:s0] =	ssyncset.done @!p0 $0x0  }
0x51: {  	s15 =	simm.s32 @!p0 $0x9900;
	[sflag:s0] =	ssyncadd.s32 @!p0 $0xFFFFC000;
	s0 =	sadd.s32 @!p0 $0x380, s1  }
0x52: {  	[tilespmem:s15], [sflag:$0x3] =	stream.indirect.gather @!p0 [hbm4b:s3+s12], $0x80, s0, s12, $0xb8;
	[tilespmem:$0x15900] =	vst v63  }
0x53: {  	s0 =	simm.s32 @!p0 $0x4  }
0x54: {  	_ =	swait.ge @!p0 [sflag:s0], $0x4000  }
0x55: {  	[sflag:s0] =	ssyncset.done @!p0 $0x0  }
0x56: {  	s15 =	simm.s32 @!p0 $0xD900;
	[sflag:s0] =	ssyncadd.s32 @!p0 $0xFFFFC000;
	s0 =	sadd.s32 @!p0 $0xFFFFF800, s29  }
0x57: {  	[hbm4b:s0+s13] =	stream.linear.scatter @!p0 [tilespmem:s15], [sflag:$0x9], $0x4000, $0x38;
	[tilespmem:$0x15900] =	vst v63  }
0x58: {  	s0 =	simm.s32 @!p0 $0x9  }
0x59: {  	_ =	swait.ge @!p0 [sflag:s0], $0x4000  }
0x5a: {  	[sflag:s0] =	ssyncset.done @!p0 $0x0  }
0x5b: {  	[sflag:s0] =	ssyncadd.s32 @!p0 $0xFFFFC000;
	s0 =	sadd.s32 @!p0 $0x400, s1  }
0x5c: {  	[tilespmem:s15], [sflag:$0x4] =	stream.indirect.gather @!p0 [hbm4b:s3+s12], $0x80, s0, s12, $0xb8;
	[tilespmem:$0x15900] =	vst v63  }
.Ltmp2:
0x5d: {  	_ = 	snop;
	(pc) =	sbr.rel @p0 .LBB2_4-.Ltmp2, $4  }
0x5e: {  	_ =	swait.ge [sflag:s21], $0x4000  }
0x5f: {  	[sflag:s21] =	ssyncset.done $0x0  }
0x60: {  	[sflag:s21] =	ssyncadd.s32 $0xFFFFC000  }
0x61: {  	[hbm4b:s29+s2] =	stream.linear.scatter [tilespmem:s18], [sflag:$0xA], $0x4000, $0x38;
	[tilespmem:$0x15900] =	vst v63  }
.Ltmp3:
0x62: {  	(pc) =	sbr.rel .LBB2_2-.Ltmp3, $4  }
0x63: {  	_ =	swait.ge [sflag:s26], $0x4000  }
0x64: {  	s0 =	sshra.s32 s30, $0x2;
	s30 =	sadd.s32 $0xA00, s30;
	[sflag:s26] =	ssyncset.done $0x0  }
0x65: {  	s29 =	sadd.s32 $0x2800, s29;
	s0 =	sadd.s32 $0x480, s0;
	[sflag:s26] =	ssyncadd.s32 $0xFFFFC000  }
0x66: {  	[tilespmem:s18], [sflag:$0x5] =	stream.indirect.gather [hbm4b:s3+s10], $0x80, s0, s10, $0xb8;
	[tilespmem:$0x15900] =	vst v63  }
.LBB2_5:
0x67: {  	_ =	sfence.sel $0x180000  }
0x68: {  	[bflag:$0x0] =	sbarrier.arrive $0xFFFF  }
0x69: {  	_ =	strace $0x9000004D  }
0x6a: {  	s0 =	stileid.u32;
	[bflag:$0x2] =	sbarrier.arrive $0xFFFF  }
0x6b: {  	p0 =	sne.s32 s0, $0x0;
	s0 =	rddreg [dreg:$0x1]  }
0x6c: {  	s0 =	sadd.s32 @!p0 $0x100000, s0  }
0x6d: {  	[sflag:s0] =	ssyncadd.tile.s32 @!p0 $0x1;
	_ =	shalt  }
.Lfunc_end2:
_tile_overlayer_lowered:
.L_overlay_start_2:
0x6e: {  	(tag) =	ssettag $0x2  }
0x6f: {  	s0 =	rddreg [dreg:$0x0];
	s2 =	stileid.u32  }
0x70: {  	s1 =	rddreg [dreg:$0x1];
	p0 =	sne.s32 s2, $0x0  }
0x71: {  	s3 =	rddreg [dreg:$0x2];
	[bflag:$0x3] =	sbarrier.arrive $0xFFFF;
	s2 =	simm.s32 @!p0 $0x1C0B  }
0x72: {  	[timem:s3], [sflag:s2] =	dma.local @!p0 [hbm:s0], s1  }
0x73: {  	s0 =	simm.s32 @!p0 $0xB  }
0x74: {  	_ =	swait.ge @!p0 [sflag:s0], s1  }
0x75: {  	s1 =	ssub.s32 @!p0 $0x0, s1;
	[sflag:s0] =	ssyncset.done @!p0 $0x0  }
0x76: {  	[sflag:s0] =	ssyncadd.s32 @!p0 s1  }
0x77: {  	[bflag:$0x3] =	sbarrier.arrive $0xFFFF  }
0x78: {  	_ =	shalt  }

// kernel: kernel.20.cloned.1.call-start
scs
__scs_entry_jumppad:
0x0: {  	(pc) =	sbr.rel $0x88, $3  }
0x1: {  	(tag) =	ssettag $0x0;
	lr =	simm.s32 $0x1  }
0x2: {  	[smem:$0x3F9F] =	sst lr;
	_ =	strace $0xD0000000  }
0x3: {  	_ = 	snop  }
0x4: {  	_ = 	snop  }
0x5: {  	_ = 	snop  }
0x6: {  	_ = 	snop  }
0x7: {  	_ = 	snop  }
__scs_overlays_trampoline_lowered:
0x8: {  	[smem:$0x3FAE] =	sst s0  }
0x9: {  	[smem:$0x3FAF] =	sst s1  }
0xa: {  	[smem:$0x3FB0] =	sst s2  }
0xb: {  	[smem:$0x3FB1] =	sst s3  }
0xc: {  	[smem:$0x3FB2] =	sst s4  }
0xd: {  	[smem:$0x3FB3] =	sst s5  }
0xe: {  	[smem:$0x3FB4] =	sst s6  }
0xf: {  	[smem:$0x3FB5] =	sst s7  }
0x10: {  	[smem:$0x3FB6] =	sst s8  }
0x11: {  	[smem:$0x3FB7] =	sst s9;
	s0 =	simm.s32 @!p0 $0x0  }
0x12: {  	s1 =	sld [smem:$0x3F9D];
	s0 =	simm.s32 @p0 $0x1  }
0x13: {  	[smem:$0x3FB8] =	sst s0;
	s0 =	simm.s32 @!p1 $0x0  }
0x14: {  	s2 =	sld [smem:$0x3F9C];
	s0 =	simm.s32 @p1 $0x1  }
0x15: {  	[smem:$0x3FB9] =	sst s0;
	s0 =	simm.s32 @!p2 $0x0  }
0x16: {  	s3 =	sld [smem:$0x3FDB];
	s0 =	simm.s32 @p2 $0x1  }
0x17: {  	s4 =	simm.s32 $0x1BF5;
	[smem:$0x3FBB] =	sst s0  }
0x18: {  	s0 =	sld [smem:$0x3F9E];
	_ =	swait.ge [sflag:s4], $0x0  }
0x19: {  	s7 =	sld [smem:$0x3F9F]  }
0x1a: {  	s8 =	sadd.s32 $0xFFFFE003, lr  }
0x1b: {  	s9 =	sadd.s32 $0xFFFFFEF7, lr;
	s5 =	simm.s32 $0xFFFFFFFF;
	p2 =	slt.u32 s8, $0xFFFFF086  }
0x1c: {  	p1 =	slt.u32 s9, $0xF7A;
	s5 =	simm.s32 @!p2 $0x0  }
0x1d: {  	s5 =	simm.s32 @p1 $0x1;
	p0 =	seq.s32 s7, s2  }
0x1e: {  	s7 =	smul.u32 @!p0 $0xF7A, s2;
	p2 =	seq.s32 @!p0 s5, $0x0  }
0x1f: {  	s9 =	smul.u32 $0xF7A, s1;
	s8 =	simm.s32 @!p0 $0x1BF5;
	p2 =	por !p2, p0  }
0x20: {  	[sflag:s8] =	ssyncset.s32 @!p0 $0xFFFFF086;
	s6 =	sadd.s32 @!p0 s3, s7;
	s7 =	simm.s32 @!p0 $0x108  }
0x21: {  	s3 =	sadd.s32 s3, s9;
	s6 =	sadd.s32 @!p0 $0x88, s6;
	s7 =	simm.s32 @p2 $0x1082  }
0x22: {  	[simem:s7], [sflag:s8] =	dma.local @!p0 [hbm:s6], $0xF7A  }
0x23: {  	s9 =	sor.u32 $0xD0000000, s2;
	s6 =	simm.s32 $0x108;
	_ =	swait.ge @!p0 [sflag:s8], $0x0  }
0x24: {  	s3 =	sadd.s32 $0x88, s3;
	s6 =	simm.s32 @!p1 $0x1082;
	[sflag:s4] =	ssyncset.s32 $0xFFFFF086  }
0x25: {  	[simem:s6], [sflag:s4] =	dma.local [hbm:s3], $0xF7A  }
0x26: {  	[smem:$0x3F9F] =	sst s1;
	(tag) =	ssettag s2;
	_ =	strace s9  }
0x27: {  	s1 =	sld [smem:$0x3FAF]  }
0x28: {  	s2 =	sld [smem:$0x3FB0]  }
0x29: {  	s4 =	sld [smem:$0x3FB2]  }
0x2a: {  	p0 =	seq.s32 s5, $0x0;
	s5 =	sld [smem:$0x3FB3]  }
0x2b: {  	s6 =	sld [smem:$0x3FB4]  }
0x2c: {  	s7 =	sld [smem:$0x3FB5]  }
0x2d: {  	s3 =	simm.s32 $0x108;
	s8 =	sld [smem:$0x3FB6]  }
0x2e: {  	s3 =	simm.s32 @!p0 $0x1082;
	s9 =	sld [smem:$0x3FB7]  }
0x2f: {  	lr =	sadd.s32 s0, s3;
	s0 =	sld [smem:$0x3FAE]  }
0x30: {  	s3 =	sld [smem:$0x3FB1]  }
0x31: {  	[smem:$0x3FBA] =	sst s10  }
0x32: {  	s10 =	sld [smem:$0x3FB8];
	_ =	sdelay $0x3  }
0x33: {  	p0 =	seq.s32 s10, $0x1;
	s10 =	sld [smem:$0x3FBA];
	_ =	sdelay $0x3  }
0x34: {  	[smem:$0x3FBA] =	sst s10  }
0x35: {  	s10 =	sld [smem:$0x3FB9];
	_ =	sdelay $0x3  }
0x36: {  	p1 =	seq.s32 s10, $0x1;
	s10 =	sld [smem:$0x3FBA];
	_ =	sdelay $0x3  }
0x37: {  	[smem:$0x3FBA] =	sst s10  }
0x38: {  	s10 =	sld [smem:$0x3FBB]  }
0x39: {  	_ = 	snop;
	(pc) =	sbr.ind lr, $3  }
0x3a: {  	_ = 	snop  }
0x3b: {  	_ = 	snop  }
0x3c: {  	p2 =	seq.s32 s10, $0x1;
	s10 =	sld [smem:$0x3FBA]  }
0x3d: {  	_ =	shalt  }
0x3e: {  	_ =	shalt  }
0x3f: {  	_ =	shalt  }
0x40: {  	_ =	shalt  }
0x41: {  	_ =	shalt  }
0x42: {  	_ =	shalt  }
0x43: {  	_ =	shalt  }
0x44: {  	_ =	shalt  }
0x45: {  	_ =	shalt  }
0x46: {  	_ =	shalt  }
0x47: {  	_ =	shalt  }
0x48: {  	_ =	shalt  }
0x49: {  	_ =	shalt  }
0x4a: {  	_ =	shalt  }
0x4b: {  	_ =	shalt  }
0x4c: {  	_ =	shalt  }
0x4d: {  	_ =	shalt  }
0x4e: {  	_ =	shalt  }
0x4f: {  	_ =	shalt  }
0x50: {  	_ =	shalt  }
0x51: {  	_ =	shalt  }
0x52: {  	_ =	shalt  }
0x53: {  	_ =	shalt  }
0x54: {  	_ =	shalt  }
0x55: {  	_ =	shalt  }
0x56: {  	_ =	shalt  }
0x57: {  	_ =	shalt  }
0x58: {  	_ =	shalt  }
0x59: {  	_ =	shalt  }
0x5a: {  	_ =	shalt  }
0x5b: {  	_ =	shalt  }
0x5c: {  	_ =	shalt  }
0x5d: {  	_ =	shalt  }
0x5e: {  	_ =	shalt  }
0x5f: {  	_ =	shalt  }
0x60: {  	_ =	shalt  }
0x61: {  	_ =	shalt  }
0x62: {  	_ =	shalt  }
0x63: {  	_ =	shalt  }
0x64: {  	_ =	shalt  }
0x65: {  	_ =	shalt  }
0x66: {  	_ =	shalt  }
0x67: {  	_ =	shalt  }
0x68: {  	_ =	shalt  }
0x69: {  	_ =	shalt  }
0x6a: {  	_ =	shalt  }
0x6b: {  	_ =	shalt  }
0x6c: {  	_ =	shalt  }
0x6d: {  	_ =	shalt  }
0x6e: {  	_ =	shalt  }
0x6f: {  	_ =	shalt  }
0x70: {  	_ =	shalt  }
0x71: {  	_ =	shalt  }
0x72: {  	_ =	shalt  }
0x73: {  	_ =	shalt  }
0x74: {  	_ =	shalt  }
0x75: {  	_ =	shalt  }
0x76: {  	_ =	shalt  }
0x77: {  	_ =	shalt  }
0x78: {  	_ =	shalt  }
0x79: {  	_ =	shalt  }
0x7a: {  	_ =	shalt  }
0x7b: {  	_ =	shalt  }
0x7c: {  	_ =	shalt  }
0x7d: {  	_ =	shalt  }
0x7e: {  	_ =	shalt  }
0x7f: {  	_ =	shalt  }
0x80: {  	_ =	shalt  }
0x81: {  	_ =	shalt  }
0x82: {  	_ =	shalt  }
0x83: {  	_ =	shalt  }
0x84: {  	_ =	shalt  }
0x85: {  	_ =	shalt  }
0x86: {  	_ =	shalt  }
0x87: {  	_ =	shalt  }
.Lfunc_end0:
.L_simem_size_0:
called_computation.3_lowered:
.L_overlay_start_0:
0x88: {  	s2 =	sld [smem:$0x3FD9]  }
0x89: {  	s3 =	sld [smem:$0x3FFE];
	_ =	sdelay $0x1  }
0x8a: {  	s1 =	srdreg.scid  }
0x8b: {  	s0 =	sand.u32 $0x1, s1  }
0x8c: {  	s17 =	sshll.u32 s0, $0xA;
	s2 =	sadd.s32 s3, s2  }
0x8d: {  	s2 =	sadd.s32 s2, s17  }
0x8e: {  	[smem:$0x3FC6] =	sst s2  }
0x8f: {  	_ = 	snop  }
0x90: {  	(tm) =	ssettm $0x1  }
0x91: {  	s18 =	sld [smem:$0x3FFB];
	_ =	sdelay $0x3  }
0x92: {  	_ =	strace s18  }
0x93: {  	s2 =	sld [smem:$0x3FFC];
	_ =	sdelay $0x3  }
0x94: {  	_ =	strace s2  }
0x95: {  	s2 =	sld [smem:$0x3FFD];
	_ =	sdelay $0x3  }
0x96: {  	_ =	strace s2  }
0x97: {  	_ =	strace $0x8FFFFFFF  }
0x98: {  	s19 =	sld [smem:$0x3FDB];
	_ =	sdelay $0x1  }
0x99: {  	s20 =	simm.s32 $_scs_section_size  }
0x9a: {  	s4 =	simm.s32 $_size__tile_overlayer_lowered;
	s5 =	simm.s32 $_tile_overlayer_lowered  }
0x9b: {  	s6 =	simm.s32 $0x1BFF;
	s21 =	sshll.u32 s5, $0x1;
	s3 =	sadd.s32 s20, s19  }
0x9c: {  	s22 =	simm.s32 $0x0;
	s4 =	sshll.u32 s4, $0x1;
	s5 =	sadd.s32 s21, s3  }
0x9d: {  	[timem:s22], [sflag:s6] =	dma.local [hbm:s5], s4  }
0x9e: {  	_ =	swait.ge [sflag:s6], s4  }
0x9f: {  	s4 =	ssub.s32 $0x0, s4;
	[sflag:s6] =	ssyncset.done $0x0  }
0xa0: {  	[sflag:s6] =	ssyncadd.s32 s4;
	_ =	sdelay $0x1  }
0xa1: {  	s23 =	simm.s32 $0x1B8B  }
0xa2: {  	_ =	swait.ge [sflag:s23], $0x1  }
0xa3: {  	[sflag:s23] =	ssyncset.done $0x0  }
0xa4: {  	[sflag:s23] =	ssyncadd.s32 $0xFFFFFFFF  }
0xa5: {  	s4 =	sld [smem:$0x0]  }
0xa6: {  	s5 =	sand.u32 $0xFFFFFFFE, s1  }
0xa7: {  	p0 =	sne.s32 s1, s5  }
0xa8: {  	s5 =	sshll.u32 @p0 s5, $0xE  }
0xa9: {  	s5 =	sadd.s32 @p0 $0x11B8D, s5;
	s6 =	sshll.u32 @p0 s4, $0x11  }
0xaa: {  	s5 =	sor.u32 @p0 s6, s5  }
0xab: {  	[sflag:s5] =	ssyncadd.remote.s32 @p0 $0x1;
	_ =	sdelay $0x1  }
0xac: {  	s5 =	simm.s32 @p0 $0x1B8D  }
0xad: {  	_ =	swait.eq @p0 [sflag:s5], $0x1  }
0xae: {  	[sflag:s5] =	ssyncadd.s32 @p0 $0xFFFFFFFF  }
0xaf: {  	s6 =	sshll.u32 @!p0 s1, $0xE  }
0xb0: {  	s6 =	sor.u32 @!p0 $0x4000, s6;
	s5 =	simm.s32 @!p0 $0x1B8D  }
0xb1: {  	s4 =	sshll.u32 @!p0 s4, $0x11;
	s6 =	sadd.s32 @!p0 $0x11B8D, s6;
	_ =	swait.eq @!p0 [sflag:s5], $0x1  }
0xb2: {  	s4 =	sor.u32 @!p0 s4, s6;
	[sflag:s5] =	ssyncadd.s32 @!p0 $0xFFFFFFFF  }
0xb3: {  	s25 =	simm.s32 $0x1B8E;
	s24 =	sld [smem:$0x3FFE];
	[sflag:s4] =	ssyncadd.remote.s32 @!p0 $0x1  }
0xb4: {  	s26 =	simm.s32 $execute0_lowered;
	[smem:$0x3FD2] =	sst s25  }
0xb5: {  	s5 =	sshll.u32 s26, $0x1;
	_ =	strace $0x8000004F;
	[dreg:$0x1] =	wrdreg $0xFFFFFFFF  }
0xb6: {  	s28 =	simm.s32 $_size_execute0_lowered;
	s3 =	sadd.s32 s3, s5;
	[dreg:$0x0] =	wrdreg $0x0  }
0xb7: {  	s5 =	sshll.u32 s28, $0x1;
	[dreg:$0x2] =	wrdreg s3  }
0xb8: {  	[dreg:$0x3] =	wrdreg s5  }
0xb9: {  	[dreg:$0x4] =	wrdreg $0xC0  }
0xba: {  	_ =	task [dreg:s22], $0x5FFFF  }
0xbb: {  	[dreg:$0x1] =	wrdreg $0xFFFFFFFF  }
0xbc: {  	[dreg:$0x0] =	wrdreg $0x60  }
0xbd: {  	[dreg:$0x2] =	wrdreg s24  }
0xbe: {  	[dreg:$0x3] =	wrdreg $0xC  }
0xbf: {  	_ =	task.clear_ibuf [dreg:s22], $0x4FFFF;
	_ =	strace $0x9000004F  }
0xc0: {  	s29 =	simm.s32 $0xC;
	_ =	strace $0x80000051  }
0xc1: {  	_ =	swait.ge [sflag:s29], $0x1  }
0xc2: {  	[sflag:s29] =	ssyncadd.s32 $0xFFFFFFFF  }
0xc3: {  	_ =	strace $0x90000051  }
0xc4: {  	_ =	sfence  }
0xc5: {  	s30 =	sld [smem:$0x0];
	_ =	sdelay $0x2  }
0xc6: {  	s31 =	sshll.u32 s1, $0xD;
	s1 =	sshrl.u32 s1, $0x2  }
0xc7: {  	s4 =	sand.u32 $0x4000, s31;
	s1 =	sadd.s32 s1, s30  }
0xc8: {  	s0 =	sor.u32 s4, s0;
	s1 =	sshll.u32 s1, $0x11  }
0xc9: {  	s0 =	sor.u32 s1, s0  }
0xca: {  	s0 =	sadd.s32 $0x8F2B, s0  }
0xcb: {  	[sflag:s0] =	ssyncadd.remote.s32 $0x1  }
0xcc: {  	_ =	sfence.sel $0xFFFF  }
0xcd: {  	[dreg:$0x0] =	wrdreg $0xFFFFFFFF;
	(pc) =	sbr.abs _section_cstart, $3  }
0xce: {  	[dreg:$0x1] =	wrdreg $0xFFFFFFFF  }
0xcf: {  	_ =	task.clear_ibuf [dreg:s22], $0x2FFFF;
	_ =	strace $0x9FFFFFFF  }
0xd0: {  	(tm) =	ssettm $0x7FFFFFFF  }
0xd1: {  	_ =	shalt  }
tec
execute0_lowered:
.L_overlay_start_1:
0x0: {  	(tag) =	ssettag $0x1  }
0x1: {  	s1 =	srdreg.scid  }
0x2: {  	s0 =	stileid.u32;
	s5 =	rddreg [dreg:$0x0]  }
0x3: {  	s2 =	simm.s32 $0x0;
	s11 =	simm.s32 $0x1900;
	s14 =	simm.s32 $0x9900  }
0x4: {  	s16 =	simm.s32 $0xD900;
	s17 =	simm.s32 $0x200;
	s18 =	simm.s32 $0x11900  }
0x5: {  	s19 =	simm.s32 $0x1;
	s20 =	simm.s32 $0x3;
	s21 =	simm.s32 $0x5  }
0x6: {  	s22 =	simm.s32 $0x6;
	s23 =	simm.s32 $0x7;
	s24 =	simm.s32 $0x8  }
0x7: {  	s25 =	simm.s32 $0x9;
	s4 =	sand.u32 $0x1, s1;
	s30 =	sshll.u32 s0, $0x1  }
0x8: {  	s26 =	simm.s32 $0xA;
	s10 =	smul.u32 $0x32000, s0;
	s3 =	sor.u32 s4, s30  }
0x9: {  	s28 =	simm.s32 $0x0;
	[smem:$0x7FF] =	sst s2;
	s6 =	smul.u32 $0x1900, s3  }
0xa: {  	_ =	strace $0x80000050;
	s7 =	ssub.s32 $0x2, s4;
	s31 =	smul.u32 $0x19000, s4  }
0xb: {  	s8 =	smul.u32 $0x19000, s3;
	s3 =	sadd.s32 $0x1800, s5;
	s6 =	sshrl.u32 s6, $0x3  }
.Ltmp0:
0xc: {  	s9 =	sshrl.u32 s7, $0x1;
	s6 =	sadd.s32 s6, s5;
	(pc) =	sbr.rel .LBB2_1-.Ltmp0, $4  }
0xd: {  	s7 =	ssub.s32 s7, s9;
	s5 =	sadd.s32 $0xB02A00, s5;
	s4 =	sadd.s32 $0x18E600, s6  }
0xe: {  	s8 =	sadd.s32 s5, s8;
	s10 =	sadd.s32 s10, s5;
	s5 =	smax.u32 s7, $0x1  }
0xf: {  	s6 =	sadd.s32 $0x17000, s8;
	s9 =	sadd.s32 s31, s10;
	s7 =	sadd.s32 $0x18000, s8  }
0x10: {  	s10 =	simm.s32 $0x80;
	s8 =	sadd.s32 $0x2000, s9;
	s9 =	simm.s32 $0xB  }
.LBB2_4:
0x11: {  	_ =	swait.ge [sflag:s22], $0x4000  }
0x12: {  	[sflag:s22] =	ssyncset.done $0x0  }
0x13: {  	[sflag:s22] =	ssyncadd.s32 $0xFFFFC000  }
0x14: {  	_ =	swait.ge [sflag:s23], $0x4000  }
0x15: {  	[sflag:s23] =	ssyncset.done $0x0  }
0x16: {  	[sflag:s23] =	ssyncadd.s32 $0xFFFFC000  }
0x17: {  	_ =	swait.ge [sflag:s24], $0x4000  }
0x18: {  	[sflag:s24] =	ssyncset.done $0x0  }
0x19: {  	s28 =	sadd.s32 $0x1, s28;
	[sflag:s24] =	ssyncadd.s32 $0xFFFFC000  }
0x1a: {  	p0 =	sne.s32 s28, s5;
	_ =	swait.ge [sflag:s25], $0x4000  }
.Ltmp1:
0x1b: {  	[sflag:s25] =	ssyncset.done $0x0;
	(pc) =	sbr.rel @!p0 .LBB2_5-.Ltmp1, $4  }
0x1c: {  	[sflag:s25] =	ssyncadd.s32 $0xFFFFC000  }
0x1d: {  	_ =	swait.ge [sflag:s26], $0x4000  }
0x1e: {  	[sflag:s26] =	ssyncset.done $0x0  }
0x1f: {  	[sflag:s26] =	ssyncadd.s32 $0xFFFFC000  }
.LBB2_1:
0x20: {  	[tilespmem:s2], [sflag:$0xB] =	stream.linear.gather [hbm4b:s4+s2], $0x1900, $0x38;
	[tilespmem:$0x15900] =	vst v63  }
0x21: {  	_ =	swait.ge [sflag:s9], $0x1900  }
0x22: {  	[sflag:s9] =	ssyncset.done $0x0  }
0x23: {  	[sflag:s9] =	ssyncadd.s32 $0xFFFFE700  }
0x24: {  	[tilespmem:s11], [sflag:$0x1] =	stream.indirect.gather [hbm4b:s3+s10], $0x80, s2, s10, $0xb8;
	[tilespmem:$0x15900] =	vst v63  }
0x25: {  	s0 =	simm.s32 $0x5900  }
0x26: {  	[tilespmem:s0], [sflag:$0x2] =	stream.indirect.gather [hbm4b:s3+s10], $0x80, s10, s10, $0xb8;
	[tilespmem:$0x15900] =	vst v63  }
0x27: {  	s15 =	simm.s32 $0x100  }
0x28: {  	[tilespmem:s14], [sflag:$0x3] =	stream.indirect.gather [hbm4b:s3+s10], $0x80, s15, s10, $0xb8;
	[tilespmem:$0x15900] =	vst v63  }
0x29: {  	s31 =	simm.s32 $0x180  }
0x2a: {  	[tilespmem:s16], [sflag:$0x4] =	stream.indirect.gather [hbm4b:s3+s10], $0x80, s31, s10, $0xb8;
	[tilespmem:$0x15900] =	vst v63  }
0x2b: {  	s29 =	smov.u32 s8;
	s30 =	simm.s32 $0x0  }
0x2c: {  	[tilespmem:s18], [sflag:$0x5] =	stream.indirect.gather [hbm4b:s3+s10], $0x80, s17, s10, $0xb8;
	[tilespmem:$0x15900] =	vst v63  }
.LBB2_2:
0x2d: {  	_ =	swait.ge [sflag:s19], $0x4000  }
0x2e: {  	[sflag:s19] =	ssyncset.done $0x0  }
0x2f: {  	s31 =	sadd.s32 $0xFFFFE000, s29;
	p0 =	seq.s32 s30, $0x5A00;
	[sflag:s19] =	ssyncadd.s32 $0xFFFFC000  }
0x30: {  	[hbm4b:s31+s2] =	stream.linear.scatter [tilespmem:s11], [sflag:$0x6], $0x4000, $0x38;
	[tilespmem:$0x15900] =	vst v63  }
0x31: {  	s31 =	simm.s32 @p0 $0x2  }
0x32: {  	_ =	swait.ge @p0 [sflag:s31], $0x4000  }
0x33: {  	[sflag:s31] =	ssyncset.done @p0 $0x0  }
0x34: {  	s1 =	simm.s32 @p0 $0x5900;
	[sflag:s31] =	ssyncadd.s32 @p0 $0xFFFFC000;
	s31 =	simm.s32 @p0 $0x0  }
0x35: {  	[hbm4b:s6+s31] =	stream.linear.scatter @p0 [tilespmem:s1], [sflag:$0x7], $0x4000, $0x38;
	[tilespmem:$0x15900] =	vst v63  }
0x36: {  	s1 =	simm.s32 @!p0 $0x6  }
0x37: {  	_ =	swait.ge @!p0 [sflag:s1], $0x4000  }
0x38: {  	[sflag:s1] =	ssyncset.done @!p0 $0x0  }
0x39: {  	[sflag:s1] =	ssyncadd.s32 @!p0 $0xFFFFC000;
	s1 =	sshra.s32 @!p0 s30, $0x2  }
0x3a: {  	s12 =	simm.s32 @!p0 $0x80;
	s13 =	simm.s32 @!p0 $0x1900;
	s0 =	sadd.s32 @!p0 $0x280, s1  }
0x3b: {  	[tilespmem:s13], [sflag:$0x1] =	stream.indirect.gather @!p0 [hbm4b:s3+s12], $0x80, s0, s12, $0xb8;
	[tilespmem:$0x15900] =	vst v63  }
0x3c: {  	s0 =	simm.s32 @!p0 $0x2  }
0x3d: {  	_ =	swait.ge @!p0 [sflag:s0], $0x4000  }
0x3e: {  	s15 =	simm.s32 @!p0 $0x5900;
	[sflag:s0] =	ssyncset.done @!p0 $0x0  }
0x3f: {  	s13 =	simm.s32 @!p0 $0x0;
	[sflag:s0] =	ssyncadd.s32 @!p0 $0xFFFFC000;
	s0 =	sadd.s32 @!p0 $0xFFFFE800, s29  }
0x40: {  	[hbm4b:s0+s13] =	stream.linear.scatter @!p0 [tilespmem:s15], [sflag:$0x7], $0x4000, $0x38;
	[tilespmem:$0x15900] =	vst v63  }
0x41: {  	s0 =	simm.s32 @!p0 $0x7  }
0x42: {  	_ =	swait.ge @!p0 [sflag:s0], $0x4000  }
0x43: {  	[sflag:s0] =	ssyncset.done @!p0 $0x0  }
0x44: {  	[sflag:s0] =	ssyncadd.s32 @!p0 $0xFFFFC000;
	s0 =	sadd.s32 @!p0 $0x300, s1  }
0x45: {  	[tilespmem:s15], [sflag:$0x2] =	stream.indirect.gather @!p0 [hbm4b:s3+s12], $0x80, s0, s12, $0xb8;
	[tilespmem:$0x15900] =	vst v63  }
0x46: {  	_ =	swait.ge [sflag:s20], $0x4000  }
0x47: {  	[sflag:s20] =	ssyncset.done $0x0  }
0x48: {  	s15 =	sadd.s32 $0xFFFFF000, s29;
	s0 =	simm.s32 @p0 $0x4;
	[sflag:s20] =	ssyncadd.s32 $0xFFFFC000  }
0x49: {  	[hbm4b:s15+s2] =	stream.linear.scatter [tilespmem:s14], [sflag:$0x8], $0x4000, $0x38;
	[tilespmem:$0x15900] =	vst v63  }
0x4a: {  	_ =	swait.ge @p0 [sflag:s0], $0x4000  }
0x4b: {  	[sflag:s0] =	ssyncset.done @p0 $0x0  }
0x4c: {  	[sflag:s0] =	ssyncadd.s32 @p0 $0xFFFFC000;
	s0 =	simm.s32 @p0 $0xD900  }
0x4d: {  	[hbm4b:s7+s31] =	stream.linear.scatter @p0 [tilespmem:s0], [sflag:$0x9], $0x4000, $0x38;
	[tilespmem:$0x15900] =	vst v63  }
0x4e: {  	s0 =	simm.s32 @!p0 $0x8  }
0x4f: {  	_ =	swait.ge @!p0 [sflag:s0], $0x4000  }
0x50: {  	[sflag:s0] =	ssyncset.done @!p0 $0x0  }
0x51: {  	s15 =	simm.s32 @!p0 $0x9900;
	[sflag:s0] =	ssyncadd.s32 @!p0 $0xFFFFC000;
	s0 =	sadd.s32 @!p0 $0x380, s1  }
0x52: {  	[tilespmem:s15], [sflag:$0x3] =	stream.indirect.gather @!p0 [hbm4b:s3+s12], $0x80, s0, s12, $0xb8;
	[tilespmem:$0x15900] =	vst v63  }
0x53: {  	s0 =	simm.s32 @!p0 $0x4  }
0x54: {  	_ =	swait.ge @!p0 [sflag:s0], $0x4000  }
0x55: {  	[sflag:s0] =	ssyncset.done @!p0 $0x0  }
0x56: {  	s15 =	simm.s32 @!p0 $0xD900;
	[sflag:s0] =	ssyncadd.s32 @!p0 $0xFFFFC000;
	s0 =	sadd.s32 @!p0 $0xFFFFF800, s29  }
0x57: {  	[hbm4b:s0+s13] =	stream.linear.scatter @!p0 [tilespmem:s15], [sflag:$0x9], $0x4000, $0x38;
	[tilespmem:$0x15900] =	vst v63  }
0x58: {  	s0 =	simm.s32 @!p0 $0x9  }
0x59: {  	_ =	swait.ge @!p0 [sflag:s0], $0x4000  }
0x5a: {  	[sflag:s0] =	ssyncset.done @!p0 $0x0  }
0x5b: {  	[sflag:s0] =	ssyncadd.s32 @!p0 $0xFFFFC000;
	s0 =	sadd.s32 @!p0 $0x400, s1  }
0x5c: {  	[tilespmem:s15], [sflag:$0x4] =	stream.indirect.gather @!p0 [hbm4b:s3+s12], $0x80, s0, s12, $0xb8;
	[tilespmem:$0x15900] =	vst v63  }
.Ltmp2:
0x5d: {  	_ = 	snop;
	(pc) =	sbr.rel @p0 .LBB2_4-.Ltmp2, $4  }
0x5e: {  	_ =	swait.ge [sflag:s21], $0x4000  }
0x5f: {  	[sflag:s21] =	ssyncset.done $0x0  }
0x60: {  	[sflag:s21] =	ssyncadd.s32 $0xFFFFC000  }
0x61: {  	[hbm4b:s29+s2] =	stream.linear.scatter [tilespmem:s18], [sflag:$0xA], $0x4000, $0x38;
	[tilespmem:$0x15900] =	vst v63  }
.Ltmp3:
0x62: {  	(pc) =	sbr.rel .LBB2_2-.Ltmp3, $4  }
0x63: {  	_ =	swait.ge [sflag:s26], $0x4000  }
0x64: {  	s0 =	sshra.s32 s30, $0x2;
	s30 =	sadd.s32 $0xA00, s30;
	[sflag:s26] =	ssyncset.done $0x0  }
0x65: {  	s29 =	sadd.s32 $0x2800, s29;
	s0 =	sadd.s32 $0x480, s0;
	[sflag:s26] =	ssyncadd.s32 $0xFFFFC000  }
0x66: {  	[tilespmem:s18], [sflag:$0x5] =	stream.indirect.gather [hbm4b:s3+s10], $0x80, s0, s10, $0xb8;
	[tilespmem:$0x15900] =	vst v63  }
.LBB2_5:
0x67: {  	_ =	sfence.sel $0x180000  }
0x68: {  	[bflag:$0x0] =	sbarrier.arrive $0xFFFF  }
0x69: {  	_ =	strace $0x90000050  }
0x6a: {  	s0 =	stileid.u32;
	[bflag:$0x2] =	sbarrier.arrive $0xFFFF  }
0x6b: {  	p0 =	sne.s32 s0, $0x0;
	s0 =	rddreg [dreg:$0x1]  }
0x6c: {  	s0 =	sadd.s32 @!p0 $0x100000, s0  }
0x6d: {  	[sflag:s0] =	ssyncadd.tile.s32 @!p0 $0x1;
	_ =	shalt  }
.Lfunc_end2:
_tile_overlayer_lowered:
.L_overlay_start_2:
0x6e: {  	(tag) =	ssettag $0x2  }
0x6f: {  	s0 =	rddreg [dreg:$0x0];
	s2 =	stileid.u32  }
0x70: {  	s1 =	rddreg [dreg:$0x1];
	p0 =	sne.s32 s2, $0x0  }
0x71: {  	s3 =	rddreg [dreg:$0x2];
	[bflag:$0x3] =	sbarrier.arrive $0xFFFF;
	s2 =	simm.s32 @!p0 $0x1C0B  }
0x72: {  	[timem:s3], [sflag:s2] =	dma.local @!p0 [hbm:s0], s1  }
0x73: {  	s0 =	simm.s32 @!p0 $0xB  }
0x74: {  	_ =	swait.ge @!p0 [sflag:s0], s1  }
0x75: {  	s1 =	ssub.s32 @!p0 $0x0, s1;
	[sflag:s0] =	ssyncset.done @!p0 $0x0  }
0x76: {  	[sflag:s0] =	ssyncadd.s32 @!p0 s1  }
0x77: {  	[bflag:$0x3] =	sbarrier.arrive $0xFFFF  }
0x78: {  	_ =	shalt  }

</sc_bundles>
